<compile_context>
chip_gen: v7x
topology: tpu7x:2x2x1
jax: 0.10.2.dev20260603
libtpu: 0.0.44.dev20260713+nightly
codegen_flags: <defaults>
</compile_context>

<pallas_src>
import functools

import jax
import jax.numpy as jnp
from jax import lax
from jax.experimental import pallas as pl
from jax.experimental.pallas import tpu as pltpu
from jax.experimental.pallas import tpu_sc as plsc

B = 16384
V = 1000000
K = 32
NW = 32
BPW = B // NW
NCHUNK = 4
CH = BPW // NCHUNK
PACK = 4

PC = 32768
NG = 8
PB = PC // NG
WPR = K // 2
LG_PC = 15
LG_PB = 12
NPB = -(-V // PC)
VPAD = NPB * PB


def _pack_body(ut_ref, it_ref, pu_ref, pi_ref):
    def rnd(u):
        return lax.shift_right_logical(
            u + 0x7FFF + (lax.shift_right_logical(u, 16) & 1), 16)

    def packed(x_ref):
        x = x_ref[...]
        u = lax.bitcast_convert_type(x, jnp.int32)
        w = (rnd(u[:WPR, :])
             | lax.shift_left(rnd(u[WPR:, :]), 16))
        x8 = jnp.concatenate(
            [w[:, j * PB:(j + 1) * PB] for j in range(NG)], axis=0)
        return x8.T

    pu_ref[...] = packed(ut_ref)
    pi_ref[...] = packed(it_ref)


_pack_call = pl.pallas_call(
    _pack_body,
    grid=(NPB,),
    in_specs=[
        pl.BlockSpec((K, PC), lambda i: (0, i)),
        pl.BlockSpec((K, PC), lambda i: (0, i)),
    ],
    out_specs=[
        pl.BlockSpec((PB, NG * WPR), lambda i: (i, 0)),
        pl.BlockSpec((PB, NG * WPR), lambda i: (i, 0)),
    ],
    out_shape=[
        jax.ShapeDtypeStruct((VPAD, NG * WPR), jnp.int32),
        jax.ShapeDtypeStruct((VPAD, NG * WPR), jnp.int32),
    ],
)



@functools.cache
def _get_sc_gather():
    mesh = plsc.VectorSubcoreMesh(core_axis_name="c", subcore_axis_name="s")

    @functools.partial(
        pl.kernel,
        out_type=(
            jax.ShapeDtypeStruct((WPR, B), jnp.int32),
            jax.ShapeDtypeStruct((WPR, B), jnp.int32),
        ),
        mesh=mesh,
        scratch_types=[
            pltpu.VMEM((NCHUNK, CH), jnp.int32),
            pltpu.VMEM((NCHUNK, CH), jnp.int32),
            pltpu.VMEM((BPW,), jnp.int32),
            pltpu.VMEM((2, CH, NG * WPR), jnp.int32),
            pltpu.VMEM((WPR, BPW), jnp.int32),
            pltpu.SemaphoreType.DMA,
        ],
        compiler_params=pltpu.CompilerParams(needs_layout_passes=False),
    )
    def _sc_gather(idx_u_hbm, idx_i_hbm, pu_hbm, pi_hbm, gu_out, gi_out,
                   idx_v, gidx_v, off_v, rows_v, comp_v, sem):
        wid = lax.axis_index("s") * 2 + lax.axis_index("c")
        base = wid * BPW
        lane = lax.iota(jnp.int32, 16)
        for idx_hbm, tab_hbm, out_hbm in (
                (idx_u_hbm, pu_hbm, gu_out), (idx_i_hbm, pi_hbm, gi_out)):
            pltpu.sync_copy(idx_hbm.at[wid], idx_v)
            for c in range(NCHUNK):
                for v in range(CH // 16):
                    sl = pl.ds(v * 16, 16)
                    i = idx_v.at[c][sl]
                    gidx_v.at[c][sl] = (
                        lax.shift_left(
                            lax.shift_right_logical(i, LG_PC), LG_PB)
                        | (i & (PB - 1)))
                    off_v[pl.ds(c * CH + v * 16, 16)] = lax.shift_left(
                        lax.shift_right_logical(i, LG_PB) & (NG - 1), 4)
            cps = [None, None]
            cps[0] = pltpu.async_copy(
                tab_hbm.at[gidx_v.at[0]], rows_v.at[0], sem)
            for c in range(NCHUNK):
                if c + 1 < NCHUNK:
                    cps[(c + 1) % 2] = pltpu.async_copy(
                        tab_hbm.at[gidx_v.at[c + 1]],
                        rows_v.at[(c + 1) % 2], sem)
                cps[c % 2].wait()
                buf = rows_v.at[c % 2]

                def compact_group(rg, carry):
                    r0 = rg * 16
                    row16 = lane + r0
                    off16 = off_v[pl.ds(c * CH + r0, 16)]
                    vals = [plsc.load_gather(buf, [row16, off16 + k])
                            for k in range(WPR)]
                    for k in range(WPR):
                        plsc.store_scatter(
                            comp_v,
                            [jnp.full((16,), k, jnp.int32), row16 + c * CH],
                            vals[k])
                    return carry

                lax.fori_loop(0, CH // 16, compact_group, 0)
            pltpu.sync_copy(comp_v, out_hbm.at[:, pl.ds(base, BPW)])

    return _sc_gather


BC = 4096


def _mlp_body(gu_ref, gi_ref, wc_ref, bc_ref, w3_ref,
              o1_ref, o2_ref, o3_ref):
    f32 = jnp.float32

    def unpack(g_ref):
        g = g_ref[...]
        lo = lax.bitcast_convert_type(lax.shift_left(g, 16), f32)
        hi = lax.bitcast_convert_type(g & jnp.int32(-65536), f32)
        return lo, hi

    ulo, uhi = unpack(gu_ref)
    ilo, ihi = unpack(gi_ref)
    z = jnp.concatenate([ulo, uhi, ilo, ihi], axis=0)
    dn = (((1,), (0,)), ((), ()))
    h = jnp.maximum(
        lax.dot_general(wc_ref[...], z, dn, preferred_element_type=f32)
        + bc_ref[...], 0.0)
    s = lax.dot_general(w3_ref[...], h, dn, preferred_element_type=f32)
    ju = s[0:1, :] + s[1:2, :]
    io = s[2:3, :]
    o1_ref[...] = ju + io
    o2_ref[...] = ju
    o3_ref[...] = io


def _col_block(i):
    return (0, i)


_mlp_call = pl.pallas_call(
    _mlp_body,
    grid=(B // BC,),
    in_specs=[
        pl.BlockSpec((WPR, BC), _col_block),
        pl.BlockSpec((WPR, BC), _col_block),
        pl.BlockSpec((3 * K, 2 * K), lambda i: (0, 0)),
        pl.BlockSpec((3 * K, 1), lambda i: (0, 0)),
        pl.BlockSpec((3, 3 * K), lambda i: (0, 0)),
    ],
    out_specs=[
        pl.BlockSpec((1, BC), _col_block),
        pl.BlockSpec((1, BC), _col_block),
        pl.BlockSpec((1, BC), _col_block),
    ],
    out_shape=[
        jax.ShapeDtypeStruct((1, B), jnp.float32),
        jax.ShapeDtypeStruct((1, B), jnp.float32),
        jax.ShapeDtypeStruct((1, B), jnp.float32),
    ],
)


def kernel(x, user_emb, item_emb, Wj1, bj1, Wj2, Wu1, bu1, Wu2, Wi1, bi1, Wi2):
    xi = x.astype(jnp.int32)
    idx_u = xi[:, 0]
    idx_i = xi[:, 1]
    zkk = jnp.zeros((K, K), jnp.float32)
    wc = jnp.concatenate([
        Wj1,
        jnp.concatenate([Wu1, zkk], axis=1),
        jnp.concatenate([zkk, Wi1], axis=1),
    ], axis=0)
    bc = jnp.concatenate([bj1, bu1, bi1]).reshape(3 * K, 1)
    zk1 = jnp.zeros((1, K), jnp.float32)
    w3 = jnp.concatenate([
        jnp.concatenate([Wj2, zk1, zk1], axis=1),
        jnp.concatenate([zk1, Wu2, zk1], axis=1),
        jnp.concatenate([zk1, zk1, Wi2], axis=1),
    ], axis=0)
    pu, pi = _pack_call(user_emb.T, item_emb.T)
    gu, gi = _get_sc_gather()(idx_u.reshape(NW, NCHUNK, CH),
                              idx_i.reshape(NW, NCHUNK, CH), pu, pi)
    o1, o2, o3 = _mlp_call(gu, gi, wc, bc, w3)
    return (o1.reshape(B, 1), o2.reshape(B, 1), o3.reshape(B, 1))

# --- scband reference (transcript-rebuilt; emitter-appended) ---
"""Pipeline reference for scband-ldr-4440996184586 (READ-ONLY COPY).

The authoritative reference and input builder live on the scoring server;
editing this copy changes nothing except your own understanding.
"""

import jax, jax.numpy as jnp
import numpy as np

B = 16384
V = 1000000
K = 32


def setup_inputs(seed: int = 0) -> dict:
    key = jax.random.key(seed)
    ks = jax.random.split(key, 13)
    x = jax.random.randint(ks[0], (B, 2), 0, V)
    user_emb = jax.random.normal(ks[1], (V, K), dtype=jnp.float32) * 0.02
    item_emb = jax.random.normal(ks[2], (V, K), dtype=jnp.float32) * 0.02
    # joint_out: Linear(2K -> K) + ReLU + Linear(K -> 1, no bias)
    Wj1 = jax.random.normal(ks[3], (K, 2 * K), dtype=jnp.float32) * (1.0 / np.sqrt(2 * K))
    bj1 = jnp.zeros((K,), dtype=jnp.float32)
    Wj2 = jax.random.normal(ks[4], (1, K), dtype=jnp.float32) * (1.0 / np.sqrt(K))
    # user_out: Linear(K -> K) + ReLU + Linear(K -> 1, no bias)
    Wu1 = jax.random.normal(ks[5], (K, K), dtype=jnp.float32) * (1.0 / np.sqrt(K))
    bu1 = jnp.zeros((K,), dtype=jnp.float32)
    Wu2 = jax.random.normal(ks[6], (1, K), dtype=jnp.float32) * (1.0 / np.sqrt(K))
    # item_out: Linear(K -> K) + ReLU + Linear(K -> 1, no bias)
    Wi1 = jax.random.normal(ks[7], (K, K), dtype=jnp.float32) * (1.0 / np.sqrt(K))
    bi1 = jnp.zeros((K,), dtype=jnp.float32)
    Wi2 = jax.random.normal(ks[8], (1, K), dtype=jnp.float32) * (1.0 / np.sqrt(K))
    return {
        "x": x,
        "user_emb": user_emb,
        "item_emb": item_emb,
        "Wj1": Wj1, "bj1": bj1, "Wj2": Wj2,
        "Wu1": Wu1, "bu1": bu1, "Wu2": Wu2,
        "Wi1": Wi1, "bi1": bi1, "Wi2": Wi2,
    }


def reference(x, user_emb, item_emb, Wj1, bj1, Wj2, Wu1, bu1, Wu2, Wi1, bi1, Wi2):
    user_idx = x[:, 0]
    item_idx = x[:, 1]
    ue = jnp.take(user_emb, user_idx, axis=0)
    ie = jnp.take(item_emb, item_idx, axis=0)
    z = jnp.concatenate([ue, ie], axis=1)
    joint = jnp.maximum(z @ Wj1.T + bj1, 0.0) @ Wj2.T
    uo = jnp.maximum(ue @ Wu1.T + bu1, 0.0) @ Wu2.T
    io = jnp.maximum(ie @ Wi1.T + bi1, 0.0) @ Wi2.T
    return (joint + uo + io, joint + uo, io)

if __name__ == "__main__":
    import jax
    _d = setup_inputs()
    print(jax.jit(kernel)(*tuple(_d.values())))

</pallas_src>

<mosaic_0001>
#map = affine_map<(d0, d1) -> (0, 0, 0)>
#map1 = affine_map<(d0, d1) -> (0, 0)>
module attributes {stable_mosaic.version = 14 : i64} {
  func.func @_sc_gather(%arg0: i32, %arg1: i32, %arg2: memref<32x4x128xi32, #tpu.memory_space<hbm>>, %arg3: memref<32x4x128xi32, #tpu.memory_space<hbm>>, %arg4: memref<126976x128xi32, #tpu.memory_space<hbm>>, %arg5: memref<126976x128xi32, #tpu.memory_space<hbm>>, %arg6: memref<16x16384xi32, #tpu.memory_space<hbm>>, %arg7: memref<16x16384xi32, #tpu.memory_space<hbm>>, %arg8: memref<4x128xi32, #tpu.memory_space<vmem>>, %arg9: memref<4x128xi32, #tpu.memory_space<vmem>>, %arg10: memref<512xi32, #tpu.memory_space<vmem>>, %arg11: memref<2x128x128xi32, #tpu.memory_space<vmem>>, %arg12: memref<16x512xi32, #tpu.memory_space<vmem>>, %arg13: memref<!tpu.dma_semaphore, #tpu.memory_space<semaphore_mem>>) attributes {dimension_semantics = [#tpu.dimension_semantics<core_parallel>, #tpu.dimension_semantics<subcore_parallel>], iteration_bounds = array<i64: 2, 16>, scalar_prefetch = 0 : i64, scratch_operands = 6 : i64, tpu.core_type = #tpu.core_type<sc_vector_subcore>, window_params = [{transform_indices = #map}, {transform_indices = #map}, {transform_indices = #map1}, {transform_indices = #map1}, {transform_indices = #map1}, {transform_indices = #map1}]} {
    %mul3A = arith.constant 2 : i32
    %mul3A_0 = arith.muli %arg1, %mul3A : i32
    %add3A = arith.addi %mul3A_0, %arg0 : i32
    %mul3A_1 = arith.constant 512 : i32
    %mul3A_2 = arith.muli %add3A, %mul3A_1 : i32
    %iota3A = tpu.iota {dimensions = array<i32: 0>} : vector<16xi32>
    "tpu.region"() ({
      %run_scoped3A = tpu.sem_alloc : memref<!tpu.dma_semaphore, #tpu.memory_space<semaphore_mem>>
      %dma_start3A_2354 = arith.constant 0 : i32
      %dma_start3A_2355 = arith.constant 0 : i32
      %dma_start3A_2356 = tpu.memref_slice %arg2[%add3A, %dma_start3A_2354, %dma_start3A_2355] : memref<32x4x128xi32, #tpu.memory_space<hbm>> -> memref<1x4x128xi32, #tpu.memory_space<hbm>>
      %dma_start3A_2357 = tpu.memref_squeeze %dma_start3A_2356 : memref<1x4x128xi32, #tpu.memory_space<hbm>> -> memref<4x128xi32, #tpu.memory_space<hbm>>
      %dma_start3A_2358 = arith.constant 0 : i32
      %dma_start3A_2359 = arith.constant 0 : i32
      %dma_start3A_2360 = tpu.memref_slice %arg2[%add3A, %dma_start3A_2358, %dma_start3A_2359] : memref<32x4x128xi32, #tpu.memory_space<hbm>> -> memref<1x4x128xi32, #tpu.memory_space<hbm>>
      %dma_start3A_2361 = tpu.memref_squeeze %dma_start3A_2360 : memref<1x4x128xi32, #tpu.memory_space<hbm>> -> memref<4x128xi32, #tpu.memory_space<hbm>>
      tpu.enqueue_dma source(%dma_start3A_2361 : memref<4x128xi32, #tpu.memory_space<hbm>>) target(%arg8 : memref<4x128xi32, #tpu.memory_space<vmem>>) target_semaphore(%run_scoped3A : memref<!tpu.dma_semaphore, #tpu.memory_space<semaphore_mem>>)
      %dma_wait3A_2362 = arith.constant 0 : i32
      %dma_wait3A_2363 = arith.constant 0 : i32
      %dma_wait3A_2364 = tpu.memref_slice %arg2[%add3A, %dma_wait3A_2362, %dma_wait3A_2363] : memref<32x4x128xi32, #tpu.memory_space<hbm>> -> memref<1x4x128xi32, #tpu.memory_space<hbm>>
      %dma_wait3A_2365 = tpu.memref_squeeze %dma_wait3A_2364 : memref<1x4x128xi32, #tpu.memory_space<hbm>> -> memref<4x128xi32, #tpu.memory_space<hbm>>
      %dma_wait3A_2366 = arith.constant 0 : i32
      %dma_wait3A_2367 = arith.constant 0 : i32
      %dma_wait3A_2368 = tpu.memref_slice %arg2[%add3A, %dma_wait3A_2366, %dma_wait3A_2367] : memref<32x4x128xi32, #tpu.memory_space<hbm>> -> memref<1x4x128xi32, #tpu.memory_space<hbm>>
      %dma_wait3A_2369 = tpu.memref_squeeze %dma_wait3A_2368 : memref<1x4x128xi32, #tpu.memory_space<hbm>> -> memref<4x128xi32, #tpu.memory_space<hbm>>
      tpu.wait_dma2 semaphore(%run_scoped3A : memref<!tpu.dma_semaphore, #tpu.memory_space<semaphore_mem>>) src(%dma_wait3A_2369 : memref<4x128xi32, #tpu.memory_space<hbm>>) dst(%arg8 : memref<4x128xi32, #tpu.memory_space<vmem>>)
      tpu.yield
    }) : () -> ()
    %get3A = arith.constant 0 : i32
    %get3A_3 = arith.constant 0 : i32
    %get3A_4 = tpu.memref_slice %arg8[%get3A, %get3A_3] : memref<4x128xi32, #tpu.memory_space<vmem>> -> memref<1x128xi32, #tpu.memory_space<vmem>>
    %get3A_5 = tpu.memref_squeeze %get3A_4 : memref<1x128xi32, #tpu.memory_space<vmem>> -> memref<128xi32, #tpu.memory_space<vmem>>
    %get3A_6 = arith.constant 0 : index
    %get3A_7 = tpu.vector_load %get3A_5[%get3A_6] {strides = array<i32>} : memref<128xi32, #tpu.memory_space<vmem>>, vector<16xi32>,
    %shift_right_logical3A = arith.constant 15 : i32
    %shift_right_logical3A_8 = vector.broadcast %shift_right_logical3A : i32 to vector<16xi32>
    %shift_right_logical3A_9 = arith.shrui %get3A_7, %shift_right_logical3A_8 : vector<16xi32>
    %shift_left3A = arith.constant 12 : i32
    %shift_left3A_10 = vector.broadcast %shift_left3A : i32 to vector<16xi32>
    %shift_left3A_11 = arith.shli %shift_right_logical3A_9, %shift_left3A_10 : vector<16xi32>
    %and3A = arith.constant 4095 : i32
    %and3A_12 = vector.broadcast %and3A : i32 to vector<16xi32>
    %and3A_13 = arith.andi %get3A_7, %and3A_12 : vector<16xi32>
    %or3A = arith.ori %shift_left3A_11, %and3A_13 : vector<16xi32>
    %swap3A = arith.constant 0 : i32
    %swap3A_14 = arith.constant 0 : i32
    %swap3A_15 = tpu.memref_slice %arg9[%swap3A, %swap3A_14] : memref<4x128xi32, #tpu.memory_space<vmem>> -> memref<1x128xi32, #tpu.memory_space<vmem>>
    %swap3A_16 = tpu.memref_squeeze %swap3A_15 : memref<1x128xi32, #tpu.memory_space<vmem>> -> memref<128xi32, #tpu.memory_space<vmem>>
    %swap3A_17 = arith.constant 0 : index
    %swap3A_18 = tpu.vector_load %swap3A_16[%swap3A_17] {strides = array<i32>} : memref<128xi32, #tpu.memory_space<vmem>>, vector<16xi32>,
    tpu.vector_store %swap3A_16[%swap3A_17], %or3A {strides = array<i32>} : memref<128xi32, #tpu.memory_space<vmem>>, vector<16xi32>,
    %shift_right_logical3A_19 = arith.constant 12 : i32
    %shift_right_logical3A_20 = vector.broadcast %shift_right_logical3A_19 : i32 to vector<16xi32>
    %shift_right_logical3A_21 = arith.shrui %get3A_7, %shift_right_logical3A_20 : vector<16xi32>
    %and3A_22 = arith.constant 7 : i32
    %and3A_23 = vector.broadcast %and3A_22 : i32 to vector<16xi32>
    %and3A_24 = arith.andi %shift_right_logical3A_21, %and3A_23 : vector<16xi32>
    %shift_left3A_25 = arith.constant 4 : i32
    %shift_left3A_26 = vector.broadcast %shift_left3A_25 : i32 to vector<16xi32>
    %shift_left3A_27 = arith.shli %and3A_24, %shift_left3A_26 : vector<16xi32>
    %swap3A_28 = arith.constant 0 : index
    %swap3A_29 = tpu.vector_load %arg10[%swap3A_28] {strides = array<i32>} : memref<512xi32, #tpu.memory_space<vmem>>, vector<16xi32>,
    tpu.vector_store %arg10[%swap3A_28], %shift_left3A_27 {strides = array<i32>} : memref<512xi32, #tpu.memory_space<vmem>>, vector<16xi32>,
    %get3A_30 = arith.constant 0 : i32
    %get3A_31 = arith.constant 0 : i32
    %get3A_32 = tpu.memref_slice %arg8[%get3A_30, %get3A_31] : memref<4x128xi32, #tpu.memory_space<vmem>> -> memref<1x128xi32, #tpu.memory_space<vmem>>
    %get3A_33 = tpu.memref_squeeze %get3A_32 : memref<1x128xi32, #tpu.memory_space<vmem>> -> memref<128xi32, #tpu.memory_space<vmem>>
    %get3A_34 = arith.constant 16 : index
    %get3A_35 = tpu.vector_load %get3A_33[%get3A_34] {strides = array<i32>} : memref<128xi32, #tpu.memory_space<vmem>>, vector<16xi32>,
    %shift_right_logical3A_36 = arith.constant 15 : i32
    %shift_right_logical3A_37 = vector.broadcast %shift_right_logical3A_36 : i32 to vector<16xi32>
    %shift_right_logical3A_38 = arith.shrui %get3A_35, %shift_right_logical3A_37 : vector<16xi32>
    %shift_left3A_39 = arith.constant 12 : i32
    %shift_left3A_40 = vector.broadcast %shift_left3A_39 : i32 to vector<16xi32>
    %shift_left3A_41 = arith.shli %shift_right_logical3A_38, %shift_left3A_40 : vector<16xi32>
    %and3A_42 = arith.constant 4095 : i32
    %and3A_43 = vector.broadcast %and3A_42 : i32 to vector<16xi32>
    %and3A_44 = arith.andi %get3A_35, %and3A_43 : vector<16xi32>
    %or3A_45 = arith.ori %shift_left3A_41, %and3A_44 : vector<16xi32>
    %swap3A_46 = arith.constant 0 : i32
    %swap3A_47 = arith.constant 0 : i32
    %swap3A_48 = tpu.memref_slice %arg9[%swap3A_46, %swap3A_47] : memref<4x128xi32, #tpu.memory_space<vmem>> -> memref<1x128xi32, #tpu.memory_space<vmem>>
    %swap3A_49 = tpu.memref_squeeze %swap3A_48 : memref<1x128xi32, #tpu.memory_space<vmem>> -> memref<128xi32, #tpu.memory_space<vmem>>
    %swap3A_50 = arith.constant 16 : index
    %swap3A_51 = tpu.vector_load %swap3A_49[%swap3A_50] {strides = array<i32>} : memref<128xi32, #tpu.memory_space<vmem>>, vector<16xi32>,
    tpu.vector_store %swap3A_49[%swap3A_50], %or3A_45 {strides = array<i32>} : memref<128xi32, #tpu.memory_space<vmem>>, vector<16xi32>,
    %shift_right_logical3A_52 = arith.constant 12 : i32
    %shift_right_logical3A_53 = vector.broadcast %shift_right_logical3A_52 : i32 to vector<16xi32>
    %shift_right_logical3A_54 = arith.shrui %get3A_35, %shift_right_logical3A_53 : vector<16xi32>
    %and3A_55 = arith.constant 7 : i32
    %and3A_56 = vector.broadcast %and3A_55 : i32 to vector<16xi32>
    %and3A_57 = arith.andi %shift_right_logical3A_54, %and3A_56 : vector<16xi32>
    %shift_left3A_58 = arith.constant 4 : i32
    %shift_left3A_59 = vector.broadcast %shift_left3A_58 : i32 to vector<16xi32>
    %shift_left3A_60 = arith.shli %and3A_57, %shift_left3A_59 : vector<16xi32>
    %swap3A_61 = arith.constant 16 : index
    %swap3A_62 = tpu.vector_load %arg10[%swap3A_61] {strides = array<i32>} : memref<512xi32, #tpu.memory_space<vmem>>, vector<16xi32>,
    tpu.vector_store %arg10[%swap3A_61], %shift_left3A_60 {strides = array<i32>} : memref<512xi32, #tpu.memory_space<vmem>>, vector<16xi32>,
    %get3A_63 = arith.constant 0 : i32
    %get3A_64 = arith.constant 0 : i32
    %get3A_65 = tpu.memref_slice %arg8[%get3A_63, %get3A_64] : memref<4x128xi32, #tpu.memory_space<vmem>> -> memref<1x128xi32, #tpu.memory_space<vmem>>
    %get3A_66 = tpu.memref_squeeze %get3A_65 : memref<1x128xi32, #tpu.memory_space<vmem>> -> memref<128xi32, #tpu.memory_space<vmem>>
    %get3A_67 = arith.constant 32 : index
    %get3A_68 = tpu.vector_load %get3A_66[%get3A_67] {strides = array<i32>} : memref<128xi32, #tpu.memory_space<vmem>>, vector<16xi32>,
    %shift_right_logical3A_69 = arith.constant 15 : i32
    %shift_right_logical3A_70 = vector.broadcast %shift_right_logical3A_69 : i32 to vector<16xi32>
    %shift_right_logical3A_71 = arith.shrui %get3A_68, %shift_right_logical3A_70 : vector<16xi32>
    %shift_left3A_72 = arith.constant 12 : i32
    %shift_left3A_73 = vector.broadcast %shift_left3A_72 : i32 to vector<16xi32>
    %shift_left3A_74 = arith.shli %shift_right_logical3A_71, %shift_left3A_73 : vector<16xi32>
    %and3A_75 = arith.constant 4095 : i32
    %and3A_76 = vector.broadcast %and3A_75 : i32 to vector<16xi32>
    %and3A_77 = arith.andi %get3A_68, %and3A_76 : vector<16xi32>
    %or3A_78 = arith.ori %shift_left3A_74, %and3A_77 : vector<16xi32>
    %swap3A_79 = arith.constant 0 : i32
    %swap3A_80 = arith.constant 0 : i32
    %swap3A_81 = tpu.memref_slice %arg9[%swap3A_79, %swap3A_80] : memref<4x128xi32, #tpu.memory_space<vmem>> -> memref<1x128xi32, #tpu.memory_space<vmem>>
    %swap3A_82 = tpu.memref_squeeze %swap3A_81 : memref<1x128xi32, #tpu.memory_space<vmem>> -> memref<128xi32, #tpu.memory_space<vmem>>
    %swap3A_83 = arith.constant 32 : index
    %swap3A_84 = tpu.vector_load %swap3A_82[%swap3A_83] {strides = array<i32>} : memref<128xi32, #tpu.memory_space<vmem>>, vector<16xi32>,
    tpu.vector_store %swap3A_82[%swap3A_83], %or3A_78 {strides = array<i32>} : memref<128xi32, #tpu.memory_space<vmem>>, vector<16xi32>,
    %shift_right_logical3A_85 = arith.constant 12 : i32
    %shift_right_logical3A_86 = vector.broadcast %shift_right_logical3A_85 : i32 to vector<16xi32>
    %shift_right_logical3A_87 = arith.shrui %get3A_68, %shift_right_logical3A_86 : vector<16xi32>
    %and3A_88 = arith.constant 7 : i32
    %and3A_89 = vector.broadcast %and3A_88 : i32 to vector<16xi32>
    %and3A_90 = arith.andi %shift_right_logical3A_87, %and3A_89 : vector<16xi32>
    %shift_left3A_91 = arith.constant 4 : i32
    %shift_left3A_92 = vector.broadcast %shift_left3A_91 : i32 to vector<16xi32>
    %shift_left3A_93 = arith.shli %and3A_90, %shift_left3A_92 : vector<16xi32>
    %swap3A_94 = arith.constant 32 : index
    %swap3A_95 = tpu.vector_load %arg10[%swap3A_94] {strides = array<i32>} : memref<512xi32, #tpu.memory_space<vmem>>, vector<16xi32>,
    tpu.vector_store %arg10[%swap3A_94], %shift_left3A_93 {strides = array<i32>} : memref<512xi32, #tpu.memory_space<vmem>>, vector<16xi32>,
    %get3A_96 = arith.constant 0 : i32
    %get3A_97 = arith.constant 0 : i32
    %get3A_98 = tpu.memref_slice %arg8[%get3A_96, %get3A_97] : memref<4x128xi32, #tpu.memory_space<vmem>> -> memref<1x128xi32, #tpu.memory_space<vmem>>
    %get3A_99 = tpu.memref_squeeze %get3A_98 : memref<1x128xi32, #tpu.memory_space<vmem>> -> memref<128xi32, #tpu.memory_space<vmem>>
    %get3A_100 = arith.constant 48 : index
    %get3A_101 = tpu.vector_load %get3A_99[%get3A_100] {strides = array<i32>} : memref<128xi32, #tpu.memory_space<vmem>>, vector<16xi32>,
    %shift_right_logical3A_102 = arith.constant 15 : i32
    %shift_right_logical3A_103 = vector.broadcast %shift_right_logical3A_102 : i32 to vector<16xi32>
    %shift_right_logical3A_104 = arith.shrui %get3A_101, %shift_right_logical3A_103 : vector<16xi32>
    %shift_left3A_105 = arith.constant 12 : i32
    %shift_left3A_106 = vector.broadcast %shift_left3A_105 : i32 to vector<16xi32>
    %shift_left3A_107 = arith.shli %shift_right_logical3A_104, %shift_left3A_106 : vector<16xi32>
    %and3A_108 = arith.constant 4095 : i32
    %and3A_109 = vector.broadcast %and3A_108 : i32 to vector<16xi32>
    %and3A_110 = arith.andi %get3A_101, %and3A_109 : vector<16xi32>
    %or3A_111 = arith.ori %shift_left3A_107, %and3A_110 : vector<16xi32>
    %swap3A_112 = arith.constant 0 : i32
    %swap3A_113 = arith.constant 0 : i32
    %swap3A_114 = tpu.memref_slice %arg9[%swap3A_112, %swap3A_113] : memref<4x128xi32, #tpu.memory_space<vmem>> -> memref<1x128xi32, #tpu.memory_space<vmem>>
    %swap3A_115 = tpu.memref_squeeze %swap3A_114 : memref<1x128xi32, #tpu.memory_space<vmem>> -> memref<128xi32, #tpu.memory_space<vmem>>
    %swap3A_116 = arith.constant 48 : index
    %swap3A_117 = tpu.vector_load %swap3A_115[%swap3A_116] {strides = array<i32>} : memref<128xi32, #tpu.memory_space<vmem>>, vector<16xi32>,
    tpu.vector_store %swap3A_115[%swap3A_116], %or3A_111 {strides = array<i32>} : memref<128xi32, #tpu.memory_space<vmem>>, vector<16xi32>,
    %shift_right_logical3A_118 = arith.constant 12 : i32
    %shift_right_logical3A_119 = vector.broadcast %shift_right_logical3A_118 : i32 to vector<16xi32>
    %shift_right_logical3A_120 = arith.shrui %get3A_101, %shift_right_logical3A_119 : vector<16xi32>
    %and3A_121 = arith.constant 7 : i32
    %and3A_122 = vector.broadcast %and3A_121 : i32 to vector<16xi32>
    %and3A_123 = arith.andi %shift_right_logical3A_120, %and3A_122 : vector<16xi32>
    %shift_left3A_124 = arith.constant 4 : i32
    %shift_left3A_125 = vector.broadcast %shift_left3A_124 : i32 to vector<16xi32>
    %shift_left3A_126 = arith.shli %and3A_123, %shift_left3A_125 : vector<16xi32>
    %swap3A_127 = arith.constant 48 : index
    %swap3A_128 = tpu.vector_load %arg10[%swap3A_127] {strides = array<i32>} : memref<512xi32, #tpu.memory_space<vmem>>, vector<16xi32>,
    tpu.vector_store %arg10[%swap3A_127], %shift_left3A_126 {strides = array<i32>} : memref<512xi32, #tpu.memory_space<vmem>>, vector<16xi32>,
    %get3A_129 = arith.constant 0 : i32
    %get3A_130 = arith.constant 0 : i32
    %get3A_131 = tpu.memref_slice %arg8[%get3A_129, %get3A_130] : memref<4x128xi32, #tpu.memory_space<vmem>> -> memref<1x128xi32, #tpu.memory_space<vmem>>
    %get3A_132 = tpu.memref_squeeze %get3A_131 : memref<1x128xi32, #tpu.memory_space<vmem>> -> memref<128xi32, #tpu.memory_space<vmem>>
    %get3A_133 = arith.constant 64 : index
    %get3A_134 = tpu.vector_load %get3A_132[%get3A_133] {strides = array<i32>} : memref<128xi32, #tpu.memory_space<vmem>>, vector<16xi32>,
    %shift_right_logical3A_135 = arith.constant 15 : i32
    %shift_right_logical3A_136 = vector.broadcast %shift_right_logical3A_135 : i32 to vector<16xi32>
    %shift_right_logical3A_137 = arith.shrui %get3A_134, %shift_right_logical3A_136 : vector<16xi32>
    %shift_left3A_138 = arith.constant 12 : i32
    %shift_left3A_139 = vector.broadcast %shift_left3A_138 : i32 to vector<16xi32>
    %shift_left3A_140 = arith.shli %shift_right_logical3A_137, %shift_left3A_139 : vector<16xi32>
    %and3A_141 = arith.constant 4095 : i32
    %and3A_142 = vector.broadcast %and3A_141 : i32 to vector<16xi32>
    %and3A_143 = arith.andi %get3A_134, %and3A_142 : vector<16xi32>
    %or3A_144 = arith.ori %shift_left3A_140, %and3A_143 : vector<16xi32>
    %swap3A_145 = arith.constant 0 : i32
    %swap3A_146 = arith.constant 0 : i32
    %swap3A_147 = tpu.memref_slice %arg9[%swap3A_145, %swap3A_146] : memref<4x128xi32, #tpu.memory_space<vmem>> -> memref<1x128xi32, #tpu.memory_space<vmem>>
    %swap3A_148 = tpu.memref_squeeze %swap3A_147 : memref<1x128xi32, #tpu.memory_space<vmem>> -> memref<128xi32, #tpu.memory_space<vmem>>
    %swap3A_149 = arith.constant 64 : index
    %swap3A_150 = tpu.vector_load %swap3A_148[%swap3A_149] {strides = array<i32>} : memref<128xi32, #tpu.memory_space<vmem>>, vector<16xi32>,
    tpu.vector_store %swap3A_148[%swap3A_149], %or3A_144 {strides = array<i32>} : memref<128xi32, #tpu.memory_space<vmem>>, vector<16xi32>,
    %shift_right_logical3A_151 = arith.constant 12 : i32
    %shift_right_logical3A_152 = vector.broadcast %shift_right_logical3A_151 : i32 to vector<16xi32>
    %shift_right_logical3A_153 = arith.shrui %get3A_134, %shift_right_logical3A_152 : vector<16xi32>
    %and3A_154 = arith.constant 7 : i32
    %and3A_155 = vector.broadcast %and3A_154 : i32 to vector<16xi32>
    %and3A_156 = arith.andi %shift_right_logical3A_153, %and3A_155 : vector<16xi32>
    %shift_left3A_157 = arith.constant 4 : i32
    %shift_left3A_158 = vector.broadcast %shift_left3A_157 : i32 to vector<16xi32>
    %shift_left3A_159 = arith.shli %and3A_156, %shift_left3A_158 : vector<16xi32>
    %swap3A_160 = arith.constant 64 : index
    %swap3A_161 = tpu.vector_load %arg10[%swap3A_160] {strides = array<i32>} : memref<512xi32, #tpu.memory_space<vmem>>, vector<16xi32>,
    tpu.vector_store %arg10[%swap3A_160], %shift_left3A_159 {strides = array<i32>} : memref<512xi32, #tpu.memory_space<vmem>>, vector<16xi32>,
    %get3A_162 = arith.constant 0 : i32
    %get3A_163 = arith.constant 0 : i32
    %get3A_164 = tpu.memref_slice %arg8[%get3A_162, %get3A_163] : memref<4x128xi32, #tpu.memory_space<vmem>> -> memref<1x128xi32, #tpu.memory_space<vmem>>
    %get3A_165 = tpu.memref_squeeze %get3A_164 : memref<1x128xi32, #tpu.memory_space<vmem>> -> memref<128xi32, #tpu.memory_space<vmem>>
    %get3A_166 = arith.constant 80 : index
    %get3A_167 = tpu.vector_load %get3A_165[%get3A_166] {strides = array<i32>} : memref<128xi32, #tpu.memory_space<vmem>>, vector<16xi32>,
    %shift_right_logical3A_168 = arith.constant 15 : i32
    %shift_right_logical3A_169 = vector.broadcast %shift_right_logical3A_168 : i32 to vector<16xi32>
    %shift_right_logical3A_170 = arith.shrui %get3A_167, %shift_right_logical3A_169 : vector<16xi32>
    %shift_left3A_171 = arith.constant 12 : i32
    %shift_left3A_172 = vector.broadcast %shift_left3A_171 : i32 to vector<16xi32>
    %shift_left3A_173 = arith.shli %shift_right_logical3A_170, %shift_left3A_172 : vector<16xi32>
    %and3A_174 = arith.constant 4095 : i32
    %and3A_175 = vector.broadcast %and3A_174 : i32 to vector<16xi32>
    %and3A_176 = arith.andi %get3A_167, %and3A_175 : vector<16xi32>
    %or3A_177 = arith.ori %shift_left3A_173, %and3A_176 : vector<16xi32>
    %swap3A_178 = arith.constant 0 : i32
    %swap3A_179 = arith.constant 0 : i32
    %swap3A_180 = tpu.memref_slice %arg9[%swap3A_178, %swap3A_179] : memref<4x128xi32, #tpu.memory_space<vmem>> -> memref<1x128xi32, #tpu.memory_space<vmem>>
    %swap3A_181 = tpu.memref_squeeze %swap3A_180 : memref<1x128xi32, #tpu.memory_space<vmem>> -> memref<128xi32, #tpu.memory_space<vmem>>
    %swap3A_182 = arith.constant 80 : index
    %swap3A_183 = tpu.vector_load %swap3A_181[%swap3A_182] {strides = array<i32>} : memref<128xi32, #tpu.memory_space<vmem>>, vector<16xi32>,
    tpu.vector_store %swap3A_181[%swap3A_182], %or3A_177 {strides = array<i32>} : memref<128xi32, #tpu.memory_space<vmem>>, vector<16xi32>,
    %shift_right_logical3A_184 = arith.constant 12 : i32
    %shift_right_logical3A_185 = vector.broadcast %shift_right_logical3A_184 : i32 to vector<16xi32>
    %shift_right_logical3A_186 = arith.shrui %get3A_167, %shift_right_logical3A_185 : vector<16xi32>
    %and3A_187 = arith.constant 7 : i32
    %and3A_188 = vector.broadcast %and3A_187 : i32 to vector<16xi32>
    %and3A_189 = arith.andi %shift_right_logical3A_186, %and3A_188 : vector<16xi32>
    %shift_left3A_190 = arith.constant 4 : i32
    %shift_left3A_191 = vector.broadcast %shift_left3A_190 : i32 to vector<16xi32>
    %shift_left3A_192 = arith.shli %and3A_189, %shift_left3A_191 : vector<16xi32>
    %swap3A_193 = arith.constant 80 : index
    %swap3A_194 = tpu.vector_load %arg10[%swap3A_193] {strides = array<i32>} : memref<512xi32, #tpu.memory_space<vmem>>, vector<16xi32>,
    tpu.vector_store %arg10[%swap3A_193], %shift_left3A_192 {strides = array<i32>} : memref<512xi32, #tpu.memory_space<vmem>>, vector<16xi32>,
    %get3A_195 = arith.constant 0 : i32
    %get3A_196 = arith.constant 0 : i32
    %get3A_197 = tpu.memref_slice %arg8[%get3A_195, %get3A_196] : memref<4x128xi32, #tpu.memory_space<vmem>> -> memref<1x128xi32, #tpu.memory_space<vmem>>
    %get3A_198 = tpu.memref_squeeze %get3A_197 : memref<1x128xi32, #tpu.memory_space<vmem>> -> memref<128xi32, #tpu.memory_space<vmem>>
    %get3A_199 = arith.constant 96 : index
    %get3A_200 = tpu.vector_load %get3A_198[%get3A_199] {strides = array<i32>} : memref<128xi32, #tpu.memory_space<vmem>>, vector<16xi32>,
    %shift_right_logical3A_201 = arith.constant 15 : i32
    %shift_right_logical3A_202 = vector.broadcast %shift_right_logical3A_201 : i32 to vector<16xi32>
    %shift_right_logical3A_203 = arith.shrui %get3A_200, %shift_right_logical3A_202 : vector<16xi32>
    %shift_left3A_204 = arith.constant 12 : i32
    %shift_left3A_205 = vector.broadcast %shift_left3A_204 : i32 to vector<16xi32>
    %shift_left3A_206 = arith.shli %shift_right_logical3A_203, %shift_left3A_205 : vector<16xi32>
    %and3A_207 = arith.constant 4095 : i32
    %and3A_208 = vector.broadcast %and3A_207 : i32 to vector<16xi32>
    %and3A_209 = arith.andi %get3A_200, %and3A_208 : vector<16xi32>
    %or3A_210 = arith.ori %shift_left3A_206, %and3A_209 : vector<16xi32>
    %swap3A_211 = arith.constant 0 : i32
    %swap3A_212 = arith.constant 0 : i32
    %swap3A_213 = tpu.memref_slice %arg9[%swap3A_211, %swap3A_212] : memref<4x128xi32, #tpu.memory_space<vmem>> -> memref<1x128xi32, #tpu.memory_space<vmem>>
    %swap3A_214 = tpu.memref_squeeze %swap3A_213 : memref<1x128xi32, #tpu.memory_space<vmem>> -> memref<128xi32, #tpu.memory_space<vmem>>
    %swap3A_215 = arith.constant 96 : index
    %swap3A_216 = tpu.vector_load %swap3A_214[%swap3A_215] {strides = array<i32>} : memref<128xi32, #tpu.memory_space<vmem>>, vector<16xi32>,
    tpu.vector_store %swap3A_214[%swap3A_215], %or3A_210 {strides = array<i32>} : memref<128xi32, #tpu.memory_space<vmem>>, vector<16xi32>,
    %shift_right_logical3A_217 = arith.constant 12 : i32
    %shift_right_logical3A_218 = vector.broadcast %shift_right_logical3A_217 : i32 to vector<16xi32>
    %shift_right_logical3A_219 = arith.shrui %get3A_200, %shift_right_logical3A_218 : vector<16xi32>
    %and3A_220 = arith.constant 7 : i32
    %and3A_221 = vector.broadcast %and3A_220 : i32 to vector<16xi32>
    %and3A_222 = arith.andi %shift_right_logical3A_219, %and3A_221 : vector<16xi32>
    %shift_left3A_223 = arith.constant 4 : i32
    %shift_left3A_224 = vector.broadcast %shift_left3A_223 : i32 to vector<16xi32>
    %shift_left3A_225 = arith.shli %and3A_222, %shift_left3A_224 : vector<16xi32>
    %swap3A_226 = arith.constant 96 : index
    %swap3A_227 = tpu.vector_load %arg10[%swap3A_226] {strides = array<i32>} : memref<512xi32, #tpu.memory_space<vmem>>, vector<16xi32>,
    tpu.vector_store %arg10[%swap3A_226], %shift_left3A_225 {strides = array<i32>} : memref<512xi32, #tpu.memory_space<vmem>>, vector<16xi32>,
    %get3A_228 = arith.constant 0 : i32
    %get3A_229 = arith.constant 0 : i32
    %get3A_230 = tpu.memref_slice %arg8[%get3A_228, %get3A_229] : memref<4x128xi32, #tpu.memory_space<vmem>> -> memref<1x128xi32, #tpu.memory_space<vmem>>
    %get3A_231 = tpu.memref_squeeze %get3A_230 : memref<1x128xi32, #tpu.memory_space<vmem>> -> memref<128xi32, #tpu.memory_space<vmem>>
    %get3A_232 = arith.constant 112 : index
    %get3A_233 = tpu.vector_load %get3A_231[%get3A_232] {strides = array<i32>} : memref<128xi32, #tpu.memory_space<vmem>>, vector<16xi32>,
    %shift_right_logical3A_234 = arith.constant 15 : i32
    %shift_right_logical3A_235 = vector.broadcast %shift_right_logical3A_234 : i32 to vector<16xi32>
    %shift_right_logical3A_236 = arith.shrui %get3A_233, %shift_right_logical3A_235 : vector<16xi32>
    %shift_left3A_237 = arith.constant 12 : i32
    %shift_left3A_238 = vector.broadcast %shift_left3A_237 : i32 to vector<16xi32>
    %shift_left3A_239 = arith.shli %shift_right_logical3A_236, %shift_left3A_238 : vector<16xi32>
    %and3A_240 = arith.constant 4095 : i32
    %and3A_241 = vector.broadcast %and3A_240 : i32 to vector<16xi32>
    %and3A_242 = arith.andi %get3A_233, %and3A_241 : vector<16xi32>
    %or3A_243 = arith.ori %shift_left3A_239, %and3A_242 : vector<16xi32>
    %swap3A_244 = arith.constant 0 : i32
    %swap3A_245 = arith.constant 0 : i32
    %swap3A_246 = tpu.memref_slice %arg9[%swap3A_244, %swap3A_245] : memref<4x128xi32, #tpu.memory_space<vmem>> -> memref<1x128xi32, #tpu.memory_space<vmem>>
    %swap3A_247 = tpu.memref_squeeze %swap3A_246 : memref<1x128xi32, #tpu.memory_space<vmem>> -> memref<128xi32, #tpu.memory_space<vmem>>
    %swap3A_248 = arith.constant 112 : index
    %swap3A_249 = tpu.vector_load %swap3A_247[%swap3A_248] {strides = array<i32>} : memref<128xi32, #tpu.memory_space<vmem>>, vector<16xi32>,
    tpu.vector_store %swap3A_247[%swap3A_248], %or3A_243 {strides = array<i32>} : memref<128xi32, #tpu.memory_space<vmem>>, vector<16xi32>,
    %shift_right_logical3A_250 = arith.constant 12 : i32
    %shift_right_logical3A_251 = vector.broadcast %shift_right_logical3A_250 : i32 to vector<16xi32>
    %shift_right_logical3A_252 = arith.shrui %get3A_233, %shift_right_logical3A_251 : vector<16xi32>
    %and3A_253 = arith.constant 7 : i32
    %and3A_254 = vector.broadcast %and3A_253 : i32 to vector<16xi32>
    %and3A_255 = arith.andi %shift_right_logical3A_252, %and3A_254 : vector<16xi32>
    %shift_left3A_256 = arith.constant 4 : i32
    %shift_left3A_257 = vector.broadcast %shift_left3A_256 : i32 to vector<16xi32>
    %shift_left3A_258 = arith.shli %and3A_255, %shift_left3A_257 : vector<16xi32>
    %swap3A_259 = arith.constant 112 : index
    %swap3A_260 = tpu.vector_load %arg10[%swap3A_259] {strides = array<i32>} : memref<512xi32, #tpu.memory_space<vmem>>, vector<16xi32>,
    tpu.vector_store %arg10[%swap3A_259], %shift_left3A_258 {strides = array<i32>} : memref<512xi32, #tpu.memory_space<vmem>>, vector<16xi32>,
    %get3A_261 = arith.constant 1 : i32
    %get3A_262 = arith.constant 0 : i32
    %get3A_263 = tpu.memref_slice %arg8[%get3A_261, %get3A_262] : memref<4x128xi32, #tpu.memory_space<vmem>> -> memref<1x128xi32, #tpu.memory_space<vmem>>
    %get3A_264 = tpu.memref_squeeze %get3A_263 : memref<1x128xi32, #tpu.memory_space<vmem>> -> memref<128xi32, #tpu.memory_space<vmem>>
    %get3A_265 = arith.constant 0 : index
    %get3A_266 = tpu.vector_load %get3A_264[%get3A_265] {strides = array<i32>} : memref<128xi32, #tpu.memory_space<vmem>>, vector<16xi32>,
    %shift_right_logical3A_267 = arith.constant 15 : i32
    %shift_right_logical3A_268 = vector.broadcast %shift_right_logical3A_267 : i32 to vector<16xi32>
    %shift_right_logical3A_269 = arith.shrui %get3A_266, %shift_right_logical3A_268 : vector<16xi32>
    %shift_left3A_270 = arith.constant 12 : i32
    %shift_left3A_271 = vector.broadcast %shift_left3A_270 : i32 to vector<16xi32>
    %shift_left3A_272 = arith.shli %shift_right_logical3A_269, %shift_left3A_271 : vector<16xi32>
    %and3A_273 = arith.constant 4095 : i32
    %and3A_274 = vector.broadcast %and3A_273 : i32 to vector<16xi32>
    %and3A_275 = arith.andi %get3A_266, %and3A_274 : vector<16xi32>
    %or3A_276 = arith.ori %shift_left3A_272, %and3A_275 : vector<16xi32>
    %swap3A_277 = arith.constant 1 : i32
    %swap3A_278 = arith.constant 0 : i32
    %swap3A_279 = tpu.memref_slice %arg9[%swap3A_277, %swap3A_278] : memref<4x128xi32, #tpu.memory_space<vmem>> -> memref<1x128xi32, #tpu.memory_space<vmem>>
    %swap3A_280 = tpu.memref_squeeze %swap3A_279 : memref<1x128xi32, #tpu.memory_space<vmem>> -> memref<128xi32, #tpu.memory_space<vmem>>
    %swap3A_281 = arith.constant 0 : index
    %swap3A_282 = tpu.vector_load %swap3A_280[%swap3A_281] {strides = array<i32>} : memref<128xi32, #tpu.memory_space<vmem>>, vector<16xi32>,
    tpu.vector_store %swap3A_280[%swap3A_281], %or3A_276 {strides = array<i32>} : memref<128xi32, #tpu.memory_space<vmem>>, vector<16xi32>,
    %shift_right_logical3A_283 = arith.constant 12 : i32
    %shift_right_logical3A_284 = vector.broadcast %shift_right_logical3A_283 : i32 to vector<16xi32>
    %shift_right_logical3A_285 = arith.shrui %get3A_266, %shift_right_logical3A_284 : vector<16xi32>
    %and3A_286 = arith.constant 7 : i32
    %and3A_287 = vector.broadcast %and3A_286 : i32 to vector<16xi32>
    %and3A_288 = arith.andi %shift_right_logical3A_285, %and3A_287 : vector<16xi32>
    %shift_left3A_289 = arith.constant 4 : i32
    %shift_left3A_290 = vector.broadcast %shift_left3A_289 : i32 to vector<16xi32>
    %shift_left3A_291 = arith.shli %and3A_288, %shift_left3A_290 : vector<16xi32>
    %swap3A_292 = arith.constant 128 : index
    %swap3A_293 = tpu.vector_load %arg10[%swap3A_292] {strides = array<i32>} : memref<512xi32, #tpu.memory_space<vmem>>, vector<16xi32>,
    tpu.vector_store %arg10[%swap3A_292], %shift_left3A_291 {strides = array<i32>} : memref<512xi32, #tpu.memory_space<vmem>>, vector<16xi32>,
    %get3A_294 = arith.constant 1 : i32
    %get3A_295 = arith.constant 0 : i32
    %get3A_296 = tpu.memref_slice %arg8[%get3A_294, %get3A_295] : memref<4x128xi32, #tpu.memory_space<vmem>> -> memref<1x128xi32, #tpu.memory_space<vmem>>
    %get3A_297 = tpu.memref_squeeze %get3A_296 : memref<1x128xi32, #tpu.memory_space<vmem>> -> memref<128xi32, #tpu.memory_space<vmem>>
    %get3A_298 = arith.constant 16 : index
    %get3A_299 = tpu.vector_load %get3A_297[%get3A_298] {strides = array<i32>} : memref<128xi32, #tpu.memory_space<vmem>>, vector<16xi32>,
    %shift_right_logical3A_300 = arith.constant 15 : i32
    %shift_right_logical3A_301 = vector.broadcast %shift_right_logical3A_300 : i32 to vector<16xi32>
    %shift_right_logical3A_302 = arith.shrui %get3A_299, %shift_right_logical3A_301 : vector<16xi32>
    %shift_left3A_303 = arith.constant 12 : i32
    %shift_left3A_304 = vector.broadcast %shift_left3A_303 : i32 to vector<16xi32>
    %shift_left3A_305 = arith.shli %shift_right_logical3A_302, %shift_left3A_304 : vector<16xi32>
    %and3A_306 = arith.constant 4095 : i32
    %and3A_307 = vector.broadcast %and3A_306 : i32 to vector<16xi32>
    %and3A_308 = arith.andi %get3A_299, %and3A_307 : vector<16xi32>
    %or3A_309 = arith.ori %shift_left3A_305, %and3A_308 : vector<16xi32>
    %swap3A_310 = arith.constant 1 : i32
    %swap3A_311 = arith.constant 0 : i32
    %swap3A_312 = tpu.memref_slice %arg9[%swap3A_310, %swap3A_311] : memref<4x128xi32, #tpu.memory_space<vmem>> -> memref<1x128xi32, #tpu.memory_space<vmem>>
    %swap3A_313 = tpu.memref_squeeze %swap3A_312 : memref<1x128xi32, #tpu.memory_space<vmem>> -> memref<128xi32, #tpu.memory_space<vmem>>
    %swap3A_314 = arith.constant 16 : index
    %swap3A_315 = tpu.vector_load %swap3A_313[%swap3A_314] {strides = array<i32>} : memref<128xi32, #tpu.memory_space<vmem>>, vector<16xi32>,
    tpu.vector_store %swap3A_313[%swap3A_314], %or3A_309 {strides = array<i32>} : memref<128xi32, #tpu.memory_space<vmem>>, vector<16xi32>,
    %shift_right_logical3A_316 = arith.constant 12 : i32
    %shift_right_logical3A_317 = vector.broadcast %shift_right_logical3A_316 : i32 to vector<16xi32>
    %shift_right_logical3A_318 = arith.shrui %get3A_299, %shift_right_logical3A_317 : vector<16xi32>
    %and3A_319 = arith.constant 7 : i32
    %and3A_320 = vector.broadcast %and3A_319 : i32 to vector<16xi32>
    %and3A_321 = arith.andi %shift_right_logical3A_318, %and3A_320 : vector<16xi32>
    %shift_left3A_322 = arith.constant 4 : i32
    %shift_left3A_323 = vector.broadcast %shift_left3A_322 : i32 to vector<16xi32>
    %shift_left3A_324 = arith.shli %and3A_321, %shift_left3A_323 : vector<16xi32>
    %swap3A_325 = arith.constant 144 : index
    %swap3A_326 = tpu.vector_load %arg10[%swap3A_325] {strides = array<i32>} : memref<512xi32, #tpu.memory_space<vmem>>, vector<16xi32>,
    tpu.vector_store %arg10[%swap3A_325], %shift_left3A_324 {strides = array<i32>} : memref<512xi32, #tpu.memory_space<vmem>>, vector<16xi32>,
    %get3A_327 = arith.constant 1 : i32
    %get3A_328 = arith.constant 0 : i32
    %get3A_329 = tpu.memref_slice %arg8[%get3A_327, %get3A_328] : memref<4x128xi32, #tpu.memory_space<vmem>> -> memref<1x128xi32, #tpu.memory_space<vmem>>
    %get3A_330 = tpu.memref_squeeze %get3A_329 : memref<1x128xi32, #tpu.memory_space<vmem>> -> memref<128xi32, #tpu.memory_space<vmem>>
    %get3A_331 = arith.constant 32 : index
    %get3A_332 = tpu.vector_load %get3A_330[%get3A_331] {strides = array<i32>} : memref<128xi32, #tpu.memory_space<vmem>>, vector<16xi32>,
    %shift_right_logical3A_333 = arith.constant 15 : i32
    %shift_right_logical3A_334 = vector.broadcast %shift_right_logical3A_333 : i32 to vector<16xi32>
    %shift_right_logical3A_335 = arith.shrui %get3A_332, %shift_right_logical3A_334 : vector<16xi32>
    %shift_left3A_336 = arith.constant 12 : i32
    %shift_left3A_337 = vector.broadcast %shift_left3A_336 : i32 to vector<16xi32>
    %shift_left3A_338 = arith.shli %shift_right_logical3A_335, %shift_left3A_337 : vector<16xi32>
    %and3A_339 = arith.constant 4095 : i32
    %and3A_340 = vector.broadcast %and3A_339 : i32 to vector<16xi32>
    %and3A_341 = arith.andi %get3A_332, %and3A_340 : vector<16xi32>
    %or3A_342 = arith.ori %shift_left3A_338, %and3A_341 : vector<16xi32>
    %swap3A_343 = arith.constant 1 : i32
    %swap3A_344 = arith.constant 0 : i32
    %swap3A_345 = tpu.memref_slice %arg9[%swap3A_343, %swap3A_344] : memref<4x128xi32, #tpu.memory_space<vmem>> -> memref<1x128xi32, #tpu.memory_space<vmem>>
    %swap3A_346 = tpu.memref_squeeze %swap3A_345 : memref<1x128xi32, #tpu.memory_space<vmem>> -> memref<128xi32, #tpu.memory_space<vmem>>
    %swap3A_347 = arith.constant 32 : index
    %swap3A_348 = tpu.vector_load %swap3A_346[%swap3A_347] {strides = array<i32>} : memref<128xi32, #tpu.memory_space<vmem>>, vector<16xi32>,
    tpu.vector_store %swap3A_346[%swap3A_347], %or3A_342 {strides = array<i32>} : memref<128xi32, #tpu.memory_space<vmem>>, vector<16xi32>,
    %shift_right_logical3A_349 = arith.constant 12 : i32
    %shift_right_logical3A_350 = vector.broadcast %shift_right_logical3A_349 : i32 to vector<16xi32>
    %shift_right_logical3A_351 = arith.shrui %get3A_332, %shift_right_logical3A_350 : vector<16xi32>
    %and3A_352 = arith.constant 7 : i32
    %and3A_353 = vector.broadcast %and3A_352 : i32 to vector<16xi32>
    %and3A_354 = arith.andi %shift_right_logical3A_351, %and3A_353 : vector<16xi32>
    %shift_left3A_355 = arith.constant 4 : i32
    %shift_left3A_356 = vector.broadcast %shift_left3A_355 : i32 to vector<16xi32>
    %shift_left3A_357 = arith.shli %and3A_354, %shift_left3A_356 : vector<16xi32>
    %swap3A_358 = arith.constant 160 : index
    %swap3A_359 = tpu.vector_load %arg10[%swap3A_358] {strides = array<i32>} : memref<512xi32, #tpu.memory_space<vmem>>, vector<16xi32>,
    tpu.vector_store %arg10[%swap3A_358], %shift_left3A_357 {strides = array<i32>} : memref<512xi32, #tpu.memory_space<vmem>>, vector<16xi32>,
    %get3A_360 = arith.constant 1 : i32
    %get3A_361 = arith.constant 0 : i32
    %get3A_362 = tpu.memref_slice %arg8[%get3A_360, %get3A_361] : memref<4x128xi32, #tpu.memory_space<vmem>> -> memref<1x128xi32, #tpu.memory_space<vmem>>
    %get3A_363 = tpu.memref_squeeze %get3A_362 : memref<1x128xi32, #tpu.memory_space<vmem>> -> memref<128xi32, #tpu.memory_space<vmem>>
    %get3A_364 = arith.constant 48 : index
    %get3A_365 = tpu.vector_load %get3A_363[%get3A_364] {strides = array<i32>} : memref<128xi32, #tpu.memory_space<vmem>>, vector<16xi32>,
    %shift_right_logical3A_366 = arith.constant 15 : i32
    %shift_right_logical3A_367 = vector.broadcast %shift_right_logical3A_366 : i32 to vector<16xi32>
    %shift_right_logical3A_368 = arith.shrui %get3A_365, %shift_right_logical3A_367 : vector<16xi32>
    %shift_left3A_369 = arith.constant 12 : i32
    %shift_left3A_370 = vector.broadcast %shift_left3A_369 : i32 to vector<16xi32>
    %shift_left3A_371 = arith.shli %shift_right_logical3A_368, %shift_left3A_370 : vector<16xi32>
    %and3A_372 = arith.constant 4095 : i32
    %and3A_373 = vector.broadcast %and3A_372 : i32 to vector<16xi32>
    %and3A_374 = arith.andi %get3A_365, %and3A_373 : vector<16xi32>
    %or3A_375 = arith.ori %shift_left3A_371, %and3A_374 : vector<16xi32>
    %swap3A_376 = arith.constant 1 : i32
    %swap3A_377 = arith.constant 0 : i32
    %swap3A_378 = tpu.memref_slice %arg9[%swap3A_376, %swap3A_377] : memref<4x128xi32, #tpu.memory_space<vmem>> -> memref<1x128xi32, #tpu.memory_space<vmem>>
    %swap3A_379 = tpu.memref_squeeze %swap3A_378 : memref<1x128xi32, #tpu.memory_space<vmem>> -> memref<128xi32, #tpu.memory_space<vmem>>
    %swap3A_380 = arith.constant 48 : index
    %swap3A_381 = tpu.vector_load %swap3A_379[%swap3A_380] {strides = array<i32>} : memref<128xi32, #tpu.memory_space<vmem>>, vector<16xi32>,
    tpu.vector_store %swap3A_379[%swap3A_380], %or3A_375 {strides = array<i32>} : memref<128xi32, #tpu.memory_space<vmem>>, vector<16xi32>,
    %shift_right_logical3A_382 = arith.constant 12 : i32
    %shift_right_logical3A_383 = vector.broadcast %shift_right_logical3A_382 : i32 to vector<16xi32>
    %shift_right_logical3A_384 = arith.shrui %get3A_365, %shift_right_logical3A_383 : vector<16xi32>
    %and3A_385 = arith.constant 7 : i32
    %and3A_386 = vector.broadcast %and3A_385 : i32 to vector<16xi32>
    %and3A_387 = arith.andi %shift_right_logical3A_384, %and3A_386 : vector<16xi32>
    %shift_left3A_388 = arith.constant 4 : i32
    %shift_left3A_389 = vector.broadcast %shift_left3A_388 : i32 to vector<16xi32>
    %shift_left3A_390 = arith.shli %and3A_387, %shift_left3A_389 : vector<16xi32>
    %swap3A_391 = arith.constant 176 : index
    %swap3A_392 = tpu.vector_load %arg10[%swap3A_391] {strides = array<i32>} : memref<512xi32, #tpu.memory_space<vmem>>, vector<16xi32>,
    tpu.vector_store %arg10[%swap3A_391], %shift_left3A_390 {strides = array<i32>} : memref<512xi32, #tpu.memory_space<vmem>>, vector<16xi32>,
    %get3A_393 = arith.constant 1 : i32
    %get3A_394 = arith.constant 0 : i32
    %get3A_395 = tpu.memref_slice %arg8[%get3A_393, %get3A_394] : memref<4x128xi32, #tpu.memory_space<vmem>> -> memref<1x128xi32, #tpu.memory_space<vmem>>
    %get3A_396 = tpu.memref_squeeze %get3A_395 : memref<1x128xi32, #tpu.memory_space<vmem>> -> memref<128xi32, #tpu.memory_space<vmem>>
    %get3A_397 = arith.constant 64 : index
    %get3A_398 = tpu.vector_load %get3A_396[%get3A_397] {strides = array<i32>} : memref<128xi32, #tpu.memory_space<vmem>>, vector<16xi32>,
    %shift_right_logical3A_399 = arith.constant 15 : i32
    %shift_right_logical3A_400 = vector.broadcast %shift_right_logical3A_399 : i32 to vector<16xi32>
    %shift_right_logical3A_401 = arith.shrui %get3A_398, %shift_right_logical3A_400 : vector<16xi32>
    %shift_left3A_402 = arith.constant 12 : i32
    %shift_left3A_403 = vector.broadcast %shift_left3A_402 : i32 to vector<16xi32>
    %shift_left3A_404 = arith.shli %shift_right_logical3A_401, %shift_left3A_403 : vector<16xi32>
    %and3A_405 = arith.constant 4095 : i32
    %and3A_406 = vector.broadcast %and3A_405 : i32 to vector<16xi32>
    %and3A_407 = arith.andi %get3A_398, %and3A_406 : vector<16xi32>
    %or3A_408 = arith.ori %shift_left3A_404, %and3A_407 : vector<16xi32>
    %swap3A_409 = arith.constant 1 : i32
    %swap3A_410 = arith.constant 0 : i32
    %swap3A_411 = tpu.memref_slice %arg9[%swap3A_409, %swap3A_410] : memref<4x128xi32, #tpu.memory_space<vmem>> -> memref<1x128xi32, #tpu.memory_space<vmem>>
    %swap3A_412 = tpu.memref_squeeze %swap3A_411 : memref<1x128xi32, #tpu.memory_space<vmem>> -> memref<128xi32, #tpu.memory_space<vmem>>
    %swap3A_413 = arith.constant 64 : index
    %swap3A_414 = tpu.vector_load %swap3A_412[%swap3A_413] {strides = array<i32>} : memref<128xi32, #tpu.memory_space<vmem>>, vector<16xi32>,
    tpu.vector_store %swap3A_412[%swap3A_413], %or3A_408 {strides = array<i32>} : memref<128xi32, #tpu.memory_space<vmem>>, vector<16xi32>,
    %shift_right_logical3A_415 = arith.constant 12 : i32
    %shift_right_logical3A_416 = vector.broadcast %shift_right_logical3A_415 : i32 to vector<16xi32>
    %shift_right_logical3A_417 = arith.shrui %get3A_398, %shift_right_logical3A_416 : vector<16xi32>
    %and3A_418 = arith.constant 7 : i32
    %and3A_419 = vector.broadcast %and3A_418 : i32 to vector<16xi32>
    %and3A_420 = arith.andi %shift_right_logical3A_417, %and3A_419 : vector<16xi32>
    %shift_left3A_421 = arith.constant 4 : i32
    %shift_left3A_422 = vector.broadcast %shift_left3A_421 : i32 to vector<16xi32>
    %shift_left3A_423 = arith.shli %and3A_420, %shift_left3A_422 : vector<16xi32>
    %swap3A_424 = arith.constant 192 : index
    %swap3A_425 = tpu.vector_load %arg10[%swap3A_424] {strides = array<i32>} : memref<512xi32, #tpu.memory_space<vmem>>, vector<16xi32>,
    tpu.vector_store %arg10[%swap3A_424], %shift_left3A_423 {strides = array<i32>} : memref<512xi32, #tpu.memory_space<vmem>>, vector<16xi32>,
    %get3A_426 = arith.constant 1 : i32
    %get3A_427 = arith.constant 0 : i32
    %get3A_428 = tpu.memref_slice %arg8[%get3A_426, %get3A_427] : memref<4x128xi32, #tpu.memory_space<vmem>> -> memref<1x128xi32, #tpu.memory_space<vmem>>
    %get3A_429 = tpu.memref_squeeze %get3A_428 : memref<1x128xi32, #tpu.memory_space<vmem>> -> memref<128xi32, #tpu.memory_space<vmem>>
    %get3A_430 = arith.constant 80 : index
    %get3A_431 = tpu.vector_load %get3A_429[%get3A_430] {strides = array<i32>} : memref<128xi32, #tpu.memory_space<vmem>>, vector<16xi32>,
    %shift_right_logical3A_432 = arith.constant 15 : i32
    %shift_right_logical3A_433 = vector.broadcast %shift_right_logical3A_432 : i32 to vector<16xi32>
    %shift_right_logical3A_434 = arith.shrui %get3A_431, %shift_right_logical3A_433 : vector<16xi32>
    %shift_left3A_435 = arith.constant 12 : i32
    %shift_left3A_436 = vector.broadcast %shift_left3A_435 : i32 to vector<16xi32>
    %shift_left3A_437 = arith.shli %shift_right_logical3A_434, %shift_left3A_436 : vector<16xi32>
    %and3A_438 = arith.constant 4095 : i32
    %and3A_439 = vector.broadcast %and3A_438 : i32 to vector<16xi32>
    %and3A_440 = arith.andi %get3A_431, %and3A_439 : vector<16xi32>
    %or3A_441 = arith.ori %shift_left3A_437, %and3A_440 : vector<16xi32>
    %swap3A_442 = arith.constant 1 : i32
    %swap3A_443 = arith.constant 0 : i32
    %swap3A_444 = tpu.memref_slice %arg9[%swap3A_442, %swap3A_443] : memref<4x128xi32, #tpu.memory_space<vmem>> -> memref<1x128xi32, #tpu.memory_space<vmem>>
    %swap3A_445 = tpu.memref_squeeze %swap3A_444 : memref<1x128xi32, #tpu.memory_space<vmem>> -> memref<128xi32, #tpu.memory_space<vmem>>
    %swap3A_446 = arith.constant 80 : index
    %swap3A_447 = tpu.vector_load %swap3A_445[%swap3A_446] {strides = array<i32>} : memref<128xi32, #tpu.memory_space<vmem>>, vector<16xi32>,
    tpu.vector_store %swap3A_445[%swap3A_446], %or3A_441 {strides = array<i32>} : memref<128xi32, #tpu.memory_space<vmem>>, vector<16xi32>,
    %shift_right_logical3A_448 = arith.constant 12 : i32
    %shift_right_logical3A_449 = vector.broadcast %shift_right_logical3A_448 : i32 to vector<16xi32>
    %shift_right_logical3A_450 = arith.shrui %get3A_431, %shift_right_logical3A_449 : vector<16xi32>
    %and3A_451 = arith.constant 7 : i32
    %and3A_452 = vector.broadcast %and3A_451 : i32 to vector<16xi32>
    %and3A_453 = arith.andi %shift_right_logical3A_450, %and3A_452 : vector<16xi32>
    %shift_left3A_454 = arith.constant 4 : i32
    %shift_left3A_455 = vector.broadcast %shift_left3A_454 : i32 to vector<16xi32>
    %shift_left3A_456 = arith.shli %and3A_453, %shift_left3A_455 : vector<16xi32>
    %swap3A_457 = arith.constant 208 : index
    %swap3A_458 = tpu.vector_load %arg10[%swap3A_457] {strides = array<i32>} : memref<512xi32, #tpu.memory_space<vmem>>, vector<16xi32>,
    tpu.vector_store %arg10[%swap3A_457], %shift_left3A_456 {strides = array<i32>} : memref<512xi32, #tpu.memory_space<vmem>>, vector<16xi32>,
    %get3A_459 = arith.constant 1 : i32
    %get3A_460 = arith.constant 0 : i32
    %get3A_461 = tpu.memref_slice %arg8[%get3A_459, %get3A_460] : memref<4x128xi32, #tpu.memory_space<vmem>> -> memref<1x128xi32, #tpu.memory_space<vmem>>
    %get3A_462 = tpu.memref_squeeze %get3A_461 : memref<1x128xi32, #tpu.memory_space<vmem>> -> memref<128xi32, #tpu.memory_space<vmem>>
    %get3A_463 = arith.constant 96 : index
    %get3A_464 = tpu.vector_load %get3A_462[%get3A_463] {strides = array<i32>} : memref<128xi32, #tpu.memory_space<vmem>>, vector<16xi32>,
    %shift_right_logical3A_465 = arith.constant 15 : i32
    %shift_right_logical3A_466 = vector.broadcast %shift_right_logical3A_465 : i32 to vector<16xi32>
    %shift_right_logical3A_467 = arith.shrui %get3A_464, %shift_right_logical3A_466 : vector<16xi32>
    %shift_left3A_468 = arith.constant 12 : i32
    %shift_left3A_469 = vector.broadcast %shift_left3A_468 : i32 to vector<16xi32>
    %shift_left3A_470 = arith.shli %shift_right_logical3A_467, %shift_left3A_469 : vector<16xi32>
    %and3A_471 = arith.constant 4095 : i32
    %and3A_472 = vector.broadcast %and3A_471 : i32 to vector<16xi32>
    %and3A_473 = arith.andi %get3A_464, %and3A_472 : vector<16xi32>
    %or3A_474 = arith.ori %shift_left3A_470, %and3A_473 : vector<16xi32>
    %swap3A_475 = arith.constant 1 : i32
    %swap3A_476 = arith.constant 0 : i32
    %swap3A_477 = tpu.memref_slice %arg9[%swap3A_475, %swap3A_476] : memref<4x128xi32, #tpu.memory_space<vmem>> -> memref<1x128xi32, #tpu.memory_space<vmem>>
    %swap3A_478 = tpu.memref_squeeze %swap3A_477 : memref<1x128xi32, #tpu.memory_space<vmem>> -> memref<128xi32, #tpu.memory_space<vmem>>
    %swap3A_479 = arith.constant 96 : index
    %swap3A_480 = tpu.vector_load %swap3A_478[%swap3A_479] {strides = array<i32>} : memref<128xi32, #tpu.memory_space<vmem>>, vector<16xi32>,
    tpu.vector_store %swap3A_478[%swap3A_479], %or3A_474 {strides = array<i32>} : memref<128xi32, #tpu.memory_space<vmem>>, vector<16xi32>,
    %shift_right_logical3A_481 = arith.constant 12 : i32
    %shift_right_logical3A_482 = vector.broadcast %shift_right_logical3A_481 : i32 to vector<16xi32>
    %shift_right_logical3A_483 = arith.shrui %get3A_464, %shift_right_logical3A_482 : vector<16xi32>
    %and3A_484 = arith.constant 7 : i32
    %and3A_485 = vector.broadcast %and3A_484 : i32 to vector<16xi32>
    %and3A_486 = arith.andi %shift_right_logical3A_483, %and3A_485 : vector<16xi32>
    %shift_left3A_487 = arith.constant 4 : i32
    %shift_left3A_488 = vector.broadcast %shift_left3A_487 : i32 to vector<16xi32>
    %shift_left3A_489 = arith.shli %and3A_486, %shift_left3A_488 : vector<16xi32>
    %swap3A_490 = arith.constant 224 : index
    %swap3A_491 = tpu.vector_load %arg10[%swap3A_490] {strides = array<i32>} : memref<512xi32, #tpu.memory_space<vmem>>, vector<16xi32>,
    tpu.vector_store %arg10[%swap3A_490], %shift_left3A_489 {strides = array<i32>} : memref<512xi32, #tpu.memory_space<vmem>>, vector<16xi32>,
    %get3A_492 = arith.constant 1 : i32
    %get3A_493 = arith.constant 0 : i32
    %get3A_494 = tpu.memref_slice %arg8[%get3A_492, %get3A_493] : memref<4x128xi32, #tpu.memory_space<vmem>> -> memref<1x128xi32, #tpu.memory_space<vmem>>
    %get3A_495 = tpu.memref_squeeze %get3A_494 : memref<1x128xi32, #tpu.memory_space<vmem>> -> memref<128xi32, #tpu.memory_space<vmem>>
    %get3A_496 = arith.constant 112 : index
    %get3A_497 = tpu.vector_load %get3A_495[%get3A_496] {strides = array<i32>} : memref<128xi32, #tpu.memory_space<vmem>>, vector<16xi32>,
    %shift_right_logical3A_498 = arith.constant 15 : i32
    %shift_right_logical3A_499 = vector.broadcast %shift_right_logical3A_498 : i32 to vector<16xi32>
    %shift_right_logical3A_500 = arith.shrui %get3A_497, %shift_right_logical3A_499 : vector<16xi32>
    %shift_left3A_501 = arith.constant 12 : i32
    %shift_left3A_502 = vector.broadcast %shift_left3A_501 : i32 to vector<16xi32>
    %shift_left3A_503 = arith.shli %shift_right_logical3A_500, %shift_left3A_502 : vector<16xi32>
    %and3A_504 = arith.constant 4095 : i32
    %and3A_505 = vector.broadcast %and3A_504 : i32 to vector<16xi32>
    %and3A_506 = arith.andi %get3A_497, %and3A_505 : vector<16xi32>
    %or3A_507 = arith.ori %shift_left3A_503, %and3A_506 : vector<16xi32>
    %swap3A_508 = arith.constant 1 : i32
    %swap3A_509 = arith.constant 0 : i32
    %swap3A_510 = tpu.memref_slice %arg9[%swap3A_508, %swap3A_509] : memref<4x128xi32, #tpu.memory_space<vmem>> -> memref<1x128xi32, #tpu.memory_space<vmem>>
    %swap3A_511 = tpu.memref_squeeze %swap3A_510 : memref<1x128xi32, #tpu.memory_space<vmem>> -> memref<128xi32, #tpu.memory_space<vmem>>
    %swap3A_512 = arith.constant 112 : index
    %swap3A_513 = tpu.vector_load %swap3A_511[%swap3A_512] {strides = array<i32>} : memref<128xi32, #tpu.memory_space<vmem>>, vector<16xi32>,
    tpu.vector_store %swap3A_511[%swap3A_512], %or3A_507 {strides = array<i32>} : memref<128xi32, #tpu.memory_space<vmem>>, vector<16xi32>,
    %shift_right_logical3A_514 = arith.constant 12 : i32
    %shift_right_logical3A_515 = vector.broadcast %shift_right_logical3A_514 : i32 to vector<16xi32>
    %shift_right_logical3A_516 = arith.shrui %get3A_497, %shift_right_logical3A_515 : vector<16xi32>
    %and3A_517 = arith.constant 7 : i32
    %and3A_518 = vector.broadcast %and3A_517 : i32 to vector<16xi32>
    %and3A_519 = arith.andi %shift_right_logical3A_516, %and3A_518 : vector<16xi32>
    %shift_left3A_520 = arith.constant 4 : i32
    %shift_left3A_521 = vector.broadcast %shift_left3A_520 : i32 to vector<16xi32>
    %shift_left3A_522 = arith.shli %and3A_519, %shift_left3A_521 : vector<16xi32>
    %swap3A_523 = arith.constant 240 : index
    %swap3A_524 = tpu.vector_load %arg10[%swap3A_523] {strides = array<i32>} : memref<512xi32, #tpu.memory_space<vmem>>, vector<16xi32>,
    tpu.vector_store %arg10[%swap3A_523], %shift_left3A_522 {strides = array<i32>} : memref<512xi32, #tpu.memory_space<vmem>>, vector<16xi32>,
    %get3A_525 = arith.constant 2 : i32
    %get3A_526 = arith.constant 0 : i32
    %get3A_527 = tpu.memref_slice %arg8[%get3A_525, %get3A_526] : memref<4x128xi32, #tpu.memory_space<vmem>> -> memref<1x128xi32, #tpu.memory_space<vmem>>
    %get3A_528 = tpu.memref_squeeze %get3A_527 : memref<1x128xi32, #tpu.memory_space<vmem>> -> memref<128xi32, #tpu.memory_space<vmem>>
    %get3A_529 = arith.constant 0 : index
    %get3A_530 = tpu.vector_load %get3A_528[%get3A_529] {strides = array<i32>} : memref<128xi32, #tpu.memory_space<vmem>>, vector<16xi32>,
    %shift_right_logical3A_531 = arith.constant 15 : i32
    %shift_right_logical3A_532 = vector.broadcast %shift_right_logical3A_531 : i32 to vector<16xi32>
    %shift_right_logical3A_533 = arith.shrui %get3A_530, %shift_right_logical3A_532 : vector<16xi32>
    %shift_left3A_534 = arith.constant 12 : i32
    %shift_left3A_535 = vector.broadcast %shift_left3A_534 : i32 to vector<16xi32>
    %shift_left3A_536 = arith.shli %shift_right_logical3A_533, %shift_left3A_535 : vector<16xi32>
    %and3A_537 = arith.constant 4095 : i32
    %and3A_538 = vector.broadcast %and3A_537 : i32 to vector<16xi32>
    %and3A_539 = arith.andi %get3A_530, %and3A_538 : vector<16xi32>
    %or3A_540 = arith.ori %shift_left3A_536, %and3A_539 : vector<16xi32>
    %swap3A_541 = arith.constant 2 : i32
    %swap3A_542 = arith.constant 0 : i32
    %swap3A_543 = tpu.memref_slice %arg9[%swap3A_541, %swap3A_542] : memref<4x128xi32, #tpu.memory_space<vmem>> -> memref<1x128xi32, #tpu.memory_space<vmem>>
    %swap3A_544 = tpu.memref_squeeze %swap3A_543 : memref<1x128xi32, #tpu.memory_space<vmem>> -> memref<128xi32, #tpu.memory_space<vmem>>
    %swap3A_545 = arith.constant 0 : index
    %swap3A_546 = tpu.vector_load %swap3A_544[%swap3A_545] {strides = array<i32>} : memref<128xi32, #tpu.memory_space<vmem>>, vector<16xi32>,
    tpu.vector_store %swap3A_544[%swap3A_545], %or3A_540 {strides = array<i32>} : memref<128xi32, #tpu.memory_space<vmem>>, vector<16xi32>,
    %shift_right_logical3A_547 = arith.constant 12 : i32
    %shift_right_logical3A_548 = vector.broadcast %shift_right_logical3A_547 : i32 to vector<16xi32>
    %shift_right_logical3A_549 = arith.shrui %get3A_530, %shift_right_logical3A_548 : vector<16xi32>
    %and3A_550 = arith.constant 7 : i32
    %and3A_551 = vector.broadcast %and3A_550 : i32 to vector<16xi32>
    %and3A_552 = arith.andi %shift_right_logical3A_549, %and3A_551 : vector<16xi32>
    %shift_left3A_553 = arith.constant 4 : i32
    %shift_left3A_554 = vector.broadcast %shift_left3A_553 : i32 to vector<16xi32>
    %shift_left3A_555 = arith.shli %and3A_552, %shift_left3A_554 : vector<16xi32>
    %swap3A_556 = arith.constant 256 : index
    %swap3A_557 = tpu.vector_load %arg10[%swap3A_556] {strides = array<i32>} : memref<512xi32, #tpu.memory_space<vmem>>, vector<16xi32>,
    tpu.vector_store %arg10[%swap3A_556], %shift_left3A_555 {strides = array<i32>} : memref<512xi32, #tpu.memory_space<vmem>>, vector<16xi32>,
    %get3A_558 = arith.constant 2 : i32
    %get3A_559 = arith.constant 0 : i32
    %get3A_560 = tpu.memref_slice %arg8[%get3A_558, %get3A_559] : memref<4x128xi32, #tpu.memory_space<vmem>> -> memref<1x128xi32, #tpu.memory_space<vmem>>
    %get3A_561 = tpu.memref_squeeze %get3A_560 : memref<1x128xi32, #tpu.memory_space<vmem>> -> memref<128xi32, #tpu.memory_space<vmem>>
    %get3A_562 = arith.constant 16 : index
    %get3A_563 = tpu.vector_load %get3A_561[%get3A_562] {strides = array<i32>} : memref<128xi32, #tpu.memory_space<vmem>>, vector<16xi32>,
    %shift_right_logical3A_564 = arith.constant 15 : i32
    %shift_right_logical3A_565 = vector.broadcast %shift_right_logical3A_564 : i32 to vector<16xi32>
    %shift_right_logical3A_566 = arith.shrui %get3A_563, %shift_right_logical3A_565 : vector<16xi32>
    %shift_left3A_567 = arith.constant 12 : i32
    %shift_left3A_568 = vector.broadcast %shift_left3A_567 : i32 to vector<16xi32>
    %shift_left3A_569 = arith.shli %shift_right_logical3A_566, %shift_left3A_568 : vector<16xi32>
    %and3A_570 = arith.constant 4095 : i32
    %and3A_571 = vector.broadcast %and3A_570 : i32 to vector<16xi32>
    %and3A_572 = arith.andi %get3A_563, %and3A_571 : vector<16xi32>
    %or3A_573 = arith.ori %shift_left3A_569, %and3A_572 : vector<16xi32>
    %swap3A_574 = arith.constant 2 : i32
    %swap3A_575 = arith.constant 0 : i32
    %swap3A_576 = tpu.memref_slice %arg9[%swap3A_574, %swap3A_575] : memref<4x128xi32, #tpu.memory_space<vmem>> -> memref<1x128xi32, #tpu.memory_space<vmem>>
    %swap3A_577 = tpu.memref_squeeze %swap3A_576 : memref<1x128xi32, #tpu.memory_space<vmem>> -> memref<128xi32, #tpu.memory_space<vmem>>
    %swap3A_578 = arith.constant 16 : index
    %swap3A_579 = tpu.vector_load %swap3A_577[%swap3A_578] {strides = array<i32>} : memref<128xi32, #tpu.memory_space<vmem>>, vector<16xi32>,
    tpu.vector_store %swap3A_577[%swap3A_578], %or3A_573 {strides = array<i32>} : memref<128xi32, #tpu.memory_space<vmem>>, vector<16xi32>,
    %shift_right_logical3A_580 = arith.constant 12 : i32
    %shift_right_logical3A_581 = vector.broadcast %shift_right_logical3A_580 : i32 to vector<16xi32>
    %shift_right_logical3A_582 = arith.shrui %get3A_563, %shift_right_logical3A_581 : vector<16xi32>
    %and3A_583 = arith.constant 7 : i32
    %and3A_584 = vector.broadcast %and3A_583 : i32 to vector<16xi32>
    %and3A_585 = arith.andi %shift_right_logical3A_582, %and3A_584 : vector<16xi32>
    %shift_left3A_586 = arith.constant 4 : i32
    %shift_left3A_587 = vector.broadcast %shift_left3A_586 : i32 to vector<16xi32>
    %shift_left3A_588 = arith.shli %and3A_585, %shift_left3A_587 : vector<16xi32>
    %swap3A_589 = arith.constant 272 : index
    %swap3A_590 = tpu.vector_load %arg10[%swap3A_589] {strides = array<i32>} : memref<512xi32, #tpu.memory_space<vmem>>, vector<16xi32>,
    tpu.vector_store %arg10[%swap3A_589], %shift_left3A_588 {strides = array<i32>} : memref<512xi32, #tpu.memory_space<vmem>>, vector<16xi32>,
    %get3A_591 = arith.constant 2 : i32
    %get3A_592 = arith.constant 0 : i32
    %get3A_593 = tpu.memref_slice %arg8[%get3A_591, %get3A_592] : memref<4x128xi32, #tpu.memory_space<vmem>> -> memref<1x128xi32, #tpu.memory_space<vmem>>
    %get3A_594 = tpu.memref_squeeze %get3A_593 : memref<1x128xi32, #tpu.memory_space<vmem>> -> memref<128xi32, #tpu.memory_space<vmem>>
    %get3A_595 = arith.constant 32 : index
    %get3A_596 = tpu.vector_load %get3A_594[%get3A_595] {strides = array<i32>} : memref<128xi32, #tpu.memory_space<vmem>>, vector<16xi32>,
    %shift_right_logical3A_597 = arith.constant 15 : i32
    %shift_right_logical3A_598 = vector.broadcast %shift_right_logical3A_597 : i32 to vector<16xi32>
    %shift_right_logical3A_599 = arith.shrui %get3A_596, %shift_right_logical3A_598 : vector<16xi32>
    %shift_left3A_600 = arith.constant 12 : i32
    %shift_left3A_601 = vector.broadcast %shift_left3A_600 : i32 to vector<16xi32>
    %shift_left3A_602 = arith.shli %shift_right_logical3A_599, %shift_left3A_601 : vector<16xi32>
    %and3A_603 = arith.constant 4095 : i32
    %and3A_604 = vector.broadcast %and3A_603 : i32 to vector<16xi32>
    %and3A_605 = arith.andi %get3A_596, %and3A_604 : vector<16xi32>
    %or3A_606 = arith.ori %shift_left3A_602, %and3A_605 : vector<16xi32>
    %swap3A_607 = arith.constant 2 : i32
    %swap3A_608 = arith.constant 0 : i32
    %swap3A_609 = tpu.memref_slice %arg9[%swap3A_607, %swap3A_608] : memref<4x128xi32, #tpu.memory_space<vmem>> -> memref<1x128xi32, #tpu.memory_space<vmem>>
    %swap3A_610 = tpu.memref_squeeze %swap3A_609 : memref<1x128xi32, #tpu.memory_space<vmem>> -> memref<128xi32, #tpu.memory_space<vmem>>
    %swap3A_611 = arith.constant 32 : index
    %swap3A_612 = tpu.vector_load %swap3A_610[%swap3A_611] {strides = array<i32>} : memref<128xi32, #tpu.memory_space<vmem>>, vector<16xi32>,
    tpu.vector_store %swap3A_610[%swap3A_611], %or3A_606 {strides = array<i32>} : memref<128xi32, #tpu.memory_space<vmem>>, vector<16xi32>,
    %shift_right_logical3A_613 = arith.constant 12 : i32
    %shift_right_logical3A_614 = vector.broadcast %shift_right_logical3A_613 : i32 to vector<16xi32>
    %shift_right_logical3A_615 = arith.shrui %get3A_596, %shift_right_logical3A_614 : vector<16xi32>
    %and3A_616 = arith.constant 7 : i32
    %and3A_617 = vector.broadcast %and3A_616 : i32 to vector<16xi32>
    %and3A_618 = arith.andi %shift_right_logical3A_615, %and3A_617 : vector<16xi32>
    %shift_left3A_619 = arith.constant 4 : i32
    %shift_left3A_620 = vector.broadcast %shift_left3A_619 : i32 to vector<16xi32>
    %shift_left3A_621 = arith.shli %and3A_618, %shift_left3A_620 : vector<16xi32>
    %swap3A_622 = arith.constant 288 : index
    %swap3A_623 = tpu.vector_load %arg10[%swap3A_622] {strides = array<i32>} : memref<512xi32, #tpu.memory_space<vmem>>, vector<16xi32>,
    tpu.vector_store %arg10[%swap3A_622], %shift_left3A_621 {strides = array<i32>} : memref<512xi32, #tpu.memory_space<vmem>>, vector<16xi32>,
    %get3A_624 = arith.constant 2 : i32
    %get3A_625 = arith.constant 0 : i32
    %get3A_626 = tpu.memref_slice %arg8[%get3A_624, %get3A_625] : memref<4x128xi32, #tpu.memory_space<vmem>> -> memref<1x128xi32, #tpu.memory_space<vmem>>
    %get3A_627 = tpu.memref_squeeze %get3A_626 : memref<1x128xi32, #tpu.memory_space<vmem>> -> memref<128xi32, #tpu.memory_space<vmem>>
    %get3A_628 = arith.constant 48 : index
    %get3A_629 = tpu.vector_load %get3A_627[%get3A_628] {strides = array<i32>} : memref<128xi32, #tpu.memory_space<vmem>>, vector<16xi32>,
    %shift_right_logical3A_630 = arith.constant 15 : i32
    %shift_right_logical3A_631 = vector.broadcast %shift_right_logical3A_630 : i32 to vector<16xi32>
    %shift_right_logical3A_632 = arith.shrui %get3A_629, %shift_right_logical3A_631 : vector<16xi32>
    %shift_left3A_633 = arith.constant 12 : i32
    %shift_left3A_634 = vector.broadcast %shift_left3A_633 : i32 to vector<16xi32>
    %shift_left3A_635 = arith.shli %shift_right_logical3A_632, %shift_left3A_634 : vector<16xi32>
    %and3A_636 = arith.constant 4095 : i32
    %and3A_637 = vector.broadcast %and3A_636 : i32 to vector<16xi32>
    %and3A_638 = arith.andi %get3A_629, %and3A_637 : vector<16xi32>
    %or3A_639 = arith.ori %shift_left3A_635, %and3A_638 : vector<16xi32>
    %swap3A_640 = arith.constant 2 : i32
    %swap3A_641 = arith.constant 0 : i32
    %swap3A_642 = tpu.memref_slice %arg9[%swap3A_640, %swap3A_641] : memref<4x128xi32, #tpu.memory_space<vmem>> -> memref<1x128xi32, #tpu.memory_space<vmem>>
    %swap3A_643 = tpu.memref_squeeze %swap3A_642 : memref<1x128xi32, #tpu.memory_space<vmem>> -> memref<128xi32, #tpu.memory_space<vmem>>
    %swap3A_644 = arith.constant 48 : index
    %swap3A_645 = tpu.vector_load %swap3A_643[%swap3A_644] {strides = array<i32>} : memref<128xi32, #tpu.memory_space<vmem>>, vector<16xi32>,
    tpu.vector_store %swap3A_643[%swap3A_644], %or3A_639 {strides = array<i32>} : memref<128xi32, #tpu.memory_space<vmem>>, vector<16xi32>,
    %shift_right_logical3A_646 = arith.constant 12 : i32
    %shift_right_logical3A_647 = vector.broadcast %shift_right_logical3A_646 : i32 to vector<16xi32>
    %shift_right_logical3A_648 = arith.shrui %get3A_629, %shift_right_logical3A_647 : vector<16xi32>
    %and3A_649 = arith.constant 7 : i32
    %and3A_650 = vector.broadcast %and3A_649 : i32 to vector<16xi32>
    %and3A_651 = arith.andi %shift_right_logical3A_648, %and3A_650 : vector<16xi32>
    %shift_left3A_652 = arith.constant 4 : i32
    %shift_left3A_653 = vector.broadcast %shift_left3A_652 : i32 to vector<16xi32>
    %shift_left3A_654 = arith.shli %and3A_651, %shift_left3A_653 : vector<16xi32>
    %swap3A_655 = arith.constant 304 : index
    %swap3A_656 = tpu.vector_load %arg10[%swap3A_655] {strides = array<i32>} : memref<512xi32, #tpu.memory_space<vmem>>, vector<16xi32>,
    tpu.vector_store %arg10[%swap3A_655], %shift_left3A_654 {strides = array<i32>} : memref<512xi32, #tpu.memory_space<vmem>>, vector<16xi32>,
    %get3A_657 = arith.constant 2 : i32
    %get3A_658 = arith.constant 0 : i32
    %get3A_659 = tpu.memref_slice %arg8[%get3A_657, %get3A_658] : memref<4x128xi32, #tpu.memory_space<vmem>> -> memref<1x128xi32, #tpu.memory_space<vmem>>
    %get3A_660 = tpu.memref_squeeze %get3A_659 : memref<1x128xi32, #tpu.memory_space<vmem>> -> memref<128xi32, #tpu.memory_space<vmem>>
    %get3A_661 = arith.constant 64 : index
    %get3A_662 = tpu.vector_load %get3A_660[%get3A_661] {strides = array<i32>} : memref<128xi32, #tpu.memory_space<vmem>>, vector<16xi32>,
    %shift_right_logical3A_663 = arith.constant 15 : i32
    %shift_right_logical3A_664 = vector.broadcast %shift_right_logical3A_663 : i32 to vector<16xi32>
    %shift_right_logical3A_665 = arith.shrui %get3A_662, %shift_right_logical3A_664 : vector<16xi32>
    %shift_left3A_666 = arith.constant 12 : i32
    %shift_left3A_667 = vector.broadcast %shift_left3A_666 : i32 to vector<16xi32>
    %shift_left3A_668 = arith.shli %shift_right_logical3A_665, %shift_left3A_667 : vector<16xi32>
    %and3A_669 = arith.constant 4095 : i32
    %and3A_670 = vector.broadcast %and3A_669 : i32 to vector<16xi32>
    %and3A_671 = arith.andi %get3A_662, %and3A_670 : vector<16xi32>
    %or3A_672 = arith.ori %shift_left3A_668, %and3A_671 : vector<16xi32>
    %swap3A_673 = arith.constant 2 : i32
    %swap3A_674 = arith.constant 0 : i32
    %swap3A_675 = tpu.memref_slice %arg9[%swap3A_673, %swap3A_674] : memref<4x128xi32, #tpu.memory_space<vmem>> -> memref<1x128xi32, #tpu.memory_space<vmem>>
    %swap3A_676 = tpu.memref_squeeze %swap3A_675 : memref<1x128xi32, #tpu.memory_space<vmem>> -> memref<128xi32, #tpu.memory_space<vmem>>
    %swap3A_677 = arith.constant 64 : index
    %swap3A_678 = tpu.vector_load %swap3A_676[%swap3A_677] {strides = array<i32>} : memref<128xi32, #tpu.memory_space<vmem>>, vector<16xi32>,
    tpu.vector_store %swap3A_676[%swap3A_677], %or3A_672 {strides = array<i32>} : memref<128xi32, #tpu.memory_space<vmem>>, vector<16xi32>,
    %shift_right_logical3A_679 = arith.constant 12 : i32
    %shift_right_logical3A_680 = vector.broadcast %shift_right_logical3A_679 : i32 to vector<16xi32>
    %shift_right_logical3A_681 = arith.shrui %get3A_662, %shift_right_logical3A_680 : vector<16xi32>
    %and3A_682 = arith.constant 7 : i32
    %and3A_683 = vector.broadcast %and3A_682 : i32 to vector<16xi32>
    %and3A_684 = arith.andi %shift_right_logical3A_681, %and3A_683 : vector<16xi32>
    %shift_left3A_685 = arith.constant 4 : i32
    %shift_left3A_686 = vector.broadcast %shift_left3A_685 : i32 to vector<16xi32>
    %shift_left3A_687 = arith.shli %and3A_684, %shift_left3A_686 : vector<16xi32>
    %swap3A_688 = arith.constant 320 : index
    %swap3A_689 = tpu.vector_load %arg10[%swap3A_688] {strides = array<i32>} : memref<512xi32, #tpu.memory_space<vmem>>, vector<16xi32>,
    tpu.vector_store %arg10[%swap3A_688], %shift_left3A_687 {strides = array<i32>} : memref<512xi32, #tpu.memory_space<vmem>>, vector<16xi32>,
    %get3A_690 = arith.constant 2 : i32
    %get3A_691 = arith.constant 0 : i32
    %get3A_692 = tpu.memref_slice %arg8[%get3A_690, %get3A_691] : memref<4x128xi32, #tpu.memory_space<vmem>> -> memref<1x128xi32, #tpu.memory_space<vmem>>
    %get3A_693 = tpu.memref_squeeze %get3A_692 : memref<1x128xi32, #tpu.memory_space<vmem>> -> memref<128xi32, #tpu.memory_space<vmem>>
    %get3A_694 = arith.constant 80 : index
    %get3A_695 = tpu.vector_load %get3A_693[%get3A_694] {strides = array<i32>} : memref<128xi32, #tpu.memory_space<vmem>>, vector<16xi32>,
    %shift_right_logical3A_696 = arith.constant 15 : i32
    %shift_right_logical3A_697 = vector.broadcast %shift_right_logical3A_696 : i32 to vector<16xi32>
    %shift_right_logical3A_698 = arith.shrui %get3A_695, %shift_right_logical3A_697 : vector<16xi32>
    %shift_left3A_699 = arith.constant 12 : i32
    %shift_left3A_700 = vector.broadcast %shift_left3A_699 : i32 to vector<16xi32>
    %shift_left3A_701 = arith.shli %shift_right_logical3A_698, %shift_left3A_700 : vector<16xi32>
    %and3A_702 = arith.constant 4095 : i32
    %and3A_703 = vector.broadcast %and3A_702 : i32 to vector<16xi32>
    %and3A_704 = arith.andi %get3A_695, %and3A_703 : vector<16xi32>
    %or3A_705 = arith.ori %shift_left3A_701, %and3A_704 : vector<16xi32>
    %swap3A_706 = arith.constant 2 : i32
    %swap3A_707 = arith.constant 0 : i32
    %swap3A_708 = tpu.memref_slice %arg9[%swap3A_706, %swap3A_707] : memref<4x128xi32, #tpu.memory_space<vmem>> -> memref<1x128xi32, #tpu.memory_space<vmem>>
    %swap3A_709 = tpu.memref_squeeze %swap3A_708 : memref<1x128xi32, #tpu.memory_space<vmem>> -> memref<128xi32, #tpu.memory_space<vmem>>
    %swap3A_710 = arith.constant 80 : index
    %swap3A_711 = tpu.vector_load %swap3A_709[%swap3A_710] {strides = array<i32>} : memref<128xi32, #tpu.memory_space<vmem>>, vector<16xi32>,
    tpu.vector_store %swap3A_709[%swap3A_710], %or3A_705 {strides = array<i32>} : memref<128xi32, #tpu.memory_space<vmem>>, vector<16xi32>,
    %shift_right_logical3A_712 = arith.constant 12 : i32
    %shift_right_logical3A_713 = vector.broadcast %shift_right_logical3A_712 : i32 to vector<16xi32>
    %shift_right_logical3A_714 = arith.shrui %get3A_695, %shift_right_logical3A_713 : vector<16xi32>
    %and3A_715 = arith.constant 7 : i32
    %and3A_716 = vector.broadcast %and3A_715 : i32 to vector<16xi32>
    %and3A_717 = arith.andi %shift_right_logical3A_714, %and3A_716 : vector<16xi32>
    %shift_left3A_718 = arith.constant 4 : i32
    %shift_left3A_719 = vector.broadcast %shift_left3A_718 : i32 to vector<16xi32>
    %shift_left3A_720 = arith.shli %and3A_717, %shift_left3A_719 : vector<16xi32>
    %swap3A_721 = arith.constant 336 : index
    %swap3A_722 = tpu.vector_load %arg10[%swap3A_721] {strides = array<i32>} : memref<512xi32, #tpu.memory_space<vmem>>, vector<16xi32>,
    tpu.vector_store %arg10[%swap3A_721], %shift_left3A_720 {strides = array<i32>} : memref<512xi32, #tpu.memory_space<vmem>>, vector<16xi32>,
    %get3A_723 = arith.constant 2 : i32
    %get3A_724 = arith.constant 0 : i32
    %get3A_725 = tpu.memref_slice %arg8[%get3A_723, %get3A_724] : memref<4x128xi32, #tpu.memory_space<vmem>> -> memref<1x128xi32, #tpu.memory_space<vmem>>
    %get3A_726 = tpu.memref_squeeze %get3A_725 : memref<1x128xi32, #tpu.memory_space<vmem>> -> memref<128xi32, #tpu.memory_space<vmem>>
    %get3A_727 = arith.constant 96 : index
    %get3A_728 = tpu.vector_load %get3A_726[%get3A_727] {strides = array<i32>} : memref<128xi32, #tpu.memory_space<vmem>>, vector<16xi32>,
    %shift_right_logical3A_729 = arith.constant 15 : i32
    %shift_right_logical3A_730 = vector.broadcast %shift_right_logical3A_729 : i32 to vector<16xi32>
    %shift_right_logical3A_731 = arith.shrui %get3A_728, %shift_right_logical3A_730 : vector<16xi32>
    %shift_left3A_732 = arith.constant 12 : i32
    %shift_left3A_733 = vector.broadcast %shift_left3A_732 : i32 to vector<16xi32>
    %shift_left3A_734 = arith.shli %shift_right_logical3A_731, %shift_left3A_733 : vector<16xi32>
    %and3A_735 = arith.constant 4095 : i32
    %and3A_736 = vector.broadcast %and3A_735 : i32 to vector<16xi32>
    %and3A_737 = arith.andi %get3A_728, %and3A_736 : vector<16xi32>
    %or3A_738 = arith.ori %shift_left3A_734, %and3A_737 : vector<16xi32>
    %swap3A_739 = arith.constant 2 : i32
    %swap3A_740 = arith.constant 0 : i32
    %swap3A_741 = tpu.memref_slice %arg9[%swap3A_739, %swap3A_740] : memref<4x128xi32, #tpu.memory_space<vmem>> -> memref<1x128xi32, #tpu.memory_space<vmem>>
    %swap3A_742 = tpu.memref_squeeze %swap3A_741 : memref<1x128xi32, #tpu.memory_space<vmem>> -> memref<128xi32, #tpu.memory_space<vmem>>
    %swap3A_743 = arith.constant 96 : index
    %swap3A_744 = tpu.vector_load %swap3A_742[%swap3A_743] {strides = array<i32>} : memref<128xi32, #tpu.memory_space<vmem>>, vector<16xi32>,
    tpu.vector_store %swap3A_742[%swap3A_743], %or3A_738 {strides = array<i32>} : memref<128xi32, #tpu.memory_space<vmem>>, vector<16xi32>,
    %shift_right_logical3A_745 = arith.constant 12 : i32
    %shift_right_logical3A_746 = vector.broadcast %shift_right_logical3A_745 : i32 to vector<16xi32>
    %shift_right_logical3A_747 = arith.shrui %get3A_728, %shift_right_logical3A_746 : vector<16xi32>
    %and3A_748 = arith.constant 7 : i32
    %and3A_749 = vector.broadcast %and3A_748 : i32 to vector<16xi32>
    %and3A_750 = arith.andi %shift_right_logical3A_747, %and3A_749 : vector<16xi32>
    %shift_left3A_751 = arith.constant 4 : i32
    %shift_left3A_752 = vector.broadcast %shift_left3A_751 : i32 to vector<16xi32>
    %shift_left3A_753 = arith.shli %and3A_750, %shift_left3A_752 : vector<16xi32>
    %swap3A_754 = arith.constant 352 : index
    %swap3A_755 = tpu.vector_load %arg10[%swap3A_754] {strides = array<i32>} : memref<512xi32, #tpu.memory_space<vmem>>, vector<16xi32>,
    tpu.vector_store %arg10[%swap3A_754], %shift_left3A_753 {strides = array<i32>} : memref<512xi32, #tpu.memory_space<vmem>>, vector<16xi32>,
    %get3A_756 = arith.constant 2 : i32
    %get3A_757 = arith.constant 0 : i32
    %get3A_758 = tpu.memref_slice %arg8[%get3A_756, %get3A_757] : memref<4x128xi32, #tpu.memory_space<vmem>> -> memref<1x128xi32, #tpu.memory_space<vmem>>
    %get3A_759 = tpu.memref_squeeze %get3A_758 : memref<1x128xi32, #tpu.memory_space<vmem>> -> memref<128xi32, #tpu.memory_space<vmem>>
    %get3A_760 = arith.constant 112 : index
    %get3A_761 = tpu.vector_load %get3A_759[%get3A_760] {strides = array<i32>} : memref<128xi32, #tpu.memory_space<vmem>>, vector<16xi32>,
    %shift_right_logical3A_762 = arith.constant 15 : i32
    %shift_right_logical3A_763 = vector.broadcast %shift_right_logical3A_762 : i32 to vector<16xi32>
    %shift_right_logical3A_764 = arith.shrui %get3A_761, %shift_right_logical3A_763 : vector<16xi32>
    %shift_left3A_765 = arith.constant 12 : i32
    %shift_left3A_766 = vector.broadcast %shift_left3A_765 : i32 to vector<16xi32>
    %shift_left3A_767 = arith.shli %shift_right_logical3A_764, %shift_left3A_766 : vector<16xi32>
    %and3A_768 = arith.constant 4095 : i32
    %and3A_769 = vector.broadcast %and3A_768 : i32 to vector<16xi32>
    %and3A_770 = arith.andi %get3A_761, %and3A_769 : vector<16xi32>
    %or3A_771 = arith.ori %shift_left3A_767, %and3A_770 : vector<16xi32>
    %swap3A_772 = arith.constant 2 : i32
    %swap3A_773 = arith.constant 0 : i32
    %swap3A_774 = tpu.memref_slice %arg9[%swap3A_772, %swap3A_773] : memref<4x128xi32, #tpu.memory_space<vmem>> -> memref<1x128xi32, #tpu.memory_space<vmem>>
    %swap3A_775 = tpu.memref_squeeze %swap3A_774 : memref<1x128xi32, #tpu.memory_space<vmem>> -> memref<128xi32, #tpu.memory_space<vmem>>
    %swap3A_776 = arith.constant 112 : index
    %swap3A_777 = tpu.vector_load %swap3A_775[%swap3A_776] {strides = array<i32>} : memref<128xi32, #tpu.memory_space<vmem>>, vector<16xi32>,
    tpu.vector_store %swap3A_775[%swap3A_776], %or3A_771 {strides = array<i32>} : memref<128xi32, #tpu.memory_space<vmem>>, vector<16xi32>,
    %shift_right_logical3A_778 = arith.constant 12 : i32
    %shift_right_logical3A_779 = vector.broadcast %shift_right_logical3A_778 : i32 to vector<16xi32>
    %shift_right_logical3A_780 = arith.shrui %get3A_761, %shift_right_logical3A_779 : vector<16xi32>
    %and3A_781 = arith.constant 7 : i32
    %and3A_782 = vector.broadcast %and3A_781 : i32 to vector<16xi32>
    %and3A_783 = arith.andi %shift_right_logical3A_780, %and3A_782 : vector<16xi32>
    %shift_left3A_784 = arith.constant 4 : i32
    %shift_left3A_785 = vector.broadcast %shift_left3A_784 : i32 to vector<16xi32>
    %shift_left3A_786 = arith.shli %and3A_783, %shift_left3A_785 : vector<16xi32>
    %swap3A_787 = arith.constant 368 : index
    %swap3A_788 = tpu.vector_load %arg10[%swap3A_787] {strides = array<i32>} : memref<512xi32, #tpu.memory_space<vmem>>, vector<16xi32>,
    tpu.vector_store %arg10[%swap3A_787], %shift_left3A_786 {strides = array<i32>} : memref<512xi32, #tpu.memory_space<vmem>>, vector<16xi32>,
    %get3A_789 = arith.constant 3 : i32
    %get3A_790 = arith.constant 0 : i32
    %get3A_791 = tpu.memref_slice %arg8[%get3A_789, %get3A_790] : memref<4x128xi32, #tpu.memory_space<vmem>> -> memref<1x128xi32, #tpu.memory_space<vmem>>
    %get3A_792 = tpu.memref_squeeze %get3A_791 : memref<1x128xi32, #tpu.memory_space<vmem>> -> memref<128xi32, #tpu.memory_space<vmem>>
    %get3A_793 = arith.constant 0 : index
    %get3A_794 = tpu.vector_load %get3A_792[%get3A_793] {strides = array<i32>} : memref<128xi32, #tpu.memory_space<vmem>>, vector<16xi32>,
    %shift_right_logical3A_795 = arith.constant 15 : i32
    %shift_right_logical3A_796 = vector.broadcast %shift_right_logical3A_795 : i32 to vector<16xi32>
    %shift_right_logical3A_797 = arith.shrui %get3A_794, %shift_right_logical3A_796 : vector<16xi32>
    %shift_left3A_798 = arith.constant 12 : i32
    %shift_left3A_799 = vector.broadcast %shift_left3A_798 : i32 to vector<16xi32>
    %shift_left3A_800 = arith.shli %shift_right_logical3A_797, %shift_left3A_799 : vector<16xi32>
    %and3A_801 = arith.constant 4095 : i32
    %and3A_802 = vector.broadcast %and3A_801 : i32 to vector<16xi32>
    %and3A_803 = arith.andi %get3A_794, %and3A_802 : vector<16xi32>
    %or3A_804 = arith.ori %shift_left3A_800, %and3A_803 : vector<16xi32>
    %swap3A_805 = arith.constant 3 : i32
    %swap3A_806 = arith.constant 0 : i32
    %swap3A_807 = tpu.memref_slice %arg9[%swap3A_805, %swap3A_806] : memref<4x128xi32, #tpu.memory_space<vmem>> -> memref<1x128xi32, #tpu.memory_space<vmem>>
    %swap3A_808 = tpu.memref_squeeze %swap3A_807 : memref<1x128xi32, #tpu.memory_space<vmem>> -> memref<128xi32, #tpu.memory_space<vmem>>
    %swap3A_809 = arith.constant 0 : index
    %swap3A_810 = tpu.vector_load %swap3A_808[%swap3A_809] {strides = array<i32>} : memref<128xi32, #tpu.memory_space<vmem>>, vector<16xi32>,
    tpu.vector_store %swap3A_808[%swap3A_809], %or3A_804 {strides = array<i32>} : memref<128xi32, #tpu.memory_space<vmem>>, vector<16xi32>,
    %shift_right_logical3A_811 = arith.constant 12 : i32
    %shift_right_logical3A_812 = vector.broadcast %shift_right_logical3A_811 : i32 to vector<16xi32>
    %shift_right_logical3A_813 = arith.shrui %get3A_794, %shift_right_logical3A_812 : vector<16xi32>
    %and3A_814 = arith.constant 7 : i32
    %and3A_815 = vector.broadcast %and3A_814 : i32 to vector<16xi32>
    %and3A_816 = arith.andi %shift_right_logical3A_813, %and3A_815 : vector<16xi32>
    %shift_left3A_817 = arith.constant 4 : i32
    %shift_left3A_818 = vector.broadcast %shift_left3A_817 : i32 to vector<16xi32>
    %shift_left3A_819 = arith.shli %and3A_816, %shift_left3A_818 : vector<16xi32>
    %swap3A_820 = arith.constant 384 : index
    %swap3A_821 = tpu.vector_load %arg10[%swap3A_820] {strides = array<i32>} : memref<512xi32, #tpu.memory_space<vmem>>, vector<16xi32>,
    tpu.vector_store %arg10[%swap3A_820], %shift_left3A_819 {strides = array<i32>} : memref<512xi32, #tpu.memory_space<vmem>>, vector<16xi32>,
    %get3A_822 = arith.constant 3 : i32
    %get3A_823 = arith.constant 0 : i32
    %get3A_824 = tpu.memref_slice %arg8[%get3A_822, %get3A_823] : memref<4x128xi32, #tpu.memory_space<vmem>> -> memref<1x128xi32, #tpu.memory_space<vmem>>
    %get3A_825 = tpu.memref_squeeze %get3A_824 : memref<1x128xi32, #tpu.memory_space<vmem>> -> memref<128xi32, #tpu.memory_space<vmem>>
    %get3A_826 = arith.constant 16 : index
    %get3A_827 = tpu.vector_load %get3A_825[%get3A_826] {strides = array<i32>} : memref<128xi32, #tpu.memory_space<vmem>>, vector<16xi32>,
    %shift_right_logical3A_828 = arith.constant 15 : i32
    %shift_right_logical3A_829 = vector.broadcast %shift_right_logical3A_828 : i32 to vector<16xi32>
    %shift_right_logical3A_830 = arith.shrui %get3A_827, %shift_right_logical3A_829 : vector<16xi32>
    %shift_left3A_831 = arith.constant 12 : i32
    %shift_left3A_832 = vector.broadcast %shift_left3A_831 : i32 to vector<16xi32>
    %shift_left3A_833 = arith.shli %shift_right_logical3A_830, %shift_left3A_832 : vector<16xi32>
    %and3A_834 = arith.constant 4095 : i32
    %and3A_835 = vector.broadcast %and3A_834 : i32 to vector<16xi32>
    %and3A_836 = arith.andi %get3A_827, %and3A_835 : vector<16xi32>
    %or3A_837 = arith.ori %shift_left3A_833, %and3A_836 : vector<16xi32>
    %swap3A_838 = arith.constant 3 : i32
    %swap3A_839 = arith.constant 0 : i32
    %swap3A_840 = tpu.memref_slice %arg9[%swap3A_838, %swap3A_839] : memref<4x128xi32, #tpu.memory_space<vmem>> -> memref<1x128xi32, #tpu.memory_space<vmem>>
    %swap3A_841 = tpu.memref_squeeze %swap3A_840 : memref<1x128xi32, #tpu.memory_space<vmem>> -> memref<128xi32, #tpu.memory_space<vmem>>
    %swap3A_842 = arith.constant 16 : index
    %swap3A_843 = tpu.vector_load %swap3A_841[%swap3A_842] {strides = array<i32>} : memref<128xi32, #tpu.memory_space<vmem>>, vector<16xi32>,
    tpu.vector_store %swap3A_841[%swap3A_842], %or3A_837 {strides = array<i32>} : memref<128xi32, #tpu.memory_space<vmem>>, vector<16xi32>,
    %shift_right_logical3A_844 = arith.constant 12 : i32
    %shift_right_logical3A_845 = vector.broadcast %shift_right_logical3A_844 : i32 to vector<16xi32>
    %shift_right_logical3A_846 = arith.shrui %get3A_827, %shift_right_logical3A_845 : vector<16xi32>
    %and3A_847 = arith.constant 7 : i32
    %and3A_848 = vector.broadcast %and3A_847 : i32 to vector<16xi32>
    %and3A_849 = arith.andi %shift_right_logical3A_846, %and3A_848 : vector<16xi32>
    %shift_left3A_850 = arith.constant 4 : i32
    %shift_left3A_851 = vector.broadcast %shift_left3A_850 : i32 to vector<16xi32>
    %shift_left3A_852 = arith.shli %and3A_849, %shift_left3A_851 : vector<16xi32>
    %swap3A_853 = arith.constant 400 : index
    %swap3A_854 = tpu.vector_load %arg10[%swap3A_853] {strides = array<i32>} : memref<512xi32, #tpu.memory_space<vmem>>, vector<16xi32>,
    tpu.vector_store %arg10[%swap3A_853], %shift_left3A_852 {strides = array<i32>} : memref<512xi32, #tpu.memory_space<vmem>>, vector<16xi32>,
    %get3A_855 = arith.constant 3 : i32
    %get3A_856 = arith.constant 0 : i32
    %get3A_857 = tpu.memref_slice %arg8[%get3A_855, %get3A_856] : memref<4x128xi32, #tpu.memory_space<vmem>> -> memref<1x128xi32, #tpu.memory_space<vmem>>
    %get3A_858 = tpu.memref_squeeze %get3A_857 : memref<1x128xi32, #tpu.memory_space<vmem>> -> memref<128xi32, #tpu.memory_space<vmem>>
    %get3A_859 = arith.constant 32 : index
    %get3A_860 = tpu.vector_load %get3A_858[%get3A_859] {strides = array<i32>} : memref<128xi32, #tpu.memory_space<vmem>>, vector<16xi32>,
    %shift_right_logical3A_861 = arith.constant 15 : i32
    %shift_right_logical3A_862 = vector.broadcast %shift_right_logical3A_861 : i32 to vector<16xi32>
    %shift_right_logical3A_863 = arith.shrui %get3A_860, %shift_right_logical3A_862 : vector<16xi32>
    %shift_left3A_864 = arith.constant 12 : i32
    %shift_left3A_865 = vector.broadcast %shift_left3A_864 : i32 to vector<16xi32>
    %shift_left3A_866 = arith.shli %shift_right_logical3A_863, %shift_left3A_865 : vector<16xi32>
    %and3A_867 = arith.constant 4095 : i32
    %and3A_868 = vector.broadcast %and3A_867 : i32 to vector<16xi32>
    %and3A_869 = arith.andi %get3A_860, %and3A_868 : vector<16xi32>
    %or3A_870 = arith.ori %shift_left3A_866, %and3A_869 : vector<16xi32>
    %swap3A_871 = arith.constant 3 : i32
    %swap3A_872 = arith.constant 0 : i32
    %swap3A_873 = tpu.memref_slice %arg9[%swap3A_871, %swap3A_872] : memref<4x128xi32, #tpu.memory_space<vmem>> -> memref<1x128xi32, #tpu.memory_space<vmem>>
    %swap3A_874 = tpu.memref_squeeze %swap3A_873 : memref<1x128xi32, #tpu.memory_space<vmem>> -> memref<128xi32, #tpu.memory_space<vmem>>
    %swap3A_875 = arith.constant 32 : index
    %swap3A_876 = tpu.vector_load %swap3A_874[%swap3A_875] {strides = array<i32>} : memref<128xi32, #tpu.memory_space<vmem>>, vector<16xi32>,
    tpu.vector_store %swap3A_874[%swap3A_875], %or3A_870 {strides = array<i32>} : memref<128xi32, #tpu.memory_space<vmem>>, vector<16xi32>,
    %shift_right_logical3A_877 = arith.constant 12 : i32
    %shift_right_logical3A_878 = vector.broadcast %shift_right_logical3A_877 : i32 to vector<16xi32>
    %shift_right_logical3A_879 = arith.shrui %get3A_860, %shift_right_logical3A_878 : vector<16xi32>
    %and3A_880 = arith.constant 7 : i32
    %and3A_881 = vector.broadcast %and3A_880 : i32 to vector<16xi32>
    %and3A_882 = arith.andi %shift_right_logical3A_879, %and3A_881 : vector<16xi32>
    %shift_left3A_883 = arith.constant 4 : i32
    %shift_left3A_884 = vector.broadcast %shift_left3A_883 : i32 to vector<16xi32>
    %shift_left3A_885 = arith.shli %and3A_882, %shift_left3A_884 : vector<16xi32>
    %swap3A_886 = arith.constant 416 : index
    %swap3A_887 = tpu.vector_load %arg10[%swap3A_886] {strides = array<i32>} : memref<512xi32, #tpu.memory_space<vmem>>, vector<16xi32>,
    tpu.vector_store %arg10[%swap3A_886], %shift_left3A_885 {strides = array<i32>} : memref<512xi32, #tpu.memory_space<vmem>>, vector<16xi32>,
    %get3A_888 = arith.constant 3 : i32
    %get3A_889 = arith.constant 0 : i32
    %get3A_890 = tpu.memref_slice %arg8[%get3A_888, %get3A_889] : memref<4x128xi32, #tpu.memory_space<vmem>> -> memref<1x128xi32, #tpu.memory_space<vmem>>
    %get3A_891 = tpu.memref_squeeze %get3A_890 : memref<1x128xi32, #tpu.memory_space<vmem>> -> memref<128xi32, #tpu.memory_space<vmem>>
    %get3A_892 = arith.constant 48 : index
    %get3A_893 = tpu.vector_load %get3A_891[%get3A_892] {strides = array<i32>} : memref<128xi32, #tpu.memory_space<vmem>>, vector<16xi32>,
    %shift_right_logical3A_894 = arith.constant 15 : i32
    %shift_right_logical3A_895 = vector.broadcast %shift_right_logical3A_894 : i32 to vector<16xi32>
    %shift_right_logical3A_896 = arith.shrui %get3A_893, %shift_right_logical3A_895 : vector<16xi32>
    %shift_left3A_897 = arith.constant 12 : i32
    %shift_left3A_898 = vector.broadcast %shift_left3A_897 : i32 to vector<16xi32>
    %shift_left3A_899 = arith.shli %shift_right_logical3A_896, %shift_left3A_898 : vector<16xi32>
    %and3A_900 = arith.constant 4095 : i32
    %and3A_901 = vector.broadcast %and3A_900 : i32 to vector<16xi32>
    %and3A_902 = arith.andi %get3A_893, %and3A_901 : vector<16xi32>
    %or3A_903 = arith.ori %shift_left3A_899, %and3A_902 : vector<16xi32>
    %swap3A_904 = arith.constant 3 : i32
    %swap3A_905 = arith.constant 0 : i32
    %swap3A_906 = tpu.memref_slice %arg9[%swap3A_904, %swap3A_905] : memref<4x128xi32, #tpu.memory_space<vmem>> -> memref<1x128xi32, #tpu.memory_space<vmem>>
    %swap3A_907 = tpu.memref_squeeze %swap3A_906 : memref<1x128xi32, #tpu.memory_space<vmem>> -> memref<128xi32, #tpu.memory_space<vmem>>
    %swap3A_908 = arith.constant 48 : index
    %swap3A_909 = tpu.vector_load %swap3A_907[%swap3A_908] {strides = array<i32>} : memref<128xi32, #tpu.memory_space<vmem>>, vector<16xi32>,
    tpu.vector_store %swap3A_907[%swap3A_908], %or3A_903 {strides = array<i32>} : memref<128xi32, #tpu.memory_space<vmem>>, vector<16xi32>,
    %shift_right_logical3A_910 = arith.constant 12 : i32
    %shift_right_logical3A_911 = vector.broadcast %shift_right_logical3A_910 : i32 to vector<16xi32>
    %shift_right_logical3A_912 = arith.shrui %get3A_893, %shift_right_logical3A_911 : vector<16xi32>
    %and3A_913 = arith.constant 7 : i32
    %and3A_914 = vector.broadcast %and3A_913 : i32 to vector<16xi32>
    %and3A_915 = arith.andi %shift_right_logical3A_912, %and3A_914 : vector<16xi32>
    %shift_left3A_916 = arith.constant 4 : i32
    %shift_left3A_917 = vector.broadcast %shift_left3A_916 : i32 to vector<16xi32>
    %shift_left3A_918 = arith.shli %and3A_915, %shift_left3A_917 : vector<16xi32>
    %swap3A_919 = arith.constant 432 : index
    %swap3A_920 = tpu.vector_load %arg10[%swap3A_919] {strides = array<i32>} : memref<512xi32, #tpu.memory_space<vmem>>, vector<16xi32>,
    tpu.vector_store %arg10[%swap3A_919], %shift_left3A_918 {strides = array<i32>} : memref<512xi32, #tpu.memory_space<vmem>>, vector<16xi32>,
    %get3A_921 = arith.constant 3 : i32
    %get3A_922 = arith.constant 0 : i32
    %get3A_923 = tpu.memref_slice %arg8[%get3A_921, %get3A_922] : memref<4x128xi32, #tpu.memory_space<vmem>> -> memref<1x128xi32, #tpu.memory_space<vmem>>
    %get3A_924 = tpu.memref_squeeze %get3A_923 : memref<1x128xi32, #tpu.memory_space<vmem>> -> memref<128xi32, #tpu.memory_space<vmem>>
    %get3A_925 = arith.constant 64 : index
    %get3A_926 = tpu.vector_load %get3A_924[%get3A_925] {strides = array<i32>} : memref<128xi32, #tpu.memory_space<vmem>>, vector<16xi32>,
    %shift_right_logical3A_927 = arith.constant 15 : i32
    %shift_right_logical3A_928 = vector.broadcast %shift_right_logical3A_927 : i32 to vector<16xi32>
    %shift_right_logical3A_929 = arith.shrui %get3A_926, %shift_right_logical3A_928 : vector<16xi32>
    %shift_left3A_930 = arith.constant 12 : i32
    %shift_left3A_931 = vector.broadcast %shift_left3A_930 : i32 to vector<16xi32>
    %shift_left3A_932 = arith.shli %shift_right_logical3A_929, %shift_left3A_931 : vector<16xi32>
    %and3A_933 = arith.constant 4095 : i32
    %and3A_934 = vector.broadcast %and3A_933 : i32 to vector<16xi32>
    %and3A_935 = arith.andi %get3A_926, %and3A_934 : vector<16xi32>
    %or3A_936 = arith.ori %shift_left3A_932, %and3A_935 : vector<16xi32>
    %swap3A_937 = arith.constant 3 : i32
    %swap3A_938 = arith.constant 0 : i32
    %swap3A_939 = tpu.memref_slice %arg9[%swap3A_937, %swap3A_938] : memref<4x128xi32, #tpu.memory_space<vmem>> -> memref<1x128xi32, #tpu.memory_space<vmem>>
    %swap3A_940 = tpu.memref_squeeze %swap3A_939 : memref<1x128xi32, #tpu.memory_space<vmem>> -> memref<128xi32, #tpu.memory_space<vmem>>
    %swap3A_941 = arith.constant 64 : index
    %swap3A_942 = tpu.vector_load %swap3A_940[%swap3A_941] {strides = array<i32>} : memref<128xi32, #tpu.memory_space<vmem>>, vector<16xi32>,
    tpu.vector_store %swap3A_940[%swap3A_941], %or3A_936 {strides = array<i32>} : memref<128xi32, #tpu.memory_space<vmem>>, vector<16xi32>,
    %shift_right_logical3A_943 = arith.constant 12 : i32
    %shift_right_logical3A_944 = vector.broadcast %shift_right_logical3A_943 : i32 to vector<16xi32>
    %shift_right_logical3A_945 = arith.shrui %get3A_926, %shift_right_logical3A_944 : vector<16xi32>
    %and3A_946 = arith.constant 7 : i32
    %and3A_947 = vector.broadcast %and3A_946 : i32 to vector<16xi32>
    %and3A_948 = arith.andi %shift_right_logical3A_945, %and3A_947 : vector<16xi32>
    %shift_left3A_949 = arith.constant 4 : i32
    %shift_left3A_950 = vector.broadcast %shift_left3A_949 : i32 to vector<16xi32>
    %shift_left3A_951 = arith.shli %and3A_948, %shift_left3A_950 : vector<16xi32>
    %swap3A_952 = arith.constant 448 : index
    %swap3A_953 = tpu.vector_load %arg10[%swap3A_952] {strides = array<i32>} : memref<512xi32, #tpu.memory_space<vmem>>, vector<16xi32>,
    tpu.vector_store %arg10[%swap3A_952], %shift_left3A_951 {strides = array<i32>} : memref<512xi32, #tpu.memory_space<vmem>>, vector<16xi32>,
    %get3A_954 = arith.constant 3 : i32
    %get3A_955 = arith.constant 0 : i32
    %get3A_956 = tpu.memref_slice %arg8[%get3A_954, %get3A_955] : memref<4x128xi32, #tpu.memory_space<vmem>> -> memref<1x128xi32, #tpu.memory_space<vmem>>
    %get3A_957 = tpu.memref_squeeze %get3A_956 : memref<1x128xi32, #tpu.memory_space<vmem>> -> memref<128xi32, #tpu.memory_space<vmem>>
    %get3A_958 = arith.constant 80 : index
    %get3A_959 = tpu.vector_load %get3A_957[%get3A_958] {strides = array<i32>} : memref<128xi32, #tpu.memory_space<vmem>>, vector<16xi32>,
    %shift_right_logical3A_960 = arith.constant 15 : i32
    %shift_right_logical3A_961 = vector.broadcast %shift_right_logical3A_960 : i32 to vector<16xi32>
    %shift_right_logical3A_962 = arith.shrui %get3A_959, %shift_right_logical3A_961 : vector<16xi32>
    %shift_left3A_963 = arith.constant 12 : i32
    %shift_left3A_964 = vector.broadcast %shift_left3A_963 : i32 to vector<16xi32>
    %shift_left3A_965 = arith.shli %shift_right_logical3A_962, %shift_left3A_964 : vector<16xi32>
    %and3A_966 = arith.constant 4095 : i32
    %and3A_967 = vector.broadcast %and3A_966 : i32 to vector<16xi32>
    %and3A_968 = arith.andi %get3A_959, %and3A_967 : vector<16xi32>
    %or3A_969 = arith.ori %shift_left3A_965, %and3A_968 : vector<16xi32>
    %swap3A_970 = arith.constant 3 : i32
    %swap3A_971 = arith.constant 0 : i32
    %swap3A_972 = tpu.memref_slice %arg9[%swap3A_970, %swap3A_971] : memref<4x128xi32, #tpu.memory_space<vmem>> -> memref<1x128xi32, #tpu.memory_space<vmem>>
    %swap3A_973 = tpu.memref_squeeze %swap3A_972 : memref<1x128xi32, #tpu.memory_space<vmem>> -> memref<128xi32, #tpu.memory_space<vmem>>
    %swap3A_974 = arith.constant 80 : index
    %swap3A_975 = tpu.vector_load %swap3A_973[%swap3A_974] {strides = array<i32>} : memref<128xi32, #tpu.memory_space<vmem>>, vector<16xi32>,
    tpu.vector_store %swap3A_973[%swap3A_974], %or3A_969 {strides = array<i32>} : memref<128xi32, #tpu.memory_space<vmem>>, vector<16xi32>,
    %shift_right_logical3A_976 = arith.constant 12 : i32
    %shift_right_logical3A_977 = vector.broadcast %shift_right_logical3A_976 : i32 to vector<16xi32>
    %shift_right_logical3A_978 = arith.shrui %get3A_959, %shift_right_logical3A_977 : vector<16xi32>
    %and3A_979 = arith.constant 7 : i32
    %and3A_980 = vector.broadcast %and3A_979 : i32 to vector<16xi32>
    %and3A_981 = arith.andi %shift_right_logical3A_978, %and3A_980 : vector<16xi32>
    %shift_left3A_982 = arith.constant 4 : i32
    %shift_left3A_983 = vector.broadcast %shift_left3A_982 : i32 to vector<16xi32>
    %shift_left3A_984 = arith.shli %and3A_981, %shift_left3A_983 : vector<16xi32>
    %swap3A_985 = arith.constant 464 : index
    %swap3A_986 = tpu.vector_load %arg10[%swap3A_985] {strides = array<i32>} : memref<512xi32, #tpu.memory_space<vmem>>, vector<16xi32>,
    tpu.vector_store %arg10[%swap3A_985], %shift_left3A_984 {strides = array<i32>} : memref<512xi32, #tpu.memory_space<vmem>>, vector<16xi32>,
    %get3A_987 = arith.constant 3 : i32
    %get3A_988 = arith.constant 0 : i32
    %get3A_989 = tpu.memref_slice %arg8[%get3A_987, %get3A_988] : memref<4x128xi32, #tpu.memory_space<vmem>> -> memref<1x128xi32, #tpu.memory_space<vmem>>
    %get3A_990 = tpu.memref_squeeze %get3A_989 : memref<1x128xi32, #tpu.memory_space<vmem>> -> memref<128xi32, #tpu.memory_space<vmem>>
    %get3A_991 = arith.constant 96 : index
    %get3A_992 = tpu.vector_load %get3A_990[%get3A_991] {strides = array<i32>} : memref<128xi32, #tpu.memory_space<vmem>>, vector<16xi32>,
    %shift_right_logical3A_993 = arith.constant 15 : i32
    %shift_right_logical3A_994 = vector.broadcast %shift_right_logical3A_993 : i32 to vector<16xi32>
    %shift_right_logical3A_995 = arith.shrui %get3A_992, %shift_right_logical3A_994 : vector<16xi32>
    %shift_left3A_996 = arith.constant 12 : i32
    %shift_left3A_997 = vector.broadcast %shift_left3A_996 : i32 to vector<16xi32>
    %shift_left3A_998 = arith.shli %shift_right_logical3A_995, %shift_left3A_997 : vector<16xi32>
    %and3A_999 = arith.constant 4095 : i32
    %and3A_1000 = vector.broadcast %and3A_999 : i32 to vector<16xi32>
    %and3A_1001 = arith.andi %get3A_992, %and3A_1000 : vector<16xi32>
    %or3A_1002 = arith.ori %shift_left3A_998, %and3A_1001 : vector<16xi32>
    %swap3A_1003 = arith.constant 3 : i32
    %swap3A_1004 = arith.constant 0 : i32
    %swap3A_1005 = tpu.memref_slice %arg9[%swap3A_1003, %swap3A_1004] : memref<4x128xi32, #tpu.memory_space<vmem>> -> memref<1x128xi32, #tpu.memory_space<vmem>>
    %swap3A_1006 = tpu.memref_squeeze %swap3A_1005 : memref<1x128xi32, #tpu.memory_space<vmem>> -> memref<128xi32, #tpu.memory_space<vmem>>
    %swap3A_1007 = arith.constant 96 : index
    %swap3A_1008 = tpu.vector_load %swap3A_1006[%swap3A_1007] {strides = array<i32>} : memref<128xi32, #tpu.memory_space<vmem>>, vector<16xi32>,
    tpu.vector_store %swap3A_1006[%swap3A_1007], %or3A_1002 {strides = array<i32>} : memref<128xi32, #tpu.memory_space<vmem>>, vector<16xi32>,
    %shift_right_logical3A_1009 = arith.constant 12 : i32
    %shift_right_logical3A_1010 = vector.broadcast %shift_right_logical3A_1009 : i32 to vector<16xi32>
    %shift_right_logical3A_1011 = arith.shrui %get3A_992, %shift_right_logical3A_1010 : vector<16xi32>
    %and3A_1012 = arith.constant 7 : i32
    %and3A_1013 = vector.broadcast %and3A_1012 : i32 to vector<16xi32>
    %and3A_1014 = arith.andi %shift_right_logical3A_1011, %and3A_1013 : vector<16xi32>
    %shift_left3A_1015 = arith.constant 4 : i32
    %shift_left3A_1016 = vector.broadcast %shift_left3A_1015 : i32 to vector<16xi32>
    %shift_left3A_1017 = arith.shli %and3A_1014, %shift_left3A_1016 : vector<16xi32>
    %swap3A_1018 = arith.constant 480 : index
    %swap3A_1019 = tpu.vector_load %arg10[%swap3A_1018] {strides = array<i32>} : memref<512xi32, #tpu.memory_space<vmem>>, vector<16xi32>,
    tpu.vector_store %arg10[%swap3A_1018], %shift_left3A_1017 {strides = array<i32>} : memref<512xi32, #tpu.memory_space<vmem>>, vector<16xi32>,
    %get3A_1020 = arith.constant 3 : i32
    %get3A_1021 = arith.constant 0 : i32
    %get3A_1022 = tpu.memref_slice %arg8[%get3A_1020, %get3A_1021] : memref<4x128xi32, #tpu.memory_space<vmem>> -> memref<1x128xi32, #tpu.memory_space<vmem>>
    %get3A_1023 = tpu.memref_squeeze %get3A_1022 : memref<1x128xi32, #tpu.memory_space<vmem>> -> memref<128xi32, #tpu.memory_space<vmem>>
    %get3A_1024 = arith.constant 112 : index
    %get3A_1025 = tpu.vector_load %get3A_1023[%get3A_1024] {strides = array<i32>} : memref<128xi32, #tpu.memory_space<vmem>>, vector<16xi32>,
    %shift_right_logical3A_1026 = arith.constant 15 : i32
    %shift_right_logical3A_1027 = vector.broadcast %shift_right_logical3A_1026 : i32 to vector<16xi32>
    %shift_right_logical3A_1028 = arith.shrui %get3A_1025, %shift_right_logical3A_1027 : vector<16xi32>
    %shift_left3A_1029 = arith.constant 12 : i32
    %shift_left3A_1030 = vector.broadcast %shift_left3A_1029 : i32 to vector<16xi32>
    %shift_left3A_1031 = arith.shli %shift_right_logical3A_1028, %shift_left3A_1030 : vector<16xi32>
    %and3A_1032 = arith.constant 4095 : i32
    %and3A_1033 = vector.broadcast %and3A_1032 : i32 to vector<16xi32>
    %and3A_1034 = arith.andi %get3A_1025, %and3A_1033 : vector<16xi32>
    %or3A_1035 = arith.ori %shift_left3A_1031, %and3A_1034 : vector<16xi32>
    %swap3A_1036 = arith.constant 3 : i32
    %swap3A_1037 = arith.constant 0 : i32
    %swap3A_1038 = tpu.memref_slice %arg9[%swap3A_1036, %swap3A_1037] : memref<4x128xi32, #tpu.memory_space<vmem>> -> memref<1x128xi32, #tpu.memory_space<vmem>>
    %swap3A_1039 = tpu.memref_squeeze %swap3A_1038 : memref<1x128xi32, #tpu.memory_space<vmem>> -> memref<128xi32, #tpu.memory_space<vmem>>
    %swap3A_1040 = arith.constant 112 : index
    %swap3A_1041 = tpu.vector_load %swap3A_1039[%swap3A_1040] {strides = array<i32>} : memref<128xi32, #tpu.memory_space<vmem>>, vector<16xi32>,
    tpu.vector_store %swap3A_1039[%swap3A_1040], %or3A_1035 {strides = array<i32>} : memref<128xi32, #tpu.memory_space<vmem>>, vector<16xi32>,
    %shift_right_logical3A_1042 = arith.constant 12 : i32
    %shift_right_logical3A_1043 = vector.broadcast %shift_right_logical3A_1042 : i32 to vector<16xi32>
    %shift_right_logical3A_1044 = arith.shrui %get3A_1025, %shift_right_logical3A_1043 : vector<16xi32>
    %and3A_1045 = arith.constant 7 : i32
    %and3A_1046 = vector.broadcast %and3A_1045 : i32 to vector<16xi32>
    %and3A_1047 = arith.andi %shift_right_logical3A_1044, %and3A_1046 : vector<16xi32>
    %shift_left3A_1048 = arith.constant 4 : i32
    %shift_left3A_1049 = vector.broadcast %shift_left3A_1048 : i32 to vector<16xi32>
    %shift_left3A_1050 = arith.shli %and3A_1047, %shift_left3A_1049 : vector<16xi32>
    %swap3A_1051 = arith.constant 496 : index
    %swap3A_1052 = tpu.vector_load %arg10[%swap3A_1051] {strides = array<i32>} : memref<512xi32, #tpu.memory_space<vmem>>, vector<16xi32>,
    tpu.vector_store %arg10[%swap3A_1051], %shift_left3A_1050 {strides = array<i32>} : memref<512xi32, #tpu.memory_space<vmem>>, vector<16xi32>,
    %dma_start3A = arith.constant 0 : i32
    %dma_start3A_1053 = arith.constant 0 : i32
    %dma_start3A_1054 = arith.constant 0 : i32
    %dma_start3A_1055 = arith.constant 0 : i32
    %dma_start3A_1056 = tpu.memref_slice %arg11[%dma_start3A_1053, %dma_start3A_1054, %dma_start3A_1055] : memref<2x128x128xi32, #tpu.memory_space<vmem>> -> memref<1x128x128xi32, #tpu.memory_space<vmem>>
    %dma_start3A_1057 = tpu.memref_squeeze %dma_start3A_1056 : memref<1x128x128xi32, #tpu.memory_space<vmem>> -> memref<128x128xi32, #tpu.memory_space<vmem>>
    %dma_start3A_1058 = arith.constant 0 : i32
    %dma_start3A_1059 = tpu.memref_slice %arg9[%dma_start3A, %dma_start3A_1058] : memref<4x128xi32, #tpu.memory_space<vmem>> -> memref<1x128xi32, #tpu.memory_space<vmem>>
    %dma_start3A_1060 = tpu.memref_squeeze %dma_start3A_1059 : memref<1x128xi32, #tpu.memory_space<vmem>> -> memref<128xi32, #tpu.memory_space<vmem>>
    %dma_start3A_1061 = arith.constant 0 : i32
    %dma_start3A_1062 = arith.constant 0 : i32
    %dma_start3A_1063 = tpu.memref_slice %arg4[%dma_start3A_1061, %dma_start3A_1062] : memref<126976x128xi32, #tpu.memory_space<hbm>> -> memref<126976x128xi32, #tpu.memory_space<hbm>>
    tpu.enqueue_indirect_dma source(%dma_start3A_1063 : memref<126976x128xi32, #tpu.memory_space<hbm>>) target(%dma_start3A_1057 : memref<128x128xi32, #tpu.memory_space<vmem>>) offsets(%dma_start3A_1060 : memref<128xi32, #tpu.memory_space<vmem>>) semaphore(%arg13 : memref<!tpu.dma_semaphore, #tpu.memory_space<semaphore_mem>>)
    %dma_start3A_1064 = arith.constant 1 : i32
    %dma_start3A_1065 = arith.constant 1 : i32
    %dma_start3A_1066 = arith.constant 0 : i32
    %dma_start3A_1067 = arith.constant 0 : i32
    %dma_start3A_1068 = tpu.memref_slice %arg11[%dma_start3A_1065, %dma_start3A_1066, %dma_start3A_1067] : memref<2x128x128xi32, #tpu.memory_space<vmem>> -> memref<1x128x128xi32, #tpu.memory_space<vmem>>
    %dma_start3A_1069 = tpu.memref_squeeze %dma_start3A_1068 : memref<1x128x128xi32, #tpu.memory_space<vmem>> -> memref<128x128xi32, #tpu.memory_space<vmem>>
    %dma_start3A_1070 = arith.constant 0 : i32
    %dma_start3A_1071 = tpu.memref_slice %arg9[%dma_start3A_1064, %dma_start3A_1070] : memref<4x128xi32, #tpu.memory_space<vmem>> -> memref<1x128xi32, #tpu.memory_space<vmem>>
    %dma_start3A_1072 = tpu.memref_squeeze %dma_start3A_1071 : memref<1x128xi32, #tpu.memory_space<vmem>> -> memref<128xi32, #tpu.memory_space<vmem>>
    %dma_start3A_1073 = arith.constant 0 : i32
    %dma_start3A_1074 = arith.constant 0 : i32
    %dma_start3A_1075 = tpu.memref_slice %arg4[%dma_start3A_1073, %dma_start3A_1074] : memref<126976x128xi32, #tpu.memory_space<hbm>> -> memref<126976x128xi32, #tpu.memory_space<hbm>>
    tpu.enqueue_indirect_dma source(%dma_start3A_1075 : memref<126976x128xi32, #tpu.memory_space<hbm>>) target(%dma_start3A_1069 : memref<128x128xi32, #tpu.memory_space<vmem>>) offsets(%dma_start3A_1072 : memref<128xi32, #tpu.memory_space<vmem>>) semaphore(%arg13 : memref<!tpu.dma_semaphore, #tpu.memory_space<semaphore_mem>>)
    %dma_wait3A = arith.constant 0 : i32
    %dma_wait3A_1076 = arith.constant 0 : i32
    %dma_wait3A_1077 = arith.constant 0 : i32
    %dma_wait3A_1078 = arith.constant 0 : i32
    %dma_wait3A_1079 = tpu.memref_slice %arg11[%dma_wait3A_1076, %dma_wait3A_1077, %dma_wait3A_1078] : memref<2x128x128xi32, #tpu.memory_space<vmem>> -> memref<1x128x128xi32, #tpu.memory_space<vmem>>
    %dma_wait3A_1080 = tpu.memref_squeeze %dma_wait3A_1079 : memref<1x128x128xi32, #tpu.memory_space<vmem>> -> memref<128x128xi32, #tpu.memory_space<vmem>>
    %dma_wait3A_1081 = arith.constant 0 : i32
    %dma_wait3A_1082 = tpu.memref_slice %arg9[%dma_wait3A, %dma_wait3A_1081] : memref<4x128xi32, #tpu.memory_space<vmem>> -> memref<1x128xi32, #tpu.memory_space<vmem>>
    %dma_wait3A_1083 = tpu.memref_squeeze %dma_wait3A_1082 : memref<1x128xi32, #tpu.memory_space<vmem>> -> memref<128xi32, #tpu.memory_space<vmem>>
    %dma_wait3A_1084 = arith.constant 0 : i32
    %dma_wait3A_1085 = arith.constant 0 : i32
    %dma_wait3A_1086 = tpu.memref_slice %arg4[%dma_wait3A_1084, %dma_wait3A_1085] : memref<126976x128xi32, #tpu.memory_space<hbm>> -> memref<126976x128xi32, #tpu.memory_space<hbm>>
    tpu.wait_indirect_dma semaphore(%arg13 : memref<!tpu.dma_semaphore, #tpu.memory_space<semaphore_mem>>) src(%dma_wait3A_1086 : memref<126976x128xi32, #tpu.memory_space<hbm>>) dst(%dma_wait3A_1080 : memref<128x128xi32, #tpu.memory_space<vmem>>)
    %scan3A = arith.constant 0 : i32
    %scan3A_1087 = arith.constant 0 : i32
    %scan3A_1088 = arith.constant 0 : i32
    %scan3A_1089 = arith.constant 8 : i32
    %scan3A_1090 = arith.addi %scan3A_1088, %scan3A_1089 : i32
    %scan3A_1091 = arith.constant 1 : i32
    scf.for %scan3A_2354 = %scan3A_1088 to %scan3A_1090 step %scan3A_1091  : i32 {
      %mul3A_2355 = arith.constant 16 : i32
      %mul3A_2356 = arith.muli %scan3A_2354, %mul3A_2355 : i32
      %add3A_2357 = vector.broadcast %mul3A_2356 : i32 to vector<16xi32>
      %add3A_2358 = arith.addi %iota3A, %add3A_2357 : vector<16xi32>
      %add3A_2359 = arith.constant 0 : i32
      %add3A_2360 = arith.addi %add3A_2359, %mul3A_2356 : i32
      %get3A_2361 = arith.index_cast %add3A_2360 : i32 to index
      %get3A_2362 = tpu.vector_load %arg10[%get3A_2361] {strides = array<i32>} : memref<512xi32, #tpu.memory_space<vmem>>, vector<16xi32>,
      %add3A_2363 = arith.constant 0 : i32
      %add3A_2364 = vector.broadcast %add3A_2363 : i32 to vector<16xi32>
      %add3A_2365 = arith.addi %get3A_2362, %add3A_2364 : vector<16xi32>
      %gather3A = arith.constant 0 : i32
      %gather3A_2366 = arith.constant 0 : i32
      %gather3A_2367 = tpu.memref_slice %arg11[%scan3A_1087, %gather3A, %gather3A_2366] : memref<2x128x128xi32, #tpu.memory_space<vmem>> -> memref<1x128x128xi32, #tpu.memory_space<vmem>>
      %gather3A_2368 = tpu.memref_squeeze %gather3A_2367 : memref<1x128x128xi32, #tpu.memory_space<vmem>> -> memref<128x128xi32, #tpu.memory_space<vmem>>
      %gather3A_2369 = tpu.vector_load_idx %gather3A_2368[%add3A_2358, %add3A_2365] : memref<128x128xi32, #tpu.memory_space<vmem>>[vector<16xi32>, vector<16xi32>], vector<16xi32>,
      %add3A_2370 = arith.constant 1 : i32
      %add3A_2371 = vector.broadcast %add3A_2370 : i32 to vector<16xi32>
      %add3A_2372 = arith.addi %get3A_2362, %add3A_2371 : vector<16xi32>
      %gather3A_2373 = arith.constant 0 : i32
      %gather3A_2374 = arith.constant 0 : i32
      %gather3A_2375 = tpu.memref_slice %arg11[%scan3A_1087, %gather3A_2373, %gather3A_2374] : memref<2x128x128xi32, #tpu.memory_space<vmem>> -> memref<1x128x128xi32, #tpu.memory_space<vmem>>
      %gather3A_2376 = tpu.memref_squeeze %gather3A_2375 : memref<1x128x128xi32, #tpu.memory_space<vmem>> -> memref<128x128xi32, #tpu.memory_space<vmem>>
      %gather3A_2377 = tpu.vector_load_idx %gather3A_2376[%add3A_2358, %add3A_2372] : memref<128x128xi32, #tpu.memory_space<vmem>>[vector<16xi32>, vector<16xi32>], vector<16xi32>,
      %add3A_2378 = arith.constant 2 : i32
      %add3A_2379 = vector.broadcast %add3A_2378 : i32 to vector<16xi32>
      %add3A_2380 = arith.addi %get3A_2362, %add3A_2379 : vector<16xi32>
      %gather3A_2381 = arith.constant 0 : i32
      %gather3A_2382 = arith.constant 0 : i32
      %gather3A_2383 = tpu.memref_slice %arg11[%scan3A_1087, %gather3A_2381, %gather3A_2382] : memref<2x128x128xi32, #tpu.memory_space<vmem>> -> memref<1x128x128xi32, #tpu.memory_space<vmem>>
      %gather3A_2384 = tpu.memref_squeeze %gather3A_2383 : memref<1x128x128xi32, #tpu.memory_space<vmem>> -> memref<128x128xi32, #tpu.memory_space<vmem>>
      %gather3A_2385 = tpu.vector_load_idx %gather3A_2384[%add3A_2358, %add3A_2380] : memref<128x128xi32, #tpu.memory_space<vmem>>[vector<16xi32>, vector<16xi32>], vector<16xi32>,
      %add3A_2386 = arith.constant 3 : i32
      %add3A_2387 = vector.broadcast %add3A_2386 : i32 to vector<16xi32>
      %add3A_2388 = arith.addi %get3A_2362, %add3A_2387 : vector<16xi32>
      %gather3A_2389 = arith.constant 0 : i32
      %gather3A_2390 = arith.constant 0 : i32
      %gather3A_2391 = tpu.memref_slice %arg11[%scan3A_1087, %gather3A_2389, %gather3A_2390] : memref<2x128x128xi32, #tpu.memory_space<vmem>> -> memref<1x128x128xi32, #tpu.memory_space<vmem>>
      %gather3A_2392 = tpu.memref_squeeze %gather3A_2391 : memref<1x128x128xi32, #tpu.memory_space<vmem>> -> memref<128x128xi32, #tpu.memory_space<vmem>>
      %gather3A_2393 = tpu.vector_load_idx %gather3A_2392[%add3A_2358, %add3A_2388] : memref<128x128xi32, #tpu.memory_space<vmem>>[vector<16xi32>, vector<16xi32>], vector<16xi32>,
      %add3A_2394 = arith.constant 4 : i32
      %add3A_2395 = vector.broadcast %add3A_2394 : i32 to vector<16xi32>
      %add3A_2396 = arith.addi %get3A_2362, %add3A_2395 : vector<16xi32>
      %gather3A_2397 = arith.constant 0 : i32
      %gather3A_2398 = arith.constant 0 : i32
      %gather3A_2399 = tpu.memref_slice %arg11[%scan3A_1087, %gather3A_2397, %gather3A_2398] : memref<2x128x128xi32, #tpu.memory_space<vmem>> -> memref<1x128x128xi32, #tpu.memory_space<vmem>>
      %gather3A_2400 = tpu.memref_squeeze %gather3A_2399 : memref<1x128x128xi32, #tpu.memory_space<vmem>> -> memref<128x128xi32, #tpu.memory_space<vmem>>
      %gather3A_2401 = tpu.vector_load_idx %gather3A_2400[%add3A_2358, %add3A_2396] : memref<128x128xi32, #tpu.memory_space<vmem>>[vector<16xi32>, vector<16xi32>], vector<16xi32>,
      %add3A_2402 = arith.constant 5 : i32
      %add3A_2403 = vector.broadcast %add3A_2402 : i32 to vector<16xi32>
      %add3A_2404 = arith.addi %get3A_2362, %add3A_2403 : vector<16xi32>
      %gather3A_2405 = arith.constant 0 : i32
      %gather3A_2406 = arith.constant 0 : i32
      %gather3A_2407 = tpu.memref_slice %arg11[%scan3A_1087, %gather3A_2405, %gather3A_2406] : memref<2x128x128xi32, #tpu.memory_space<vmem>> -> memref<1x128x128xi32, #tpu.memory_space<vmem>>
      %gather3A_2408 = tpu.memref_squeeze %gather3A_2407 : memref<1x128x128xi32, #tpu.memory_space<vmem>> -> memref<128x128xi32, #tpu.memory_space<vmem>>
      %gather3A_2409 = tpu.vector_load_idx %gather3A_2408[%add3A_2358, %add3A_2404] : memref<128x128xi32, #tpu.memory_space<vmem>>[vector<16xi32>, vector<16xi32>], vector<16xi32>,
      %add3A_2410 = arith.constant 6 : i32
      %add3A_2411 = vector.broadcast %add3A_2410 : i32 to vector<16xi32>
      %add3A_2412 = arith.addi %get3A_2362, %add3A_2411 : vector<16xi32>
      %gather3A_2413 = arith.constant 0 : i32
      %gather3A_2414 = arith.constant 0 : i32
      %gather3A_2415 = tpu.memref_slice %arg11[%scan3A_1087, %gather3A_2413, %gather3A_2414] : memref<2x128x128xi32, #tpu.memory_space<vmem>> -> memref<1x128x128xi32, #tpu.memory_space<vmem>>
      %gather3A_2416 = tpu.memref_squeeze %gather3A_2415 : memref<1x128x128xi32, #tpu.memory_space<vmem>> -> memref<128x128xi32, #tpu.memory_space<vmem>>
      %gather3A_2417 = tpu.vector_load_idx %gather3A_2416[%add3A_2358, %add3A_2412] : memref<128x128xi32, #tpu.memory_space<vmem>>[vector<16xi32>, vector<16xi32>], vector<16xi32>,
      %add3A_2418 = arith.constant 7 : i32
      %add3A_2419 = vector.broadcast %add3A_2418 : i32 to vector<16xi32>
      %add3A_2420 = arith.addi %get3A_2362, %add3A_2419 : vector<16xi32>
      %gather3A_2421 = arith.constant 0 : i32
      %gather3A_2422 = arith.constant 0 : i32
      %gather3A_2423 = tpu.memref_slice %arg11[%scan3A_1087, %gather3A_2421, %gather3A_2422] : memref<2x128x128xi32, #tpu.memory_space<vmem>> -> memref<1x128x128xi32, #tpu.memory_space<vmem>>
      %gather3A_2424 = tpu.memref_squeeze %gather3A_2423 : memref<1x128x128xi32, #tpu.memory_space<vmem>> -> memref<128x128xi32, #tpu.memory_space<vmem>>
      %gather3A_2425 = tpu.vector_load_idx %gather3A_2424[%add3A_2358, %add3A_2420] : memref<128x128xi32, #tpu.memory_space<vmem>>[vector<16xi32>, vector<16xi32>], vector<16xi32>,
      %add3A_2426 = arith.constant 8 : i32
      %add3A_2427 = vector.broadcast %add3A_2426 : i32 to vector<16xi32>
      %add3A_2428 = arith.addi %get3A_2362, %add3A_2427 : vector<16xi32>
      %gather3A_2429 = arith.constant 0 : i32
      %gather3A_2430 = arith.constant 0 : i32
      %gather3A_2431 = tpu.memref_slice %arg11[%scan3A_1087, %gather3A_2429, %gather3A_2430] : memref<2x128x128xi32, #tpu.memory_space<vmem>> -> memref<1x128x128xi32, #tpu.memory_space<vmem>>
      %gather3A_2432 = tpu.memref_squeeze %gather3A_2431 : memref<1x128x128xi32, #tpu.memory_space<vmem>> -> memref<128x128xi32, #tpu.memory_space<vmem>>
      %gather3A_2433 = tpu.vector_load_idx %gather3A_2432[%add3A_2358, %add3A_2428] : memref<128x128xi32, #tpu.memory_space<vmem>>[vector<16xi32>, vector<16xi32>], vector<16xi32>,
      %add3A_2434 = arith.constant 9 : i32
      %add3A_2435 = vector.broadcast %add3A_2434 : i32 to vector<16xi32>
      %add3A_2436 = arith.addi %get3A_2362, %add3A_2435 : vector<16xi32>
      %gather3A_2437 = arith.constant 0 : i32
      %gather3A_2438 = arith.constant 0 : i32
      %gather3A_2439 = tpu.memref_slice %arg11[%scan3A_1087, %gather3A_2437, %gather3A_2438] : memref<2x128x128xi32, #tpu.memory_space<vmem>> -> memref<1x128x128xi32, #tpu.memory_space<vmem>>
      %gather3A_2440 = tpu.memref_squeeze %gather3A_2439 : memref<1x128x128xi32, #tpu.memory_space<vmem>> -> memref<128x128xi32, #tpu.memory_space<vmem>>
      %gather3A_2441 = tpu.vector_load_idx %gather3A_2440[%add3A_2358, %add3A_2436] : memref<128x128xi32, #tpu.memory_space<vmem>>[vector<16xi32>, vector<16xi32>], vector<16xi32>,
      %add3A_2442 = arith.constant 10 : i32
      %add3A_2443 = vector.broadcast %add3A_2442 : i32 to vector<16xi32>
      %add3A_2444 = arith.addi %get3A_2362, %add3A_2443 : vector<16xi32>
      %gather3A_2445 = arith.constant 0 : i32
      %gather3A_2446 = arith.constant 0 : i32
      %gather3A_2447 = tpu.memref_slice %arg11[%scan3A_1087, %gather3A_2445, %gather3A_2446] : memref<2x128x128xi32, #tpu.memory_space<vmem>> -> memref<1x128x128xi32, #tpu.memory_space<vmem>>
      %gather3A_2448 = tpu.memref_squeeze %gather3A_2447 : memref<1x128x128xi32, #tpu.memory_space<vmem>> -> memref<128x128xi32, #tpu.memory_space<vmem>>
      %gather3A_2449 = tpu.vector_load_idx %gather3A_2448[%add3A_2358, %add3A_2444] : memref<128x128xi32, #tpu.memory_space<vmem>>[vector<16xi32>, vector<16xi32>], vector<16xi32>,
      %add3A_2450 = arith.constant 11 : i32
      %add3A_2451 = vector.broadcast %add3A_2450 : i32 to vector<16xi32>
      %add3A_2452 = arith.addi %get3A_2362, %add3A_2451 : vector<16xi32>
      %gather3A_2453 = arith.constant 0 : i32
      %gather3A_2454 = arith.constant 0 : i32
      %gather3A_2455 = tpu.memref_slice %arg11[%scan3A_1087, %gather3A_2453, %gather3A_2454] : memref<2x128x128xi32, #tpu.memory_space<vmem>> -> memref<1x128x128xi32, #tpu.memory_space<vmem>>
      %gather3A_2456 = tpu.memref_squeeze %gather3A_2455 : memref<1x128x128xi32, #tpu.memory_space<vmem>> -> memref<128x128xi32, #tpu.memory_space<vmem>>
      %gather3A_2457 = tpu.vector_load_idx %gather3A_2456[%add3A_2358, %add3A_2452] : memref<128x128xi32, #tpu.memory_space<vmem>>[vector<16xi32>, vector<16xi32>], vector<16xi32>,
      %add3A_2458 = arith.constant 12 : i32
      %add3A_2459 = vector.broadcast %add3A_2458 : i32 to vector<16xi32>
      %add3A_2460 = arith.addi %get3A_2362, %add3A_2459 : vector<16xi32>
      %gather3A_2461 = arith.constant 0 : i32
      %gather3A_2462 = arith.constant 0 : i32
      %gather3A_2463 = tpu.memref_slice %arg11[%scan3A_1087, %gather3A_2461, %gather3A_2462] : memref<2x128x128xi32, #tpu.memory_space<vmem>> -> memref<1x128x128xi32, #tpu.memory_space<vmem>>
      %gather3A_2464 = tpu.memref_squeeze %gather3A_2463 : memref<1x128x128xi32, #tpu.memory_space<vmem>> -> memref<128x128xi32, #tpu.memory_space<vmem>>
      %gather3A_2465 = tpu.vector_load_idx %gather3A_2464[%add3A_2358, %add3A_2460] : memref<128x128xi32, #tpu.memory_space<vmem>>[vector<16xi32>, vector<16xi32>], vector<16xi32>,
      %add3A_2466 = arith.constant 13 : i32
      %add3A_2467 = vector.broadcast %add3A_2466 : i32 to vector<16xi32>
      %add3A_2468 = arith.addi %get3A_2362, %add3A_2467 : vector<16xi32>
      %gather3A_2469 = arith.constant 0 : i32
      %gather3A_2470 = arith.constant 0 : i32
      %gather3A_2471 = tpu.memref_slice %arg11[%scan3A_1087, %gather3A_2469, %gather3A_2470] : memref<2x128x128xi32, #tpu.memory_space<vmem>> -> memref<1x128x128xi32, #tpu.memory_space<vmem>>
      %gather3A_2472 = tpu.memref_squeeze %gather3A_2471 : memref<1x128x128xi32, #tpu.memory_space<vmem>> -> memref<128x128xi32, #tpu.memory_space<vmem>>
      %gather3A_2473 = tpu.vector_load_idx %gather3A_2472[%add3A_2358, %add3A_2468] : memref<128x128xi32, #tpu.memory_space<vmem>>[vector<16xi32>, vector<16xi32>], vector<16xi32>,
      %add3A_2474 = arith.constant 14 : i32
      %add3A_2475 = vector.broadcast %add3A_2474 : i32 to vector<16xi32>
      %add3A_2476 = arith.addi %get3A_2362, %add3A_2475 : vector<16xi32>
      %gather3A_2477 = arith.constant 0 : i32
      %gather3A_2478 = arith.constant 0 : i32
      %gather3A_2479 = tpu.memref_slice %arg11[%scan3A_1087, %gather3A_2477, %gather3A_2478] : memref<2x128x128xi32, #tpu.memory_space<vmem>> -> memref<1x128x128xi32, #tpu.memory_space<vmem>>
      %gather3A_2480 = tpu.memref_squeeze %gather3A_2479 : memref<1x128x128xi32, #tpu.memory_space<vmem>> -> memref<128x128xi32, #tpu.memory_space<vmem>>
      %gather3A_2481 = tpu.vector_load_idx %gather3A_2480[%add3A_2358, %add3A_2476] : memref<128x128xi32, #tpu.memory_space<vmem>>[vector<16xi32>, vector<16xi32>], vector<16xi32>,
      %add3A_2482 = arith.constant 15 : i32
      %add3A_2483 = vector.broadcast %add3A_2482 : i32 to vector<16xi32>
      %add3A_2484 = arith.addi %get3A_2362, %add3A_2483 : vector<16xi32>
      %gather3A_2485 = arith.constant 0 : i32
      %gather3A_2486 = arith.constant 0 : i32
      %gather3A_2487 = tpu.memref_slice %arg11[%scan3A_1087, %gather3A_2485, %gather3A_2486] : memref<2x128x128xi32, #tpu.memory_space<vmem>> -> memref<1x128x128xi32, #tpu.memory_space<vmem>>
      %gather3A_2488 = tpu.memref_squeeze %gather3A_2487 : memref<1x128x128xi32, #tpu.memory_space<vmem>> -> memref<128x128xi32, #tpu.memory_space<vmem>>
      %gather3A_2489 = tpu.vector_load_idx %gather3A_2488[%add3A_2358, %add3A_2484] : memref<128x128xi32, #tpu.memory_space<vmem>>[vector<16xi32>, vector<16xi32>], vector<16xi32>,
      %broadcast_in_dim3A = arith.constant 0 : i32
      %broadcast_in_dim3A_2490 = vector.broadcast %broadcast_in_dim3A : i32 to vector<16xi32>
      %add3A_2491 = arith.constant 0 : i32
      %add3A_2492 = vector.broadcast %add3A_2491 : i32 to vector<16xi32>
      %add3A_2493 = arith.addi %add3A_2358, %add3A_2492 : vector<16xi32>
      tpu.vector_store_idx %arg12[%broadcast_in_dim3A_2490, %add3A_2493], %gather3A_2369 : memref<16x512xi32, #tpu.memory_space<vmem>>[vector<16xi32>, vector<16xi32>], vector<16xi32>,
      %broadcast_in_dim3A_2494 = arith.constant 1 : i32
      %broadcast_in_dim3A_2495 = vector.broadcast %broadcast_in_dim3A_2494 : i32 to vector<16xi32>
      %add3A_2496 = arith.constant 0 : i32
      %add3A_2497 = vector.broadcast %add3A_2496 : i32 to vector<16xi32>
      %add3A_2498 = arith.addi %add3A_2358, %add3A_2497 : vector<16xi32>
      tpu.vector_store_idx %arg12[%broadcast_in_dim3A_2495, %add3A_2498], %gather3A_2377 : memref<16x512xi32, #tpu.memory_space<vmem>>[vector<16xi32>, vector<16xi32>], vector<16xi32>,
      %broadcast_in_dim3A_2499 = arith.constant 2 : i32
      %broadcast_in_dim3A_2500 = vector.broadcast %broadcast_in_dim3A_2499 : i32 to vector<16xi32>
      %add3A_2501 = arith.constant 0 : i32
      %add3A_2502 = vector.broadcast %add3A_2501 : i32 to vector<16xi32>
      %add3A_2503 = arith.addi %add3A_2358, %add3A_2502 : vector<16xi32>
      tpu.vector_store_idx %arg12[%broadcast_in_dim3A_2500, %add3A_2503], %gather3A_2385 : memref<16x512xi32, #tpu.memory_space<vmem>>[vector<16xi32>, vector<16xi32>], vector<16xi32>,
      %broadcast_in_dim3A_2504 = arith.constant 3 : i32
      %broadcast_in_dim3A_2505 = vector.broadcast %broadcast_in_dim3A_2504 : i32 to vector<16xi32>
      %add3A_2506 = arith.constant 0 : i32
      %add3A_2507 = vector.broadcast %add3A_2506 : i32 to vector<16xi32>
      %add3A_2508 = arith.addi %add3A_2358, %add3A_2507 : vector<16xi32>
      tpu.vector_store_idx %arg12[%broadcast_in_dim3A_2505, %add3A_2508], %gather3A_2393 : memref<16x512xi32, #tpu.memory_space<vmem>>[vector<16xi32>, vector<16xi32>], vector<16xi32>,
      %broadcast_in_dim3A_2509 = arith.constant 4 : i32
      %broadcast_in_dim3A_2510 = vector.broadcast %broadcast_in_dim3A_2509 : i32 to vector<16xi32>
      %add3A_2511 = arith.constant 0 : i32
      %add3A_2512 = vector.broadcast %add3A_2511 : i32 to vector<16xi32>
      %add3A_2513 = arith.addi %add3A_2358, %add3A_2512 : vector<16xi32>
      tpu.vector_store_idx %arg12[%broadcast_in_dim3A_2510, %add3A_2513], %gather3A_2401 : memref<16x512xi32, #tpu.memory_space<vmem>>[vector<16xi32>, vector<16xi32>], vector<16xi32>,
      %broadcast_in_dim3A_2514 = arith.constant 5 : i32
      %broadcast_in_dim3A_2515 = vector.broadcast %broadcast_in_dim3A_2514 : i32 to vector<16xi32>
      %add3A_2516 = arith.constant 0 : i32
      %add3A_2517 = vector.broadcast %add3A_2516 : i32 to vector<16xi32>
      %add3A_2518 = arith.addi %add3A_2358, %add3A_2517 : vector<16xi32>
      tpu.vector_store_idx %arg12[%broadcast_in_dim3A_2515, %add3A_2518], %gather3A_2409 : memref<16x512xi32, #tpu.memory_space<vmem>>[vector<16xi32>, vector<16xi32>], vector<16xi32>,
      %broadcast_in_dim3A_2519 = arith.constant 6 : i32
      %broadcast_in_dim3A_2520 = vector.broadcast %broadcast_in_dim3A_2519 : i32 to vector<16xi32>
      %add3A_2521 = arith.constant 0 : i32
      %add3A_2522 = vector.broadcast %add3A_2521 : i32 to vector<16xi32>
      %add3A_2523 = arith.addi %add3A_2358, %add3A_2522 : vector<16xi32>
      tpu.vector_store_idx %arg12[%broadcast_in_dim3A_2520, %add3A_2523], %gather3A_2417 : memref<16x512xi32, #tpu.memory_space<vmem>>[vector<16xi32>, vector<16xi32>], vector<16xi32>,
      %broadcast_in_dim3A_2524 = arith.constant 7 : i32
      %broadcast_in_dim3A_2525 = vector.broadcast %broadcast_in_dim3A_2524 : i32 to vector<16xi32>
      %add3A_2526 = arith.constant 0 : i32
      %add3A_2527 = vector.broadcast %add3A_2526 : i32 to vector<16xi32>
      %add3A_2528 = arith.addi %add3A_2358, %add3A_2527 : vector<16xi32>
      tpu.vector_store_idx %arg12[%broadcast_in_dim3A_2525, %add3A_2528], %gather3A_2425 : memref<16x512xi32, #tpu.memory_space<vmem>>[vector<16xi32>, vector<16xi32>], vector<16xi32>,
      %broadcast_in_dim3A_2529 = arith.constant 8 : i32
      %broadcast_in_dim3A_2530 = vector.broadcast %broadcast_in_dim3A_2529 : i32 to vector<16xi32>
      %add3A_2531 = arith.constant 0 : i32
      %add3A_2532 = vector.broadcast %add3A_2531 : i32 to vector<16xi32>
      %add3A_2533 = arith.addi %add3A_2358, %add3A_2532 : vector<16xi32>
      tpu.vector_store_idx %arg12[%broadcast_in_dim3A_2530, %add3A_2533], %gather3A_2433 : memref<16x512xi32, #tpu.memory_space<vmem>>[vector<16xi32>, vector<16xi32>], vector<16xi32>,
      %broadcast_in_dim3A_2534 = arith.constant 9 : i32
      %broadcast_in_dim3A_2535 = vector.broadcast %broadcast_in_dim3A_2534 : i32 to vector<16xi32>
      %add3A_2536 = arith.constant 0 : i32
      %add3A_2537 = vector.broadcast %add3A_2536 : i32 to vector<16xi32>
      %add3A_2538 = arith.addi %add3A_2358, %add3A_2537 : vector<16xi32>
      tpu.vector_store_idx %arg12[%broadcast_in_dim3A_2535, %add3A_2538], %gather3A_2441 : memref<16x512xi32, #tpu.memory_space<vmem>>[vector<16xi32>, vector<16xi32>], vector<16xi32>,
      %broadcast_in_dim3A_2539 = arith.constant 10 : i32
      %broadcast_in_dim3A_2540 = vector.broadcast %broadcast_in_dim3A_2539 : i32 to vector<16xi32>
      %add3A_2541 = arith.constant 0 : i32
      %add3A_2542 = vector.broadcast %add3A_2541 : i32 to vector<16xi32>
      %add3A_2543 = arith.addi %add3A_2358, %add3A_2542 : vector<16xi32>
      tpu.vector_store_idx %arg12[%broadcast_in_dim3A_2540, %add3A_2543], %gather3A_2449 : memref<16x512xi32, #tpu.memory_space<vmem>>[vector<16xi32>, vector<16xi32>], vector<16xi32>,
      %broadcast_in_dim3A_2544 = arith.constant 11 : i32
      %broadcast_in_dim3A_2545 = vector.broadcast %broadcast_in_dim3A_2544 : i32 to vector<16xi32>
      %add3A_2546 = arith.constant 0 : i32
      %add3A_2547 = vector.broadcast %add3A_2546 : i32 to vector<16xi32>
      %add3A_2548 = arith.addi %add3A_2358, %add3A_2547 : vector<16xi32>
      tpu.vector_store_idx %arg12[%broadcast_in_dim3A_2545, %add3A_2548], %gather3A_2457 : memref<16x512xi32, #tpu.memory_space<vmem>>[vector<16xi32>, vector<16xi32>], vector<16xi32>,
      %broadcast_in_dim3A_2549 = arith.constant 12 : i32
      %broadcast_in_dim3A_2550 = vector.broadcast %broadcast_in_dim3A_2549 : i32 to vector<16xi32>
      %add3A_2551 = arith.constant 0 : i32
      %add3A_2552 = vector.broadcast %add3A_2551 : i32 to vector<16xi32>
      %add3A_2553 = arith.addi %add3A_2358, %add3A_2552 : vector<16xi32>
      tpu.vector_store_idx %arg12[%broadcast_in_dim3A_2550, %add3A_2553], %gather3A_2465 : memref<16x512xi32, #tpu.memory_space<vmem>>[vector<16xi32>, vector<16xi32>], vector<16xi32>,
      %broadcast_in_dim3A_2554 = arith.constant 13 : i32
      %broadcast_in_dim3A_2555 = vector.broadcast %broadcast_in_dim3A_2554 : i32 to vector<16xi32>
      %add3A_2556 = arith.constant 0 : i32
      %add3A_2557 = vector.broadcast %add3A_2556 : i32 to vector<16xi32>
      %add3A_2558 = arith.addi %add3A_2358, %add3A_2557 : vector<16xi32>
      tpu.vector_store_idx %arg12[%broadcast_in_dim3A_2555, %add3A_2558], %gather3A_2473 : memref<16x512xi32, #tpu.memory_space<vmem>>[vector<16xi32>, vector<16xi32>], vector<16xi32>,
      %broadcast_in_dim3A_2559 = arith.constant 14 : i32
      %broadcast_in_dim3A_2560 = vector.broadcast %broadcast_in_dim3A_2559 : i32 to vector<16xi32>
      %add3A_2561 = arith.constant 0 : i32
      %add3A_2562 = vector.broadcast %add3A_2561 : i32 to vector<16xi32>
      %add3A_2563 = arith.addi %add3A_2358, %add3A_2562 : vector<16xi32>
      tpu.vector_store_idx %arg12[%broadcast_in_dim3A_2560, %add3A_2563], %gather3A_2481 : memref<16x512xi32, #tpu.memory_space<vmem>>[vector<16xi32>, vector<16xi32>], vector<16xi32>,
      %broadcast_in_dim3A_2564 = arith.constant 15 : i32
      %broadcast_in_dim3A_2565 = vector.broadcast %broadcast_in_dim3A_2564 : i32 to vector<16xi32>
      %add3A_2566 = arith.constant 0 : i32
      %add3A_2567 = vector.broadcast %add3A_2566 : i32 to vector<16xi32>
      %add3A_2568 = arith.addi %add3A_2358, %add3A_2567 : vector<16xi32>
      tpu.vector_store_idx %arg12[%broadcast_in_dim3A_2565, %add3A_2568], %gather3A_2489 : memref<16x512xi32, #tpu.memory_space<vmem>>[vector<16xi32>, vector<16xi32>], vector<16xi32>,
    }
    %scan3A_1092 = arith.constant 8 : i32
    %dma_start3A_1093 = arith.constant 2 : i32
    %dma_start3A_1094 = arith.constant 0 : i32
    %dma_start3A_1095 = arith.constant 0 : i32
    %dma_start3A_1096 = arith.constant 0 : i32
    %dma_start3A_1097 = tpu.memref_slice %arg11[%dma_start3A_1094, %dma_start3A_1095, %dma_start3A_1096] : memref<2x128x128xi32, #tpu.memory_space<vmem>> -> memref<1x128x128xi32, #tpu.memory_space<vmem>>
    %dma_start3A_1098 = tpu.memref_squeeze %dma_start3A_1097 : memref<1x128x128xi32, #tpu.memory_space<vmem>> -> memref<128x128xi32, #tpu.memory_space<vmem>>
    %dma_start3A_1099 = arith.constant 0 : i32
    %dma_start3A_1100 = tpu.memref_slice %arg9[%dma_start3A_1093, %dma_start3A_1099] : memref<4x128xi32, #tpu.memory_space<vmem>> -> memref<1x128xi32, #tpu.memory_space<vmem>>
    %dma_start3A_1101 = tpu.memref_squeeze %dma_start3A_1100 : memref<1x128xi32, #tpu.memory_space<vmem>> -> memref<128xi32, #tpu.memory_space<vmem>>
    %dma_start3A_1102 = arith.constant 0 : i32
    %dma_start3A_1103 = arith.constant 0 : i32
    %dma_start3A_1104 = tpu.memref_slice %arg4[%dma_start3A_1102, %dma_start3A_1103] : memref<126976x128xi32, #tpu.memory_space<hbm>> -> memref<126976x128xi32, #tpu.memory_space<hbm>>
    tpu.enqueue_indirect_dma source(%dma_start3A_1104 : memref<126976x128xi32, #tpu.memory_space<hbm>>) target(%dma_start3A_1098 : memref<128x128xi32, #tpu.memory_space<vmem>>) offsets(%dma_start3A_1101 : memref<128xi32, #tpu.memory_space<vmem>>) semaphore(%arg13 : memref<!tpu.dma_semaphore, #tpu.memory_space<semaphore_mem>>)
    %dma_wait3A_1105 = arith.constant 1 : i32
    %dma_wait3A_1106 = arith.constant 1 : i32
    %dma_wait3A_1107 = arith.constant 0 : i32
    %dma_wait3A_1108 = arith.constant 0 : i32
    %dma_wait3A_1109 = tpu.memref_slice %arg11[%dma_wait3A_1106, %dma_wait3A_1107, %dma_wait3A_1108] : memref<2x128x128xi32, #tpu.memory_space<vmem>> -> memref<1x128x128xi32, #tpu.memory_space<vmem>>
    %dma_wait3A_1110 = tpu.memref_squeeze %dma_wait3A_1109 : memref<1x128x128xi32, #tpu.memory_space<vmem>> -> memref<128x128xi32, #tpu.memory_space<vmem>>
    %dma_wait3A_1111 = arith.constant 0 : i32
    %dma_wait3A_1112 = tpu.memref_slice %arg9[%dma_wait3A_1105, %dma_wait3A_1111] : memref<4x128xi32, #tpu.memory_space<vmem>> -> memref<1x128xi32, #tpu.memory_space<vmem>>
    %dma_wait3A_1113 = tpu.memref_squeeze %dma_wait3A_1112 : memref<1x128xi32, #tpu.memory_space<vmem>> -> memref<128xi32, #tpu.memory_space<vmem>>
    %dma_wait3A_1114 = arith.constant 0 : i32
    %dma_wait3A_1115 = arith.constant 0 : i32
    %dma_wait3A_1116 = tpu.memref_slice %arg4[%dma_wait3A_1114, %dma_wait3A_1115] : memref<126976x128xi32, #tpu.memory_space<hbm>> -> memref<126976x128xi32, #tpu.memory_space<hbm>>
    tpu.wait_indirect_dma semaphore(%arg13 : memref<!tpu.dma_semaphore, #tpu.memory_space<semaphore_mem>>) src(%dma_wait3A_1116 : memref<126976x128xi32, #tpu.memory_space<hbm>>) dst(%dma_wait3A_1110 : memref<128x128xi32, #tpu.memory_space<vmem>>)
    %scan3A_1117 = arith.constant 0 : i32
    %scan3A_1118 = arith.constant 1 : i32
    %scan3A_1119 = arith.constant 0 : i32
    %scan3A_1120 = arith.constant 8 : i32
    %scan3A_1121 = arith.addi %scan3A_1119, %scan3A_1120 : i32
    %scan3A_1122 = arith.constant 1 : i32
    scf.for %scan3A_2354 = %scan3A_1119 to %scan3A_1121 step %scan3A_1122  : i32 {
      %mul3A_2355 = arith.constant 16 : i32
      %mul3A_2356 = arith.muli %scan3A_2354, %mul3A_2355 : i32
      %add3A_2357 = vector.broadcast %mul3A_2356 : i32 to vector<16xi32>
      %add3A_2358 = arith.addi %iota3A, %add3A_2357 : vector<16xi32>
      %add3A_2359 = arith.constant 128 : i32
      %add3A_2360 = arith.addi %add3A_2359, %mul3A_2356 : i32
      %get3A_2361 = arith.index_cast %add3A_2360 : i32 to index
      %get3A_2362 = tpu.vector_load %arg10[%get3A_2361] {strides = array<i32>} : memref<512xi32, #tpu.memory_space<vmem>>, vector<16xi32>,
      %add3A_2363 = arith.constant 0 : i32
      %add3A_2364 = vector.broadcast %add3A_2363 : i32 to vector<16xi32>
      %add3A_2365 = arith.addi %get3A_2362, %add3A_2364 : vector<16xi32>
      %gather3A = arith.constant 0 : i32
      %gather3A_2366 = arith.constant 0 : i32
      %gather3A_2367 = tpu.memref_slice %arg11[%scan3A_1118, %gather3A, %gather3A_2366] : memref<2x128x128xi32, #tpu.memory_space<vmem>> -> memref<1x128x128xi32, #tpu.memory_space<vmem>>
      %gather3A_2368 = tpu.memref_squeeze %gather3A_2367 : memref<1x128x128xi32, #tpu.memory_space<vmem>> -> memref<128x128xi32, #tpu.memory_space<vmem>>
      %gather3A_2369 = tpu.vector_load_idx %gather3A_2368[%add3A_2358, %add3A_2365] : memref<128x128xi32, #tpu.memory_space<vmem>>[vector<16xi32>, vector<16xi32>], vector<16xi32>,
      %add3A_2370 = arith.constant 1 : i32
      %add3A_2371 = vector.broadcast %add3A_2370 : i32 to vector<16xi32>
      %add3A_2372 = arith.addi %get3A_2362, %add3A_2371 : vector<16xi32>
      %gather3A_2373 = arith.constant 0 : i32
      %gather3A_2374 = arith.constant 0 : i32
      %gather3A_2375 = tpu.memref_slice %arg11[%scan3A_1118, %gather3A_2373, %gather3A_2374] : memref<2x128x128xi32, #tpu.memory_space<vmem>> -> memref<1x128x128xi32, #tpu.memory_space<vmem>>
      %gather3A_2376 = tpu.memref_squeeze %gather3A_2375 : memref<1x128x128xi32, #tpu.memory_space<vmem>> -> memref<128x128xi32, #tpu.memory_space<vmem>>
      %gather3A_2377 = tpu.vector_load_idx %gather3A_2376[%add3A_2358, %add3A_2372] : memref<128x128xi32, #tpu.memory_space<vmem>>[vector<16xi32>, vector<16xi32>], vector<16xi32>,
      %add3A_2378 = arith.constant 2 : i32
      %add3A_2379 = vector.broadcast %add3A_2378 : i32 to vector<16xi32>
      %add3A_2380 = arith.addi %get3A_2362, %add3A_2379 : vector<16xi32>
      %gather3A_2381 = arith.constant 0 : i32
      %gather3A_2382 = arith.constant 0 : i32
      %gather3A_2383 = tpu.memref_slice %arg11[%scan3A_1118, %gather3A_2381, %gather3A_2382] : memref<2x128x128xi32, #tpu.memory_space<vmem>> -> memref<1x128x128xi32, #tpu.memory_space<vmem>>
      %gather3A_2384 = tpu.memref_squeeze %gather3A_2383 : memref<1x128x128xi32, #tpu.memory_space<vmem>> -> memref<128x128xi32, #tpu.memory_space<vmem>>
      %gather3A_2385 = tpu.vector_load_idx %gather3A_2384[%add3A_2358, %add3A_2380] : memref<128x128xi32, #tpu.memory_space<vmem>>[vector<16xi32>, vector<16xi32>], vector<16xi32>,
      %add3A_2386 = arith.constant 3 : i32
      %add3A_2387 = vector.broadcast %add3A_2386 : i32 to vector<16xi32>
      %add3A_2388 = arith.addi %get3A_2362, %add3A_2387 : vector<16xi32>
      %gather3A_2389 = arith.constant 0 : i32
      %gather3A_2390 = arith.constant 0 : i32
      %gather3A_2391 = tpu.memref_slice %arg11[%scan3A_1118, %gather3A_2389, %gather3A_2390] : memref<2x128x128xi32, #tpu.memory_space<vmem>> -> memref<1x128x128xi32, #tpu.memory_space<vmem>>
      %gather3A_2392 = tpu.memref_squeeze %gather3A_2391 : memref<1x128x128xi32, #tpu.memory_space<vmem>> -> memref<128x128xi32, #tpu.memory_space<vmem>>
      %gather3A_2393 = tpu.vector_load_idx %gather3A_2392[%add3A_2358, %add3A_2388] : memref<128x128xi32, #tpu.memory_space<vmem>>[vector<16xi32>, vector<16xi32>], vector<16xi32>,
      %add3A_2394 = arith.constant 4 : i32
      %add3A_2395 = vector.broadcast %add3A_2394 : i32 to vector<16xi32>
      %add3A_2396 = arith.addi %get3A_2362, %add3A_2395 : vector<16xi32>
      %gather3A_2397 = arith.constant 0 : i32
      %gather3A_2398 = arith.constant 0 : i32
      %gather3A_2399 = tpu.memref_slice %arg11[%scan3A_1118, %gather3A_2397, %gather3A_2398] : memref<2x128x128xi32, #tpu.memory_space<vmem>> -> memref<1x128x128xi32, #tpu.memory_space<vmem>>
      %gather3A_2400 = tpu.memref_squeeze %gather3A_2399 : memref<1x128x128xi32, #tpu.memory_space<vmem>> -> memref<128x128xi32, #tpu.memory_space<vmem>>
      %gather3A_2401 = tpu.vector_load_idx %gather3A_2400[%add3A_2358, %add3A_2396] : memref<128x128xi32, #tpu.memory_space<vmem>>[vector<16xi32>, vector<16xi32>], vector<16xi32>,
      %add3A_2402 = arith.constant 5 : i32
      %add3A_2403 = vector.broadcast %add3A_2402 : i32 to vector<16xi32>
      %add3A_2404 = arith.addi %get3A_2362, %add3A_2403 : vector<16xi32>
      %gather3A_2405 = arith.constant 0 : i32
      %gather3A_2406 = arith.constant 0 : i32
      %gather3A_2407 = tpu.memref_slice %arg11[%scan3A_1118, %gather3A_2405, %gather3A_2406] : memref<2x128x128xi32, #tpu.memory_space<vmem>> -> memref<1x128x128xi32, #tpu.memory_space<vmem>>
      %gather3A_2408 = tpu.memref_squeeze %gather3A_2407 : memref<1x128x128xi32, #tpu.memory_space<vmem>> -> memref<128x128xi32, #tpu.memory_space<vmem>>
      %gather3A_2409 = tpu.vector_load_idx %gather3A_2408[%add3A_2358, %add3A_2404] : memref<128x128xi32, #tpu.memory_space<vmem>>[vector<16xi32>, vector<16xi32>], vector<16xi32>,
      %add3A_2410 = arith.constant 6 : i32
      %add3A_2411 = vector.broadcast %add3A_2410 : i32 to vector<16xi32>
      %add3A_2412 = arith.addi %get3A_2362, %add3A_2411 : vector<16xi32>
      %gather3A_2413 = arith.constant 0 : i32
      %gather3A_2414 = arith.constant 0 : i32
      %gather3A_2415 = tpu.memref_slice %arg11[%scan3A_1118, %gather3A_2413, %gather3A_2414] : memref<2x128x128xi32, #tpu.memory_space<vmem>> -> memref<1x128x128xi32, #tpu.memory_space<vmem>>
      %gather3A_2416 = tpu.memref_squeeze %gather3A_2415 : memref<1x128x128xi32, #tpu.memory_space<vmem>> -> memref<128x128xi32, #tpu.memory_space<vmem>>
      %gather3A_2417 = tpu.vector_load_idx %gather3A_2416[%add3A_2358, %add3A_2412] : memref<128x128xi32, #tpu.memory_space<vmem>>[vector<16xi32>, vector<16xi32>], vector<16xi32>,
      %add3A_2418 = arith.constant 7 : i32
      %add3A_2419 = vector.broadcast %add3A_2418 : i32 to vector<16xi32>
      %add3A_2420 = arith.addi %get3A_2362, %add3A_2419 : vector<16xi32>
      %gather3A_2421 = arith.constant 0 : i32
      %gather3A_2422 = arith.constant 0 : i32
      %gather3A_2423 = tpu.memref_slice %arg11[%scan3A_1118, %gather3A_2421, %gather3A_2422] : memref<2x128x128xi32, #tpu.memory_space<vmem>> -> memref<1x128x128xi32, #tpu.memory_space<vmem>>
      %gather3A_2424 = tpu.memref_squeeze %gather3A_2423 : memref<1x128x128xi32, #tpu.memory_space<vmem>> -> memref<128x128xi32, #tpu.memory_space<vmem>>
      %gather3A_2425 = tpu.vector_load_idx %gather3A_2424[%add3A_2358, %add3A_2420] : memref<128x128xi32, #tpu.memory_space<vmem>>[vector<16xi32>, vector<16xi32>], vector<16xi32>,
      %add3A_2426 = arith.constant 8 : i32
      %add3A_2427 = vector.broadcast %add3A_2426 : i32 to vector<16xi32>
      %add3A_2428 = arith.addi %get3A_2362, %add3A_2427 : vector<16xi32>
      %gather3A_2429 = arith.constant 0 : i32
      %gather3A_2430 = arith.constant 0 : i32
      %gather3A_2431 = tpu.memref_slice %arg11[%scan3A_1118, %gather3A_2429, %gather3A_2430] : memref<2x128x128xi32, #tpu.memory_space<vmem>> -> memref<1x128x128xi32, #tpu.memory_space<vmem>>
      %gather3A_2432 = tpu.memref_squeeze %gather3A_2431 : memref<1x128x128xi32, #tpu.memory_space<vmem>> -> memref<128x128xi32, #tpu.memory_space<vmem>>
      %gather3A_2433 = tpu.vector_load_idx %gather3A_2432[%add3A_2358, %add3A_2428] : memref<128x128xi32, #tpu.memory_space<vmem>>[vector<16xi32>, vector<16xi32>], vector<16xi32>,
      %add3A_2434 = arith.constant 9 : i32
      %add3A_2435 = vector.broadcast %add3A_2434 : i32 to vector<16xi32>
      %add3A_2436 = arith.addi %get3A_2362, %add3A_2435 : vector<16xi32>
      %gather3A_2437 = arith.constant 0 : i32
      %gather3A_2438 = arith.constant 0 : i32
      %gather3A_2439 = tpu.memref_slice %arg11[%scan3A_1118, %gather3A_2437, %gather3A_2438] : memref<2x128x128xi32, #tpu.memory_space<vmem>> -> memref<1x128x128xi32, #tpu.memory_space<vmem>>
      %gather3A_2440 = tpu.memref_squeeze %gather3A_2439 : memref<1x128x128xi32, #tpu.memory_space<vmem>> -> memref<128x128xi32, #tpu.memory_space<vmem>>
      %gather3A_2441 = tpu.vector_load_idx %gather3A_2440[%add3A_2358, %add3A_2436] : memref<128x128xi32, #tpu.memory_space<vmem>>[vector<16xi32>, vector<16xi32>], vector<16xi32>,
      %add3A_2442 = arith.constant 10 : i32
      %add3A_2443 = vector.broadcast %add3A_2442 : i32 to vector<16xi32>
      %add3A_2444 = arith.addi %get3A_2362, %add3A_2443 : vector<16xi32>
      %gather3A_2445 = arith.constant 0 : i32
      %gather3A_2446 = arith.constant 0 : i32
      %gather3A_2447 = tpu.memref_slice %arg11[%scan3A_1118, %gather3A_2445, %gather3A_2446] : memref<2x128x128xi32, #tpu.memory_space<vmem>> -> memref<1x128x128xi32, #tpu.memory_space<vmem>>
      %gather3A_2448 = tpu.memref_squeeze %gather3A_2447 : memref<1x128x128xi32, #tpu.memory_space<vmem>> -> memref<128x128xi32, #tpu.memory_space<vmem>>
      %gather3A_2449 = tpu.vector_load_idx %gather3A_2448[%add3A_2358, %add3A_2444] : memref<128x128xi32, #tpu.memory_space<vmem>>[vector<16xi32>, vector<16xi32>], vector<16xi32>,
      %add3A_2450 = arith.constant 11 : i32
      %add3A_2451 = vector.broadcast %add3A_2450 : i32 to vector<16xi32>
      %add3A_2452 = arith.addi %get3A_2362, %add3A_2451 : vector<16xi32>
      %gather3A_2453 = arith.constant 0 : i32
      %gather3A_2454 = arith.constant 0 : i32
      %gather3A_2455 = tpu.memref_slice %arg11[%scan3A_1118, %gather3A_2453, %gather3A_2454] : memref<2x128x128xi32, #tpu.memory_space<vmem>> -> memref<1x128x128xi32, #tpu.memory_space<vmem>>
      %gather3A_2456 = tpu.memref_squeeze %gather3A_2455 : memref<1x128x128xi32, #tpu.memory_space<vmem>> -> memref<128x128xi32, #tpu.memory_space<vmem>>
      %gather3A_2457 = tpu.vector_load_idx %gather3A_2456[%add3A_2358, %add3A_2452] : memref<128x128xi32, #tpu.memory_space<vmem>>[vector<16xi32>, vector<16xi32>], vector<16xi32>,
      %add3A_2458 = arith.constant 12 : i32
      %add3A_2459 = vector.broadcast %add3A_2458 : i32 to vector<16xi32>
      %add3A_2460 = arith.addi %get3A_2362, %add3A_2459 : vector<16xi32>
      %gather3A_2461 = arith.constant 0 : i32
      %gather3A_2462 = arith.constant 0 : i32
      %gather3A_2463 = tpu.memref_slice %arg11[%scan3A_1118, %gather3A_2461, %gather3A_2462] : memref<2x128x128xi32, #tpu.memory_space<vmem>> -> memref<1x128x128xi32, #tpu.memory_space<vmem>>
      %gather3A_2464 = tpu.memref_squeeze %gather3A_2463 : memref<1x128x128xi32, #tpu.memory_space<vmem>> -> memref<128x128xi32, #tpu.memory_space<vmem>>
      %gather3A_2465 = tpu.vector_load_idx %gather3A_2464[%add3A_2358, %add3A_2460] : memref<128x128xi32, #tpu.memory_space<vmem>>[vector<16xi32>, vector<16xi32>], vector<16xi32>,
      %add3A_2466 = arith.constant 13 : i32
      %add3A_2467 = vector.broadcast %add3A_2466 : i32 to vector<16xi32>
      %add3A_2468 = arith.addi %get3A_2362, %add3A_2467 : vector<16xi32>
      %gather3A_2469 = arith.constant 0 : i32
      %gather3A_2470 = arith.constant 0 : i32
      %gather3A_2471 = tpu.memref_slice %arg11[%scan3A_1118, %gather3A_2469, %gather3A_2470] : memref<2x128x128xi32, #tpu.memory_space<vmem>> -> memref<1x128x128xi32, #tpu.memory_space<vmem>>
      %gather3A_2472 = tpu.memref_squeeze %gather3A_2471 : memref<1x128x128xi32, #tpu.memory_space<vmem>> -> memref<128x128xi32, #tpu.memory_space<vmem>>
      %gather3A_2473 = tpu.vector_load_idx %gather3A_2472[%add3A_2358, %add3A_2468] : memref<128x128xi32, #tpu.memory_space<vmem>>[vector<16xi32>, vector<16xi32>], vector<16xi32>,
      %add3A_2474 = arith.constant 14 : i32
      %add3A_2475 = vector.broadcast %add3A_2474 : i32 to vector<16xi32>
      %add3A_2476 = arith.addi %get3A_2362, %add3A_2475 : vector<16xi32>
      %gather3A_2477 = arith.constant 0 : i32
      %gather3A_2478 = arith.constant 0 : i32
      %gather3A_2479 = tpu.memref_slice %arg11[%scan3A_1118, %gather3A_2477, %gather3A_2478] : memref<2x128x128xi32, #tpu.memory_space<vmem>> -> memref<1x128x128xi32, #tpu.memory_space<vmem>>
      %gather3A_2480 = tpu.memref_squeeze %gather3A_2479 : memref<1x128x128xi32, #tpu.memory_space<vmem>> -> memref<128x128xi32, #tpu.memory_space<vmem>>
      %gather3A_2481 = tpu.vector_load_idx %gather3A_2480[%add3A_2358, %add3A_2476] : memref<128x128xi32, #tpu.memory_space<vmem>>[vector<16xi32>, vector<16xi32>], vector<16xi32>,
      %add3A_2482 = arith.constant 15 : i32
      %add3A_2483 = vector.broadcast %add3A_2482 : i32 to vector<16xi32>
      %add3A_2484 = arith.addi %get3A_2362, %add3A_2483 : vector<16xi32>
      %gather3A_2485 = arith.constant 0 : i32
      %gather3A_2486 = arith.constant 0 : i32
      %gather3A_2487 = tpu.memref_slice %arg11[%scan3A_1118, %gather3A_2485, %gather3A_2486] : memref<2x128x128xi32, #tpu.memory_space<vmem>> -> memref<1x128x128xi32, #tpu.memory_space<vmem>>
      %gather3A_2488 = tpu.memref_squeeze %gather3A_2487 : memref<1x128x128xi32, #tpu.memory_space<vmem>> -> memref<128x128xi32, #tpu.memory_space<vmem>>
      %gather3A_2489 = tpu.vector_load_idx %gather3A_2488[%add3A_2358, %add3A_2484] : memref<128x128xi32, #tpu.memory_space<vmem>>[vector<16xi32>, vector<16xi32>], vector<16xi32>,
      %broadcast_in_dim3A = arith.constant 0 : i32
      %broadcast_in_dim3A_2490 = vector.broadcast %broadcast_in_dim3A : i32 to vector<16xi32>
      %add3A_2491 = arith.constant 128 : i32
      %add3A_2492 = vector.broadcast %add3A_2491 : i32 to vector<16xi32>
      %add3A_2493 = arith.addi %add3A_2358, %add3A_2492 : vector<16xi32>
      tpu.vector_store_idx %arg12[%broadcast_in_dim3A_2490, %add3A_2493], %gather3A_2369 : memref<16x512xi32, #tpu.memory_space<vmem>>[vector<16xi32>, vector<16xi32>], vector<16xi32>,
      %broadcast_in_dim3A_2494 = arith.constant 1 : i32
      %broadcast_in_dim3A_2495 = vector.broadcast %broadcast_in_dim3A_2494 : i32 to vector<16xi32>
      %add3A_2496 = arith.constant 128 : i32
      %add3A_2497 = vector.broadcast %add3A_2496 : i32 to vector<16xi32>
      %add3A_2498 = arith.addi %add3A_2358, %add3A_2497 : vector<16xi32>
      tpu.vector_store_idx %arg12[%broadcast_in_dim3A_2495, %add3A_2498], %gather3A_2377 : memref<16x512xi32, #tpu.memory_space<vmem>>[vector<16xi32>, vector<16xi32>], vector<16xi32>,
      %broadcast_in_dim3A_2499 = arith.constant 2 : i32
      %broadcast_in_dim3A_2500 = vector.broadcast %broadcast_in_dim3A_2499 : i32 to vector<16xi32>
      %add3A_2501 = arith.constant 128 : i32
      %add3A_2502 = vector.broadcast %add3A_2501 : i32 to vector<16xi32>
      %add3A_2503 = arith.addi %add3A_2358, %add3A_2502 : vector<16xi32>
      tpu.vector_store_idx %arg12[%broadcast_in_dim3A_2500, %add3A_2503], %gather3A_2385 : memref<16x512xi32, #tpu.memory_space<vmem>>[vector<16xi32>, vector<16xi32>], vector<16xi32>,
      %broadcast_in_dim3A_2504 = arith.constant 3 : i32
      %broadcast_in_dim3A_2505 = vector.broadcast %broadcast_in_dim3A_2504 : i32 to vector<16xi32>
      %add3A_2506 = arith.constant 128 : i32
      %add3A_2507 = vector.broadcast %add3A_2506 : i32 to vector<16xi32>
      %add3A_2508 = arith.addi %add3A_2358, %add3A_2507 : vector<16xi32>
      tpu.vector_store_idx %arg12[%broadcast_in_dim3A_2505, %add3A_2508], %gather3A_2393 : memref<16x512xi32, #tpu.memory_space<vmem>>[vector<16xi32>, vector<16xi32>], vector<16xi32>,
      %broadcast_in_dim3A_2509 = arith.constant 4 : i32
      %broadcast_in_dim3A_2510 = vector.broadcast %broadcast_in_dim3A_2509 : i32 to vector<16xi32>
      %add3A_2511 = arith.constant 128 : i32
      %add3A_2512 = vector.broadcast %add3A_2511 : i32 to vector<16xi32>
      %add3A_2513 = arith.addi %add3A_2358, %add3A_2512 : vector<16xi32>
      tpu.vector_store_idx %arg12[%broadcast_in_dim3A_2510, %add3A_2513], %gather3A_2401 : memref<16x512xi32, #tpu.memory_space<vmem>>[vector<16xi32>, vector<16xi32>], vector<16xi32>,
      %broadcast_in_dim3A_2514 = arith.constant 5 : i32
      %broadcast_in_dim3A_2515 = vector.broadcast %broadcast_in_dim3A_2514 : i32 to vector<16xi32>
      %add3A_2516 = arith.constant 128 : i32
      %add3A_2517 = vector.broadcast %add3A_2516 : i32 to vector<16xi32>
      %add3A_2518 = arith.addi %add3A_2358, %add3A_2517 : vector<16xi32>
      tpu.vector_store_idx %arg12[%broadcast_in_dim3A_2515, %add3A_2518], %gather3A_2409 : memref<16x512xi32, #tpu.memory_space<vmem>>[vector<16xi32>, vector<16xi32>], vector<16xi32>,
      %broadcast_in_dim3A_2519 = arith.constant 6 : i32
      %broadcast_in_dim3A_2520 = vector.broadcast %broadcast_in_dim3A_2519 : i32 to vector<16xi32>
      %add3A_2521 = arith.constant 128 : i32
      %add3A_2522 = vector.broadcast %add3A_2521 : i32 to vector<16xi32>
      %add3A_2523 = arith.addi %add3A_2358, %add3A_2522 : vector<16xi32>
      tpu.vector_store_idx %arg12[%broadcast_in_dim3A_2520, %add3A_2523], %gather3A_2417 : memref<16x512xi32, #tpu.memory_space<vmem>>[vector<16xi32>, vector<16xi32>], vector<16xi32>,
      %broadcast_in_dim3A_2524 = arith.constant 7 : i32
      %broadcast_in_dim3A_2525 = vector.broadcast %broadcast_in_dim3A_2524 : i32 to vector<16xi32>
      %add3A_2526 = arith.constant 128 : i32
      %add3A_2527 = vector.broadcast %add3A_2526 : i32 to vector<16xi32>
      %add3A_2528 = arith.addi %add3A_2358, %add3A_2527 : vector<16xi32>
      tpu.vector_store_idx %arg12[%broadcast_in_dim3A_2525, %add3A_2528], %gather3A_2425 : memref<16x512xi32, #tpu.memory_space<vmem>>[vector<16xi32>, vector<16xi32>], vector<16xi32>,
      %broadcast_in_dim3A_2529 = arith.constant 8 : i32
      %broadcast_in_dim3A_2530 = vector.broadcast %broadcast_in_dim3A_2529 : i32 to vector<16xi32>
      %add3A_2531 = arith.constant 128 : i32
      %add3A_2532 = vector.broadcast %add3A_2531 : i32 to vector<16xi32>
      %add3A_2533 = arith.addi %add3A_2358, %add3A_2532 : vector<16xi32>
      tpu.vector_store_idx %arg12[%broadcast_in_dim3A_2530, %add3A_2533], %gather3A_2433 : memref<16x512xi32, #tpu.memory_space<vmem>>[vector<16xi32>, vector<16xi32>], vector<16xi32>,
      %broadcast_in_dim3A_2534 = arith.constant 9 : i32
      %broadcast_in_dim3A_2535 = vector.broadcast %broadcast_in_dim3A_2534 : i32 to vector<16xi32>
      %add3A_2536 = arith.constant 128 : i32
      %add3A_2537 = vector.broadcast %add3A_2536 : i32 to vector<16xi32>
      %add3A_2538 = arith.addi %add3A_2358, %add3A_2537 : vector<16xi32>
      tpu.vector_store_idx %arg12[%broadcast_in_dim3A_2535, %add3A_2538], %gather3A_2441 : memref<16x512xi32, #tpu.memory_space<vmem>>[vector<16xi32>, vector<16xi32>], vector<16xi32>,
      %broadcast_in_dim3A_2539 = arith.constant 10 : i32
      %broadcast_in_dim3A_2540 = vector.broadcast %broadcast_in_dim3A_2539 : i32 to vector<16xi32>
      %add3A_2541 = arith.constant 128 : i32
      %add3A_2542 = vector.broadcast %add3A_2541 : i32 to vector<16xi32>
      %add3A_2543 = arith.addi %add3A_2358, %add3A_2542 : vector<16xi32>
      tpu.vector_store_idx %arg12[%broadcast_in_dim3A_2540, %add3A_2543], %gather3A_2449 : memref<16x512xi32, #tpu.memory_space<vmem>>[vector<16xi32>, vector<16xi32>], vector<16xi32>,
      %broadcast_in_dim3A_2544 = arith.constant 11 : i32
      %broadcast_in_dim3A_2545 = vector.broadcast %broadcast_in_dim3A_2544 : i32 to vector<16xi32>
      %add3A_2546 = arith.constant 128 : i32
      %add3A_2547 = vector.broadcast %add3A_2546 : i32 to vector<16xi32>
      %add3A_2548 = arith.addi %add3A_2358, %add3A_2547 : vector<16xi32>
      tpu.vector_store_idx %arg12[%broadcast_in_dim3A_2545, %add3A_2548], %gather3A_2457 : memref<16x512xi32, #tpu.memory_space<vmem>>[vector<16xi32>, vector<16xi32>], vector<16xi32>,
      %broadcast_in_dim3A_2549 = arith.constant 12 : i32
      %broadcast_in_dim3A_2550 = vector.broadcast %broadcast_in_dim3A_2549 : i32 to vector<16xi32>
      %add3A_2551 = arith.constant 128 : i32
      %add3A_2552 = vector.broadcast %add3A_2551 : i32 to vector<16xi32>
      %add3A_2553 = arith.addi %add3A_2358, %add3A_2552 : vector<16xi32>
      tpu.vector_store_idx %arg12[%broadcast_in_dim3A_2550, %add3A_2553], %gather3A_2465 : memref<16x512xi32, #tpu.memory_space<vmem>>[vector<16xi32>, vector<16xi32>], vector<16xi32>,
      %broadcast_in_dim3A_2554 = arith.constant 13 : i32
      %broadcast_in_dim3A_2555 = vector.broadcast %broadcast_in_dim3A_2554 : i32 to vector<16xi32>
      %add3A_2556 = arith.constant 128 : i32
      %add3A_2557 = vector.broadcast %add3A_2556 : i32 to vector<16xi32>
      %add3A_2558 = arith.addi %add3A_2358, %add3A_2557 : vector<16xi32>
      tpu.vector_store_idx %arg12[%broadcast_in_dim3A_2555, %add3A_2558], %gather3A_2473 : memref<16x512xi32, #tpu.memory_space<vmem>>[vector<16xi32>, vector<16xi32>], vector<16xi32>,
      %broadcast_in_dim3A_2559 = arith.constant 14 : i32
      %broadcast_in_dim3A_2560 = vector.broadcast %broadcast_in_dim3A_2559 : i32 to vector<16xi32>
      %add3A_2561 = arith.constant 128 : i32
      %add3A_2562 = vector.broadcast %add3A_2561 : i32 to vector<16xi32>
      %add3A_2563 = arith.addi %add3A_2358, %add3A_2562 : vector<16xi32>
      tpu.vector_store_idx %arg12[%broadcast_in_dim3A_2560, %add3A_2563], %gather3A_2481 : memref<16x512xi32, #tpu.memory_space<vmem>>[vector<16xi32>, vector<16xi32>], vector<16xi32>,
      %broadcast_in_dim3A_2564 = arith.constant 15 : i32
      %broadcast_in_dim3A_2565 = vector.broadcast %broadcast_in_dim3A_2564 : i32 to vector<16xi32>
      %add3A_2566 = arith.constant 128 : i32
      %add3A_2567 = vector.broadcast %add3A_2566 : i32 to vector<16xi32>
      %add3A_2568 = arith.addi %add3A_2358, %add3A_2567 : vector<16xi32>
      tpu.vector_store_idx %arg12[%broadcast_in_dim3A_2565, %add3A_2568], %gather3A_2489 : memref<16x512xi32, #tpu.memory_space<vmem>>[vector<16xi32>, vector<16xi32>], vector<16xi32>,
    }
    %scan3A_1123 = arith.constant 8 : i32
    %dma_start3A_1124 = arith.constant 3 : i32
    %dma_start3A_1125 = arith.constant 1 : i32
    %dma_start3A_1126 = arith.constant 0 : i32
    %dma_start3A_1127 = arith.constant 0 : i32
    %dma_start3A_1128 = tpu.memref_slice %arg11[%dma_start3A_1125, %dma_start3A_1126, %dma_start3A_1127] : memref<2x128x128xi32, #tpu.memory_space<vmem>> -> memref<1x128x128xi32, #tpu.memory_space<vmem>>
    %dma_start3A_1129 = tpu.memref_squeeze %dma_start3A_1128 : memref<1x128x128xi32, #tpu.memory_space<vmem>> -> memref<128x128xi32, #tpu.memory_space<vmem>>
    %dma_start3A_1130 = arith.constant 0 : i32
    %dma_start3A_1131 = tpu.memref_slice %arg9[%dma_start3A_1124, %dma_start3A_1130] : memref<4x128xi32, #tpu.memory_space<vmem>> -> memref<1x128xi32, #tpu.memory_space<vmem>>
    %dma_start3A_1132 = tpu.memref_squeeze %dma_start3A_1131 : memref<1x128xi32, #tpu.memory_space<vmem>> -> memref<128xi32, #tpu.memory_space<vmem>>
    %dma_start3A_1133 = arith.constant 0 : i32
    %dma_start3A_1134 = arith.constant 0 : i32
    %dma_start3A_1135 = tpu.memref_slice %arg4[%dma_start3A_1133, %dma_start3A_1134] : memref<126976x128xi32, #tpu.memory_space<hbm>> -> memref<126976x128xi32, #tpu.memory_space<hbm>>
    tpu.enqueue_indirect_dma source(%dma_start3A_1135 : memref<126976x128xi32, #tpu.memory_space<hbm>>) target(%dma_start3A_1129 : memref<128x128xi32, #tpu.memory_space<vmem>>) offsets(%dma_start3A_1132 : memref<128xi32, #tpu.memory_space<vmem>>) semaphore(%arg13 : memref<!tpu.dma_semaphore, #tpu.memory_space<semaphore_mem>>)
    %dma_wait3A_1136 = arith.constant 2 : i32
    %dma_wait3A_1137 = arith.constant 0 : i32
    %dma_wait3A_1138 = arith.constant 0 : i32
    %dma_wait3A_1139 = arith.constant 0 : i32
    %dma_wait3A_1140 = tpu.memref_slice %arg11[%dma_wait3A_1137, %dma_wait3A_1138, %dma_wait3A_1139] : memref<2x128x128xi32, #tpu.memory_space<vmem>> -> memref<1x128x128xi32, #tpu.memory_space<vmem>>
    %dma_wait3A_1141 = tpu.memref_squeeze %dma_wait3A_1140 : memref<1x128x128xi32, #tpu.memory_space<vmem>> -> memref<128x128xi32, #tpu.memory_space<vmem>>
    %dma_wait3A_1142 = arith.constant 0 : i32
    %dma_wait3A_1143 = tpu.memref_slice %arg9[%dma_wait3A_1136, %dma_wait3A_1142] : memref<4x128xi32, #tpu.memory_space<vmem>> -> memref<1x128xi32, #tpu.memory_space<vmem>>
    %dma_wait3A_1144 = tpu.memref_squeeze %dma_wait3A_1143 : memref<1x128xi32, #tpu.memory_space<vmem>> -> memref<128xi32, #tpu.memory_space<vmem>>
    %dma_wait3A_1145 = arith.constant 0 : i32
    %dma_wait3A_1146 = arith.constant 0 : i32
    %dma_wait3A_1147 = tpu.memref_slice %arg4[%dma_wait3A_1145, %dma_wait3A_1146] : memref<126976x128xi32, #tpu.memory_space<hbm>> -> memref<126976x128xi32, #tpu.memory_space<hbm>>
    tpu.wait_indirect_dma semaphore(%arg13 : memref<!tpu.dma_semaphore, #tpu.memory_space<semaphore_mem>>) src(%dma_wait3A_1147 : memref<126976x128xi32, #tpu.memory_space<hbm>>) dst(%dma_wait3A_1141 : memref<128x128xi32, #tpu.memory_space<vmem>>)
    %scan3A_1148 = arith.constant 0 : i32
    %scan3A_1149 = arith.constant 0 : i32
    %scan3A_1150 = arith.constant 0 : i32
    %scan3A_1151 = arith.constant 8 : i32
    %scan3A_1152 = arith.addi %scan3A_1150, %scan3A_1151 : i32
    %scan3A_1153 = arith.constant 1 : i32
    scf.for %scan3A_2354 = %scan3A_1150 to %scan3A_1152 step %scan3A_1153  : i32 {
      %mul3A_2355 = arith.constant 16 : i32
      %mul3A_2356 = arith.muli %scan3A_2354, %mul3A_2355 : i32
      %add3A_2357 = vector.broadcast %mul3A_2356 : i32 to vector<16xi32>
      %add3A_2358 = arith.addi %iota3A, %add3A_2357 : vector<16xi32>
      %add3A_2359 = arith.constant 256 : i32
      %add3A_2360 = arith.addi %add3A_2359, %mul3A_2356 : i32
      %get3A_2361 = arith.index_cast %add3A_2360 : i32 to index
      %get3A_2362 = tpu.vector_load %arg10[%get3A_2361] {strides = array<i32>} : memref<512xi32, #tpu.memory_space<vmem>>, vector<16xi32>,
      %add3A_2363 = arith.constant 0 : i32
      %add3A_2364 = vector.broadcast %add3A_2363 : i32 to vector<16xi32>
      %add3A_2365 = arith.addi %get3A_2362, %add3A_2364 : vector<16xi32>
      %gather3A = arith.constant 0 : i32
      %gather3A_2366 = arith.constant 0 : i32
      %gather3A_2367 = tpu.memref_slice %arg11[%scan3A_1149, %gather3A, %gather3A_2366] : memref<2x128x128xi32, #tpu.memory_space<vmem>> -> memref<1x128x128xi32, #tpu.memory_space<vmem>>
      %gather3A_2368 = tpu.memref_squeeze %gather3A_2367 : memref<1x128x128xi32, #tpu.memory_space<vmem>> -> memref<128x128xi32, #tpu.memory_space<vmem>>
      %gather3A_2369 = tpu.vector_load_idx %gather3A_2368[%add3A_2358, %add3A_2365] : memref<128x128xi32, #tpu.memory_space<vmem>>[vector<16xi32>, vector<16xi32>], vector<16xi32>,
      %add3A_2370 = arith.constant 1 : i32
      %add3A_2371 = vector.broadcast %add3A_2370 : i32 to vector<16xi32>
      %add3A_2372 = arith.addi %get3A_2362, %add3A_2371 : vector<16xi32>
      %gather3A_2373 = arith.constant 0 : i32
      %gather3A_2374 = arith.constant 0 : i32
      %gather3A_2375 = tpu.memref_slice %arg11[%scan3A_1149, %gather3A_2373, %gather3A_2374] : memref<2x128x128xi32, #tpu.memory_space<vmem>> -> memref<1x128x128xi32, #tpu.memory_space<vmem>>
      %gather3A_2376 = tpu.memref_squeeze %gather3A_2375 : memref<1x128x128xi32, #tpu.memory_space<vmem>> -> memref<128x128xi32, #tpu.memory_space<vmem>>
      %gather3A_2377 = tpu.vector_load_idx %gather3A_2376[%add3A_2358, %add3A_2372] : memref<128x128xi32, #tpu.memory_space<vmem>>[vector<16xi32>, vector<16xi32>], vector<16xi32>,
      %add3A_2378 = arith.constant 2 : i32
      %add3A_2379 = vector.broadcast %add3A_2378 : i32 to vector<16xi32>
      %add3A_2380 = arith.addi %get3A_2362, %add3A_2379 : vector<16xi32>
      %gather3A_2381 = arith.constant 0 : i32
      %gather3A_2382 = arith.constant 0 : i32
      %gather3A_2383 = tpu.memref_slice %arg11[%scan3A_1149, %gather3A_2381, %gather3A_2382] : memref<2x128x128xi32, #tpu.memory_space<vmem>> -> memref<1x128x128xi32, #tpu.memory_space<vmem>>
      %gather3A_2384 = tpu.memref_squeeze %gather3A_2383 : memref<1x128x128xi32, #tpu.memory_space<vmem>> -> memref<128x128xi32, #tpu.memory_space<vmem>>
      %gather3A_2385 = tpu.vector_load_idx %gather3A_2384[%add3A_2358, %add3A_2380] : memref<128x128xi32, #tpu.memory_space<vmem>>[vector<16xi32>, vector<16xi32>], vector<16xi32>,
      %add3A_2386 = arith.constant 3 : i32
      %add3A_2387 = vector.broadcast %add3A_2386 : i32 to vector<16xi32>
      %add3A_2388 = arith.addi %get3A_2362, %add3A_2387 : vector<16xi32>
      %gather3A_2389 = arith.constant 0 : i32
      %gather3A_2390 = arith.constant 0 : i32
      %gather3A_2391 = tpu.memref_slice %arg11[%scan3A_1149, %gather3A_2389, %gather3A_2390] : memref<2x128x128xi32, #tpu.memory_space<vmem>> -> memref<1x128x128xi32, #tpu.memory_space<vmem>>
      %gather3A_2392 = tpu.memref_squeeze %gather3A_2391 : memref<1x128x128xi32, #tpu.memory_space<vmem>> -> memref<128x128xi32, #tpu.memory_space<vmem>>
      %gather3A_2393 = tpu.vector_load_idx %gather3A_2392[%add3A_2358, %add3A_2388] : memref<128x128xi32, #tpu.memory_space<vmem>>[vector<16xi32>, vector<16xi32>], vector<16xi32>,
      %add3A_2394 = arith.constant 4 : i32
      %add3A_2395 = vector.broadcast %add3A_2394 : i32 to vector<16xi32>
      %add3A_2396 = arith.addi %get3A_2362, %add3A_2395 : vector<16xi32>
      %gather3A_2397 = arith.constant 0 : i32
      %gather3A_2398 = arith.constant 0 : i32
      %gather3A_2399 = tpu.memref_slice %arg11[%scan3A_1149, %gather3A_2397, %gather3A_2398] : memref<2x128x128xi32, #tpu.memory_space<vmem>> -> memref<1x128x128xi32, #tpu.memory_space<vmem>>
      %gather3A_2400 = tpu.memref_squeeze %gather3A_2399 : memref<1x128x128xi32, #tpu.memory_space<vmem>> -> memref<128x128xi32, #tpu.memory_space<vmem>>
      %gather3A_2401 = tpu.vector_load_idx %gather3A_2400[%add3A_2358, %add3A_2396] : memref<128x128xi32, #tpu.memory_space<vmem>>[vector<16xi32>, vector<16xi32>], vector<16xi32>,
      %add3A_2402 = arith.constant 5 : i32
      %add3A_2403 = vector.broadcast %add3A_2402 : i32 to vector<16xi32>
      %add3A_2404 = arith.addi %get3A_2362, %add3A_2403 : vector<16xi32>
      %gather3A_2405 = arith.constant 0 : i32
      %gather3A_2406 = arith.constant 0 : i32
      %gather3A_2407 = tpu.memref_slice %arg11[%scan3A_1149, %gather3A_2405, %gather3A_2406] : memref<2x128x128xi32, #tpu.memory_space<vmem>> -> memref<1x128x128xi32, #tpu.memory_space<vmem>>
      %gather3A_2408 = tpu.memref_squeeze %gather3A_2407 : memref<1x128x128xi32, #tpu.memory_space<vmem>> -> memref<128x128xi32, #tpu.memory_space<vmem>>
      %gather3A_2409 = tpu.vector_load_idx %gather3A_2408[%add3A_2358, %add3A_2404] : memref<128x128xi32, #tpu.memory_space<vmem>>[vector<16xi32>, vector<16xi32>], vector<16xi32>,
      %add3A_2410 = arith.constant 6 : i32
      %add3A_2411 = vector.broadcast %add3A_2410 : i32 to vector<16xi32>
      %add3A_2412 = arith.addi %get3A_2362, %add3A_2411 : vector<16xi32>
      %gather3A_2413 = arith.constant 0 : i32
      %gather3A_2414 = arith.constant 0 : i32
      %gather3A_2415 = tpu.memref_slice %arg11[%scan3A_1149, %gather3A_2413, %gather3A_2414] : memref<2x128x128xi32, #tpu.memory_space<vmem>> -> memref<1x128x128xi32, #tpu.memory_space<vmem>>
      %gather3A_2416 = tpu.memref_squeeze %gather3A_2415 : memref<1x128x128xi32, #tpu.memory_space<vmem>> -> memref<128x128xi32, #tpu.memory_space<vmem>>
      %gather3A_2417 = tpu.vector_load_idx %gather3A_2416[%add3A_2358, %add3A_2412] : memref<128x128xi32, #tpu.memory_space<vmem>>[vector<16xi32>, vector<16xi32>], vector<16xi32>,
      %add3A_2418 = arith.constant 7 : i32
      %add3A_2419 = vector.broadcast %add3A_2418 : i32 to vector<16xi32>
      %add3A_2420 = arith.addi %get3A_2362, %add3A_2419 : vector<16xi32>
      %gather3A_2421 = arith.constant 0 : i32
      %gather3A_2422 = arith.constant 0 : i32
      %gather3A_2423 = tpu.memref_slice %arg11[%scan3A_1149, %gather3A_2421, %gather3A_2422] : memref<2x128x128xi32, #tpu.memory_space<vmem>> -> memref<1x128x128xi32, #tpu.memory_space<vmem>>
      %gather3A_2424 = tpu.memref_squeeze %gather3A_2423 : memref<1x128x128xi32, #tpu.memory_space<vmem>> -> memref<128x128xi32, #tpu.memory_space<vmem>>
      %gather3A_2425 = tpu.vector_load_idx %gather3A_2424[%add3A_2358, %add3A_2420] : memref<128x128xi32, #tpu.memory_space<vmem>>[vector<16xi32>, vector<16xi32>], vector<16xi32>,
      %add3A_2426 = arith.constant 8 : i32
      %add3A_2427 = vector.broadcast %add3A_2426 : i32 to vector<16xi32>
      %add3A_2428 = arith.addi %get3A_2362, %add3A_2427 : vector<16xi32>
      %gather3A_2429 = arith.constant 0 : i32
      %gather3A_2430 = arith.constant 0 : i32
      %gather3A_2431 = tpu.memref_slice %arg11[%scan3A_1149, %gather3A_2429, %gather3A_2430] : memref<2x128x128xi32, #tpu.memory_space<vmem>> -> memref<1x128x128xi32, #tpu.memory_space<vmem>>
      %gather3A_2432 = tpu.memref_squeeze %gather3A_2431 : memref<1x128x128xi32, #tpu.memory_space<vmem>> -> memref<128x128xi32, #tpu.memory_space<vmem>>
      %gather3A_2433 = tpu.vector_load_idx %gather3A_2432[%add3A_2358, %add3A_2428] : memref<128x128xi32, #tpu.memory_space<vmem>>[vector<16xi32>, vector<16xi32>], vector<16xi32>,
      %add3A_2434 = arith.constant 9 : i32
      %add3A_2435 = vector.broadcast %add3A_2434 : i32 to vector<16xi32>
      %add3A_2436 = arith.addi %get3A_2362, %add3A_2435 : vector<16xi32>
      %gather3A_2437 = arith.constant 0 : i32
      %gather3A_2438 = arith.constant 0 : i32
      %gather3A_2439 = tpu.memref_slice %arg11[%scan3A_1149, %gather3A_2437, %gather3A_2438] : memref<2x128x128xi32, #tpu.memory_space<vmem>> -> memref<1x128x128xi32, #tpu.memory_space<vmem>>
      %gather3A_2440 = tpu.memref_squeeze %gather3A_2439 : memref<1x128x128xi32, #tpu.memory_space<vmem>> -> memref<128x128xi32, #tpu.memory_space<vmem>>
      %gather3A_2441 = tpu.vector_load_idx %gather3A_2440[%add3A_2358, %add3A_2436] : memref<128x128xi32, #tpu.memory_space<vmem>>[vector<16xi32>, vector<16xi32>], vector<16xi32>,
      %add3A_2442 = arith.constant 10 : i32
      %add3A_2443 = vector.broadcast %add3A_2442 : i32 to vector<16xi32>
      %add3A_2444 = arith.addi %get3A_2362, %add3A_2443 : vector<16xi32>
      %gather3A_2445 = arith.constant 0 : i32
      %gather3A_2446 = arith.constant 0 : i32
      %gather3A_2447 = tpu.memref_slice %arg11[%scan3A_1149, %gather3A_2445, %gather3A_2446] : memref<2x128x128xi32, #tpu.memory_space<vmem>> -> memref<1x128x128xi32, #tpu.memory_space<vmem>>
      %gather3A_2448 = tpu.memref_squeeze %gather3A_2447 : memref<1x128x128xi32, #tpu.memory_space<vmem>> -> memref<128x128xi32, #tpu.memory_space<vmem>>
      %gather3A_2449 = tpu.vector_load_idx %gather3A_2448[%add3A_2358, %add3A_2444] : memref<128x128xi32, #tpu.memory_space<vmem>>[vector<16xi32>, vector<16xi32>], vector<16xi32>,
      %add3A_2450 = arith.constant 11 : i32
      %add3A_2451 = vector.broadcast %add3A_2450 : i32 to vector<16xi32>
      %add3A_2452 = arith.addi %get3A_2362, %add3A_2451 : vector<16xi32>
      %gather3A_2453 = arith.constant 0 : i32
      %gather3A_2454 = arith.constant 0 : i32
      %gather3A_2455 = tpu.memref_slice %arg11[%scan3A_1149, %gather3A_2453, %gather3A_2454] : memref<2x128x128xi32, #tpu.memory_space<vmem>> -> memref<1x128x128xi32, #tpu.memory_space<vmem>>
      %gather3A_2456 = tpu.memref_squeeze %gather3A_2455 : memref<1x128x128xi32, #tpu.memory_space<vmem>> -> memref<128x128xi32, #tpu.memory_space<vmem>>
      %gather3A_2457 = tpu.vector_load_idx %gather3A_2456[%add3A_2358, %add3A_2452] : memref<128x128xi32, #tpu.memory_space<vmem>>[vector<16xi32>, vector<16xi32>], vector<16xi32>,
      %add3A_2458 = arith.constant 12 : i32
      %add3A_2459 = vector.broadcast %add3A_2458 : i32 to vector<16xi32>
      %add3A_2460 = arith.addi %get3A_2362, %add3A_2459 : vector<16xi32>
      %gather3A_2461 = arith.constant 0 : i32
      %gather3A_2462 = arith.constant 0 : i32
      %gather3A_2463 = tpu.memref_slice %arg11[%scan3A_1149, %gather3A_2461, %gather3A_2462] : memref<2x128x128xi32, #tpu.memory_space<vmem>> -> memref<1x128x128xi32, #tpu.memory_space<vmem>>
      %gather3A_2464 = tpu.memref_squeeze %gather3A_2463 : memref<1x128x128xi32, #tpu.memory_space<vmem>> -> memref<128x128xi32, #tpu.memory_space<vmem>>
      %gather3A_2465 = tpu.vector_load_idx %gather3A_2464[%add3A_2358, %add3A_2460] : memref<128x128xi32, #tpu.memory_space<vmem>>[vector<16xi32>, vector<16xi32>], vector<16xi32>,
      %add3A_2466 = arith.constant 13 : i32
      %add3A_2467 = vector.broadcast %add3A_2466 : i32 to vector<16xi32>
      %add3A_2468 = arith.addi %get3A_2362, %add3A_2467 : vector<16xi32>
      %gather3A_2469 = arith.constant 0 : i32
      %gather3A_2470 = arith.constant 0 : i32
      %gather3A_2471 = tpu.memref_slice %arg11[%scan3A_1149, %gather3A_2469, %gather3A_2470] : memref<2x128x128xi32, #tpu.memory_space<vmem>> -> memref<1x128x128xi32, #tpu.memory_space<vmem>>
      %gather3A_2472 = tpu.memref_squeeze %gather3A_2471 : memref<1x128x128xi32, #tpu.memory_space<vmem>> -> memref<128x128xi32, #tpu.memory_space<vmem>>
      %gather3A_2473 = tpu.vector_load_idx %gather3A_2472[%add3A_2358, %add3A_2468] : memref<128x128xi32, #tpu.memory_space<vmem>>[vector<16xi32>, vector<16xi32>], vector<16xi32>,
      %add3A_2474 = arith.constant 14 : i32
      %add3A_2475 = vector.broadcast %add3A_2474 : i32 to vector<16xi32>
      %add3A_2476 = arith.addi %get3A_2362, %add3A_2475 : vector<16xi32>
      %gather3A_2477 = arith.constant 0 : i32
      %gather3A_2478 = arith.constant 0 : i32
      %gather3A_2479 = tpu.memref_slice %arg11[%scan3A_1149, %gather3A_2477, %gather3A_2478] : memref<2x128x128xi32, #tpu.memory_space<vmem>> -> memref<1x128x128xi32, #tpu.memory_space<vmem>>
      %gather3A_2480 = tpu.memref_squeeze %gather3A_2479 : memref<1x128x128xi32, #tpu.memory_space<vmem>> -> memref<128x128xi32, #tpu.memory_space<vmem>>
      %gather3A_2481 = tpu.vector_load_idx %gather3A_2480[%add3A_2358, %add3A_2476] : memref<128x128xi32, #tpu.memory_space<vmem>>[vector<16xi32>, vector<16xi32>], vector<16xi32>,
      %add3A_2482 = arith.constant 15 : i32
      %add3A_2483 = vector.broadcast %add3A_2482 : i32 to vector<16xi32>
      %add3A_2484 = arith.addi %get3A_2362, %add3A_2483 : vector<16xi32>
      %gather3A_2485 = arith.constant 0 : i32
      %gather3A_2486 = arith.constant 0 : i32
      %gather3A_2487 = tpu.memref_slice %arg11[%scan3A_1149, %gather3A_2485, %gather3A_2486] : memref<2x128x128xi32, #tpu.memory_space<vmem>> -> memref<1x128x128xi32, #tpu.memory_space<vmem>>
      %gather3A_2488 = tpu.memref_squeeze %gather3A_2487 : memref<1x128x128xi32, #tpu.memory_space<vmem>> -> memref<128x128xi32, #tpu.memory_space<vmem>>
      %gather3A_2489 = tpu.vector_load_idx %gather3A_2488[%add3A_2358, %add3A_2484] : memref<128x128xi32, #tpu.memory_space<vmem>>[vector<16xi32>, vector<16xi32>], vector<16xi32>,
      %broadcast_in_dim3A = arith.constant 0 : i32
      %broadcast_in_dim3A_2490 = vector.broadcast %broadcast_in_dim3A : i32 to vector<16xi32>
      %add3A_2491 = arith.constant 256 : i32
      %add3A_2492 = vector.broadcast %add3A_2491 : i32 to vector<16xi32>
      %add3A_2493 = arith.addi %add3A_2358, %add3A_2492 : vector<16xi32>
      tpu.vector_store_idx %arg12[%broadcast_in_dim3A_2490, %add3A_2493], %gather3A_2369 : memref<16x512xi32, #tpu.memory_space<vmem>>[vector<16xi32>, vector<16xi32>], vector<16xi32>,
      %broadcast_in_dim3A_2494 = arith.constant 1 : i32
      %broadcast_in_dim3A_2495 = vector.broadcast %broadcast_in_dim3A_2494 : i32 to vector<16xi32>
      %add3A_2496 = arith.constant 256 : i32
      %add3A_2497 = vector.broadcast %add3A_2496 : i32 to vector<16xi32>
      %add3A_2498 = arith.addi %add3A_2358, %add3A_2497 : vector<16xi32>
      tpu.vector_store_idx %arg12[%broadcast_in_dim3A_2495, %add3A_2498], %gather3A_2377 : memref<16x512xi32, #tpu.memory_space<vmem>>[vector<16xi32>, vector<16xi32>], vector<16xi32>,
      %broadcast_in_dim3A_2499 = arith.constant 2 : i32
      %broadcast_in_dim3A_2500 = vector.broadcast %broadcast_in_dim3A_2499 : i32 to vector<16xi32>
      %add3A_2501 = arith.constant 256 : i32
      %add3A_2502 = vector.broadcast %add3A_2501 : i32 to vector<16xi32>
      %add3A_2503 = arith.addi %add3A_2358, %add3A_2502 : vector<16xi32>
      tpu.vector_store_idx %arg12[%broadcast_in_dim3A_2500, %add3A_2503], %gather3A_2385 : memref<16x512xi32, #tpu.memory_space<vmem>>[vector<16xi32>, vector<16xi32>], vector<16xi32>,
      %broadcast_in_dim3A_2504 = arith.constant 3 : i32
      %broadcast_in_dim3A_2505 = vector.broadcast %broadcast_in_dim3A_2504 : i32 to vector<16xi32>
      %add3A_2506 = arith.constant 256 : i32
      %add3A_2507 = vector.broadcast %add3A_2506 : i32 to vector<16xi32>
      %add3A_2508 = arith.addi %add3A_2358, %add3A_2507 : vector<16xi32>
      tpu.vector_store_idx %arg12[%broadcast_in_dim3A_2505, %add3A_2508], %gather3A_2393 : memref<16x512xi32, #tpu.memory_space<vmem>>[vector<16xi32>, vector<16xi32>], vector<16xi32>,
      %broadcast_in_dim3A_2509 = arith.constant 4 : i32
      %broadcast_in_dim3A_2510 = vector.broadcast %broadcast_in_dim3A_2509 : i32 to vector<16xi32>
      %add3A_2511 = arith.constant 256 : i32
      %add3A_2512 = vector.broadcast %add3A_2511 : i32 to vector<16xi32>
      %add3A_2513 = arith.addi %add3A_2358, %add3A_2512 : vector<16xi32>
      tpu.vector_store_idx %arg12[%broadcast_in_dim3A_2510, %add3A_2513], %gather3A_2401 : memref<16x512xi32, #tpu.memory_space<vmem>>[vector<16xi32>, vector<16xi32>], vector<16xi32>,
      %broadcast_in_dim3A_2514 = arith.constant 5 : i32
      %broadcast_in_dim3A_2515 = vector.broadcast %broadcast_in_dim3A_2514 : i32 to vector<16xi32>
      %add3A_2516 = arith.constant 256 : i32
      %add3A_2517 = vector.broadcast %add3A_2516 : i32 to vector<16xi32>
      %add3A_2518 = arith.addi %add3A_2358, %add3A_2517 : vector<16xi32>
      tpu.vector_store_idx %arg12[%broadcast_in_dim3A_2515, %add3A_2518], %gather3A_2409 : memref<16x512xi32, #tpu.memory_space<vmem>>[vector<16xi32>, vector<16xi32>], vector<16xi32>,
      %broadcast_in_dim3A_2519 = arith.constant 6 : i32
      %broadcast_in_dim3A_2520 = vector.broadcast %broadcast_in_dim3A_2519 : i32 to vector<16xi32>
      %add3A_2521 = arith.constant 256 : i32
      %add3A_2522 = vector.broadcast %add3A_2521 : i32 to vector<16xi32>
      %add3A_2523 = arith.addi %add3A_2358, %add3A_2522 : vector<16xi32>
      tpu.vector_store_idx %arg12[%broadcast_in_dim3A_2520, %add3A_2523], %gather3A_2417 : memref<16x512xi32, #tpu.memory_space<vmem>>[vector<16xi32>, vector<16xi32>], vector<16xi32>,
      %broadcast_in_dim3A_2524 = arith.constant 7 : i32
      %broadcast_in_dim3A_2525 = vector.broadcast %broadcast_in_dim3A_2524 : i32 to vector<16xi32>
      %add3A_2526 = arith.constant 256 : i32
      %add3A_2527 = vector.broadcast %add3A_2526 : i32 to vector<16xi32>
      %add3A_2528 = arith.addi %add3A_2358, %add3A_2527 : vector<16xi32>
      tpu.vector_store_idx %arg12[%broadcast_in_dim3A_2525, %add3A_2528], %gather3A_2425 : memref<16x512xi32, #tpu.memory_space<vmem>>[vector<16xi32>, vector<16xi32>], vector<16xi32>,
      %broadcast_in_dim3A_2529 = arith.constant 8 : i32
      %broadcast_in_dim3A_2530 = vector.broadcast %broadcast_in_dim3A_2529 : i32 to vector<16xi32>
      %add3A_2531 = arith.constant 256 : i32
      %add3A_2532 = vector.broadcast %add3A_2531 : i32 to vector<16xi32>
      %add3A_2533 = arith.addi %add3A_2358, %add3A_2532 : vector<16xi32>
      tpu.vector_store_idx %arg12[%broadcast_in_dim3A_2530, %add3A_2533], %gather3A_2433 : memref<16x512xi32, #tpu.memory_space<vmem>>[vector<16xi32>, vector<16xi32>], vector<16xi32>,
      %broadcast_in_dim3A_2534 = arith.constant 9 : i32
      %broadcast_in_dim3A_2535 = vector.broadcast %broadcast_in_dim3A_2534 : i32 to vector<16xi32>
      %add3A_2536 = arith.constant 256 : i32
      %add3A_2537 = vector.broadcast %add3A_2536 : i32 to vector<16xi32>
      %add3A_2538 = arith.addi %add3A_2358, %add3A_2537 : vector<16xi32>
      tpu.vector_store_idx %arg12[%broadcast_in_dim3A_2535, %add3A_2538], %gather3A_2441 : memref<16x512xi32, #tpu.memory_space<vmem>>[vector<16xi32>, vector<16xi32>], vector<16xi32>,
      %broadcast_in_dim3A_2539 = arith.constant 10 : i32
      %broadcast_in_dim3A_2540 = vector.broadcast %broadcast_in_dim3A_2539 : i32 to vector<16xi32>
      %add3A_2541 = arith.constant 256 : i32
      %add3A_2542 = vector.broadcast %add3A_2541 : i32 to vector<16xi32>
      %add3A_2543 = arith.addi %add3A_2358, %add3A_2542 : vector<16xi32>
      tpu.vector_store_idx %arg12[%broadcast_in_dim3A_2540, %add3A_2543], %gather3A_2449 : memref<16x512xi32, #tpu.memory_space<vmem>>[vector<16xi32>, vector<16xi32>], vector<16xi32>,
      %broadcast_in_dim3A_2544 = arith.constant 11 : i32
      %broadcast_in_dim3A_2545 = vector.broadcast %broadcast_in_dim3A_2544 : i32 to vector<16xi32>
      %add3A_2546 = arith.constant 256 : i32
      %add3A_2547 = vector.broadcast %add3A_2546 : i32 to vector<16xi32>
      %add3A_2548 = arith.addi %add3A_2358, %add3A_2547 : vector<16xi32>
      tpu.vector_store_idx %arg12[%broadcast_in_dim3A_2545, %add3A_2548], %gather3A_2457 : memref<16x512xi32, #tpu.memory_space<vmem>>[vector<16xi32>, vector<16xi32>], vector<16xi32>,
      %broadcast_in_dim3A_2549 = arith.constant 12 : i32
      %broadcast_in_dim3A_2550 = vector.broadcast %broadcast_in_dim3A_2549 : i32 to vector<16xi32>
      %add3A_2551 = arith.constant 256 : i32
      %add3A_2552 = vector.broadcast %add3A_2551 : i32 to vector<16xi32>
      %add3A_2553 = arith.addi %add3A_2358, %add3A_2552 : vector<16xi32>
      tpu.vector_store_idx %arg12[%broadcast_in_dim3A_2550, %add3A_2553], %gather3A_2465 : memref<16x512xi32, #tpu.memory_space<vmem>>[vector<16xi32>, vector<16xi32>], vector<16xi32>,
      %broadcast_in_dim3A_2554 = arith.constant 13 : i32
      %broadcast_in_dim3A_2555 = vector.broadcast %broadcast_in_dim3A_2554 : i32 to vector<16xi32>
      %add3A_2556 = arith.constant 256 : i32
      %add3A_2557 = vector.broadcast %add3A_2556 : i32 to vector<16xi32>
      %add3A_2558 = arith.addi %add3A_2358, %add3A_2557 : vector<16xi32>
      tpu.vector_store_idx %arg12[%broadcast_in_dim3A_2555, %add3A_2558], %gather3A_2473 : memref<16x512xi32, #tpu.memory_space<vmem>>[vector<16xi32>, vector<16xi32>], vector<16xi32>,
      %broadcast_in_dim3A_2559 = arith.constant 14 : i32
      %broadcast_in_dim3A_2560 = vector.broadcast %broadcast_in_dim3A_2559 : i32 to vector<16xi32>
      %add3A_2561 = arith.constant 256 : i32
      %add3A_2562 = vector.broadcast %add3A_2561 : i32 to vector<16xi32>
      %add3A_2563 = arith.addi %add3A_2358, %add3A_2562 : vector<16xi32>
      tpu.vector_store_idx %arg12[%broadcast_in_dim3A_2560, %add3A_2563], %gather3A_2481 : memref<16x512xi32, #tpu.memory_space<vmem>>[vector<16xi32>, vector<16xi32>], vector<16xi32>,
      %broadcast_in_dim3A_2564 = arith.constant 15 : i32
      %broadcast_in_dim3A_2565 = vector.broadcast %broadcast_in_dim3A_2564 : i32 to vector<16xi32>
      %add3A_2566 = arith.constant 256 : i32
      %add3A_2567 = vector.broadcast %add3A_2566 : i32 to vector<16xi32>
      %add3A_2568 = arith.addi %add3A_2358, %add3A_2567 : vector<16xi32>
      tpu.vector_store_idx %arg12[%broadcast_in_dim3A_2565, %add3A_2568], %gather3A_2489 : memref<16x512xi32, #tpu.memory_space<vmem>>[vector<16xi32>, vector<16xi32>], vector<16xi32>,
    }
    %scan3A_1154 = arith.constant 8 : i32
    %dma_wait3A_1155 = arith.constant 3 : i32
    %dma_wait3A_1156 = arith.constant 1 : i32
    %dma_wait3A_1157 = arith.constant 0 : i32
    %dma_wait3A_1158 = arith.constant 0 : i32
    %dma_wait3A_1159 = tpu.memref_slice %arg11[%dma_wait3A_1156, %dma_wait3A_1157, %dma_wait3A_1158] : memref<2x128x128xi32, #tpu.memory_space<vmem>> -> memref<1x128x128xi32, #tpu.memory_space<vmem>>
    %dma_wait3A_1160 = tpu.memref_squeeze %dma_wait3A_1159 : memref<1x128x128xi32, #tpu.memory_space<vmem>> -> memref<128x128xi32, #tpu.memory_space<vmem>>
    %dma_wait3A_1161 = arith.constant 0 : i32
    %dma_wait3A_1162 = tpu.memref_slice %arg9[%dma_wait3A_1155, %dma_wait3A_1161] : memref<4x128xi32, #tpu.memory_space<vmem>> -> memref<1x128xi32, #tpu.memory_space<vmem>>
    %dma_wait3A_1163 = tpu.memref_squeeze %dma_wait3A_1162 : memref<1x128xi32, #tpu.memory_space<vmem>> -> memref<128xi32, #tpu.memory_space<vmem>>
    %dma_wait3A_1164 = arith.constant 0 : i32
    %dma_wait3A_1165 = arith.constant 0 : i32
    %dma_wait3A_1166 = tpu.memref_slice %arg4[%dma_wait3A_1164, %dma_wait3A_1165] : memref<126976x128xi32, #tpu.memory_space<hbm>> -> memref<126976x128xi32, #tpu.memory_space<hbm>>
    tpu.wait_indirect_dma semaphore(%arg13 : memref<!tpu.dma_semaphore, #tpu.memory_space<semaphore_mem>>) src(%dma_wait3A_1166 : memref<126976x128xi32, #tpu.memory_space<hbm>>) dst(%dma_wait3A_1160 : memref<128x128xi32, #tpu.memory_space<vmem>>)
    %scan3A_1167 = arith.constant 0 : i32
    %scan3A_1168 = arith.constant 1 : i32
    %scan3A_1169 = arith.constant 0 : i32
    %scan3A_1170 = arith.constant 8 : i32
    %scan3A_1171 = arith.addi %scan3A_1169, %scan3A_1170 : i32
    %scan3A_1172 = arith.constant 1 : i32
    scf.for %scan3A_2354 = %scan3A_1169 to %scan3A_1171 step %scan3A_1172  : i32 {
      %mul3A_2355 = arith.constant 16 : i32
      %mul3A_2356 = arith.muli %scan3A_2354, %mul3A_2355 : i32
      %add3A_2357 = vector.broadcast %mul3A_2356 : i32 to vector<16xi32>
      %add3A_2358 = arith.addi %iota3A, %add3A_2357 : vector<16xi32>
      %add3A_2359 = arith.constant 384 : i32
      %add3A_2360 = arith.addi %add3A_2359, %mul3A_2356 : i32
      %get3A_2361 = arith.index_cast %add3A_2360 : i32 to index
      %get3A_2362 = tpu.vector_load %arg10[%get3A_2361] {strides = array<i32>} : memref<512xi32, #tpu.memory_space<vmem>>, vector<16xi32>,
      %add3A_2363 = arith.constant 0 : i32
      %add3A_2364 = vector.broadcast %add3A_2363 : i32 to vector<16xi32>
      %add3A_2365 = arith.addi %get3A_2362, %add3A_2364 : vector<16xi32>
      %gather3A = arith.constant 0 : i32
      %gather3A_2366 = arith.constant 0 : i32
      %gather3A_2367 = tpu.memref_slice %arg11[%scan3A_1168, %gather3A, %gather3A_2366] : memref<2x128x128xi32, #tpu.memory_space<vmem>> -> memref<1x128x128xi32, #tpu.memory_space<vmem>>
      %gather3A_2368 = tpu.memref_squeeze %gather3A_2367 : memref<1x128x128xi32, #tpu.memory_space<vmem>> -> memref<128x128xi32, #tpu.memory_space<vmem>>
      %gather3A_2369 = tpu.vector_load_idx %gather3A_2368[%add3A_2358, %add3A_2365] : memref<128x128xi32, #tpu.memory_space<vmem>>[vector<16xi32>, vector<16xi32>], vector<16xi32>,
      %add3A_2370 = arith.constant 1 : i32
      %add3A_2371 = vector.broadcast %add3A_2370 : i32 to vector<16xi32>
      %add3A_2372 = arith.addi %get3A_2362, %add3A_2371 : vector<16xi32>
      %gather3A_2373 = arith.constant 0 : i32
      %gather3A_2374 = arith.constant 0 : i32
      %gather3A_2375 = tpu.memref_slice %arg11[%scan3A_1168, %gather3A_2373, %gather3A_2374] : memref<2x128x128xi32, #tpu.memory_space<vmem>> -> memref<1x128x128xi32, #tpu.memory_space<vmem>>
      %gather3A_2376 = tpu.memref_squeeze %gather3A_2375 : memref<1x128x128xi32, #tpu.memory_space<vmem>> -> memref<128x128xi32, #tpu.memory_space<vmem>>
      %gather3A_2377 = tpu.vector_load_idx %gather3A_2376[%add3A_2358, %add3A_2372] : memref<128x128xi32, #tpu.memory_space<vmem>>[vector<16xi32>, vector<16xi32>], vector<16xi32>,
      %add3A_2378 = arith.constant 2 : i32
      %add3A_2379 = vector.broadcast %add3A_2378 : i32 to vector<16xi32>
      %add3A_2380 = arith.addi %get3A_2362, %add3A_2379 : vector<16xi32>
      %gather3A_2381 = arith.constant 0 : i32
      %gather3A_2382 = arith.constant 0 : i32
      %gather3A_2383 = tpu.memref_slice %arg11[%scan3A_1168, %gather3A_2381, %gather3A_2382] : memref<2x128x128xi32, #tpu.memory_space<vmem>> -> memref<1x128x128xi32, #tpu.memory_space<vmem>>
      %gather3A_2384 = tpu.memref_squeeze %gather3A_2383 : memref<1x128x128xi32, #tpu.memory_space<vmem>> -> memref<128x128xi32, #tpu.memory_space<vmem>>
      %gather3A_2385 = tpu.vector_load_idx %gather3A_2384[%add3A_2358, %add3A_2380] : memref<128x128xi32, #tpu.memory_space<vmem>>[vector<16xi32>, vector<16xi32>], vector<16xi32>,
      %add3A_2386 = arith.constant 3 : i32
      %add3A_2387 = vector.broadcast %add3A_2386 : i32 to vector<16xi32>
      %add3A_2388 = arith.addi %get3A_2362, %add3A_2387 : vector<16xi32>
      %gather3A_2389 = arith.constant 0 : i32
      %gather3A_2390 = arith.constant 0 : i32
      %gather3A_2391 = tpu.memref_slice %arg11[%scan3A_1168, %gather3A_2389, %gather3A_2390] : memref<2x128x128xi32, #tpu.memory_space<vmem>> -> memref<1x128x128xi32, #tpu.memory_space<vmem>>
      %gather3A_2392 = tpu.memref_squeeze %gather3A_2391 : memref<1x128x128xi32, #tpu.memory_space<vmem>> -> memref<128x128xi32, #tpu.memory_space<vmem>>
      %gather3A_2393 = tpu.vector_load_idx %gather3A_2392[%add3A_2358, %add3A_2388] : memref<128x128xi32, #tpu.memory_space<vmem>>[vector<16xi32>, vector<16xi32>], vector<16xi32>,
      %add3A_2394 = arith.constant 4 : i32
      %add3A_2395 = vector.broadcast %add3A_2394 : i32 to vector<16xi32>
      %add3A_2396 = arith.addi %get3A_2362, %add3A_2395 : vector<16xi32>
      %gather3A_2397 = arith.constant 0 : i32
      %gather3A_2398 = arith.constant 0 : i32
      %gather3A_2399 = tpu.memref_slice %arg11[%scan3A_1168, %gather3A_2397, %gather3A_2398] : memref<2x128x128xi32, #tpu.memory_space<vmem>> -> memref<1x128x128xi32, #tpu.memory_space<vmem>>
      %gather3A_2400 = tpu.memref_squeeze %gather3A_2399 : memref<1x128x128xi32, #tpu.memory_space<vmem>> -> memref<128x128xi32, #tpu.memory_space<vmem>>
      %gather3A_2401 = tpu.vector_load_idx %gather3A_2400[%add3A_2358, %add3A_2396] : memref<128x128xi32, #tpu.memory_space<vmem>>[vector<16xi32>, vector<16xi32>], vector<16xi32>,
      %add3A_2402 = arith.constant 5 : i32
      %add3A_2403 = vector.broadcast %add3A_2402 : i32 to vector<16xi32>
      %add3A_2404 = arith.addi %get3A_2362, %add3A_2403 : vector<16xi32>
      %gather3A_2405 = arith.constant 0 : i32
      %gather3A_2406 = arith.constant 0 : i32
      %gather3A_2407 = tpu.memref_slice %arg11[%scan3A_1168, %gather3A_2405, %gather3A_2406] : memref<2x128x128xi32, #tpu.memory_space<vmem>> -> memref<1x128x128xi32, #tpu.memory_space<vmem>>
      %gather3A_2408 = tpu.memref_squeeze %gather3A_2407 : memref<1x128x128xi32, #tpu.memory_space<vmem>> -> memref<128x128xi32, #tpu.memory_space<vmem>>
      %gather3A_2409 = tpu.vector_load_idx %gather3A_2408[%add3A_2358, %add3A_2404] : memref<128x128xi32, #tpu.memory_space<vmem>>[vector<16xi32>, vector<16xi32>], vector<16xi32>,
      %add3A_2410 = arith.constant 6 : i32
      %add3A_2411 = vector.broadcast %add3A_2410 : i32 to vector<16xi32>
      %add3A_2412 = arith.addi %get3A_2362, %add3A_2411 : vector<16xi32>
      %gather3A_2413 = arith.constant 0 : i32
      %gather3A_2414 = arith.constant 0 : i32
      %gather3A_2415 = tpu.memref_slice %arg11[%scan3A_1168, %gather3A_2413, %gather3A_2414] : memref<2x128x128xi32, #tpu.memory_space<vmem>> -> memref<1x128x128xi32, #tpu.memory_space<vmem>>
      %gather3A_2416 = tpu.memref_squeeze %gather3A_2415 : memref<1x128x128xi32, #tpu.memory_space<vmem>> -> memref<128x128xi32, #tpu.memory_space<vmem>>
      %gather3A_2417 = tpu.vector_load_idx %gather3A_2416[%add3A_2358, %add3A_2412] : memref<128x128xi32, #tpu.memory_space<vmem>>[vector<16xi32>, vector<16xi32>], vector<16xi32>,
      %add3A_2418 = arith.constant 7 : i32
      %add3A_2419 = vector.broadcast %add3A_2418 : i32 to vector<16xi32>
      %add3A_2420 = arith.addi %get3A_2362, %add3A_2419 : vector<16xi32>
      %gather3A_2421 = arith.constant 0 : i32
      %gather3A_2422 = arith.constant 0 : i32
      %gather3A_2423 = tpu.memref_slice %arg11[%scan3A_1168, %gather3A_2421, %gather3A_2422] : memref<2x128x128xi32, #tpu.memory_space<vmem>> -> memref<1x128x128xi32, #tpu.memory_space<vmem>>
      %gather3A_2424 = tpu.memref_squeeze %gather3A_2423 : memref<1x128x128xi32, #tpu.memory_space<vmem>> -> memref<128x128xi32, #tpu.memory_space<vmem>>
      %gather3A_2425 = tpu.vector_load_idx %gather3A_2424[%add3A_2358, %add3A_2420] : memref<128x128xi32, #tpu.memory_space<vmem>>[vector<16xi32>, vector<16xi32>], vector<16xi32>,
      %add3A_2426 = arith.constant 8 : i32
      %add3A_2427 = vector.broadcast %add3A_2426 : i32 to vector<16xi32>
      %add3A_2428 = arith.addi %get3A_2362, %add3A_2427 : vector<16xi32>
      %gather3A_2429 = arith.constant 0 : i32
      %gather3A_2430 = arith.constant 0 : i32
      %gather3A_2431 = tpu.memref_slice %arg11[%scan3A_1168, %gather3A_2429, %gather3A_2430] : memref<2x128x128xi32, #tpu.memory_space<vmem>> -> memref<1x128x128xi32, #tpu.memory_space<vmem>>
      %gather3A_2432 = tpu.memref_squeeze %gather3A_2431 : memref<1x128x128xi32, #tpu.memory_space<vmem>> -> memref<128x128xi32, #tpu.memory_space<vmem>>
      %gather3A_2433 = tpu.vector_load_idx %gather3A_2432[%add3A_2358, %add3A_2428] : memref<128x128xi32, #tpu.memory_space<vmem>>[vector<16xi32>, vector<16xi32>], vector<16xi32>,
      %add3A_2434 = arith.constant 9 : i32
      %add3A_2435 = vector.broadcast %add3A_2434 : i32 to vector<16xi32>
      %add3A_2436 = arith.addi %get3A_2362, %add3A_2435 : vector<16xi32>
      %gather3A_2437 = arith.constant 0 : i32
      %gather3A_2438 = arith.constant 0 : i32
      %gather3A_2439 = tpu.memref_slice %arg11[%scan3A_1168, %gather3A_2437, %gather3A_2438] : memref<2x128x128xi32, #tpu.memory_space<vmem>> -> memref<1x128x128xi32, #tpu.memory_space<vmem>>
      %gather3A_2440 = tpu.memref_squeeze %gather3A_2439 : memref<1x128x128xi32, #tpu.memory_space<vmem>> -> memref<128x128xi32, #tpu.memory_space<vmem>>
      %gather3A_2441 = tpu.vector_load_idx %gather3A_2440[%add3A_2358, %add3A_2436] : memref<128x128xi32, #tpu.memory_space<vmem>>[vector<16xi32>, vector<16xi32>], vector<16xi32>,
      %add3A_2442 = arith.constant 10 : i32
      %add3A_2443 = vector.broadcast %add3A_2442 : i32 to vector<16xi32>
      %add3A_2444 = arith.addi %get3A_2362, %add3A_2443 : vector<16xi32>
      %gather3A_2445 = arith.constant 0 : i32
      %gather3A_2446 = arith.constant 0 : i32
      %gather3A_2447 = tpu.memref_slice %arg11[%scan3A_1168, %gather3A_2445, %gather3A_2446] : memref<2x128x128xi32, #tpu.memory_space<vmem>> -> memref<1x128x128xi32, #tpu.memory_space<vmem>>
      %gather3A_2448 = tpu.memref_squeeze %gather3A_2447 : memref<1x128x128xi32, #tpu.memory_space<vmem>> -> memref<128x128xi32, #tpu.memory_space<vmem>>
      %gather3A_2449 = tpu.vector_load_idx %gather3A_2448[%add3A_2358, %add3A_2444] : memref<128x128xi32, #tpu.memory_space<vmem>>[vector<16xi32>, vector<16xi32>], vector<16xi32>,
      %add3A_2450 = arith.constant 11 : i32
      %add3A_2451 = vector.broadcast %add3A_2450 : i32 to vector<16xi32>
      %add3A_2452 = arith.addi %get3A_2362, %add3A_2451 : vector<16xi32>
      %gather3A_2453 = arith.constant 0 : i32
      %gather3A_2454 = arith.constant 0 : i32
      %gather3A_2455 = tpu.memref_slice %arg11[%scan3A_1168, %gather3A_2453, %gather3A_2454] : memref<2x128x128xi32, #tpu.memory_space<vmem>> -> memref<1x128x128xi32, #tpu.memory_space<vmem>>
      %gather3A_2456 = tpu.memref_squeeze %gather3A_2455 : memref<1x128x128xi32, #tpu.memory_space<vmem>> -> memref<128x128xi32, #tpu.memory_space<vmem>>
      %gather3A_2457 = tpu.vector_load_idx %gather3A_2456[%add3A_2358, %add3A_2452] : memref<128x128xi32, #tpu.memory_space<vmem>>[vector<16xi32>, vector<16xi32>], vector<16xi32>,
      %add3A_2458 = arith.constant 12 : i32
      %add3A_2459 = vector.broadcast %add3A_2458 : i32 to vector<16xi32>
      %add3A_2460 = arith.addi %get3A_2362, %add3A_2459 : vector<16xi32>
      %gather3A_2461 = arith.constant 0 : i32
      %gather3A_2462 = arith.constant 0 : i32
      %gather3A_2463 = tpu.memref_slice %arg11[%scan3A_1168, %gather3A_2461, %gather3A_2462] : memref<2x128x128xi32, #tpu.memory_space<vmem>> -> memref<1x128x128xi32, #tpu.memory_space<vmem>>
      %gather3A_2464 = tpu.memref_squeeze %gather3A_2463 : memref<1x128x128xi32, #tpu.memory_space<vmem>> -> memref<128x128xi32, #tpu.memory_space<vmem>>
      %gather3A_2465 = tpu.vector_load_idx %gather3A_2464[%add3A_2358, %add3A_2460] : memref<128x128xi32, #tpu.memory_space<vmem>>[vector<16xi32>, vector<16xi32>], vector<16xi32>,
      %add3A_2466 = arith.constant 13 : i32
      %add3A_2467 = vector.broadcast %add3A_2466 : i32 to vector<16xi32>
      %add3A_2468 = arith.addi %get3A_2362, %add3A_2467 : vector<16xi32>
      %gather3A_2469 = arith.constant 0 : i32
      %gather3A_2470 = arith.constant 0 : i32
      %gather3A_2471 = tpu.memref_slice %arg11[%scan3A_1168, %gather3A_2469, %gather3A_2470] : memref<2x128x128xi32, #tpu.memory_space<vmem>> -> memref<1x128x128xi32, #tpu.memory_space<vmem>>
      %gather3A_2472 = tpu.memref_squeeze %gather3A_2471 : memref<1x128x128xi32, #tpu.memory_space<vmem>> -> memref<128x128xi32, #tpu.memory_space<vmem>>
      %gather3A_2473 = tpu.vector_load_idx %gather3A_2472[%add3A_2358, %add3A_2468] : memref<128x128xi32, #tpu.memory_space<vmem>>[vector<16xi32>, vector<16xi32>], vector<16xi32>,
      %add3A_2474 = arith.constant 14 : i32
      %add3A_2475 = vector.broadcast %add3A_2474 : i32 to vector<16xi32>
      %add3A_2476 = arith.addi %get3A_2362, %add3A_2475 : vector<16xi32>
      %gather3A_2477 = arith.constant 0 : i32
      %gather3A_2478 = arith.constant 0 : i32
      %gather3A_2479 = tpu.memref_slice %arg11[%scan3A_1168, %gather3A_2477, %gather3A_2478] : memref<2x128x128xi32, #tpu.memory_space<vmem>> -> memref<1x128x128xi32, #tpu.memory_space<vmem>>
      %gather3A_2480 = tpu.memref_squeeze %gather3A_2479 : memref<1x128x128xi32, #tpu.memory_space<vmem>> -> memref<128x128xi32, #tpu.memory_space<vmem>>
      %gather3A_2481 = tpu.vector_load_idx %gather3A_2480[%add3A_2358, %add3A_2476] : memref<128x128xi32, #tpu.memory_space<vmem>>[vector<16xi32>, vector<16xi32>], vector<16xi32>,
      %add3A_2482 = arith.constant 15 : i32
      %add3A_2483 = vector.broadcast %add3A_2482 : i32 to vector<16xi32>
      %add3A_2484 = arith.addi %get3A_2362, %add3A_2483 : vector<16xi32>
      %gather3A_2485 = arith.constant 0 : i32
      %gather3A_2486 = arith.constant 0 : i32
      %gather3A_2487 = tpu.memref_slice %arg11[%scan3A_1168, %gather3A_2485, %gather3A_2486] : memref<2x128x128xi32, #tpu.memory_space<vmem>> -> memref<1x128x128xi32, #tpu.memory_space<vmem>>
      %gather3A_2488 = tpu.memref_squeeze %gather3A_2487 : memref<1x128x128xi32, #tpu.memory_space<vmem>> -> memref<128x128xi32, #tpu.memory_space<vmem>>
      %gather3A_2489 = tpu.vector_load_idx %gather3A_2488[%add3A_2358, %add3A_2484] : memref<128x128xi32, #tpu.memory_space<vmem>>[vector<16xi32>, vector<16xi32>], vector<16xi32>,
      %broadcast_in_dim3A = arith.constant 0 : i32
      %broadcast_in_dim3A_2490 = vector.broadcast %broadcast_in_dim3A : i32 to vector<16xi32>
      %add3A_2491 = arith.constant 384 : i32
      %add3A_2492 = vector.broadcast %add3A_2491 : i32 to vector<16xi32>
      %add3A_2493 = arith.addi %add3A_2358, %add3A_2492 : vector<16xi32>
      tpu.vector_store_idx %arg12[%broadcast_in_dim3A_2490, %add3A_2493], %gather3A_2369 : memref<16x512xi32, #tpu.memory_space<vmem>>[vector<16xi32>, vector<16xi32>], vector<16xi32>,
      %broadcast_in_dim3A_2494 = arith.constant 1 : i32
      %broadcast_in_dim3A_2495 = vector.broadcast %broadcast_in_dim3A_2494 : i32 to vector<16xi32>
      %add3A_2496 = arith.constant 384 : i32
      %add3A_2497 = vector.broadcast %add3A_2496 : i32 to vector<16xi32>
      %add3A_2498 = arith.addi %add3A_2358, %add3A_2497 : vector<16xi32>
      tpu.vector_store_idx %arg12[%broadcast_in_dim3A_2495, %add3A_2498], %gather3A_2377 : memref<16x512xi32, #tpu.memory_space<vmem>>[vector<16xi32>, vector<16xi32>], vector<16xi32>,
      %broadcast_in_dim3A_2499 = arith.constant 2 : i32
      %broadcast_in_dim3A_2500 = vector.broadcast %broadcast_in_dim3A_2499 : i32 to vector<16xi32>
      %add3A_2501 = arith.constant 384 : i32
      %add3A_2502 = vector.broadcast %add3A_2501 : i32 to vector<16xi32>
      %add3A_2503 = arith.addi %add3A_2358, %add3A_2502 : vector<16xi32>
      tpu.vector_store_idx %arg12[%broadcast_in_dim3A_2500, %add3A_2503], %gather3A_2385 : memref<16x512xi32, #tpu.memory_space<vmem>>[vector<16xi32>, vector<16xi32>], vector<16xi32>,
      %broadcast_in_dim3A_2504 = arith.constant 3 : i32
      %broadcast_in_dim3A_2505 = vector.broadcast %broadcast_in_dim3A_2504 : i32 to vector<16xi32>
      %add3A_2506 = arith.constant 384 : i32
      %add3A_2507 = vector.broadcast %add3A_2506 : i32 to vector<16xi32>
      %add3A_2508 = arith.addi %add3A_2358, %add3A_2507 : vector<16xi32>
      tpu.vector_store_idx %arg12[%broadcast_in_dim3A_2505, %add3A_2508], %gather3A_2393 : memref<16x512xi32, #tpu.memory_space<vmem>>[vector<16xi32>, vector<16xi32>], vector<16xi32>,
      %broadcast_in_dim3A_2509 = arith.constant 4 : i32
      %broadcast_in_dim3A_2510 = vector.broadcast %broadcast_in_dim3A_2509 : i32 to vector<16xi32>
      %add3A_2511 = arith.constant 384 : i32
      %add3A_2512 = vector.broadcast %add3A_2511 : i32 to vector<16xi32>
      %add3A_2513 = arith.addi %add3A_2358, %add3A_2512 : vector<16xi32>
      tpu.vector_store_idx %arg12[%broadcast_in_dim3A_2510, %add3A_2513], %gather3A_2401 : memref<16x512xi32, #tpu.memory_space<vmem>>[vector<16xi32>, vector<16xi32>], vector<16xi32>,
      %broadcast_in_dim3A_2514 = arith.constant 5 : i32
      %broadcast_in_dim3A_2515 = vector.broadcast %broadcast_in_dim3A_2514 : i32 to vector<16xi32>
      %add3A_2516 = arith.constant 384 : i32
      %add3A_2517 = vector.broadcast %add3A_2516 : i32 to vector<16xi32>
      %add3A_2518 = arith.addi %add3A_2358, %add3A_2517 : vector<16xi32>
      tpu.vector_store_idx %arg12[%broadcast_in_dim3A_2515, %add3A_2518], %gather3A_2409 : memref<16x512xi32, #tpu.memory_space<vmem>>[vector<16xi32>, vector<16xi32>], vector<16xi32>,
      %broadcast_in_dim3A_2519 = arith.constant 6 : i32
      %broadcast_in_dim3A_2520 = vector.broadcast %broadcast_in_dim3A_2519 : i32 to vector<16xi32>
      %add3A_2521 = arith.constant 384 : i32
      %add3A_2522 = vector.broadcast %add3A_2521 : i32 to vector<16xi32>
      %add3A_2523 = arith.addi %add3A_2358, %add3A_2522 : vector<16xi32>
      tpu.vector_store_idx %arg12[%broadcast_in_dim3A_2520, %add3A_2523], %gather3A_2417 : memref<16x512xi32, #tpu.memory_space<vmem>>[vector<16xi32>, vector<16xi32>], vector<16xi32>,
      %broadcast_in_dim3A_2524 = arith.constant 7 : i32
      %broadcast_in_dim3A_2525 = vector.broadcast %broadcast_in_dim3A_2524 : i32 to vector<16xi32>
      %add3A_2526 = arith.constant 384 : i32
      %add3A_2527 = vector.broadcast %add3A_2526 : i32 to vector<16xi32>
      %add3A_2528 = arith.addi %add3A_2358, %add3A_2527 : vector<16xi32>
      tpu.vector_store_idx %arg12[%broadcast_in_dim3A_2525, %add3A_2528], %gather3A_2425 : memref<16x512xi32, #tpu.memory_space<vmem>>[vector<16xi32>, vector<16xi32>], vector<16xi32>,
      %broadcast_in_dim3A_2529 = arith.constant 8 : i32
      %broadcast_in_dim3A_2530 = vector.broadcast %broadcast_in_dim3A_2529 : i32 to vector<16xi32>
      %add3A_2531 = arith.constant 384 : i32
      %add3A_2532 = vector.broadcast %add3A_2531 : i32 to vector<16xi32>
      %add3A_2533 = arith.addi %add3A_2358, %add3A_2532 : vector<16xi32>
      tpu.vector_store_idx %arg12[%broadcast_in_dim3A_2530, %add3A_2533], %gather3A_2433 : memref<16x512xi32, #tpu.memory_space<vmem>>[vector<16xi32>, vector<16xi32>], vector<16xi32>,
      %broadcast_in_dim3A_2534 = arith.constant 9 : i32
      %broadcast_in_dim3A_2535 = vector.broadcast %broadcast_in_dim3A_2534 : i32 to vector<16xi32>
      %add3A_2536 = arith.constant 384 : i32
      %add3A_2537 = vector.broadcast %add3A_2536 : i32 to vector<16xi32>
      %add3A_2538 = arith.addi %add3A_2358, %add3A_2537 : vector<16xi32>
      tpu.vector_store_idx %arg12[%broadcast_in_dim3A_2535, %add3A_2538], %gather3A_2441 : memref<16x512xi32, #tpu.memory_space<vmem>>[vector<16xi32>, vector<16xi32>], vector<16xi32>,
      %broadcast_in_dim3A_2539 = arith.constant 10 : i32
      %broadcast_in_dim3A_2540 = vector.broadcast %broadcast_in_dim3A_2539 : i32 to vector<16xi32>
      %add3A_2541 = arith.constant 384 : i32
      %add3A_2542 = vector.broadcast %add3A_2541 : i32 to vector<16xi32>
      %add3A_2543 = arith.addi %add3A_2358, %add3A_2542 : vector<16xi32>
      tpu.vector_store_idx %arg12[%broadcast_in_dim3A_2540, %add3A_2543], %gather3A_2449 : memref<16x512xi32, #tpu.memory_space<vmem>>[vector<16xi32>, vector<16xi32>], vector<16xi32>,
      %broadcast_in_dim3A_2544 = arith.constant 11 : i32
      %broadcast_in_dim3A_2545 = vector.broadcast %broadcast_in_dim3A_2544 : i32 to vector<16xi32>
      %add3A_2546 = arith.constant 384 : i32
      %add3A_2547 = vector.broadcast %add3A_2546 : i32 to vector<16xi32>
      %add3A_2548 = arith.addi %add3A_2358, %add3A_2547 : vector<16xi32>
      tpu.vector_store_idx %arg12[%broadcast_in_dim3A_2545, %add3A_2548], %gather3A_2457 : memref<16x512xi32, #tpu.memory_space<vmem>>[vector<16xi32>, vector<16xi32>], vector<16xi32>,
      %broadcast_in_dim3A_2549 = arith.constant 12 : i32
      %broadcast_in_dim3A_2550 = vector.broadcast %broadcast_in_dim3A_2549 : i32 to vector<16xi32>
      %add3A_2551 = arith.constant 384 : i32
      %add3A_2552 = vector.broadcast %add3A_2551 : i32 to vector<16xi32>
      %add3A_2553 = arith.addi %add3A_2358, %add3A_2552 : vector<16xi32>
      tpu.vector_store_idx %arg12[%broadcast_in_dim3A_2550, %add3A_2553], %gather3A_2465 : memref<16x512xi32, #tpu.memory_space<vmem>>[vector<16xi32>, vector<16xi32>], vector<16xi32>,
      %broadcast_in_dim3A_2554 = arith.constant 13 : i32
      %broadcast_in_dim3A_2555 = vector.broadcast %broadcast_in_dim3A_2554 : i32 to vector<16xi32>
      %add3A_2556 = arith.constant 384 : i32
      %add3A_2557 = vector.broadcast %add3A_2556 : i32 to vector<16xi32>
      %add3A_2558 = arith.addi %add3A_2358, %add3A_2557 : vector<16xi32>
      tpu.vector_store_idx %arg12[%broadcast_in_dim3A_2555, %add3A_2558], %gather3A_2473 : memref<16x512xi32, #tpu.memory_space<vmem>>[vector<16xi32>, vector<16xi32>], vector<16xi32>,
      %broadcast_in_dim3A_2559 = arith.constant 14 : i32
      %broadcast_in_dim3A_2560 = vector.broadcast %broadcast_in_dim3A_2559 : i32 to vector<16xi32>
      %add3A_2561 = arith.constant 384 : i32
      %add3A_2562 = vector.broadcast %add3A_2561 : i32 to vector<16xi32>
      %add3A_2563 = arith.addi %add3A_2358, %add3A_2562 : vector<16xi32>
      tpu.vector_store_idx %arg12[%broadcast_in_dim3A_2560, %add3A_2563], %gather3A_2481 : memref<16x512xi32, #tpu.memory_space<vmem>>[vector<16xi32>, vector<16xi32>], vector<16xi32>,
      %broadcast_in_dim3A_2564 = arith.constant 15 : i32
      %broadcast_in_dim3A_2565 = vector.broadcast %broadcast_in_dim3A_2564 : i32 to vector<16xi32>
      %add3A_2566 = arith.constant 384 : i32
      %add3A_2567 = vector.broadcast %add3A_2566 : i32 to vector<16xi32>
      %add3A_2568 = arith.addi %add3A_2358, %add3A_2567 : vector<16xi32>
      tpu.vector_store_idx %arg12[%broadcast_in_dim3A_2565, %add3A_2568], %gather3A_2489 : memref<16x512xi32, #tpu.memory_space<vmem>>[vector<16xi32>, vector<16xi32>], vector<16xi32>,
    }
    %scan3A_1173 = arith.constant 8 : i32
    "tpu.region"() ({
      %run_scoped3A = tpu.sem_alloc : memref<!tpu.dma_semaphore, #tpu.memory_space<semaphore_mem>>
      %dma_start3A_2354 = arith.constant 0 : i32
      %dma_start3A_2355 = tpu.memref_slice %arg6[%dma_start3A_2354, %mul3A_2] : memref<16x16384xi32, #tpu.memory_space<hbm>> -> memref<16x512xi32, #tpu.memory_space<hbm>>
      %dma_start3A_2356 = arith.constant 0 : i32
      %dma_start3A_2357 = tpu.memref_slice %arg6[%dma_start3A_2356, %mul3A_2] : memref<16x16384xi32, #tpu.memory_space<hbm>> -> memref<16x512xi32, #tpu.memory_space<hbm>>
      tpu.enqueue_dma source(%arg12 : memref<16x512xi32, #tpu.memory_space<vmem>>) target(%dma_start3A_2357 : memref<16x512xi32, #tpu.memory_space<hbm>>) target_semaphore(%run_scoped3A : memref<!tpu.dma_semaphore, #tpu.memory_space<semaphore_mem>>)
      %dma_wait3A_2358 = arith.constant 0 : i32
      %dma_wait3A_2359 = tpu.memref_slice %arg6[%dma_wait3A_2358, %mul3A_2] : memref<16x16384xi32, #tpu.memory_space<hbm>> -> memref<16x512xi32, #tpu.memory_space<hbm>>
      %dma_wait3A_2360 = arith.constant 0 : i32
      %dma_wait3A_2361 = tpu.memref_slice %arg6[%dma_wait3A_2360, %mul3A_2] : memref<16x16384xi32, #tpu.memory_space<hbm>> -> memref<16x512xi32, #tpu.memory_space<hbm>>
      tpu.wait_dma2 semaphore(%run_scoped3A : memref<!tpu.dma_semaphore, #tpu.memory_space<semaphore_mem>>) src(%arg12 : memref<16x512xi32, #tpu.memory_space<vmem>>) dst(%dma_wait3A_2361 : memref<16x512xi32, #tpu.memory_space<hbm>>)
      tpu.yield
    }) : () -> ()
    "tpu.region"() ({
      %run_scoped3A = tpu.sem_alloc : memref<!tpu.dma_semaphore, #tpu.memory_space<semaphore_mem>>
      %dma_start3A_2354 = arith.constant 0 : i32
      %dma_start3A_2355 = arith.constant 0 : i32
      %dma_start3A_2356 = tpu.memref_slice %arg3[%add3A, %dma_start3A_2354, %dma_start3A_2355] : memref<32x4x128xi32, #tpu.memory_space<hbm>> -> memref<1x4x128xi32, #tpu.memory_space<hbm>>
      %dma_start3A_2357 = tpu.memref_squeeze %dma_start3A_2356 : memref<1x4x128xi32, #tpu.memory_space<hbm>> -> memref<4x128xi32, #tpu.memory_space<hbm>>
      %dma_start3A_2358 = arith.constant 0 : i32
      %dma_start3A_2359 = arith.constant 0 : i32
      %dma_start3A_2360 = tpu.memref_slice %arg3[%add3A, %dma_start3A_2358, %dma_start3A_2359] : memref<32x4x128xi32, #tpu.memory_space<hbm>> -> memref<1x4x128xi32, #tpu.memory_space<hbm>>
      %dma_start3A_2361 = tpu.memref_squeeze %dma_start3A_2360 : memref<1x4x128xi32, #tpu.memory_space<hbm>> -> memref<4x128xi32, #tpu.memory_space<hbm>>
      tpu.enqueue_dma source(%dma_start3A_2361 : memref<4x128xi32, #tpu.memory_space<hbm>>) target(%arg8 : memref<4x128xi32, #tpu.memory_space<vmem>>) target_semaphore(%run_scoped3A : memref<!tpu.dma_semaphore, #tpu.memory_space<semaphore_mem>>)
      %dma_wait3A_2362 = arith.constant 0 : i32
      %dma_wait3A_2363 = arith.constant 0 : i32
      %dma_wait3A_2364 = tpu.memref_slice %arg3[%add3A, %dma_wait3A_2362, %dma_wait3A_2363] : memref<32x4x128xi32, #tpu.memory_space<hbm>> -> memref<1x4x128xi32, #tpu.memory_space<hbm>>
      %dma_wait3A_2365 = tpu.memref_squeeze %dma_wait3A_2364 : memref<1x4x128xi32, #tpu.memory_space<hbm>> -> memref<4x128xi32, #tpu.memory_space<hbm>>
      %dma_wait3A_2366 = arith.constant 0 : i32
      %dma_wait3A_2367 = arith.constant 0 : i32
      %dma_wait3A_2368 = tpu.memref_slice %arg3[%add3A, %dma_wait3A_2366, %dma_wait3A_2367] : memref<32x4x128xi32, #tpu.memory_space<hbm>> -> memref<1x4x128xi32, #tpu.memory_space<hbm>>
      %dma_wait3A_2369 = tpu.memref_squeeze %dma_wait3A_2368 : memref<1x4x128xi32, #tpu.memory_space<hbm>> -> memref<4x128xi32, #tpu.memory_space<hbm>>
      tpu.wait_dma2 semaphore(%run_scoped3A : memref<!tpu.dma_semaphore, #tpu.memory_space<semaphore_mem>>) src(%dma_wait3A_2369 : memref<4x128xi32, #tpu.memory_space<hbm>>) dst(%arg8 : memref<4x128xi32, #tpu.memory_space<vmem>>)
      tpu.yield
    }) : () -> ()
    %get3A_1174 = arith.constant 0 : i32
    %get3A_1175 = arith.constant 0 : i32
    %get3A_1176 = tpu.memref_slice %arg8[%get3A_1174, %get3A_1175] : memref<4x128xi32, #tpu.memory_space<vmem>> -> memref<1x128xi32, #tpu.memory_space<vmem>>
    %get3A_1177 = tpu.memref_squeeze %get3A_1176 : memref<1x128xi32, #tpu.memory_space<vmem>> -> memref<128xi32, #tpu.memory_space<vmem>>
    %get3A_1178 = arith.constant 0 : index
    %get3A_1179 = tpu.vector_load %get3A_1177[%get3A_1178] {strides = array<i32>} : memref<128xi32, #tpu.memory_space<vmem>>, vector<16xi32>,
    %shift_right_logical3A_1180 = arith.constant 15 : i32
    %shift_right_logical3A_1181 = vector.broadcast %shift_right_logical3A_1180 : i32 to vector<16xi32>
    %shift_right_logical3A_1182 = arith.shrui %get3A_1179, %shift_right_logical3A_1181 : vector<16xi32>
    %shift_left3A_1183 = arith.constant 12 : i32
    %shift_left3A_1184 = vector.broadcast %shift_left3A_1183 : i32 to vector<16xi32>
    %shift_left3A_1185 = arith.shli %shift_right_logical3A_1182, %shift_left3A_1184 : vector<16xi32>
    %and3A_1186 = arith.constant 4095 : i32
    %and3A_1187 = vector.broadcast %and3A_1186 : i32 to vector<16xi32>
    %and3A_1188 = arith.andi %get3A_1179, %and3A_1187 : vector<16xi32>
    %or3A_1189 = arith.ori %shift_left3A_1185, %and3A_1188 : vector<16xi32>
    %swap3A_1190 = arith.constant 0 : i32
    %swap3A_1191 = arith.constant 0 : i32
    %swap3A_1192 = tpu.memref_slice %arg9[%swap3A_1190, %swap3A_1191] : memref<4x128xi32, #tpu.memory_space<vmem>> -> memref<1x128xi32, #tpu.memory_space<vmem>>
    %swap3A_1193 = tpu.memref_squeeze %swap3A_1192 : memref<1x128xi32, #tpu.memory_space<vmem>> -> memref<128xi32, #tpu.memory_space<vmem>>
    %swap3A_1194 = arith.constant 0 : index
    %swap3A_1195 = tpu.vector_load %swap3A_1193[%swap3A_1194] {strides = array<i32>} : memref<128xi32, #tpu.memory_space<vmem>>, vector<16xi32>,
    tpu.vector_store %swap3A_1193[%swap3A_1194], %or3A_1189 {strides = array<i32>} : memref<128xi32, #tpu.memory_space<vmem>>, vector<16xi32>,
    %shift_right_logical3A_1196 = arith.constant 12 : i32
    %shift_right_logical3A_1197 = vector.broadcast %shift_right_logical3A_1196 : i32 to vector<16xi32>
    %shift_right_logical3A_1198 = arith.shrui %get3A_1179, %shift_right_logical3A_1197 : vector<16xi32>
    %and3A_1199 = arith.constant 7 : i32
    %and3A_1200 = vector.broadcast %and3A_1199 : i32 to vector<16xi32>
    %and3A_1201 = arith.andi %shift_right_logical3A_1198, %and3A_1200 : vector<16xi32>
    %shift_left3A_1202 = arith.constant 4 : i32
    %shift_left3A_1203 = vector.broadcast %shift_left3A_1202 : i32 to vector<16xi32>
    %shift_left3A_1204 = arith.shli %and3A_1201, %shift_left3A_1203 : vector<16xi32>
    %swap3A_1205 = arith.constant 0 : index
    %swap3A_1206 = tpu.vector_load %arg10[%swap3A_1205] {strides = array<i32>} : memref<512xi32, #tpu.memory_space<vmem>>, vector<16xi32>,
    tpu.vector_store %arg10[%swap3A_1205], %shift_left3A_1204 {strides = array<i32>} : memref<512xi32, #tpu.memory_space<vmem>>, vector<16xi32>,
    %get3A_1207 = arith.constant 0 : i32
    %get3A_1208 = arith.constant 0 : i32
    %get3A_1209 = tpu.memref_slice %arg8[%get3A_1207, %get3A_1208] : memref<4x128xi32, #tpu.memory_space<vmem>> -> memref<1x128xi32, #tpu.memory_space<vmem>>
    %get3A_1210 = tpu.memref_squeeze %get3A_1209 : memref<1x128xi32, #tpu.memory_space<vmem>> -> memref<128xi32, #tpu.memory_space<vmem>>
    %get3A_1211 = arith.constant 16 : index
    %get3A_1212 = tpu.vector_load %get3A_1210[%get3A_1211] {strides = array<i32>} : memref<128xi32, #tpu.memory_space<vmem>>, vector<16xi32>,
    %shift_right_logical3A_1213 = arith.constant 15 : i32
    %shift_right_logical3A_1214 = vector.broadcast %shift_right_logical3A_1213 : i32 to vector<16xi32>
    %shift_right_logical3A_1215 = arith.shrui %get3A_1212, %shift_right_logical3A_1214 : vector<16xi32>
    %shift_left3A_1216 = arith.constant 12 : i32
    %shift_left3A_1217 = vector.broadcast %shift_left3A_1216 : i32 to vector<16xi32>
    %shift_left3A_1218 = arith.shli %shift_right_logical3A_1215, %shift_left3A_1217 : vector<16xi32>
    %and3A_1219 = arith.constant 4095 : i32
    %and3A_1220 = vector.broadcast %and3A_1219 : i32 to vector<16xi32>
    %and3A_1221 = arith.andi %get3A_1212, %and3A_1220 : vector<16xi32>
    %or3A_1222 = arith.ori %shift_left3A_1218, %and3A_1221 : vector<16xi32>
    %swap3A_1223 = arith.constant 0 : i32
    %swap3A_1224 = arith.constant 0 : i32
    %swap3A_1225 = tpu.memref_slice %arg9[%swap3A_1223, %swap3A_1224] : memref<4x128xi32, #tpu.memory_space<vmem>> -> memref<1x128xi32, #tpu.memory_space<vmem>>
    %swap3A_1226 = tpu.memref_squeeze %swap3A_1225 : memref<1x128xi32, #tpu.memory_space<vmem>> -> memref<128xi32, #tpu.memory_space<vmem>>
    %swap3A_1227 = arith.constant 16 : index
    %swap3A_1228 = tpu.vector_load %swap3A_1226[%swap3A_1227] {strides = array<i32>} : memref<128xi32, #tpu.memory_space<vmem>>, vector<16xi32>,
    tpu.vector_store %swap3A_1226[%swap3A_1227], %or3A_1222 {strides = array<i32>} : memref<128xi32, #tpu.memory_space<vmem>>, vector<16xi32>,
    %shift_right_logical3A_1229 = arith.constant 12 : i32
    %shift_right_logical3A_1230 = vector.broadcast %shift_right_logical3A_1229 : i32 to vector<16xi32>
    %shift_right_logical3A_1231 = arith.shrui %get3A_1212, %shift_right_logical3A_1230 : vector<16xi32>
    %and3A_1232 = arith.constant 7 : i32
    %and3A_1233 = vector.broadcast %and3A_1232 : i32 to vector<16xi32>
    %and3A_1234 = arith.andi %shift_right_logical3A_1231, %and3A_1233 : vector<16xi32>
    %shift_left3A_1235 = arith.constant 4 : i32
    %shift_left3A_1236 = vector.broadcast %shift_left3A_1235 : i32 to vector<16xi32>
    %shift_left3A_1237 = arith.shli %and3A_1234, %shift_left3A_1236 : vector<16xi32>
    %swap3A_1238 = arith.constant 16 : index
    %swap3A_1239 = tpu.vector_load %arg10[%swap3A_1238] {strides = array<i32>} : memref<512xi32, #tpu.memory_space<vmem>>, vector<16xi32>,
    tpu.vector_store %arg10[%swap3A_1238], %shift_left3A_1237 {strides = array<i32>} : memref<512xi32, #tpu.memory_space<vmem>>, vector<16xi32>,
    %get3A_1240 = arith.constant 0 : i32
    %get3A_1241 = arith.constant 0 : i32
    %get3A_1242 = tpu.memref_slice %arg8[%get3A_1240, %get3A_1241] : memref<4x128xi32, #tpu.memory_space<vmem>> -> memref<1x128xi32, #tpu.memory_space<vmem>>
    %get3A_1243 = tpu.memref_squeeze %get3A_1242 : memref<1x128xi32, #tpu.memory_space<vmem>> -> memref<128xi32, #tpu.memory_space<vmem>>
    %get3A_1244 = arith.constant 32 : index
    %get3A_1245 = tpu.vector_load %get3A_1243[%get3A_1244] {strides = array<i32>} : memref<128xi32, #tpu.memory_space<vmem>>, vector<16xi32>,
    %shift_right_logical3A_1246 = arith.constant 15 : i32
    %shift_right_logical3A_1247 = vector.broadcast %shift_right_logical3A_1246 : i32 to vector<16xi32>
    %shift_right_logical3A_1248 = arith.shrui %get3A_1245, %shift_right_logical3A_1247 : vector<16xi32>
    %shift_left3A_1249 = arith.constant 12 : i32
    %shift_left3A_1250 = vector.broadcast %shift_left3A_1249 : i32 to vector<16xi32>
    %shift_left3A_1251 = arith.shli %shift_right_logical3A_1248, %shift_left3A_1250 : vector<16xi32>
    %and3A_1252 = arith.constant 4095 : i32
    %and3A_1253 = vector.broadcast %and3A_1252 : i32 to vector<16xi32>
    %and3A_1254 = arith.andi %get3A_1245, %and3A_1253 : vector<16xi32>
    %or3A_1255 = arith.ori %shift_left3A_1251, %and3A_1254 : vector<16xi32>
    %swap3A_1256 = arith.constant 0 : i32
    %swap3A_1257 = arith.constant 0 : i32
    %swap3A_1258 = tpu.memref_slice %arg9[%swap3A_1256, %swap3A_1257] : memref<4x128xi32, #tpu.memory_space<vmem>> -> memref<1x128xi32, #tpu.memory_space<vmem>>
    %swap3A_1259 = tpu.memref_squeeze %swap3A_1258 : memref<1x128xi32, #tpu.memory_space<vmem>> -> memref<128xi32, #tpu.memory_space<vmem>>
    %swap3A_1260 = arith.constant 32 : index
    %swap3A_1261 = tpu.vector_load %swap3A_1259[%swap3A_1260] {strides = array<i32>} : memref<128xi32, #tpu.memory_space<vmem>>, vector<16xi32>,
    tpu.vector_store %swap3A_1259[%swap3A_1260], %or3A_1255 {strides = array<i32>} : memref<128xi32, #tpu.memory_space<vmem>>, vector<16xi32>,
    %shift_right_logical3A_1262 = arith.constant 12 : i32
    %shift_right_logical3A_1263 = vector.broadcast %shift_right_logical3A_1262 : i32 to vector<16xi32>
    %shift_right_logical3A_1264 = arith.shrui %get3A_1245, %shift_right_logical3A_1263 : vector<16xi32>
    %and3A_1265 = arith.constant 7 : i32
    %and3A_1266 = vector.broadcast %and3A_1265 : i32 to vector<16xi32>
    %and3A_1267 = arith.andi %shift_right_logical3A_1264, %and3A_1266 : vector<16xi32>
    %shift_left3A_1268 = arith.constant 4 : i32
    %shift_left3A_1269 = vector.broadcast %shift_left3A_1268 : i32 to vector<16xi32>
    %shift_left3A_1270 = arith.shli %and3A_1267, %shift_left3A_1269 : vector<16xi32>
    %swap3A_1271 = arith.constant 32 : index
    %swap3A_1272 = tpu.vector_load %arg10[%swap3A_1271] {strides = array<i32>} : memref<512xi32, #tpu.memory_space<vmem>>, vector<16xi32>,
    tpu.vector_store %arg10[%swap3A_1271], %shift_left3A_1270 {strides = array<i32>} : memref<512xi32, #tpu.memory_space<vmem>>, vector<16xi32>,
    %get3A_1273 = arith.constant 0 : i32
    %get3A_1274 = arith.constant 0 : i32
    %get3A_1275 = tpu.memref_slice %arg8[%get3A_1273, %get3A_1274] : memref<4x128xi32, #tpu.memory_space<vmem>> -> memref<1x128xi32, #tpu.memory_space<vmem>>
    %get3A_1276 = tpu.memref_squeeze %get3A_1275 : memref<1x128xi32, #tpu.memory_space<vmem>> -> memref<128xi32, #tpu.memory_space<vmem>>
    %get3A_1277 = arith.constant 48 : index
    %get3A_1278 = tpu.vector_load %get3A_1276[%get3A_1277] {strides = array<i32>} : memref<128xi32, #tpu.memory_space<vmem>>, vector<16xi32>,
    %shift_right_logical3A_1279 = arith.constant 15 : i32
    %shift_right_logical3A_1280 = vector.broadcast %shift_right_logical3A_1279 : i32 to vector<16xi32>
    %shift_right_logical3A_1281 = arith.shrui %get3A_1278, %shift_right_logical3A_1280 : vector<16xi32>
    %shift_left3A_1282 = arith.constant 12 : i32
    %shift_left3A_1283 = vector.broadcast %shift_left3A_1282 : i32 to vector<16xi32>
    %shift_left3A_1284 = arith.shli %shift_right_logical3A_1281, %shift_left3A_1283 : vector<16xi32>
    %and3A_1285 = arith.constant 4095 : i32
    %and3A_1286 = vector.broadcast %and3A_1285 : i32 to vector<16xi32>
    %and3A_1287 = arith.andi %get3A_1278, %and3A_1286 : vector<16xi32>
    %or3A_1288 = arith.ori %shift_left3A_1284, %and3A_1287 : vector<16xi32>
    %swap3A_1289 = arith.constant 0 : i32
    %swap3A_1290 = arith.constant 0 : i32
    %swap3A_1291 = tpu.memref_slice %arg9[%swap3A_1289, %swap3A_1290] : memref<4x128xi32, #tpu.memory_space<vmem>> -> memref<1x128xi32, #tpu.memory_space<vmem>>
    %swap3A_1292 = tpu.memref_squeeze %swap3A_1291 : memref<1x128xi32, #tpu.memory_space<vmem>> -> memref<128xi32, #tpu.memory_space<vmem>>
    %swap3A_1293 = arith.constant 48 : index
    %swap3A_1294 = tpu.vector_load %swap3A_1292[%swap3A_1293] {strides = array<i32>} : memref<128xi32, #tpu.memory_space<vmem>>, vector<16xi32>,
    tpu.vector_store %swap3A_1292[%swap3A_1293], %or3A_1288 {strides = array<i32>} : memref<128xi32, #tpu.memory_space<vmem>>, vector<16xi32>,
    %shift_right_logical3A_1295 = arith.constant 12 : i32
    %shift_right_logical3A_1296 = vector.broadcast %shift_right_logical3A_1295 : i32 to vector<16xi32>
    %shift_right_logical3A_1297 = arith.shrui %get3A_1278, %shift_right_logical3A_1296 : vector<16xi32>
    %and3A_1298 = arith.constant 7 : i32
    %and3A_1299 = vector.broadcast %and3A_1298 : i32 to vector<16xi32>
    %and3A_1300 = arith.andi %shift_right_logical3A_1297, %and3A_1299 : vector<16xi32>
    %shift_left3A_1301 = arith.constant 4 : i32
    %shift_left3A_1302 = vector.broadcast %shift_left3A_1301 : i32 to vector<16xi32>
    %shift_left3A_1303 = arith.shli %and3A_1300, %shift_left3A_1302 : vector<16xi32>
    %swap3A_1304 = arith.constant 48 : index
    %swap3A_1305 = tpu.vector_load %arg10[%swap3A_1304] {strides = array<i32>} : memref<512xi32, #tpu.memory_space<vmem>>, vector<16xi32>,
    tpu.vector_store %arg10[%swap3A_1304], %shift_left3A_1303 {strides = array<i32>} : memref<512xi32, #tpu.memory_space<vmem>>, vector<16xi32>,
    %get3A_1306 = arith.constant 0 : i32
    %get3A_1307 = arith.constant 0 : i32
    %get3A_1308 = tpu.memref_slice %arg8[%get3A_1306, %get3A_1307] : memref<4x128xi32, #tpu.memory_space<vmem>> -> memref<1x128xi32, #tpu.memory_space<vmem>>
    %get3A_1309 = tpu.memref_squeeze %get3A_1308 : memref<1x128xi32, #tpu.memory_space<vmem>> -> memref<128xi32, #tpu.memory_space<vmem>>
    %get3A_1310 = arith.constant 64 : index
    %get3A_1311 = tpu.vector_load %get3A_1309[%get3A_1310] {strides = array<i32>} : memref<128xi32, #tpu.memory_space<vmem>>, vector<16xi32>,
    %shift_right_logical3A_1312 = arith.constant 15 : i32
    %shift_right_logical3A_1313 = vector.broadcast %shift_right_logical3A_1312 : i32 to vector<16xi32>
    %shift_right_logical3A_1314 = arith.shrui %get3A_1311, %shift_right_logical3A_1313 : vector<16xi32>
    %shift_left3A_1315 = arith.constant 12 : i32
    %shift_left3A_1316 = vector.broadcast %shift_left3A_1315 : i32 to vector<16xi32>
    %shift_left3A_1317 = arith.shli %shift_right_logical3A_1314, %shift_left3A_1316 : vector<16xi32>
    %and3A_1318 = arith.constant 4095 : i32
    %and3A_1319 = vector.broadcast %and3A_1318 : i32 to vector<16xi32>
    %and3A_1320 = arith.andi %get3A_1311, %and3A_1319 : vector<16xi32>
    %or3A_1321 = arith.ori %shift_left3A_1317, %and3A_1320 : vector<16xi32>
    %swap3A_1322 = arith.constant 0 : i32
    %swap3A_1323 = arith.constant 0 : i32
    %swap3A_1324 = tpu.memref_slice %arg9[%swap3A_1322, %swap3A_1323] : memref<4x128xi32, #tpu.memory_space<vmem>> -> memref<1x128xi32, #tpu.memory_space<vmem>>
    %swap3A_1325 = tpu.memref_squeeze %swap3A_1324 : memref<1x128xi32, #tpu.memory_space<vmem>> -> memref<128xi32, #tpu.memory_space<vmem>>
    %swap3A_1326 = arith.constant 64 : index
    %swap3A_1327 = tpu.vector_load %swap3A_1325[%swap3A_1326] {strides = array<i32>} : memref<128xi32, #tpu.memory_space<vmem>>, vector<16xi32>,
    tpu.vector_store %swap3A_1325[%swap3A_1326], %or3A_1321 {strides = array<i32>} : memref<128xi32, #tpu.memory_space<vmem>>, vector<16xi32>,
    %shift_right_logical3A_1328 = arith.constant 12 : i32
    %shift_right_logical3A_1329 = vector.broadcast %shift_right_logical3A_1328 : i32 to vector<16xi32>
    %shift_right_logical3A_1330 = arith.shrui %get3A_1311, %shift_right_logical3A_1329 : vector<16xi32>
    %and3A_1331 = arith.constant 7 : i32
    %and3A_1332 = vector.broadcast %and3A_1331 : i32 to vector<16xi32>
    %and3A_1333 = arith.andi %shift_right_logical3A_1330, %and3A_1332 : vector<16xi32>
    %shift_left3A_1334 = arith.constant 4 : i32
    %shift_left3A_1335 = vector.broadcast %shift_left3A_1334 : i32 to vector<16xi32>
    %shift_left3A_1336 = arith.shli %and3A_1333, %shift_left3A_1335 : vector<16xi32>
    %swap3A_1337 = arith.constant 64 : index
    %swap3A_1338 = tpu.vector_load %arg10[%swap3A_1337] {strides = array<i32>} : memref<512xi32, #tpu.memory_space<vmem>>, vector<16xi32>,
    tpu.vector_store %arg10[%swap3A_1337], %shift_left3A_1336 {strides = array<i32>} : memref<512xi32, #tpu.memory_space<vmem>>, vector<16xi32>,
    %get3A_1339 = arith.constant 0 : i32
    %get3A_1340 = arith.constant 0 : i32
    %get3A_1341 = tpu.memref_slice %arg8[%get3A_1339, %get3A_1340] : memref<4x128xi32, #tpu.memory_space<vmem>> -> memref<1x128xi32, #tpu.memory_space<vmem>>
    %get3A_1342 = tpu.memref_squeeze %get3A_1341 : memref<1x128xi32, #tpu.memory_space<vmem>> -> memref<128xi32, #tpu.memory_space<vmem>>
    %get3A_1343 = arith.constant 80 : index
    %get3A_1344 = tpu.vector_load %get3A_1342[%get3A_1343] {strides = array<i32>} : memref<128xi32, #tpu.memory_space<vmem>>, vector<16xi32>,
    %shift_right_logical3A_1345 = arith.constant 15 : i32
    %shift_right_logical3A_1346 = vector.broadcast %shift_right_logical3A_1345 : i32 to vector<16xi32>
    %shift_right_logical3A_1347 = arith.shrui %get3A_1344, %shift_right_logical3A_1346 : vector<16xi32>
    %shift_left3A_1348 = arith.constant 12 : i32
    %shift_left3A_1349 = vector.broadcast %shift_left3A_1348 : i32 to vector<16xi32>
    %shift_left3A_1350 = arith.shli %shift_right_logical3A_1347, %shift_left3A_1349 : vector<16xi32>
    %and3A_1351 = arith.constant 4095 : i32
    %and3A_1352 = vector.broadcast %and3A_1351 : i32 to vector<16xi32>
    %and3A_1353 = arith.andi %get3A_1344, %and3A_1352 : vector<16xi32>
    %or3A_1354 = arith.ori %shift_left3A_1350, %and3A_1353 : vector<16xi32>
    %swap3A_1355 = arith.constant 0 : i32
    %swap3A_1356 = arith.constant 0 : i32
    %swap3A_1357 = tpu.memref_slice %arg9[%swap3A_1355, %swap3A_1356] : memref<4x128xi32, #tpu.memory_space<vmem>> -> memref<1x128xi32, #tpu.memory_space<vmem>>
    %swap3A_1358 = tpu.memref_squeeze %swap3A_1357 : memref<1x128xi32, #tpu.memory_space<vmem>> -> memref<128xi32, #tpu.memory_space<vmem>>
    %swap3A_1359 = arith.constant 80 : index
    %swap3A_1360 = tpu.vector_load %swap3A_1358[%swap3A_1359] {strides = array<i32>} : memref<128xi32, #tpu.memory_space<vmem>>, vector<16xi32>,
    tpu.vector_store %swap3A_1358[%swap3A_1359], %or3A_1354 {strides = array<i32>} : memref<128xi32, #tpu.memory_space<vmem>>, vector<16xi32>,
    %shift_right_logical3A_1361 = arith.constant 12 : i32
    %shift_right_logical3A_1362 = vector.broadcast %shift_right_logical3A_1361 : i32 to vector<16xi32>
    %shift_right_logical3A_1363 = arith.shrui %get3A_1344, %shift_right_logical3A_1362 : vector<16xi32>
    %and3A_1364 = arith.constant 7 : i32
    %and3A_1365 = vector.broadcast %and3A_1364 : i32 to vector<16xi32>
    %and3A_1366 = arith.andi %shift_right_logical3A_1363, %and3A_1365 : vector<16xi32>
    %shift_left3A_1367 = arith.constant 4 : i32
    %shift_left3A_1368 = vector.broadcast %shift_left3A_1367 : i32 to vector<16xi32>
    %shift_left3A_1369 = arith.shli %and3A_1366, %shift_left3A_1368 : vector<16xi32>
    %swap3A_1370 = arith.constant 80 : index
    %swap3A_1371 = tpu.vector_load %arg10[%swap3A_1370] {strides = array<i32>} : memref<512xi32, #tpu.memory_space<vmem>>, vector<16xi32>,
    tpu.vector_store %arg10[%swap3A_1370], %shift_left3A_1369 {strides = array<i32>} : memref<512xi32, #tpu.memory_space<vmem>>, vector<16xi32>,
    %get3A_1372 = arith.constant 0 : i32
    %get3A_1373 = arith.constant 0 : i32
    %get3A_1374 = tpu.memref_slice %arg8[%get3A_1372, %get3A_1373] : memref<4x128xi32, #tpu.memory_space<vmem>> -> memref<1x128xi32, #tpu.memory_space<vmem>>
    %get3A_1375 = tpu.memref_squeeze %get3A_1374 : memref<1x128xi32, #tpu.memory_space<vmem>> -> memref<128xi32, #tpu.memory_space<vmem>>
    %get3A_1376 = arith.constant 96 : index
    %get3A_1377 = tpu.vector_load %get3A_1375[%get3A_1376] {strides = array<i32>} : memref<128xi32, #tpu.memory_space<vmem>>, vector<16xi32>,
    %shift_right_logical3A_1378 = arith.constant 15 : i32
    %shift_right_logical3A_1379 = vector.broadcast %shift_right_logical3A_1378 : i32 to vector<16xi32>
    %shift_right_logical3A_1380 = arith.shrui %get3A_1377, %shift_right_logical3A_1379 : vector<16xi32>
    %shift_left3A_1381 = arith.constant 12 : i32
    %shift_left3A_1382 = vector.broadcast %shift_left3A_1381 : i32 to vector<16xi32>
    %shift_left3A_1383 = arith.shli %shift_right_logical3A_1380, %shift_left3A_1382 : vector<16xi32>
    %and3A_1384 = arith.constant 4095 : i32
    %and3A_1385 = vector.broadcast %and3A_1384 : i32 to vector<16xi32>
    %and3A_1386 = arith.andi %get3A_1377, %and3A_1385 : vector<16xi32>
    %or3A_1387 = arith.ori %shift_left3A_1383, %and3A_1386 : vector<16xi32>
    %swap3A_1388 = arith.constant 0 : i32
    %swap3A_1389 = arith.constant 0 : i32
    %swap3A_1390 = tpu.memref_slice %arg9[%swap3A_1388, %swap3A_1389] : memref<4x128xi32, #tpu.memory_space<vmem>> -> memref<1x128xi32, #tpu.memory_space<vmem>>
    %swap3A_1391 = tpu.memref_squeeze %swap3A_1390 : memref<1x128xi32, #tpu.memory_space<vmem>> -> memref<128xi32, #tpu.memory_space<vmem>>
    %swap3A_1392 = arith.constant 96 : index
    %swap3A_1393 = tpu.vector_load %swap3A_1391[%swap3A_1392] {strides = array<i32>} : memref<128xi32, #tpu.memory_space<vmem>>, vector<16xi32>,
    tpu.vector_store %swap3A_1391[%swap3A_1392], %or3A_1387 {strides = array<i32>} : memref<128xi32, #tpu.memory_space<vmem>>, vector<16xi32>,
    %shift_right_logical3A_1394 = arith.constant 12 : i32
    %shift_right_logical3A_1395 = vector.broadcast %shift_right_logical3A_1394 : i32 to vector<16xi32>
    %shift_right_logical3A_1396 = arith.shrui %get3A_1377, %shift_right_logical3A_1395 : vector<16xi32>
    %and3A_1397 = arith.constant 7 : i32
    %and3A_1398 = vector.broadcast %and3A_1397 : i32 to vector<16xi32>
    %and3A_1399 = arith.andi %shift_right_logical3A_1396, %and3A_1398 : vector<16xi32>
    %shift_left3A_1400 = arith.constant 4 : i32
    %shift_left3A_1401 = vector.broadcast %shift_left3A_1400 : i32 to vector<16xi32>
    %shift_left3A_1402 = arith.shli %and3A_1399, %shift_left3A_1401 : vector<16xi32>
    %swap3A_1403 = arith.constant 96 : index
    %swap3A_1404 = tpu.vector_load %arg10[%swap3A_1403] {strides = array<i32>} : memref<512xi32, #tpu.memory_space<vmem>>, vector<16xi32>,
    tpu.vector_store %arg10[%swap3A_1403], %shift_left3A_1402 {strides = array<i32>} : memref<512xi32, #tpu.memory_space<vmem>>, vector<16xi32>,
    %get3A_1405 = arith.constant 0 : i32
    %get3A_1406 = arith.constant 0 : i32
    %get3A_1407 = tpu.memref_slice %arg8[%get3A_1405, %get3A_1406] : memref<4x128xi32, #tpu.memory_space<vmem>> -> memref<1x128xi32, #tpu.memory_space<vmem>>
    %get3A_1408 = tpu.memref_squeeze %get3A_1407 : memref<1x128xi32, #tpu.memory_space<vmem>> -> memref<128xi32, #tpu.memory_space<vmem>>
    %get3A_1409 = arith.constant 112 : index
    %get3A_1410 = tpu.vector_load %get3A_1408[%get3A_1409] {strides = array<i32>} : memref<128xi32, #tpu.memory_space<vmem>>, vector<16xi32>,
    %shift_right_logical3A_1411 = arith.constant 15 : i32
    %shift_right_logical3A_1412 = vector.broadcast %shift_right_logical3A_1411 : i32 to vector<16xi32>
    %shift_right_logical3A_1413 = arith.shrui %get3A_1410, %shift_right_logical3A_1412 : vector<16xi32>
    %shift_left3A_1414 = arith.constant 12 : i32
    %shift_left3A_1415 = vector.broadcast %shift_left3A_1414 : i32 to vector<16xi32>
    %shift_left3A_1416 = arith.shli %shift_right_logical3A_1413, %shift_left3A_1415 : vector<16xi32>
    %and3A_1417 = arith.constant 4095 : i32
    %and3A_1418 = vector.broadcast %and3A_1417 : i32 to vector<16xi32>
    %and3A_1419 = arith.andi %get3A_1410, %and3A_1418 : vector<16xi32>
    %or3A_1420 = arith.ori %shift_left3A_1416, %and3A_1419 : vector<16xi32>
    %swap3A_1421 = arith.constant 0 : i32
    %swap3A_1422 = arith.constant 0 : i32
    %swap3A_1423 = tpu.memref_slice %arg9[%swap3A_1421, %swap3A_1422] : memref<4x128xi32, #tpu.memory_space<vmem>> -> memref<1x128xi32, #tpu.memory_space<vmem>>
    %swap3A_1424 = tpu.memref_squeeze %swap3A_1423 : memref<1x128xi32, #tpu.memory_space<vmem>> -> memref<128xi32, #tpu.memory_space<vmem>>
    %swap3A_1425 = arith.constant 112 : index
    %swap3A_1426 = tpu.vector_load %swap3A_1424[%swap3A_1425] {strides = array<i32>} : memref<128xi32, #tpu.memory_space<vmem>>, vector<16xi32>,
    tpu.vector_store %swap3A_1424[%swap3A_1425], %or3A_1420 {strides = array<i32>} : memref<128xi32, #tpu.memory_space<vmem>>, vector<16xi32>,
    %shift_right_logical3A_1427 = arith.constant 12 : i32
    %shift_right_logical3A_1428 = vector.broadcast %shift_right_logical3A_1427 : i32 to vector<16xi32>
    %shift_right_logical3A_1429 = arith.shrui %get3A_1410, %shift_right_logical3A_1428 : vector<16xi32>
    %and3A_1430 = arith.constant 7 : i32
    %and3A_1431 = vector.broadcast %and3A_1430 : i32 to vector<16xi32>
    %and3A_1432 = arith.andi %shift_right_logical3A_1429, %and3A_1431 : vector<16xi32>
    %shift_left3A_1433 = arith.constant 4 : i32
    %shift_left3A_1434 = vector.broadcast %shift_left3A_1433 : i32 to vector<16xi32>
    %shift_left3A_1435 = arith.shli %and3A_1432, %shift_left3A_1434 : vector<16xi32>
    %swap3A_1436 = arith.constant 112 : index
    %swap3A_1437 = tpu.vector_load %arg10[%swap3A_1436] {strides = array<i32>} : memref<512xi32, #tpu.memory_space<vmem>>, vector<16xi32>,
    tpu.vector_store %arg10[%swap3A_1436], %shift_left3A_1435 {strides = array<i32>} : memref<512xi32, #tpu.memory_space<vmem>>, vector<16xi32>,
    %get3A_1438 = arith.constant 1 : i32
    %get3A_1439 = arith.constant 0 : i32
    %get3A_1440 = tpu.memref_slice %arg8[%get3A_1438, %get3A_1439] : memref<4x128xi32, #tpu.memory_space<vmem>> -> memref<1x128xi32, #tpu.memory_space<vmem>>
    %get3A_1441 = tpu.memref_squeeze %get3A_1440 : memref<1x128xi32, #tpu.memory_space<vmem>> -> memref<128xi32, #tpu.memory_space<vmem>>
    %get3A_1442 = arith.constant 0 : index
    %get3A_1443 = tpu.vector_load %get3A_1441[%get3A_1442] {strides = array<i32>} : memref<128xi32, #tpu.memory_space<vmem>>, vector<16xi32>,
    %shift_right_logical3A_1444 = arith.constant 15 : i32
    %shift_right_logical3A_1445 = vector.broadcast %shift_right_logical3A_1444 : i32 to vector<16xi32>
    %shift_right_logical3A_1446 = arith.shrui %get3A_1443, %shift_right_logical3A_1445 : vector<16xi32>
    %shift_left3A_1447 = arith.constant 12 : i32
    %shift_left3A_1448 = vector.broadcast %shift_left3A_1447 : i32 to vector<16xi32>
    %shift_left3A_1449 = arith.shli %shift_right_logical3A_1446, %shift_left3A_1448 : vector<16xi32>
    %and3A_1450 = arith.constant 4095 : i32
    %and3A_1451 = vector.broadcast %and3A_1450 : i32 to vector<16xi32>
    %and3A_1452 = arith.andi %get3A_1443, %and3A_1451 : vector<16xi32>
    %or3A_1453 = arith.ori %shift_left3A_1449, %and3A_1452 : vector<16xi32>
    %swap3A_1454 = arith.constant 1 : i32
    %swap3A_1455 = arith.constant 0 : i32
    %swap3A_1456 = tpu.memref_slice %arg9[%swap3A_1454, %swap3A_1455] : memref<4x128xi32, #tpu.memory_space<vmem>> -> memref<1x128xi32, #tpu.memory_space<vmem>>
    %swap3A_1457 = tpu.memref_squeeze %swap3A_1456 : memref<1x128xi32, #tpu.memory_space<vmem>> -> memref<128xi32, #tpu.memory_space<vmem>>
    %swap3A_1458 = arith.constant 0 : index
    %swap3A_1459 = tpu.vector_load %swap3A_1457[%swap3A_1458] {strides = array<i32>} : memref<128xi32, #tpu.memory_space<vmem>>, vector<16xi32>,
    tpu.vector_store %swap3A_1457[%swap3A_1458], %or3A_1453 {strides = array<i32>} : memref<128xi32, #tpu.memory_space<vmem>>, vector<16xi32>,
    %shift_right_logical3A_1460 = arith.constant 12 : i32
    %shift_right_logical3A_1461 = vector.broadcast %shift_right_logical3A_1460 : i32 to vector<16xi32>
    %shift_right_logical3A_1462 = arith.shrui %get3A_1443, %shift_right_logical3A_1461 : vector<16xi32>
    %and3A_1463 = arith.constant 7 : i32
    %and3A_1464 = vector.broadcast %and3A_1463 : i32 to vector<16xi32>
    %and3A_1465 = arith.andi %shift_right_logical3A_1462, %and3A_1464 : vector<16xi32>
    %shift_left3A_1466 = arith.constant 4 : i32
    %shift_left3A_1467 = vector.broadcast %shift_left3A_1466 : i32 to vector<16xi32>
    %shift_left3A_1468 = arith.shli %and3A_1465, %shift_left3A_1467 : vector<16xi32>
    %swap3A_1469 = arith.constant 128 : index
    %swap3A_1470 = tpu.vector_load %arg10[%swap3A_1469] {strides = array<i32>} : memref<512xi32, #tpu.memory_space<vmem>>, vector<16xi32>,
    tpu.vector_store %arg10[%swap3A_1469], %shift_left3A_1468 {strides = array<i32>} : memref<512xi32, #tpu.memory_space<vmem>>, vector<16xi32>,
    %get3A_1471 = arith.constant 1 : i32
    %get3A_1472 = arith.constant 0 : i32
    %get3A_1473 = tpu.memref_slice %arg8[%get3A_1471, %get3A_1472] : memref<4x128xi32, #tpu.memory_space<vmem>> -> memref<1x128xi32, #tpu.memory_space<vmem>>
    %get3A_1474 = tpu.memref_squeeze %get3A_1473 : memref<1x128xi32, #tpu.memory_space<vmem>> -> memref<128xi32, #tpu.memory_space<vmem>>
    %get3A_1475 = arith.constant 16 : index
    %get3A_1476 = tpu.vector_load %get3A_1474[%get3A_1475] {strides = array<i32>} : memref<128xi32, #tpu.memory_space<vmem>>, vector<16xi32>,
    %shift_right_logical3A_1477 = arith.constant 15 : i32
    %shift_right_logical3A_1478 = vector.broadcast %shift_right_logical3A_1477 : i32 to vector<16xi32>
    %shift_right_logical3A_1479 = arith.shrui %get3A_1476, %shift_right_logical3A_1478 : vector<16xi32>
    %shift_left3A_1480 = arith.constant 12 : i32
    %shift_left3A_1481 = vector.broadcast %shift_left3A_1480 : i32 to vector<16xi32>
    %shift_left3A_1482 = arith.shli %shift_right_logical3A_1479, %shift_left3A_1481 : vector<16xi32>
    %and3A_1483 = arith.constant 4095 : i32
    %and3A_1484 = vector.broadcast %and3A_1483 : i32 to vector<16xi32>
    %and3A_1485 = arith.andi %get3A_1476, %and3A_1484 : vector<16xi32>
    %or3A_1486 = arith.ori %shift_left3A_1482, %and3A_1485 : vector<16xi32>
    %swap3A_1487 = arith.constant 1 : i32
    %swap3A_1488 = arith.constant 0 : i32
    %swap3A_1489 = tpu.memref_slice %arg9[%swap3A_1487, %swap3A_1488] : memref<4x128xi32, #tpu.memory_space<vmem>> -> memref<1x128xi32, #tpu.memory_space<vmem>>
    %swap3A_1490 = tpu.memref_squeeze %swap3A_1489 : memref<1x128xi32, #tpu.memory_space<vmem>> -> memref<128xi32, #tpu.memory_space<vmem>>
    %swap3A_1491 = arith.constant 16 : index
    %swap3A_1492 = tpu.vector_load %swap3A_1490[%swap3A_1491] {strides = array<i32>} : memref<128xi32, #tpu.memory_space<vmem>>, vector<16xi32>,
    tpu.vector_store %swap3A_1490[%swap3A_1491], %or3A_1486 {strides = array<i32>} : memref<128xi32, #tpu.memory_space<vmem>>, vector<16xi32>,
    %shift_right_logical3A_1493 = arith.constant 12 : i32
    %shift_right_logical3A_1494 = vector.broadcast %shift_right_logical3A_1493 : i32 to vector<16xi32>
    %shift_right_logical3A_1495 = arith.shrui %get3A_1476, %shift_right_logical3A_1494 : vector<16xi32>
    %and3A_1496 = arith.constant 7 : i32
    %and3A_1497 = vector.broadcast %and3A_1496 : i32 to vector<16xi32>
    %and3A_1498 = arith.andi %shift_right_logical3A_1495, %and3A_1497 : vector<16xi32>
    %shift_left3A_1499 = arith.constant 4 : i32
    %shift_left3A_1500 = vector.broadcast %shift_left3A_1499 : i32 to vector<16xi32>
    %shift_left3A_1501 = arith.shli %and3A_1498, %shift_left3A_1500 : vector<16xi32>
    %swap3A_1502 = arith.constant 144 : index
    %swap3A_1503 = tpu.vector_load %arg10[%swap3A_1502] {strides = array<i32>} : memref<512xi32, #tpu.memory_space<vmem>>, vector<16xi32>,
    tpu.vector_store %arg10[%swap3A_1502], %shift_left3A_1501 {strides = array<i32>} : memref<512xi32, #tpu.memory_space<vmem>>, vector<16xi32>,
    %get3A_1504 = arith.constant 1 : i32
    %get3A_1505 = arith.constant 0 : i32
    %get3A_1506 = tpu.memref_slice %arg8[%get3A_1504, %get3A_1505] : memref<4x128xi32, #tpu.memory_space<vmem>> -> memref<1x128xi32, #tpu.memory_space<vmem>>
    %get3A_1507 = tpu.memref_squeeze %get3A_1506 : memref<1x128xi32, #tpu.memory_space<vmem>> -> memref<128xi32, #tpu.memory_space<vmem>>
    %get3A_1508 = arith.constant 32 : index
    %get3A_1509 = tpu.vector_load %get3A_1507[%get3A_1508] {strides = array<i32>} : memref<128xi32, #tpu.memory_space<vmem>>, vector<16xi32>,
    %shift_right_logical3A_1510 = arith.constant 15 : i32
    %shift_right_logical3A_1511 = vector.broadcast %shift_right_logical3A_1510 : i32 to vector<16xi32>
    %shift_right_logical3A_1512 = arith.shrui %get3A_1509, %shift_right_logical3A_1511 : vector<16xi32>
    %shift_left3A_1513 = arith.constant 12 : i32
    %shift_left3A_1514 = vector.broadcast %shift_left3A_1513 : i32 to vector<16xi32>
    %shift_left3A_1515 = arith.shli %shift_right_logical3A_1512, %shift_left3A_1514 : vector<16xi32>
    %and3A_1516 = arith.constant 4095 : i32
    %and3A_1517 = vector.broadcast %and3A_1516 : i32 to vector<16xi32>
    %and3A_1518 = arith.andi %get3A_1509, %and3A_1517 : vector<16xi32>
    %or3A_1519 = arith.ori %shift_left3A_1515, %and3A_1518 : vector<16xi32>
    %swap3A_1520 = arith.constant 1 : i32
    %swap3A_1521 = arith.constant 0 : i32
    %swap3A_1522 = tpu.memref_slice %arg9[%swap3A_1520, %swap3A_1521] : memref<4x128xi32, #tpu.memory_space<vmem>> -> memref<1x128xi32, #tpu.memory_space<vmem>>
    %swap3A_1523 = tpu.memref_squeeze %swap3A_1522 : memref<1x128xi32, #tpu.memory_space<vmem>> -> memref<128xi32, #tpu.memory_space<vmem>>
    %swap3A_1524 = arith.constant 32 : index
    %swap3A_1525 = tpu.vector_load %swap3A_1523[%swap3A_1524] {strides = array<i32>} : memref<128xi32, #tpu.memory_space<vmem>>, vector<16xi32>,
    tpu.vector_store %swap3A_1523[%swap3A_1524], %or3A_1519 {strides = array<i32>} : memref<128xi32, #tpu.memory_space<vmem>>, vector<16xi32>,
    %shift_right_logical3A_1526 = arith.constant 12 : i32
    %shift_right_logical3A_1527 = vector.broadcast %shift_right_logical3A_1526 : i32 to vector<16xi32>
    %shift_right_logical3A_1528 = arith.shrui %get3A_1509, %shift_right_logical3A_1527 : vector<16xi32>
    %and3A_1529 = arith.constant 7 : i32
    %and3A_1530 = vector.broadcast %and3A_1529 : i32 to vector<16xi32>
    %and3A_1531 = arith.andi %shift_right_logical3A_1528, %and3A_1530 : vector<16xi32>
    %shift_left3A_1532 = arith.constant 4 : i32
    %shift_left3A_1533 = vector.broadcast %shift_left3A_1532 : i32 to vector<16xi32>
    %shift_left3A_1534 = arith.shli %and3A_1531, %shift_left3A_1533 : vector<16xi32>
    %swap3A_1535 = arith.constant 160 : index
    %swap3A_1536 = tpu.vector_load %arg10[%swap3A_1535] {strides = array<i32>} : memref<512xi32, #tpu.memory_space<vmem>>, vector<16xi32>,
    tpu.vector_store %arg10[%swap3A_1535], %shift_left3A_1534 {strides = array<i32>} : memref<512xi32, #tpu.memory_space<vmem>>, vector<16xi32>,
    %get3A_1537 = arith.constant 1 : i32
    %get3A_1538 = arith.constant 0 : i32
    %get3A_1539 = tpu.memref_slice %arg8[%get3A_1537, %get3A_1538] : memref<4x128xi32, #tpu.memory_space<vmem>> -> memref<1x128xi32, #tpu.memory_space<vmem>>
    %get3A_1540 = tpu.memref_squeeze %get3A_1539 : memref<1x128xi32, #tpu.memory_space<vmem>> -> memref<128xi32, #tpu.memory_space<vmem>>
    %get3A_1541 = arith.constant 48 : index
    %get3A_1542 = tpu.vector_load %get3A_1540[%get3A_1541] {strides = array<i32>} : memref<128xi32, #tpu.memory_space<vmem>>, vector<16xi32>,
    %shift_right_logical3A_1543 = arith.constant 15 : i32
    %shift_right_logical3A_1544 = vector.broadcast %shift_right_logical3A_1543 : i32 to vector<16xi32>
    %shift_right_logical3A_1545 = arith.shrui %get3A_1542, %shift_right_logical3A_1544 : vector<16xi32>
    %shift_left3A_1546 = arith.constant 12 : i32
    %shift_left3A_1547 = vector.broadcast %shift_left3A_1546 : i32 to vector<16xi32>
    %shift_left3A_1548 = arith.shli %shift_right_logical3A_1545, %shift_left3A_1547 : vector<16xi32>
    %and3A_1549 = arith.constant 4095 : i32
    %and3A_1550 = vector.broadcast %and3A_1549 : i32 to vector<16xi32>
    %and3A_1551 = arith.andi %get3A_1542, %and3A_1550 : vector<16xi32>
    %or3A_1552 = arith.ori %shift_left3A_1548, %and3A_1551 : vector<16xi32>
    %swap3A_1553 = arith.constant 1 : i32
    %swap3A_1554 = arith.constant 0 : i32
    %swap3A_1555 = tpu.memref_slice %arg9[%swap3A_1553, %swap3A_1554] : memref<4x128xi32, #tpu.memory_space<vmem>> -> memref<1x128xi32, #tpu.memory_space<vmem>>
    %swap3A_1556 = tpu.memref_squeeze %swap3A_1555 : memref<1x128xi32, #tpu.memory_space<vmem>> -> memref<128xi32, #tpu.memory_space<vmem>>
    %swap3A_1557 = arith.constant 48 : index
    %swap3A_1558 = tpu.vector_load %swap3A_1556[%swap3A_1557] {strides = array<i32>} : memref<128xi32, #tpu.memory_space<vmem>>, vector<16xi32>,
    tpu.vector_store %swap3A_1556[%swap3A_1557], %or3A_1552 {strides = array<i32>} : memref<128xi32, #tpu.memory_space<vmem>>, vector<16xi32>,
    %shift_right_logical3A_1559 = arith.constant 12 : i32
    %shift_right_logical3A_1560 = vector.broadcast %shift_right_logical3A_1559 : i32 to vector<16xi32>
    %shift_right_logical3A_1561 = arith.shrui %get3A_1542, %shift_right_logical3A_1560 : vector<16xi32>
    %and3A_1562 = arith.constant 7 : i32
    %and3A_1563 = vector.broadcast %and3A_1562 : i32 to vector<16xi32>
    %and3A_1564 = arith.andi %shift_right_logical3A_1561, %and3A_1563 : vector<16xi32>
    %shift_left3A_1565 = arith.constant 4 : i32
    %shift_left3A_1566 = vector.broadcast %shift_left3A_1565 : i32 to vector<16xi32>
    %shift_left3A_1567 = arith.shli %and3A_1564, %shift_left3A_1566 : vector<16xi32>
    %swap3A_1568 = arith.constant 176 : index
    %swap3A_1569 = tpu.vector_load %arg10[%swap3A_1568] {strides = array<i32>} : memref<512xi32, #tpu.memory_space<vmem>>, vector<16xi32>,
    tpu.vector_store %arg10[%swap3A_1568], %shift_left3A_1567 {strides = array<i32>} : memref<512xi32, #tpu.memory_space<vmem>>, vector<16xi32>,
    %get3A_1570 = arith.constant 1 : i32
    %get3A_1571 = arith.constant 0 : i32
    %get3A_1572 = tpu.memref_slice %arg8[%get3A_1570, %get3A_1571] : memref<4x128xi32, #tpu.memory_space<vmem>> -> memref<1x128xi32, #tpu.memory_space<vmem>>
    %get3A_1573 = tpu.memref_squeeze %get3A_1572 : memref<1x128xi32, #tpu.memory_space<vmem>> -> memref<128xi32, #tpu.memory_space<vmem>>
    %get3A_1574 = arith.constant 64 : index
    %get3A_1575 = tpu.vector_load %get3A_1573[%get3A_1574] {strides = array<i32>} : memref<128xi32, #tpu.memory_space<vmem>>, vector<16xi32>,
    %shift_right_logical3A_1576 = arith.constant 15 : i32
    %shift_right_logical3A_1577 = vector.broadcast %shift_right_logical3A_1576 : i32 to vector<16xi32>
    %shift_right_logical3A_1578 = arith.shrui %get3A_1575, %shift_right_logical3A_1577 : vector<16xi32>
    %shift_left3A_1579 = arith.constant 12 : i32
    %shift_left3A_1580 = vector.broadcast %shift_left3A_1579 : i32 to vector<16xi32>
    %shift_left3A_1581 = arith.shli %shift_right_logical3A_1578, %shift_left3A_1580 : vector<16xi32>
    %and3A_1582 = arith.constant 4095 : i32
    %and3A_1583 = vector.broadcast %and3A_1582 : i32 to vector<16xi32>
    %and3A_1584 = arith.andi %get3A_1575, %and3A_1583 : vector<16xi32>
    %or3A_1585 = arith.ori %shift_left3A_1581, %and3A_1584 : vector<16xi32>
    %swap3A_1586 = arith.constant 1 : i32
    %swap3A_1587 = arith.constant 0 : i32
    %swap3A_1588 = tpu.memref_slice %arg9[%swap3A_1586, %swap3A_1587] : memref<4x128xi32, #tpu.memory_space<vmem>> -> memref<1x128xi32, #tpu.memory_space<vmem>>
    %swap3A_1589 = tpu.memref_squeeze %swap3A_1588 : memref<1x128xi32, #tpu.memory_space<vmem>> -> memref<128xi32, #tpu.memory_space<vmem>>
    %swap3A_1590 = arith.constant 64 : index
    %swap3A_1591 = tpu.vector_load %swap3A_1589[%swap3A_1590] {strides = array<i32>} : memref<128xi32, #tpu.memory_space<vmem>>, vector<16xi32>,
    tpu.vector_store %swap3A_1589[%swap3A_1590], %or3A_1585 {strides = array<i32>} : memref<128xi32, #tpu.memory_space<vmem>>, vector<16xi32>,
    %shift_right_logical3A_1592 = arith.constant 12 : i32
    %shift_right_logical3A_1593 = vector.broadcast %shift_right_logical3A_1592 : i32 to vector<16xi32>
    %shift_right_logical3A_1594 = arith.shrui %get3A_1575, %shift_right_logical3A_1593 : vector<16xi32>
    %and3A_1595 = arith.constant 7 : i32
    %and3A_1596 = vector.broadcast %and3A_1595 : i32 to vector<16xi32>
    %and3A_1597 = arith.andi %shift_right_logical3A_1594, %and3A_1596 : vector<16xi32>
    %shift_left3A_1598 = arith.constant 4 : i32
    %shift_left3A_1599 = vector.broadcast %shift_left3A_1598 : i32 to vector<16xi32>
    %shift_left3A_1600 = arith.shli %and3A_1597, %shift_left3A_1599 : vector<16xi32>
    %swap3A_1601 = arith.constant 192 : index
    %swap3A_1602 = tpu.vector_load %arg10[%swap3A_1601] {strides = array<i32>} : memref<512xi32, #tpu.memory_space<vmem>>, vector<16xi32>,
    tpu.vector_store %arg10[%swap3A_1601], %shift_left3A_1600 {strides = array<i32>} : memref<512xi32, #tpu.memory_space<vmem>>, vector<16xi32>,
    %get3A_1603 = arith.constant 1 : i32
    %get3A_1604 = arith.constant 0 : i32
    %get3A_1605 = tpu.memref_slice %arg8[%get3A_1603, %get3A_1604] : memref<4x128xi32, #tpu.memory_space<vmem>> -> memref<1x128xi32, #tpu.memory_space<vmem>>
    %get3A_1606 = tpu.memref_squeeze %get3A_1605 : memref<1x128xi32, #tpu.memory_space<vmem>> -> memref<128xi32, #tpu.memory_space<vmem>>
    %get3A_1607 = arith.constant 80 : index
    %get3A_1608 = tpu.vector_load %get3A_1606[%get3A_1607] {strides = array<i32>} : memref<128xi32, #tpu.memory_space<vmem>>, vector<16xi32>,
    %shift_right_logical3A_1609 = arith.constant 15 : i32
    %shift_right_logical3A_1610 = vector.broadcast %shift_right_logical3A_1609 : i32 to vector<16xi32>
    %shift_right_logical3A_1611 = arith.shrui %get3A_1608, %shift_right_logical3A_1610 : vector<16xi32>
    %shift_left3A_1612 = arith.constant 12 : i32
    %shift_left3A_1613 = vector.broadcast %shift_left3A_1612 : i32 to vector<16xi32>
    %shift_left3A_1614 = arith.shli %shift_right_logical3A_1611, %shift_left3A_1613 : vector<16xi32>
    %and3A_1615 = arith.constant 4095 : i32
    %and3A_1616 = vector.broadcast %and3A_1615 : i32 to vector<16xi32>
    %and3A_1617 = arith.andi %get3A_1608, %and3A_1616 : vector<16xi32>
    %or3A_1618 = arith.ori %shift_left3A_1614, %and3A_1617 : vector<16xi32>
    %swap3A_1619 = arith.constant 1 : i32
    %swap3A_1620 = arith.constant 0 : i32
    %swap3A_1621 = tpu.memref_slice %arg9[%swap3A_1619, %swap3A_1620] : memref<4x128xi32, #tpu.memory_space<vmem>> -> memref<1x128xi32, #tpu.memory_space<vmem>>
    %swap3A_1622 = tpu.memref_squeeze %swap3A_1621 : memref<1x128xi32, #tpu.memory_space<vmem>> -> memref<128xi32, #tpu.memory_space<vmem>>
    %swap3A_1623 = arith.constant 80 : index
    %swap3A_1624 = tpu.vector_load %swap3A_1622[%swap3A_1623] {strides = array<i32>} : memref<128xi32, #tpu.memory_space<vmem>>, vector<16xi32>,
    tpu.vector_store %swap3A_1622[%swap3A_1623], %or3A_1618 {strides = array<i32>} : memref<128xi32, #tpu.memory_space<vmem>>, vector<16xi32>,
    %shift_right_logical3A_1625 = arith.constant 12 : i32
    %shift_right_logical3A_1626 = vector.broadcast %shift_right_logical3A_1625 : i32 to vector<16xi32>
    %shift_right_logical3A_1627 = arith.shrui %get3A_1608, %shift_right_logical3A_1626 : vector<16xi32>
    %and3A_1628 = arith.constant 7 : i32
    %and3A_1629 = vector.broadcast %and3A_1628 : i32 to vector<16xi32>
    %and3A_1630 = arith.andi %shift_right_logical3A_1627, %and3A_1629 : vector<16xi32>
    %shift_left3A_1631 = arith.constant 4 : i32
    %shift_left3A_1632 = vector.broadcast %shift_left3A_1631 : i32 to vector<16xi32>
    %shift_left3A_1633 = arith.shli %and3A_1630, %shift_left3A_1632 : vector<16xi32>
    %swap3A_1634 = arith.constant 208 : index
    %swap3A_1635 = tpu.vector_load %arg10[%swap3A_1634] {strides = array<i32>} : memref<512xi32, #tpu.memory_space<vmem>>, vector<16xi32>,
    tpu.vector_store %arg10[%swap3A_1634], %shift_left3A_1633 {strides = array<i32>} : memref<512xi32, #tpu.memory_space<vmem>>, vector<16xi32>,
    %get3A_1636 = arith.constant 1 : i32
    %get3A_1637 = arith.constant 0 : i32
    %get3A_1638 = tpu.memref_slice %arg8[%get3A_1636, %get3A_1637] : memref<4x128xi32, #tpu.memory_space<vmem>> -> memref<1x128xi32, #tpu.memory_space<vmem>>
    %get3A_1639 = tpu.memref_squeeze %get3A_1638 : memref<1x128xi32, #tpu.memory_space<vmem>> -> memref<128xi32, #tpu.memory_space<vmem>>
    %get3A_1640 = arith.constant 96 : index
    %get3A_1641 = tpu.vector_load %get3A_1639[%get3A_1640] {strides = array<i32>} : memref<128xi32, #tpu.memory_space<vmem>>, vector<16xi32>,
    %shift_right_logical3A_1642 = arith.constant 15 : i32
    %shift_right_logical3A_1643 = vector.broadcast %shift_right_logical3A_1642 : i32 to vector<16xi32>
    %shift_right_logical3A_1644 = arith.shrui %get3A_1641, %shift_right_logical3A_1643 : vector<16xi32>
    %shift_left3A_1645 = arith.constant 12 : i32
    %shift_left3A_1646 = vector.broadcast %shift_left3A_1645 : i32 to vector<16xi32>
    %shift_left3A_1647 = arith.shli %shift_right_logical3A_1644, %shift_left3A_1646 : vector<16xi32>
    %and3A_1648 = arith.constant 4095 : i32
    %and3A_1649 = vector.broadcast %and3A_1648 : i32 to vector<16xi32>
    %and3A_1650 = arith.andi %get3A_1641, %and3A_1649 : vector<16xi32>
    %or3A_1651 = arith.ori %shift_left3A_1647, %and3A_1650 : vector<16xi32>
    %swap3A_1652 = arith.constant 1 : i32
    %swap3A_1653 = arith.constant 0 : i32
    %swap3A_1654 = tpu.memref_slice %arg9[%swap3A_1652, %swap3A_1653] : memref<4x128xi32, #tpu.memory_space<vmem>> -> memref<1x128xi32, #tpu.memory_space<vmem>>
    %swap3A_1655 = tpu.memref_squeeze %swap3A_1654 : memref<1x128xi32, #tpu.memory_space<vmem>> -> memref<128xi32, #tpu.memory_space<vmem>>
    %swap3A_1656 = arith.constant 96 : index
    %swap3A_1657 = tpu.vector_load %swap3A_1655[%swap3A_1656] {strides = array<i32>} : memref<128xi32, #tpu.memory_space<vmem>>, vector<16xi32>,
    tpu.vector_store %swap3A_1655[%swap3A_1656], %or3A_1651 {strides = array<i32>} : memref<128xi32, #tpu.memory_space<vmem>>, vector<16xi32>,
    %shift_right_logical3A_1658 = arith.constant 12 : i32
    %shift_right_logical3A_1659 = vector.broadcast %shift_right_logical3A_1658 : i32 to vector<16xi32>
    %shift_right_logical3A_1660 = arith.shrui %get3A_1641, %shift_right_logical3A_1659 : vector<16xi32>
    %and3A_1661 = arith.constant 7 : i32
    %and3A_1662 = vector.broadcast %and3A_1661 : i32 to vector<16xi32>
    %and3A_1663 = arith.andi %shift_right_logical3A_1660, %and3A_1662 : vector<16xi32>
    %shift_left3A_1664 = arith.constant 4 : i32
    %shift_left3A_1665 = vector.broadcast %shift_left3A_1664 : i32 to vector<16xi32>
    %shift_left3A_1666 = arith.shli %and3A_1663, %shift_left3A_1665 : vector<16xi32>
    %swap3A_1667 = arith.constant 224 : index
    %swap3A_1668 = tpu.vector_load %arg10[%swap3A_1667] {strides = array<i32>} : memref<512xi32, #tpu.memory_space<vmem>>, vector<16xi32>,
    tpu.vector_store %arg10[%swap3A_1667], %shift_left3A_1666 {strides = array<i32>} : memref<512xi32, #tpu.memory_space<vmem>>, vector<16xi32>,
    %get3A_1669 = arith.constant 1 : i32
    %get3A_1670 = arith.constant 0 : i32
    %get3A_1671 = tpu.memref_slice %arg8[%get3A_1669, %get3A_1670] : memref<4x128xi32, #tpu.memory_space<vmem>> -> memref<1x128xi32, #tpu.memory_space<vmem>>
    %get3A_1672 = tpu.memref_squeeze %get3A_1671 : memref<1x128xi32, #tpu.memory_space<vmem>> -> memref<128xi32, #tpu.memory_space<vmem>>
    %get3A_1673 = arith.constant 112 : index
    %get3A_1674 = tpu.vector_load %get3A_1672[%get3A_1673] {strides = array<i32>} : memref<128xi32, #tpu.memory_space<vmem>>, vector<16xi32>,
    %shift_right_logical3A_1675 = arith.constant 15 : i32
    %shift_right_logical3A_1676 = vector.broadcast %shift_right_logical3A_1675 : i32 to vector<16xi32>
    %shift_right_logical3A_1677 = arith.shrui %get3A_1674, %shift_right_logical3A_1676 : vector<16xi32>
    %shift_left3A_1678 = arith.constant 12 : i32
    %shift_left3A_1679 = vector.broadcast %shift_left3A_1678 : i32 to vector<16xi32>
    %shift_left3A_1680 = arith.shli %shift_right_logical3A_1677, %shift_left3A_1679 : vector<16xi32>
    %and3A_1681 = arith.constant 4095 : i32
    %and3A_1682 = vector.broadcast %and3A_1681 : i32 to vector<16xi32>
    %and3A_1683 = arith.andi %get3A_1674, %and3A_1682 : vector<16xi32>
    %or3A_1684 = arith.ori %shift_left3A_1680, %and3A_1683 : vector<16xi32>
    %swap3A_1685 = arith.constant 1 : i32
    %swap3A_1686 = arith.constant 0 : i32
    %swap3A_1687 = tpu.memref_slice %arg9[%swap3A_1685, %swap3A_1686] : memref<4x128xi32, #tpu.memory_space<vmem>> -> memref<1x128xi32, #tpu.memory_space<vmem>>
    %swap3A_1688 = tpu.memref_squeeze %swap3A_1687 : memref<1x128xi32, #tpu.memory_space<vmem>> -> memref<128xi32, #tpu.memory_space<vmem>>
    %swap3A_1689 = arith.constant 112 : index
    %swap3A_1690 = tpu.vector_load %swap3A_1688[%swap3A_1689] {strides = array<i32>} : memref<128xi32, #tpu.memory_space<vmem>>, vector<16xi32>,
    tpu.vector_store %swap3A_1688[%swap3A_1689], %or3A_1684 {strides = array<i32>} : memref<128xi32, #tpu.memory_space<vmem>>, vector<16xi32>,
    %shift_right_logical3A_1691 = arith.constant 12 : i32
    %shift_right_logical3A_1692 = vector.broadcast %shift_right_logical3A_1691 : i32 to vector<16xi32>
    %shift_right_logical3A_1693 = arith.shrui %get3A_1674, %shift_right_logical3A_1692 : vector<16xi32>
    %and3A_1694 = arith.constant 7 : i32
    %and3A_1695 = vector.broadcast %and3A_1694 : i32 to vector<16xi32>
    %and3A_1696 = arith.andi %shift_right_logical3A_1693, %and3A_1695 : vector<16xi32>
    %shift_left3A_1697 = arith.constant 4 : i32
    %shift_left3A_1698 = vector.broadcast %shift_left3A_1697 : i32 to vector<16xi32>
    %shift_left3A_1699 = arith.shli %and3A_1696, %shift_left3A_1698 : vector<16xi32>
    %swap3A_1700 = arith.constant 240 : index
    %swap3A_1701 = tpu.vector_load %arg10[%swap3A_1700] {strides = array<i32>} : memref<512xi32, #tpu.memory_space<vmem>>, vector<16xi32>,
    tpu.vector_store %arg10[%swap3A_1700], %shift_left3A_1699 {strides = array<i32>} : memref<512xi32, #tpu.memory_space<vmem>>, vector<16xi32>,
    %get3A_1702 = arith.constant 2 : i32
    %get3A_1703 = arith.constant 0 : i32
    %get3A_1704 = tpu.memref_slice %arg8[%get3A_1702, %get3A_1703] : memref<4x128xi32, #tpu.memory_space<vmem>> -> memref<1x128xi32, #tpu.memory_space<vmem>>
    %get3A_1705 = tpu.memref_squeeze %get3A_1704 : memref<1x128xi32, #tpu.memory_space<vmem>> -> memref<128xi32, #tpu.memory_space<vmem>>
    %get3A_1706 = arith.constant 0 : index
    %get3A_1707 = tpu.vector_load %get3A_1705[%get3A_1706] {strides = array<i32>} : memref<128xi32, #tpu.memory_space<vmem>>, vector<16xi32>,
    %shift_right_logical3A_1708 = arith.constant 15 : i32
    %shift_right_logical3A_1709 = vector.broadcast %shift_right_logical3A_1708 : i32 to vector<16xi32>
    %shift_right_logical3A_1710 = arith.shrui %get3A_1707, %shift_right_logical3A_1709 : vector<16xi32>
    %shift_left3A_1711 = arith.constant 12 : i32
    %shift_left3A_1712 = vector.broadcast %shift_left3A_1711 : i32 to vector<16xi32>
    %shift_left3A_1713 = arith.shli %shift_right_logical3A_1710, %shift_left3A_1712 : vector<16xi32>
    %and3A_1714 = arith.constant 4095 : i32
    %and3A_1715 = vector.broadcast %and3A_1714 : i32 to vector<16xi32>
    %and3A_1716 = arith.andi %get3A_1707, %and3A_1715 : vector<16xi32>
    %or3A_1717 = arith.ori %shift_left3A_1713, %and3A_1716 : vector<16xi32>
    %swap3A_1718 = arith.constant 2 : i32
    %swap3A_1719 = arith.constant 0 : i32
    %swap3A_1720 = tpu.memref_slice %arg9[%swap3A_1718, %swap3A_1719] : memref<4x128xi32, #tpu.memory_space<vmem>> -> memref<1x128xi32, #tpu.memory_space<vmem>>
    %swap3A_1721 = tpu.memref_squeeze %swap3A_1720 : memref<1x128xi32, #tpu.memory_space<vmem>> -> memref<128xi32, #tpu.memory_space<vmem>>
    %swap3A_1722 = arith.constant 0 : index
    %swap3A_1723 = tpu.vector_load %swap3A_1721[%swap3A_1722] {strides = array<i32>} : memref<128xi32, #tpu.memory_space<vmem>>, vector<16xi32>,
    tpu.vector_store %swap3A_1721[%swap3A_1722], %or3A_1717 {strides = array<i32>} : memref<128xi32, #tpu.memory_space<vmem>>, vector<16xi32>,
    %shift_right_logical3A_1724 = arith.constant 12 : i32
    %shift_right_logical3A_1725 = vector.broadcast %shift_right_logical3A_1724 : i32 to vector<16xi32>
    %shift_right_logical3A_1726 = arith.shrui %get3A_1707, %shift_right_logical3A_1725 : vector<16xi32>
    %and3A_1727 = arith.constant 7 : i32
    %and3A_1728 = vector.broadcast %and3A_1727 : i32 to vector<16xi32>
    %and3A_1729 = arith.andi %shift_right_logical3A_1726, %and3A_1728 : vector<16xi32>
    %shift_left3A_1730 = arith.constant 4 : i32
    %shift_left3A_1731 = vector.broadcast %shift_left3A_1730 : i32 to vector<16xi32>
    %shift_left3A_1732 = arith.shli %and3A_1729, %shift_left3A_1731 : vector<16xi32>
    %swap3A_1733 = arith.constant 256 : index
    %swap3A_1734 = tpu.vector_load %arg10[%swap3A_1733] {strides = array<i32>} : memref<512xi32, #tpu.memory_space<vmem>>, vector<16xi32>,
    tpu.vector_store %arg10[%swap3A_1733], %shift_left3A_1732 {strides = array<i32>} : memref<512xi32, #tpu.memory_space<vmem>>, vector<16xi32>,
    %get3A_1735 = arith.constant 2 : i32
    %get3A_1736 = arith.constant 0 : i32
    %get3A_1737 = tpu.memref_slice %arg8[%get3A_1735, %get3A_1736] : memref<4x128xi32, #tpu.memory_space<vmem>> -> memref<1x128xi32, #tpu.memory_space<vmem>>
    %get3A_1738 = tpu.memref_squeeze %get3A_1737 : memref<1x128xi32, #tpu.memory_space<vmem>> -> memref<128xi32, #tpu.memory_space<vmem>>
    %get3A_1739 = arith.constant 16 : index
    %get3A_1740 = tpu.vector_load %get3A_1738[%get3A_1739] {strides = array<i32>} : memref<128xi32, #tpu.memory_space<vmem>>, vector<16xi32>,
    %shift_right_logical3A_1741 = arith.constant 15 : i32
    %shift_right_logical3A_1742 = vector.broadcast %shift_right_logical3A_1741 : i32 to vector<16xi32>
    %shift_right_logical3A_1743 = arith.shrui %get3A_1740, %shift_right_logical3A_1742 : vector<16xi32>
    %shift_left3A_1744 = arith.constant 12 : i32
    %shift_left3A_1745 = vector.broadcast %shift_left3A_1744 : i32 to vector<16xi32>
    %shift_left3A_1746 = arith.shli %shift_right_logical3A_1743, %shift_left3A_1745 : vector<16xi32>
    %and3A_1747 = arith.constant 4095 : i32
    %and3A_1748 = vector.broadcast %and3A_1747 : i32 to vector<16xi32>
    %and3A_1749 = arith.andi %get3A_1740, %and3A_1748 : vector<16xi32>
    %or3A_1750 = arith.ori %shift_left3A_1746, %and3A_1749 : vector<16xi32>
    %swap3A_1751 = arith.constant 2 : i32
    %swap3A_1752 = arith.constant 0 : i32
    %swap3A_1753 = tpu.memref_slice %arg9[%swap3A_1751, %swap3A_1752] : memref<4x128xi32, #tpu.memory_space<vmem>> -> memref<1x128xi32, #tpu.memory_space<vmem>>
    %swap3A_1754 = tpu.memref_squeeze %swap3A_1753 : memref<1x128xi32, #tpu.memory_space<vmem>> -> memref<128xi32, #tpu.memory_space<vmem>>
    %swap3A_1755 = arith.constant 16 : index
    %swap3A_1756 = tpu.vector_load %swap3A_1754[%swap3A_1755] {strides = array<i32>} : memref<128xi32, #tpu.memory_space<vmem>>, vector<16xi32>,
    tpu.vector_store %swap3A_1754[%swap3A_1755], %or3A_1750 {strides = array<i32>} : memref<128xi32, #tpu.memory_space<vmem>>, vector<16xi32>,
    %shift_right_logical3A_1757 = arith.constant 12 : i32
    %shift_right_logical3A_1758 = vector.broadcast %shift_right_logical3A_1757 : i32 to vector<16xi32>
    %shift_right_logical3A_1759 = arith.shrui %get3A_1740, %shift_right_logical3A_1758 : vector<16xi32>
    %and3A_1760 = arith.constant 7 : i32
    %and3A_1761 = vector.broadcast %and3A_1760 : i32 to vector<16xi32>
    %and3A_1762 = arith.andi %shift_right_logical3A_1759, %and3A_1761 : vector<16xi32>
    %shift_left3A_1763 = arith.constant 4 : i32
    %shift_left3A_1764 = vector.broadcast %shift_left3A_1763 : i32 to vector<16xi32>
    %shift_left3A_1765 = arith.shli %and3A_1762, %shift_left3A_1764 : vector<16xi32>
    %swap3A_1766 = arith.constant 272 : index
    %swap3A_1767 = tpu.vector_load %arg10[%swap3A_1766] {strides = array<i32>} : memref<512xi32, #tpu.memory_space<vmem>>, vector<16xi32>,
    tpu.vector_store %arg10[%swap3A_1766], %shift_left3A_1765 {strides = array<i32>} : memref<512xi32, #tpu.memory_space<vmem>>, vector<16xi32>,
    %get3A_1768 = arith.constant 2 : i32
    %get3A_1769 = arith.constant 0 : i32
    %get3A_1770 = tpu.memref_slice %arg8[%get3A_1768, %get3A_1769] : memref<4x128xi32, #tpu.memory_space<vmem>> -> memref<1x128xi32, #tpu.memory_space<vmem>>
    %get3A_1771 = tpu.memref_squeeze %get3A_1770 : memref<1x128xi32, #tpu.memory_space<vmem>> -> memref<128xi32, #tpu.memory_space<vmem>>
    %get3A_1772 = arith.constant 32 : index
    %get3A_1773 = tpu.vector_load %get3A_1771[%get3A_1772] {strides = array<i32>} : memref<128xi32, #tpu.memory_space<vmem>>, vector<16xi32>,
    %shift_right_logical3A_1774 = arith.constant 15 : i32
    %shift_right_logical3A_1775 = vector.broadcast %shift_right_logical3A_1774 : i32 to vector<16xi32>
    %shift_right_logical3A_1776 = arith.shrui %get3A_1773, %shift_right_logical3A_1775 : vector<16xi32>
    %shift_left3A_1777 = arith.constant 12 : i32
    %shift_left3A_1778 = vector.broadcast %shift_left3A_1777 : i32 to vector<16xi32>
    %shift_left3A_1779 = arith.shli %shift_right_logical3A_1776, %shift_left3A_1778 : vector<16xi32>
    %and3A_1780 = arith.constant 4095 : i32
    %and3A_1781 = vector.broadcast %and3A_1780 : i32 to vector<16xi32>
    %and3A_1782 = arith.andi %get3A_1773, %and3A_1781 : vector<16xi32>
    %or3A_1783 = arith.ori %shift_left3A_1779, %and3A_1782 : vector<16xi32>
    %swap3A_1784 = arith.constant 2 : i32
    %swap3A_1785 = arith.constant 0 : i32
    %swap3A_1786 = tpu.memref_slice %arg9[%swap3A_1784, %swap3A_1785] : memref<4x128xi32, #tpu.memory_space<vmem>> -> memref<1x128xi32, #tpu.memory_space<vmem>>
    %swap3A_1787 = tpu.memref_squeeze %swap3A_1786 : memref<1x128xi32, #tpu.memory_space<vmem>> -> memref<128xi32, #tpu.memory_space<vmem>>
    %swap3A_1788 = arith.constant 32 : index
    %swap3A_1789 = tpu.vector_load %swap3A_1787[%swap3A_1788] {strides = array<i32>} : memref<128xi32, #tpu.memory_space<vmem>>, vector<16xi32>,
    tpu.vector_store %swap3A_1787[%swap3A_1788], %or3A_1783 {strides = array<i32>} : memref<128xi32, #tpu.memory_space<vmem>>, vector<16xi32>,
    %shift_right_logical3A_1790 = arith.constant 12 : i32
    %shift_right_logical3A_1791 = vector.broadcast %shift_right_logical3A_1790 : i32 to vector<16xi32>
    %shift_right_logical3A_1792 = arith.shrui %get3A_1773, %shift_right_logical3A_1791 : vector<16xi32>
    %and3A_1793 = arith.constant 7 : i32
    %and3A_1794 = vector.broadcast %and3A_1793 : i32 to vector<16xi32>
    %and3A_1795 = arith.andi %shift_right_logical3A_1792, %and3A_1794 : vector<16xi32>
    %shift_left3A_1796 = arith.constant 4 : i32
    %shift_left3A_1797 = vector.broadcast %shift_left3A_1796 : i32 to vector<16xi32>
    %shift_left3A_1798 = arith.shli %and3A_1795, %shift_left3A_1797 : vector<16xi32>
    %swap3A_1799 = arith.constant 288 : index
    %swap3A_1800 = tpu.vector_load %arg10[%swap3A_1799] {strides = array<i32>} : memref<512xi32, #tpu.memory_space<vmem>>, vector<16xi32>,
    tpu.vector_store %arg10[%swap3A_1799], %shift_left3A_1798 {strides = array<i32>} : memref<512xi32, #tpu.memory_space<vmem>>, vector<16xi32>,
    %get3A_1801 = arith.constant 2 : i32
    %get3A_1802 = arith.constant 0 : i32
    %get3A_1803 = tpu.memref_slice %arg8[%get3A_1801, %get3A_1802] : memref<4x128xi32, #tpu.memory_space<vmem>> -> memref<1x128xi32, #tpu.memory_space<vmem>>
    %get3A_1804 = tpu.memref_squeeze %get3A_1803 : memref<1x128xi32, #tpu.memory_space<vmem>> -> memref<128xi32, #tpu.memory_space<vmem>>
    %get3A_1805 = arith.constant 48 : index
    %get3A_1806 = tpu.vector_load %get3A_1804[%get3A_1805] {strides = array<i32>} : memref<128xi32, #tpu.memory_space<vmem>>, vector<16xi32>,
    %shift_right_logical3A_1807 = arith.constant 15 : i32
    %shift_right_logical3A_1808 = vector.broadcast %shift_right_logical3A_1807 : i32 to vector<16xi32>
    %shift_right_logical3A_1809 = arith.shrui %get3A_1806, %shift_right_logical3A_1808 : vector<16xi32>
    %shift_left3A_1810 = arith.constant 12 : i32
    %shift_left3A_1811 = vector.broadcast %shift_left3A_1810 : i32 to vector<16xi32>
    %shift_left3A_1812 = arith.shli %shift_right_logical3A_1809, %shift_left3A_1811 : vector<16xi32>
    %and3A_1813 = arith.constant 4095 : i32
    %and3A_1814 = vector.broadcast %and3A_1813 : i32 to vector<16xi32>
    %and3A_1815 = arith.andi %get3A_1806, %and3A_1814 : vector<16xi32>
    %or3A_1816 = arith.ori %shift_left3A_1812, %and3A_1815 : vector<16xi32>
    %swap3A_1817 = arith.constant 2 : i32
    %swap3A_1818 = arith.constant 0 : i32
    %swap3A_1819 = tpu.memref_slice %arg9[%swap3A_1817, %swap3A_1818] : memref<4x128xi32, #tpu.memory_space<vmem>> -> memref<1x128xi32, #tpu.memory_space<vmem>>
    %swap3A_1820 = tpu.memref_squeeze %swap3A_1819 : memref<1x128xi32, #tpu.memory_space<vmem>> -> memref<128xi32, #tpu.memory_space<vmem>>
    %swap3A_1821 = arith.constant 48 : index
    %swap3A_1822 = tpu.vector_load %swap3A_1820[%swap3A_1821] {strides = array<i32>} : memref<128xi32, #tpu.memory_space<vmem>>, vector<16xi32>,
    tpu.vector_store %swap3A_1820[%swap3A_1821], %or3A_1816 {strides = array<i32>} : memref<128xi32, #tpu.memory_space<vmem>>, vector<16xi32>,
    %shift_right_logical3A_1823 = arith.constant 12 : i32
    %shift_right_logical3A_1824 = vector.broadcast %shift_right_logical3A_1823 : i32 to vector<16xi32>
    %shift_right_logical3A_1825 = arith.shrui %get3A_1806, %shift_right_logical3A_1824 : vector<16xi32>
    %and3A_1826 = arith.constant 7 : i32
    %and3A_1827 = vector.broadcast %and3A_1826 : i32 to vector<16xi32>
    %and3A_1828 = arith.andi %shift_right_logical3A_1825, %and3A_1827 : vector<16xi32>
    %shift_left3A_1829 = arith.constant 4 : i32
    %shift_left3A_1830 = vector.broadcast %shift_left3A_1829 : i32 to vector<16xi32>
    %shift_left3A_1831 = arith.shli %and3A_1828, %shift_left3A_1830 : vector<16xi32>
    %swap3A_1832 = arith.constant 304 : index
    %swap3A_1833 = tpu.vector_load %arg10[%swap3A_1832] {strides = array<i32>} : memref<512xi32, #tpu.memory_space<vmem>>, vector<16xi32>,
    tpu.vector_store %arg10[%swap3A_1832], %shift_left3A_1831 {strides = array<i32>} : memref<512xi32, #tpu.memory_space<vmem>>, vector<16xi32>,
    %get3A_1834 = arith.constant 2 : i32
    %get3A_1835 = arith.constant 0 : i32
    %get3A_1836 = tpu.memref_slice %arg8[%get3A_1834, %get3A_1835] : memref<4x128xi32, #tpu.memory_space<vmem>> -> memref<1x128xi32, #tpu.memory_space<vmem>>
    %get3A_1837 = tpu.memref_squeeze %get3A_1836 : memref<1x128xi32, #tpu.memory_space<vmem>> -> memref<128xi32, #tpu.memory_space<vmem>>
    %get3A_1838 = arith.constant 64 : index
    %get3A_1839 = tpu.vector_load %get3A_1837[%get3A_1838] {strides = array<i32>} : memref<128xi32, #tpu.memory_space<vmem>>, vector<16xi32>,
    %shift_right_logical3A_1840 = arith.constant 15 : i32
    %shift_right_logical3A_1841 = vector.broadcast %shift_right_logical3A_1840 : i32 to vector<16xi32>
    %shift_right_logical3A_1842 = arith.shrui %get3A_1839, %shift_right_logical3A_1841 : vector<16xi32>
    %shift_left3A_1843 = arith.constant 12 : i32
    %shift_left3A_1844 = vector.broadcast %shift_left3A_1843 : i32 to vector<16xi32>
    %shift_left3A_1845 = arith.shli %shift_right_logical3A_1842, %shift_left3A_1844 : vector<16xi32>
    %and3A_1846 = arith.constant 4095 : i32
    %and3A_1847 = vector.broadcast %and3A_1846 : i32 to vector<16xi32>
    %and3A_1848 = arith.andi %get3A_1839, %and3A_1847 : vector<16xi32>
    %or3A_1849 = arith.ori %shift_left3A_1845, %and3A_1848 : vector<16xi32>
    %swap3A_1850 = arith.constant 2 : i32
    %swap3A_1851 = arith.constant 0 : i32
    %swap3A_1852 = tpu.memref_slice %arg9[%swap3A_1850, %swap3A_1851] : memref<4x128xi32, #tpu.memory_space<vmem>> -> memref<1x128xi32, #tpu.memory_space<vmem>>
    %swap3A_1853 = tpu.memref_squeeze %swap3A_1852 : memref<1x128xi32, #tpu.memory_space<vmem>> -> memref<128xi32, #tpu.memory_space<vmem>>
    %swap3A_1854 = arith.constant 64 : index
    %swap3A_1855 = tpu.vector_load %swap3A_1853[%swap3A_1854] {strides = array<i32>} : memref<128xi32, #tpu.memory_space<vmem>>, vector<16xi32>,
    tpu.vector_store %swap3A_1853[%swap3A_1854], %or3A_1849 {strides = array<i32>} : memref<128xi32, #tpu.memory_space<vmem>>, vector<16xi32>,
    %shift_right_logical3A_1856 = arith.constant 12 : i32
    %shift_right_logical3A_1857 = vector.broadcast %shift_right_logical3A_1856 : i32 to vector<16xi32>
    %shift_right_logical3A_1858 = arith.shrui %get3A_1839, %shift_right_logical3A_1857 : vector<16xi32>
    %and3A_1859 = arith.constant 7 : i32
    %and3A_1860 = vector.broadcast %and3A_1859 : i32 to vector<16xi32>
    %and3A_1861 = arith.andi %shift_right_logical3A_1858, %and3A_1860 : vector<16xi32>
    %shift_left3A_1862 = arith.constant 4 : i32
    %shift_left3A_1863 = vector.broadcast %shift_left3A_1862 : i32 to vector<16xi32>
    %shift_left3A_1864 = arith.shli %and3A_1861, %shift_left3A_1863 : vector<16xi32>
    %swap3A_1865 = arith.constant 320 : index
    %swap3A_1866 = tpu.vector_load %arg10[%swap3A_1865] {strides = array<i32>} : memref<512xi32, #tpu.memory_space<vmem>>, vector<16xi32>,
    tpu.vector_store %arg10[%swap3A_1865], %shift_left3A_1864 {strides = array<i32>} : memref<512xi32, #tpu.memory_space<vmem>>, vector<16xi32>,
    %get3A_1867 = arith.constant 2 : i32
    %get3A_1868 = arith.constant 0 : i32
    %get3A_1869 = tpu.memref_slice %arg8[%get3A_1867, %get3A_1868] : memref<4x128xi32, #tpu.memory_space<vmem>> -> memref<1x128xi32, #tpu.memory_space<vmem>>
    %get3A_1870 = tpu.memref_squeeze %get3A_1869 : memref<1x128xi32, #tpu.memory_space<vmem>> -> memref<128xi32, #tpu.memory_space<vmem>>
    %get3A_1871 = arith.constant 80 : index
    %get3A_1872 = tpu.vector_load %get3A_1870[%get3A_1871] {strides = array<i32>} : memref<128xi32, #tpu.memory_space<vmem>>, vector<16xi32>,
    %shift_right_logical3A_1873 = arith.constant 15 : i32
    %shift_right_logical3A_1874 = vector.broadcast %shift_right_logical3A_1873 : i32 to vector<16xi32>
    %shift_right_logical3A_1875 = arith.shrui %get3A_1872, %shift_right_logical3A_1874 : vector<16xi32>
    %shift_left3A_1876 = arith.constant 12 : i32
    %shift_left3A_1877 = vector.broadcast %shift_left3A_1876 : i32 to vector<16xi32>
    %shift_left3A_1878 = arith.shli %shift_right_logical3A_1875, %shift_left3A_1877 : vector<16xi32>
    %and3A_1879 = arith.constant 4095 : i32
    %and3A_1880 = vector.broadcast %and3A_1879 : i32 to vector<16xi32>
    %and3A_1881 = arith.andi %get3A_1872, %and3A_1880 : vector<16xi32>
    %or3A_1882 = arith.ori %shift_left3A_1878, %and3A_1881 : vector<16xi32>
    %swap3A_1883 = arith.constant 2 : i32
    %swap3A_1884 = arith.constant 0 : i32
    %swap3A_1885 = tpu.memref_slice %arg9[%swap3A_1883, %swap3A_1884] : memref<4x128xi32, #tpu.memory_space<vmem>> -> memref<1x128xi32, #tpu.memory_space<vmem>>
    %swap3A_1886 = tpu.memref_squeeze %swap3A_1885 : memref<1x128xi32, #tpu.memory_space<vmem>> -> memref<128xi32, #tpu.memory_space<vmem>>
    %swap3A_1887 = arith.constant 80 : index
    %swap3A_1888 = tpu.vector_load %swap3A_1886[%swap3A_1887] {strides = array<i32>} : memref<128xi32, #tpu.memory_space<vmem>>, vector<16xi32>,
    tpu.vector_store %swap3A_1886[%swap3A_1887], %or3A_1882 {strides = array<i32>} : memref<128xi32, #tpu.memory_space<vmem>>, vector<16xi32>,
    %shift_right_logical3A_1889 = arith.constant 12 : i32
    %shift_right_logical3A_1890 = vector.broadcast %shift_right_logical3A_1889 : i32 to vector<16xi32>
    %shift_right_logical3A_1891 = arith.shrui %get3A_1872, %shift_right_logical3A_1890 : vector<16xi32>
    %and3A_1892 = arith.constant 7 : i32
    %and3A_1893 = vector.broadcast %and3A_1892 : i32 to vector<16xi32>
    %and3A_1894 = arith.andi %shift_right_logical3A_1891, %and3A_1893 : vector<16xi32>
    %shift_left3A_1895 = arith.constant 4 : i32
    %shift_left3A_1896 = vector.broadcast %shift_left3A_1895 : i32 to vector<16xi32>
    %shift_left3A_1897 = arith.shli %and3A_1894, %shift_left3A_1896 : vector<16xi32>
    %swap3A_1898 = arith.constant 336 : index
    %swap3A_1899 = tpu.vector_load %arg10[%swap3A_1898] {strides = array<i32>} : memref<512xi32, #tpu.memory_space<vmem>>, vector<16xi32>,
    tpu.vector_store %arg10[%swap3A_1898], %shift_left3A_1897 {strides = array<i32>} : memref<512xi32, #tpu.memory_space<vmem>>, vector<16xi32>,
    %get3A_1900 = arith.constant 2 : i32
    %get3A_1901 = arith.constant 0 : i32
    %get3A_1902 = tpu.memref_slice %arg8[%get3A_1900, %get3A_1901] : memref<4x128xi32, #tpu.memory_space<vmem>> -> memref<1x128xi32, #tpu.memory_space<vmem>>
    %get3A_1903 = tpu.memref_squeeze %get3A_1902 : memref<1x128xi32, #tpu.memory_space<vmem>> -> memref<128xi32, #tpu.memory_space<vmem>>
    %get3A_1904 = arith.constant 96 : index
    %get3A_1905 = tpu.vector_load %get3A_1903[%get3A_1904] {strides = array<i32>} : memref<128xi32, #tpu.memory_space<vmem>>, vector<16xi32>,
    %shift_right_logical3A_1906 = arith.constant 15 : i32
    %shift_right_logical3A_1907 = vector.broadcast %shift_right_logical3A_1906 : i32 to vector<16xi32>
    %shift_right_logical3A_1908 = arith.shrui %get3A_1905, %shift_right_logical3A_1907 : vector<16xi32>
    %shift_left3A_1909 = arith.constant 12 : i32
    %shift_left3A_1910 = vector.broadcast %shift_left3A_1909 : i32 to vector<16xi32>
    %shift_left3A_1911 = arith.shli %shift_right_logical3A_1908, %shift_left3A_1910 : vector<16xi32>
    %and3A_1912 = arith.constant 4095 : i32
    %and3A_1913 = vector.broadcast %and3A_1912 : i32 to vector<16xi32>
    %and3A_1914 = arith.andi %get3A_1905, %and3A_1913 : vector<16xi32>
    %or3A_1915 = arith.ori %shift_left3A_1911, %and3A_1914 : vector<16xi32>
    %swap3A_1916 = arith.constant 2 : i32
    %swap3A_1917 = arith.constant 0 : i32
    %swap3A_1918 = tpu.memref_slice %arg9[%swap3A_1916, %swap3A_1917] : memref<4x128xi32, #tpu.memory_space<vmem>> -> memref<1x128xi32, #tpu.memory_space<vmem>>
    %swap3A_1919 = tpu.memref_squeeze %swap3A_1918 : memref<1x128xi32, #tpu.memory_space<vmem>> -> memref<128xi32, #tpu.memory_space<vmem>>
    %swap3A_1920 = arith.constant 96 : index
    %swap3A_1921 = tpu.vector_load %swap3A_1919[%swap3A_1920] {strides = array<i32>} : memref<128xi32, #tpu.memory_space<vmem>>, vector<16xi32>,
    tpu.vector_store %swap3A_1919[%swap3A_1920], %or3A_1915 {strides = array<i32>} : memref<128xi32, #tpu.memory_space<vmem>>, vector<16xi32>,
    %shift_right_logical3A_1922 = arith.constant 12 : i32
    %shift_right_logical3A_1923 = vector.broadcast %shift_right_logical3A_1922 : i32 to vector<16xi32>
    %shift_right_logical3A_1924 = arith.shrui %get3A_1905, %shift_right_logical3A_1923 : vector<16xi32>
    %and3A_1925 = arith.constant 7 : i32
    %and3A_1926 = vector.broadcast %and3A_1925 : i32 to vector<16xi32>
    %and3A_1927 = arith.andi %shift_right_logical3A_1924, %and3A_1926 : vector<16xi32>
    %shift_left3A_1928 = arith.constant 4 : i32
    %shift_left3A_1929 = vector.broadcast %shift_left3A_1928 : i32 to vector<16xi32>
    %shift_left3A_1930 = arith.shli %and3A_1927, %shift_left3A_1929 : vector<16xi32>
    %swap3A_1931 = arith.constant 352 : index
    %swap3A_1932 = tpu.vector_load %arg10[%swap3A_1931] {strides = array<i32>} : memref<512xi32, #tpu.memory_space<vmem>>, vector<16xi32>,
    tpu.vector_store %arg10[%swap3A_1931], %shift_left3A_1930 {strides = array<i32>} : memref<512xi32, #tpu.memory_space<vmem>>, vector<16xi32>,
    %get3A_1933 = arith.constant 2 : i32
    %get3A_1934 = arith.constant 0 : i32
    %get3A_1935 = tpu.memref_slice %arg8[%get3A_1933, %get3A_1934] : memref<4x128xi32, #tpu.memory_space<vmem>> -> memref<1x128xi32, #tpu.memory_space<vmem>>
    %get3A_1936 = tpu.memref_squeeze %get3A_1935 : memref<1x128xi32, #tpu.memory_space<vmem>> -> memref<128xi32, #tpu.memory_space<vmem>>
    %get3A_1937 = arith.constant 112 : index
    %get3A_1938 = tpu.vector_load %get3A_1936[%get3A_1937] {strides = array<i32>} : memref<128xi32, #tpu.memory_space<vmem>>, vector<16xi32>,
    %shift_right_logical3A_1939 = arith.constant 15 : i32
    %shift_right_logical3A_1940 = vector.broadcast %shift_right_logical3A_1939 : i32 to vector<16xi32>
    %shift_right_logical3A_1941 = arith.shrui %get3A_1938, %shift_right_logical3A_1940 : vector<16xi32>
    %shift_left3A_1942 = arith.constant 12 : i32
    %shift_left3A_1943 = vector.broadcast %shift_left3A_1942 : i32 to vector<16xi32>
    %shift_left3A_1944 = arith.shli %shift_right_logical3A_1941, %shift_left3A_1943 : vector<16xi32>
    %and3A_1945 = arith.constant 4095 : i32
    %and3A_1946 = vector.broadcast %and3A_1945 : i32 to vector<16xi32>
    %and3A_1947 = arith.andi %get3A_1938, %and3A_1946 : vector<16xi32>
    %or3A_1948 = arith.ori %shift_left3A_1944, %and3A_1947 : vector<16xi32>
    %swap3A_1949 = arith.constant 2 : i32
    %swap3A_1950 = arith.constant 0 : i32
    %swap3A_1951 = tpu.memref_slice %arg9[%swap3A_1949, %swap3A_1950] : memref<4x128xi32, #tpu.memory_space<vmem>> -> memref<1x128xi32, #tpu.memory_space<vmem>>
    %swap3A_1952 = tpu.memref_squeeze %swap3A_1951 : memref<1x128xi32, #tpu.memory_space<vmem>> -> memref<128xi32, #tpu.memory_space<vmem>>
    %swap3A_1953 = arith.constant 112 : index
    %swap3A_1954 = tpu.vector_load %swap3A_1952[%swap3A_1953] {strides = array<i32>} : memref<128xi32, #tpu.memory_space<vmem>>, vector<16xi32>,
    tpu.vector_store %swap3A_1952[%swap3A_1953], %or3A_1948 {strides = array<i32>} : memref<128xi32, #tpu.memory_space<vmem>>, vector<16xi32>,
    %shift_right_logical3A_1955 = arith.constant 12 : i32
    %shift_right_logical3A_1956 = vector.broadcast %shift_right_logical3A_1955 : i32 to vector<16xi32>
    %shift_right_logical3A_1957 = arith.shrui %get3A_1938, %shift_right_logical3A_1956 : vector<16xi32>
    %and3A_1958 = arith.constant 7 : i32
    %and3A_1959 = vector.broadcast %and3A_1958 : i32 to vector<16xi32>
    %and3A_1960 = arith.andi %shift_right_logical3A_1957, %and3A_1959 : vector<16xi32>
    %shift_left3A_1961 = arith.constant 4 : i32
    %shift_left3A_1962 = vector.broadcast %shift_left3A_1961 : i32 to vector<16xi32>
    %shift_left3A_1963 = arith.shli %and3A_1960, %shift_left3A_1962 : vector<16xi32>
    %swap3A_1964 = arith.constant 368 : index
    %swap3A_1965 = tpu.vector_load %arg10[%swap3A_1964] {strides = array<i32>} : memref<512xi32, #tpu.memory_space<vmem>>, vector<16xi32>,
    tpu.vector_store %arg10[%swap3A_1964], %shift_left3A_1963 {strides = array<i32>} : memref<512xi32, #tpu.memory_space<vmem>>, vector<16xi32>,
    %get3A_1966 = arith.constant 3 : i32
    %get3A_1967 = arith.constant 0 : i32
    %get3A_1968 = tpu.memref_slice %arg8[%get3A_1966, %get3A_1967] : memref<4x128xi32, #tpu.memory_space<vmem>> -> memref<1x128xi32, #tpu.memory_space<vmem>>
    %get3A_1969 = tpu.memref_squeeze %get3A_1968 : memref<1x128xi32, #tpu.memory_space<vmem>> -> memref<128xi32, #tpu.memory_space<vmem>>
    %get3A_1970 = arith.constant 0 : index
    %get3A_1971 = tpu.vector_load %get3A_1969[%get3A_1970] {strides = array<i32>} : memref<128xi32, #tpu.memory_space<vmem>>, vector<16xi32>,
    %shift_right_logical3A_1972 = arith.constant 15 : i32
    %shift_right_logical3A_1973 = vector.broadcast %shift_right_logical3A_1972 : i32 to vector<16xi32>
    %shift_right_logical3A_1974 = arith.shrui %get3A_1971, %shift_right_logical3A_1973 : vector<16xi32>
    %shift_left3A_1975 = arith.constant 12 : i32
    %shift_left3A_1976 = vector.broadcast %shift_left3A_1975 : i32 to vector<16xi32>
    %shift_left3A_1977 = arith.shli %shift_right_logical3A_1974, %shift_left3A_1976 : vector<16xi32>
    %and3A_1978 = arith.constant 4095 : i32
    %and3A_1979 = vector.broadcast %and3A_1978 : i32 to vector<16xi32>
    %and3A_1980 = arith.andi %get3A_1971, %and3A_1979 : vector<16xi32>
    %or3A_1981 = arith.ori %shift_left3A_1977, %and3A_1980 : vector<16xi32>
    %swap3A_1982 = arith.constant 3 : i32
    %swap3A_1983 = arith.constant 0 : i32
    %swap3A_1984 = tpu.memref_slice %arg9[%swap3A_1982, %swap3A_1983] : memref<4x128xi32, #tpu.memory_space<vmem>> -> memref<1x128xi32, #tpu.memory_space<vmem>>
    %swap3A_1985 = tpu.memref_squeeze %swap3A_1984 : memref<1x128xi32, #tpu.memory_space<vmem>> -> memref<128xi32, #tpu.memory_space<vmem>>
    %swap3A_1986 = arith.constant 0 : index
    %swap3A_1987 = tpu.vector_load %swap3A_1985[%swap3A_1986] {strides = array<i32>} : memref<128xi32, #tpu.memory_space<vmem>>, vector<16xi32>,
    tpu.vector_store %swap3A_1985[%swap3A_1986], %or3A_1981 {strides = array<i32>} : memref<128xi32, #tpu.memory_space<vmem>>, vector<16xi32>,
    %shift_right_logical3A_1988 = arith.constant 12 : i32
    %shift_right_logical3A_1989 = vector.broadcast %shift_right_logical3A_1988 : i32 to vector<16xi32>
    %shift_right_logical3A_1990 = arith.shrui %get3A_1971, %shift_right_logical3A_1989 : vector<16xi32>
    %and3A_1991 = arith.constant 7 : i32
    %and3A_1992 = vector.broadcast %and3A_1991 : i32 to vector<16xi32>
    %and3A_1993 = arith.andi %shift_right_logical3A_1990, %and3A_1992 : vector<16xi32>
    %shift_left3A_1994 = arith.constant 4 : i32
    %shift_left3A_1995 = vector.broadcast %shift_left3A_1994 : i32 to vector<16xi32>
    %shift_left3A_1996 = arith.shli %and3A_1993, %shift_left3A_1995 : vector<16xi32>
    %swap3A_1997 = arith.constant 384 : index
    %swap3A_1998 = tpu.vector_load %arg10[%swap3A_1997] {strides = array<i32>} : memref<512xi32, #tpu.memory_space<vmem>>, vector<16xi32>,
    tpu.vector_store %arg10[%swap3A_1997], %shift_left3A_1996 {strides = array<i32>} : memref<512xi32, #tpu.memory_space<vmem>>, vector<16xi32>,
    %get3A_1999 = arith.constant 3 : i32
    %get3A_2000 = arith.constant 0 : i32
    %get3A_2001 = tpu.memref_slice %arg8[%get3A_1999, %get3A_2000] : memref<4x128xi32, #tpu.memory_space<vmem>> -> memref<1x128xi32, #tpu.memory_space<vmem>>
    %get3A_2002 = tpu.memref_squeeze %get3A_2001 : memref<1x128xi32, #tpu.memory_space<vmem>> -> memref<128xi32, #tpu.memory_space<vmem>>
    %get3A_2003 = arith.constant 16 : index
    %get3A_2004 = tpu.vector_load %get3A_2002[%get3A_2003] {strides = array<i32>} : memref<128xi32, #tpu.memory_space<vmem>>, vector<16xi32>,
    %shift_right_logical3A_2005 = arith.constant 15 : i32
    %shift_right_logical3A_2006 = vector.broadcast %shift_right_logical3A_2005 : i32 to vector<16xi32>
    %shift_right_logical3A_2007 = arith.shrui %get3A_2004, %shift_right_logical3A_2006 : vector<16xi32>
    %shift_left3A_2008 = arith.constant 12 : i32
    %shift_left3A_2009 = vector.broadcast %shift_left3A_2008 : i32 to vector<16xi32>
    %shift_left3A_2010 = arith.shli %shift_right_logical3A_2007, %shift_left3A_2009 : vector<16xi32>
    %and3A_2011 = arith.constant 4095 : i32
    %and3A_2012 = vector.broadcast %and3A_2011 : i32 to vector<16xi32>
    %and3A_2013 = arith.andi %get3A_2004, %and3A_2012 : vector<16xi32>
    %or3A_2014 = arith.ori %shift_left3A_2010, %and3A_2013 : vector<16xi32>
    %swap3A_2015 = arith.constant 3 : i32
    %swap3A_2016 = arith.constant 0 : i32
    %swap3A_2017 = tpu.memref_slice %arg9[%swap3A_2015, %swap3A_2016] : memref<4x128xi32, #tpu.memory_space<vmem>> -> memref<1x128xi32, #tpu.memory_space<vmem>>
    %swap3A_2018 = tpu.memref_squeeze %swap3A_2017 : memref<1x128xi32, #tpu.memory_space<vmem>> -> memref<128xi32, #tpu.memory_space<vmem>>
    %swap3A_2019 = arith.constant 16 : index
    %swap3A_2020 = tpu.vector_load %swap3A_2018[%swap3A_2019] {strides = array<i32>} : memref<128xi32, #tpu.memory_space<vmem>>, vector<16xi32>,
    tpu.vector_store %swap3A_2018[%swap3A_2019], %or3A_2014 {strides = array<i32>} : memref<128xi32, #tpu.memory_space<vmem>>, vector<16xi32>,
    %shift_right_logical3A_2021 = arith.constant 12 : i32
    %shift_right_logical3A_2022 = vector.broadcast %shift_right_logical3A_2021 : i32 to vector<16xi32>
    %shift_right_logical3A_2023 = arith.shrui %get3A_2004, %shift_right_logical3A_2022 : vector<16xi32>
    %and3A_2024 = arith.constant 7 : i32
    %and3A_2025 = vector.broadcast %and3A_2024 : i32 to vector<16xi32>
    %and3A_2026 = arith.andi %shift_right_logical3A_2023, %and3A_2025 : vector<16xi32>
    %shift_left3A_2027 = arith.constant 4 : i32
    %shift_left3A_2028 = vector.broadcast %shift_left3A_2027 : i32 to vector<16xi32>
    %shift_left3A_2029 = arith.shli %and3A_2026, %shift_left3A_2028 : vector<16xi32>
    %swap3A_2030 = arith.constant 400 : index
    %swap3A_2031 = tpu.vector_load %arg10[%swap3A_2030] {strides = array<i32>} : memref<512xi32, #tpu.memory_space<vmem>>, vector<16xi32>,
    tpu.vector_store %arg10[%swap3A_2030], %shift_left3A_2029 {strides = array<i32>} : memref<512xi32, #tpu.memory_space<vmem>>, vector<16xi32>,
    %get3A_2032 = arith.constant 3 : i32
    %get3A_2033 = arith.constant 0 : i32
    %get3A_2034 = tpu.memref_slice %arg8[%get3A_2032, %get3A_2033] : memref<4x128xi32, #tpu.memory_space<vmem>> -> memref<1x128xi32, #tpu.memory_space<vmem>>
    %get3A_2035 = tpu.memref_squeeze %get3A_2034 : memref<1x128xi32, #tpu.memory_space<vmem>> -> memref<128xi32, #tpu.memory_space<vmem>>
    %get3A_2036 = arith.constant 32 : index
    %get3A_2037 = tpu.vector_load %get3A_2035[%get3A_2036] {strides = array<i32>} : memref<128xi32, #tpu.memory_space<vmem>>, vector<16xi32>,
    %shift_right_logical3A_2038 = arith.constant 15 : i32
    %shift_right_logical3A_2039 = vector.broadcast %shift_right_logical3A_2038 : i32 to vector<16xi32>
    %shift_right_logical3A_2040 = arith.shrui %get3A_2037, %shift_right_logical3A_2039 : vector<16xi32>
    %shift_left3A_2041 = arith.constant 12 : i32
    %shift_left3A_2042 = vector.broadcast %shift_left3A_2041 : i32 to vector<16xi32>
    %shift_left3A_2043 = arith.shli %shift_right_logical3A_2040, %shift_left3A_2042 : vector<16xi32>
    %and3A_2044 = arith.constant 4095 : i32
    %and3A_2045 = vector.broadcast %and3A_2044 : i32 to vector<16xi32>
    %and3A_2046 = arith.andi %get3A_2037, %and3A_2045 : vector<16xi32>
    %or3A_2047 = arith.ori %shift_left3A_2043, %and3A_2046 : vector<16xi32>
    %swap3A_2048 = arith.constant 3 : i32
    %swap3A_2049 = arith.constant 0 : i32
    %swap3A_2050 = tpu.memref_slice %arg9[%swap3A_2048, %swap3A_2049] : memref<4x128xi32, #tpu.memory_space<vmem>> -> memref<1x128xi32, #tpu.memory_space<vmem>>
    %swap3A_2051 = tpu.memref_squeeze %swap3A_2050 : memref<1x128xi32, #tpu.memory_space<vmem>> -> memref<128xi32, #tpu.memory_space<vmem>>
    %swap3A_2052 = arith.constant 32 : index
    %swap3A_2053 = tpu.vector_load %swap3A_2051[%swap3A_2052] {strides = array<i32>} : memref<128xi32, #tpu.memory_space<vmem>>, vector<16xi32>,
    tpu.vector_store %swap3A_2051[%swap3A_2052], %or3A_2047 {strides = array<i32>} : memref<128xi32, #tpu.memory_space<vmem>>, vector<16xi32>,
    %shift_right_logical3A_2054 = arith.constant 12 : i32
    %shift_right_logical3A_2055 = vector.broadcast %shift_right_logical3A_2054 : i32 to vector<16xi32>
    %shift_right_logical3A_2056 = arith.shrui %get3A_2037, %shift_right_logical3A_2055 : vector<16xi32>
    %and3A_2057 = arith.constant 7 : i32
    %and3A_2058 = vector.broadcast %and3A_2057 : i32 to vector<16xi32>
    %and3A_2059 = arith.andi %shift_right_logical3A_2056, %and3A_2058 : vector<16xi32>
    %shift_left3A_2060 = arith.constant 4 : i32
    %shift_left3A_2061 = vector.broadcast %shift_left3A_2060 : i32 to vector<16xi32>
    %shift_left3A_2062 = arith.shli %and3A_2059, %shift_left3A_2061 : vector<16xi32>
    %swap3A_2063 = arith.constant 416 : index
    %swap3A_2064 = tpu.vector_load %arg10[%swap3A_2063] {strides = array<i32>} : memref<512xi32, #tpu.memory_space<vmem>>, vector<16xi32>,
    tpu.vector_store %arg10[%swap3A_2063], %shift_left3A_2062 {strides = array<i32>} : memref<512xi32, #tpu.memory_space<vmem>>, vector<16xi32>,
    %get3A_2065 = arith.constant 3 : i32
    %get3A_2066 = arith.constant 0 : i32
    %get3A_2067 = tpu.memref_slice %arg8[%get3A_2065, %get3A_2066] : memref<4x128xi32, #tpu.memory_space<vmem>> -> memref<1x128xi32, #tpu.memory_space<vmem>>
    %get3A_2068 = tpu.memref_squeeze %get3A_2067 : memref<1x128xi32, #tpu.memory_space<vmem>> -> memref<128xi32, #tpu.memory_space<vmem>>
    %get3A_2069 = arith.constant 48 : index
    %get3A_2070 = tpu.vector_load %get3A_2068[%get3A_2069] {strides = array<i32>} : memref<128xi32, #tpu.memory_space<vmem>>, vector<16xi32>,
    %shift_right_logical3A_2071 = arith.constant 15 : i32
    %shift_right_logical3A_2072 = vector.broadcast %shift_right_logical3A_2071 : i32 to vector<16xi32>
    %shift_right_logical3A_2073 = arith.shrui %get3A_2070, %shift_right_logical3A_2072 : vector<16xi32>
    %shift_left3A_2074 = arith.constant 12 : i32
    %shift_left3A_2075 = vector.broadcast %shift_left3A_2074 : i32 to vector<16xi32>
    %shift_left3A_2076 = arith.shli %shift_right_logical3A_2073, %shift_left3A_2075 : vector<16xi32>
    %and3A_2077 = arith.constant 4095 : i32
    %and3A_2078 = vector.broadcast %and3A_2077 : i32 to vector<16xi32>
    %and3A_2079 = arith.andi %get3A_2070, %and3A_2078 : vector<16xi32>
    %or3A_2080 = arith.ori %shift_left3A_2076, %and3A_2079 : vector<16xi32>
    %swap3A_2081 = arith.constant 3 : i32
    %swap3A_2082 = arith.constant 0 : i32
    %swap3A_2083 = tpu.memref_slice %arg9[%swap3A_2081, %swap3A_2082] : memref<4x128xi32, #tpu.memory_space<vmem>> -> memref<1x128xi32, #tpu.memory_space<vmem>>
    %swap3A_2084 = tpu.memref_squeeze %swap3A_2083 : memref<1x128xi32, #tpu.memory_space<vmem>> -> memref<128xi32, #tpu.memory_space<vmem>>
    %swap3A_2085 = arith.constant 48 : index
    %swap3A_2086 = tpu.vector_load %swap3A_2084[%swap3A_2085] {strides = array<i32>} : memref<128xi32, #tpu.memory_space<vmem>>, vector<16xi32>,
    tpu.vector_store %swap3A_2084[%swap3A_2085], %or3A_2080 {strides = array<i32>} : memref<128xi32, #tpu.memory_space<vmem>>, vector<16xi32>,
    %shift_right_logical3A_2087 = arith.constant 12 : i32
    %shift_right_logical3A_2088 = vector.broadcast %shift_right_logical3A_2087 : i32 to vector<16xi32>
    %shift_right_logical3A_2089 = arith.shrui %get3A_2070, %shift_right_logical3A_2088 : vector<16xi32>
    %and3A_2090 = arith.constant 7 : i32
    %and3A_2091 = vector.broadcast %and3A_2090 : i32 to vector<16xi32>
    %and3A_2092 = arith.andi %shift_right_logical3A_2089, %and3A_2091 : vector<16xi32>
    %shift_left3A_2093 = arith.constant 4 : i32
    %shift_left3A_2094 = vector.broadcast %shift_left3A_2093 : i32 to vector<16xi32>
    %shift_left3A_2095 = arith.shli %and3A_2092, %shift_left3A_2094 : vector<16xi32>
    %swap3A_2096 = arith.constant 432 : index
    %swap3A_2097 = tpu.vector_load %arg10[%swap3A_2096] {strides = array<i32>} : memref<512xi32, #tpu.memory_space<vmem>>, vector<16xi32>,
    tpu.vector_store %arg10[%swap3A_2096], %shift_left3A_2095 {strides = array<i32>} : memref<512xi32, #tpu.memory_space<vmem>>, vector<16xi32>,
    %get3A_2098 = arith.constant 3 : i32
    %get3A_2099 = arith.constant 0 : i32
    %get3A_2100 = tpu.memref_slice %arg8[%get3A_2098, %get3A_2099] : memref<4x128xi32, #tpu.memory_space<vmem>> -> memref<1x128xi32, #tpu.memory_space<vmem>>
    %get3A_2101 = tpu.memref_squeeze %get3A_2100 : memref<1x128xi32, #tpu.memory_space<vmem>> -> memref<128xi32, #tpu.memory_space<vmem>>
    %get3A_2102 = arith.constant 64 : index
    %get3A_2103 = tpu.vector_load %get3A_2101[%get3A_2102] {strides = array<i32>} : memref<128xi32, #tpu.memory_space<vmem>>, vector<16xi32>,
    %shift_right_logical3A_2104 = arith.constant 15 : i32
    %shift_right_logical3A_2105 = vector.broadcast %shift_right_logical3A_2104 : i32 to vector<16xi32>
    %shift_right_logical3A_2106 = arith.shrui %get3A_2103, %shift_right_logical3A_2105 : vector<16xi32>
    %shift_left3A_2107 = arith.constant 12 : i32
    %shift_left3A_2108 = vector.broadcast %shift_left3A_2107 : i32 to vector<16xi32>
    %shift_left3A_2109 = arith.shli %shift_right_logical3A_2106, %shift_left3A_2108 : vector<16xi32>
    %and3A_2110 = arith.constant 4095 : i32
    %and3A_2111 = vector.broadcast %and3A_2110 : i32 to vector<16xi32>
    %and3A_2112 = arith.andi %get3A_2103, %and3A_2111 : vector<16xi32>
    %or3A_2113 = arith.ori %shift_left3A_2109, %and3A_2112 : vector<16xi32>
    %swap3A_2114 = arith.constant 3 : i32
    %swap3A_2115 = arith.constant 0 : i32
    %swap3A_2116 = tpu.memref_slice %arg9[%swap3A_2114, %swap3A_2115] : memref<4x128xi32, #tpu.memory_space<vmem>> -> memref<1x128xi32, #tpu.memory_space<vmem>>
    %swap3A_2117 = tpu.memref_squeeze %swap3A_2116 : memref<1x128xi32, #tpu.memory_space<vmem>> -> memref<128xi32, #tpu.memory_space<vmem>>
    %swap3A_2118 = arith.constant 64 : index
    %swap3A_2119 = tpu.vector_load %swap3A_2117[%swap3A_2118] {strides = array<i32>} : memref<128xi32, #tpu.memory_space<vmem>>, vector<16xi32>,
    tpu.vector_store %swap3A_2117[%swap3A_2118], %or3A_2113 {strides = array<i32>} : memref<128xi32, #tpu.memory_space<vmem>>, vector<16xi32>,
    %shift_right_logical3A_2120 = arith.constant 12 : i32
    %shift_right_logical3A_2121 = vector.broadcast %shift_right_logical3A_2120 : i32 to vector<16xi32>
    %shift_right_logical3A_2122 = arith.shrui %get3A_2103, %shift_right_logical3A_2121 : vector<16xi32>
    %and3A_2123 = arith.constant 7 : i32
    %and3A_2124 = vector.broadcast %and3A_2123 : i32 to vector<16xi32>
    %and3A_2125 = arith.andi %shift_right_logical3A_2122, %and3A_2124 : vector<16xi32>
    %shift_left3A_2126 = arith.constant 4 : i32
    %shift_left3A_2127 = vector.broadcast %shift_left3A_2126 : i32 to vector<16xi32>
    %shift_left3A_2128 = arith.shli %and3A_2125, %shift_left3A_2127 : vector<16xi32>
    %swap3A_2129 = arith.constant 448 : index
    %swap3A_2130 = tpu.vector_load %arg10[%swap3A_2129] {strides = array<i32>} : memref<512xi32, #tpu.memory_space<vmem>>, vector<16xi32>,
    tpu.vector_store %arg10[%swap3A_2129], %shift_left3A_2128 {strides = array<i32>} : memref<512xi32, #tpu.memory_space<vmem>>, vector<16xi32>,
    %get3A_2131 = arith.constant 3 : i32
    %get3A_2132 = arith.constant 0 : i32
    %get3A_2133 = tpu.memref_slice %arg8[%get3A_2131, %get3A_2132] : memref<4x128xi32, #tpu.memory_space<vmem>> -> memref<1x128xi32, #tpu.memory_space<vmem>>
    %get3A_2134 = tpu.memref_squeeze %get3A_2133 : memref<1x128xi32, #tpu.memory_space<vmem>> -> memref<128xi32, #tpu.memory_space<vmem>>
    %get3A_2135 = arith.constant 80 : index
    %get3A_2136 = tpu.vector_load %get3A_2134[%get3A_2135] {strides = array<i32>} : memref<128xi32, #tpu.memory_space<vmem>>, vector<16xi32>,
    %shift_right_logical3A_2137 = arith.constant 15 : i32
    %shift_right_logical3A_2138 = vector.broadcast %shift_right_logical3A_2137 : i32 to vector<16xi32>
    %shift_right_logical3A_2139 = arith.shrui %get3A_2136, %shift_right_logical3A_2138 : vector<16xi32>
    %shift_left3A_2140 = arith.constant 12 : i32
    %shift_left3A_2141 = vector.broadcast %shift_left3A_2140 : i32 to vector<16xi32>
    %shift_left3A_2142 = arith.shli %shift_right_logical3A_2139, %shift_left3A_2141 : vector<16xi32>
    %and3A_2143 = arith.constant 4095 : i32
    %and3A_2144 = vector.broadcast %and3A_2143 : i32 to vector<16xi32>
    %and3A_2145 = arith.andi %get3A_2136, %and3A_2144 : vector<16xi32>
    %or3A_2146 = arith.ori %shift_left3A_2142, %and3A_2145 : vector<16xi32>
    %swap3A_2147 = arith.constant 3 : i32
    %swap3A_2148 = arith.constant 0 : i32
    %swap3A_2149 = tpu.memref_slice %arg9[%swap3A_2147, %swap3A_2148] : memref<4x128xi32, #tpu.memory_space<vmem>> -> memref<1x128xi32, #tpu.memory_space<vmem>>
    %swap3A_2150 = tpu.memref_squeeze %swap3A_2149 : memref<1x128xi32, #tpu.memory_space<vmem>> -> memref<128xi32, #tpu.memory_space<vmem>>
    %swap3A_2151 = arith.constant 80 : index
    %swap3A_2152 = tpu.vector_load %swap3A_2150[%swap3A_2151] {strides = array<i32>} : memref<128xi32, #tpu.memory_space<vmem>>, vector<16xi32>,
    tpu.vector_store %swap3A_2150[%swap3A_2151], %or3A_2146 {strides = array<i32>} : memref<128xi32, #tpu.memory_space<vmem>>, vector<16xi32>,
    %shift_right_logical3A_2153 = arith.constant 12 : i32
    %shift_right_logical3A_2154 = vector.broadcast %shift_right_logical3A_2153 : i32 to vector<16xi32>
    %shift_right_logical3A_2155 = arith.shrui %get3A_2136, %shift_right_logical3A_2154 : vector<16xi32>
    %and3A_2156 = arith.constant 7 : i32
    %and3A_2157 = vector.broadcast %and3A_2156 : i32 to vector<16xi32>
    %and3A_2158 = arith.andi %shift_right_logical3A_2155, %and3A_2157 : vector<16xi32>
    %shift_left3A_2159 = arith.constant 4 : i32
    %shift_left3A_2160 = vector.broadcast %shift_left3A_2159 : i32 to vector<16xi32>
    %shift_left3A_2161 = arith.shli %and3A_2158, %shift_left3A_2160 : vector<16xi32>
    %swap3A_2162 = arith.constant 464 : index
    %swap3A_2163 = tpu.vector_load %arg10[%swap3A_2162] {strides = array<i32>} : memref<512xi32, #tpu.memory_space<vmem>>, vector<16xi32>,
    tpu.vector_store %arg10[%swap3A_2162], %shift_left3A_2161 {strides = array<i32>} : memref<512xi32, #tpu.memory_space<vmem>>, vector<16xi32>,
    %get3A_2164 = arith.constant 3 : i32
    %get3A_2165 = arith.constant 0 : i32
    %get3A_2166 = tpu.memref_slice %arg8[%get3A_2164, %get3A_2165] : memref<4x128xi32, #tpu.memory_space<vmem>> -> memref<1x128xi32, #tpu.memory_space<vmem>>
    %get3A_2167 = tpu.memref_squeeze %get3A_2166 : memref<1x128xi32, #tpu.memory_space<vmem>> -> memref<128xi32, #tpu.memory_space<vmem>>
    %get3A_2168 = arith.constant 96 : index
    %get3A_2169 = tpu.vector_load %get3A_2167[%get3A_2168] {strides = array<i32>} : memref<128xi32, #tpu.memory_space<vmem>>, vector<16xi32>,
    %shift_right_logical3A_2170 = arith.constant 15 : i32
    %shift_right_logical3A_2171 = vector.broadcast %shift_right_logical3A_2170 : i32 to vector<16xi32>
    %shift_right_logical3A_2172 = arith.shrui %get3A_2169, %shift_right_logical3A_2171 : vector<16xi32>
    %shift_left3A_2173 = arith.constant 12 : i32
    %shift_left3A_2174 = vector.broadcast %shift_left3A_2173 : i32 to vector<16xi32>
    %shift_left3A_2175 = arith.shli %shift_right_logical3A_2172, %shift_left3A_2174 : vector<16xi32>
    %and3A_2176 = arith.constant 4095 : i32
    %and3A_2177 = vector.broadcast %and3A_2176 : i32 to vector<16xi32>
    %and3A_2178 = arith.andi %get3A_2169, %and3A_2177 : vector<16xi32>
    %or3A_2179 = arith.ori %shift_left3A_2175, %and3A_2178 : vector<16xi32>
    %swap3A_2180 = arith.constant 3 : i32
    %swap3A_2181 = arith.constant 0 : i32
    %swap3A_2182 = tpu.memref_slice %arg9[%swap3A_2180, %swap3A_2181] : memref<4x128xi32, #tpu.memory_space<vmem>> -> memref<1x128xi32, #tpu.memory_space<vmem>>
    %swap3A_2183 = tpu.memref_squeeze %swap3A_2182 : memref<1x128xi32, #tpu.memory_space<vmem>> -> memref<128xi32, #tpu.memory_space<vmem>>
    %swap3A_2184 = arith.constant 96 : index
    %swap3A_2185 = tpu.vector_load %swap3A_2183[%swap3A_2184] {strides = array<i32>} : memref<128xi32, #tpu.memory_space<vmem>>, vector<16xi32>,
    tpu.vector_store %swap3A_2183[%swap3A_2184], %or3A_2179 {strides = array<i32>} : memref<128xi32, #tpu.memory_space<vmem>>, vector<16xi32>,
    %shift_right_logical3A_2186 = arith.constant 12 : i32
    %shift_right_logical3A_2187 = vector.broadcast %shift_right_logical3A_2186 : i32 to vector<16xi32>
    %shift_right_logical3A_2188 = arith.shrui %get3A_2169, %shift_right_logical3A_2187 : vector<16xi32>
    %and3A_2189 = arith.constant 7 : i32
    %and3A_2190 = vector.broadcast %and3A_2189 : i32 to vector<16xi32>
    %and3A_2191 = arith.andi %shift_right_logical3A_2188, %and3A_2190 : vector<16xi32>
    %shift_left3A_2192 = arith.constant 4 : i32
    %shift_left3A_2193 = vector.broadcast %shift_left3A_2192 : i32 to vector<16xi32>
    %shift_left3A_2194 = arith.shli %and3A_2191, %shift_left3A_2193 : vector<16xi32>
    %swap3A_2195 = arith.constant 480 : index
    %swap3A_2196 = tpu.vector_load %arg10[%swap3A_2195] {strides = array<i32>} : memref<512xi32, #tpu.memory_space<vmem>>, vector<16xi32>,
    tpu.vector_store %arg10[%swap3A_2195], %shift_left3A_2194 {strides = array<i32>} : memref<512xi32, #tpu.memory_space<vmem>>, vector<16xi32>,
    %get3A_2197 = arith.constant 3 : i32
    %get3A_2198 = arith.constant 0 : i32
    %get3A_2199 = tpu.memref_slice %arg8[%get3A_2197, %get3A_2198] : memref<4x128xi32, #tpu.memory_space<vmem>> -> memref<1x128xi32, #tpu.memory_space<vmem>>
    %get3A_2200 = tpu.memref_squeeze %get3A_2199 : memref<1x128xi32, #tpu.memory_space<vmem>> -> memref<128xi32, #tpu.memory_space<vmem>>
    %get3A_2201 = arith.constant 112 : index
    %get3A_2202 = tpu.vector_load %get3A_2200[%get3A_2201] {strides = array<i32>} : memref<128xi32, #tpu.memory_space<vmem>>, vector<16xi32>,
    %shift_right_logical3A_2203 = arith.constant 15 : i32
    %shift_right_logical3A_2204 = vector.broadcast %shift_right_logical3A_2203 : i32 to vector<16xi32>
    %shift_right_logical3A_2205 = arith.shrui %get3A_2202, %shift_right_logical3A_2204 : vector<16xi32>
    %shift_left3A_2206 = arith.constant 12 : i32
    %shift_left3A_2207 = vector.broadcast %shift_left3A_2206 : i32 to vector<16xi32>
    %shift_left3A_2208 = arith.shli %shift_right_logical3A_2205, %shift_left3A_2207 : vector<16xi32>
    %and3A_2209 = arith.constant 4095 : i32
    %and3A_2210 = vector.broadcast %and3A_2209 : i32 to vector<16xi32>
    %and3A_2211 = arith.andi %get3A_2202, %and3A_2210 : vector<16xi32>
    %or3A_2212 = arith.ori %shift_left3A_2208, %and3A_2211 : vector<16xi32>
    %swap3A_2213 = arith.constant 3 : i32
    %swap3A_2214 = arith.constant 0 : i32
    %swap3A_2215 = tpu.memref_slice %arg9[%swap3A_2213, %swap3A_2214] : memref<4x128xi32, #tpu.memory_space<vmem>> -> memref<1x128xi32, #tpu.memory_space<vmem>>
    %swap3A_2216 = tpu.memref_squeeze %swap3A_2215 : memref<1x128xi32, #tpu.memory_space<vmem>> -> memref<128xi32, #tpu.memory_space<vmem>>
    %swap3A_2217 = arith.constant 112 : index
    %swap3A_2218 = tpu.vector_load %swap3A_2216[%swap3A_2217] {strides = array<i32>} : memref<128xi32, #tpu.memory_space<vmem>>, vector<16xi32>,
    tpu.vector_store %swap3A_2216[%swap3A_2217], %or3A_2212 {strides = array<i32>} : memref<128xi32, #tpu.memory_space<vmem>>, vector<16xi32>,
    %shift_right_logical3A_2219 = arith.constant 12 : i32
    %shift_right_logical3A_2220 = vector.broadcast %shift_right_logical3A_2219 : i32 to vector<16xi32>
    %shift_right_logical3A_2221 = arith.shrui %get3A_2202, %shift_right_logical3A_2220 : vector<16xi32>
    %and3A_2222 = arith.constant 7 : i32
    %and3A_2223 = vector.broadcast %and3A_2222 : i32 to vector<16xi32>
    %and3A_2224 = arith.andi %shift_right_logical3A_2221, %and3A_2223 : vector<16xi32>
    %shift_left3A_2225 = arith.constant 4 : i32
    %shift_left3A_2226 = vector.broadcast %shift_left3A_2225 : i32 to vector<16xi32>
    %shift_left3A_2227 = arith.shli %and3A_2224, %shift_left3A_2226 : vector<16xi32>
    %swap3A_2228 = arith.constant 496 : index
    %swap3A_2229 = tpu.vector_load %arg10[%swap3A_2228] {strides = array<i32>} : memref<512xi32, #tpu.memory_space<vmem>>, vector<16xi32>,
    tpu.vector_store %arg10[%swap3A_2228], %shift_left3A_2227 {strides = array<i32>} : memref<512xi32, #tpu.memory_space<vmem>>, vector<16xi32>,
    %dma_start3A_2230 = arith.constant 0 : i32
    %dma_start3A_2231 = arith.constant 0 : i32
    %dma_start3A_2232 = arith.constant 0 : i32
    %dma_start3A_2233 = arith.constant 0 : i32
    %dma_start3A_2234 = tpu.memref_slice %arg11[%dma_start3A_2231, %dma_start3A_2232, %dma_start3A_2233] : memref<2x128x128xi32, #tpu.memory_space<vmem>> -> memref<1x128x128xi32, #tpu.memory_space<vmem>>
    %dma_start3A_2235 = tpu.memref_squeeze %dma_start3A_2234 : memref<1x128x128xi32, #tpu.memory_space<vmem>> -> memref<128x128xi32, #tpu.memory_space<vmem>>
    %dma_start3A_2236 = arith.constant 0 : i32
    %dma_start3A_2237 = tpu.memref_slice %arg9[%dma_start3A_2230, %dma_start3A_2236] : memref<4x128xi32, #tpu.memory_space<vmem>> -> memref<1x128xi32, #tpu.memory_space<vmem>>
    %dma_start3A_2238 = tpu.memref_squeeze %dma_start3A_2237 : memref<1x128xi32, #tpu.memory_space<vmem>> -> memref<128xi32, #tpu.memory_space<vmem>>
    %dma_start3A_2239 = arith.constant 0 : i32
    %dma_start3A_2240 = arith.constant 0 : i32
    %dma_start3A_2241 = tpu.memref_slice %arg5[%dma_start3A_2239, %dma_start3A_2240] : memref<126976x128xi32, #tpu.memory_space<hbm>> -> memref<126976x128xi32, #tpu.memory_space<hbm>>
    tpu.enqueue_indirect_dma source(%dma_start3A_2241 : memref<126976x128xi32, #tpu.memory_space<hbm>>) target(%dma_start3A_2235 : memref<128x128xi32, #tpu.memory_space<vmem>>) offsets(%dma_start3A_2238 : memref<128xi32, #tpu.memory_space<vmem>>) semaphore(%arg13 : memref<!tpu.dma_semaphore, #tpu.memory_space<semaphore_mem>>)
    %dma_start3A_2242 = arith.constant 1 : i32
    %dma_start3A_2243 = arith.constant 1 : i32
    %dma_start3A_2244 = arith.constant 0 : i32
    %dma_start3A_2245 = arith.constant 0 : i32
    %dma_start3A_2246 = tpu.memref_slice %arg11[%dma_start3A_2243, %dma_start3A_2244, %dma_start3A_2245] : memref<2x128x128xi32, #tpu.memory_space<vmem>> -> memref<1x128x128xi32, #tpu.memory_space<vmem>>
    %dma_start3A_2247 = tpu.memref_squeeze %dma_start3A_2246 : memref<1x128x128xi32, #tpu.memory_space<vmem>> -> memref<128x128xi32, #tpu.memory_space<vmem>>
    %dma_start3A_2248 = arith.constant 0 : i32
    %dma_start3A_2249 = tpu.memref_slice %arg9[%dma_start3A_2242, %dma_start3A_2248] : memref<4x128xi32, #tpu.memory_space<vmem>> -> memref<1x128xi32, #tpu.memory_space<vmem>>
    %dma_start3A_2250 = tpu.memref_squeeze %dma_start3A_2249 : memref<1x128xi32, #tpu.memory_space<vmem>> -> memref<128xi32, #tpu.memory_space<vmem>>
    %dma_start3A_2251 = arith.constant 0 : i32
    %dma_start3A_2252 = arith.constant 0 : i32
    %dma_start3A_2253 = tpu.memref_slice %arg5[%dma_start3A_2251, %dma_start3A_2252] : memref<126976x128xi32, #tpu.memory_space<hbm>> -> memref<126976x128xi32, #tpu.memory_space<hbm>>
    tpu.enqueue_indirect_dma source(%dma_start3A_2253 : memref<126976x128xi32, #tpu.memory_space<hbm>>) target(%dma_start3A_2247 : memref<128x128xi32, #tpu.memory_space<vmem>>) offsets(%dma_start3A_2250 : memref<128xi32, #tpu.memory_space<vmem>>) semaphore(%arg13 : memref<!tpu.dma_semaphore, #tpu.memory_space<semaphore_mem>>)
    %dma_wait3A_2254 = arith.constant 0 : i32
    %dma_wait3A_2255 = arith.constant 0 : i32
    %dma_wait3A_2256 = arith.constant 0 : i32
    %dma_wait3A_2257 = arith.constant 0 : i32
    %dma_wait3A_2258 = tpu.memref_slice %arg11[%dma_wait3A_2255, %dma_wait3A_2256, %dma_wait3A_2257] : memref<2x128x128xi32, #tpu.memory_space<vmem>> -> memref<1x128x128xi32, #tpu.memory_space<vmem>>
    %dma_wait3A_2259 = tpu.memref_squeeze %dma_wait3A_2258 : memref<1x128x128xi32, #tpu.memory_space<vmem>> -> memref<128x128xi32, #tpu.memory_space<vmem>>
    %dma_wait3A_2260 = arith.constant 0 : i32
    %dma_wait3A_2261 = tpu.memref_slice %arg9[%dma_wait3A_2254, %dma_wait3A_2260] : memref<4x128xi32, #tpu.memory_space<vmem>> -> memref<1x128xi32, #tpu.memory_space<vmem>>
    %dma_wait3A_2262 = tpu.memref_squeeze %dma_wait3A_2261 : memref<1x128xi32, #tpu.memory_space<vmem>> -> memref<128xi32, #tpu.memory_space<vmem>>
    %dma_wait3A_2263 = arith.constant 0 : i32
    %dma_wait3A_2264 = arith.constant 0 : i32
    %dma_wait3A_2265 = tpu.memref_slice %arg5[%dma_wait3A_2263, %dma_wait3A_2264] : memref<126976x128xi32, #tpu.memory_space<hbm>> -> memref<126976x128xi32, #tpu.memory_space<hbm>>
    tpu.wait_indirect_dma semaphore(%arg13 : memref<!tpu.dma_semaphore, #tpu.memory_space<semaphore_mem>>) src(%dma_wait3A_2265 : memref<126976x128xi32, #tpu.memory_space<hbm>>) dst(%dma_wait3A_2259 : memref<128x128xi32, #tpu.memory_space<vmem>>)
    %scan3A_2266 = arith.constant 0 : i32
    %scan3A_2267 = arith.constant 0 : i32
    %scan3A_2268 = arith.constant 0 : i32
    %scan3A_2269 = arith.constant 8 : i32
    %scan3A_2270 = arith.addi %scan3A_2268, %scan3A_2269 : i32
    %scan3A_2271 = arith.constant 1 : i32
    scf.for %scan3A_2354 = %scan3A_2268 to %scan3A_2270 step %scan3A_2271  : i32 {
      %mul3A_2355 = arith.constant 16 : i32
      %mul3A_2356 = arith.muli %scan3A_2354, %mul3A_2355 : i32
      %add3A_2357 = vector.broadcast %mul3A_2356 : i32 to vector<16xi32>
      %add3A_2358 = arith.addi %iota3A, %add3A_2357 : vector<16xi32>
      %add3A_2359 = arith.constant 0 : i32
      %add3A_2360 = arith.addi %add3A_2359, %mul3A_2356 : i32
      %get3A_2361 = arith.index_cast %add3A_2360 : i32 to index
      %get3A_2362 = tpu.vector_load %arg10[%get3A_2361] {strides = array<i32>} : memref<512xi32, #tpu.memory_space<vmem>>, vector<16xi32>,
      %add3A_2363 = arith.constant 0 : i32
      %add3A_2364 = vector.broadcast %add3A_2363 : i32 to vector<16xi32>
      %add3A_2365 = arith.addi %get3A_2362, %add3A_2364 : vector<16xi32>
      %gather3A = arith.constant 0 : i32
      %gather3A_2366 = arith.constant 0 : i32
      %gather3A_2367 = tpu.memref_slice %arg11[%scan3A_2267, %gather3A, %gather3A_2366] : memref<2x128x128xi32, #tpu.memory_space<vmem>> -> memref<1x128x128xi32, #tpu.memory_space<vmem>>
      %gather3A_2368 = tpu.memref_squeeze %gather3A_2367 : memref<1x128x128xi32, #tpu.memory_space<vmem>> -> memref<128x128xi32, #tpu.memory_space<vmem>>
      %gather3A_2369 = tpu.vector_load_idx %gather3A_2368[%add3A_2358, %add3A_2365] : memref<128x128xi32, #tpu.memory_space<vmem>>[vector<16xi32>, vector<16xi32>], vector<16xi32>,
      %add3A_2370 = arith.constant 1 : i32
      %add3A_2371 = vector.broadcast %add3A_2370 : i32 to vector<16xi32>
      %add3A_2372 = arith.addi %get3A_2362, %add3A_2371 : vector<16xi32>
      %gather3A_2373 = arith.constant 0 : i32
      %gather3A_2374 = arith.constant 0 : i32
      %gather3A_2375 = tpu.memref_slice %arg11[%scan3A_2267, %gather3A_2373, %gather3A_2374] : memref<2x128x128xi32, #tpu.memory_space<vmem>> -> memref<1x128x128xi32, #tpu.memory_space<vmem>>
      %gather3A_2376 = tpu.memref_squeeze %gather3A_2375 : memref<1x128x128xi32, #tpu.memory_space<vmem>> -> memref<128x128xi32, #tpu.memory_space<vmem>>
      %gather3A_2377 = tpu.vector_load_idx %gather3A_2376[%add3A_2358, %add3A_2372] : memref<128x128xi32, #tpu.memory_space<vmem>>[vector<16xi32>, vector<16xi32>], vector<16xi32>,
      %add3A_2378 = arith.constant 2 : i32
      %add3A_2379 = vector.broadcast %add3A_2378 : i32 to vector<16xi32>
      %add3A_2380 = arith.addi %get3A_2362, %add3A_2379 : vector<16xi32>
      %gather3A_2381 = arith.constant 0 : i32
      %gather3A_2382 = arith.constant 0 : i32
      %gather3A_2383 = tpu.memref_slice %arg11[%scan3A_2267, %gather3A_2381, %gather3A_2382] : memref<2x128x128xi32, #tpu.memory_space<vmem>> -> memref<1x128x128xi32, #tpu.memory_space<vmem>>
      %gather3A_2384 = tpu.memref_squeeze %gather3A_2383 : memref<1x128x128xi32, #tpu.memory_space<vmem>> -> memref<128x128xi32, #tpu.memory_space<vmem>>
      %gather3A_2385 = tpu.vector_load_idx %gather3A_2384[%add3A_2358, %add3A_2380] : memref<128x128xi32, #tpu.memory_space<vmem>>[vector<16xi32>, vector<16xi32>], vector<16xi32>,
      %add3A_2386 = arith.constant 3 : i32
      %add3A_2387 = vector.broadcast %add3A_2386 : i32 to vector<16xi32>
      %add3A_2388 = arith.addi %get3A_2362, %add3A_2387 : vector<16xi32>
      %gather3A_2389 = arith.constant 0 : i32
      %gather3A_2390 = arith.constant 0 : i32
      %gather3A_2391 = tpu.memref_slice %arg11[%scan3A_2267, %gather3A_2389, %gather3A_2390] : memref<2x128x128xi32, #tpu.memory_space<vmem>> -> memref<1x128x128xi32, #tpu.memory_space<vmem>>
      %gather3A_2392 = tpu.memref_squeeze %gather3A_2391 : memref<1x128x128xi32, #tpu.memory_space<vmem>> -> memref<128x128xi32, #tpu.memory_space<vmem>>
      %gather3A_2393 = tpu.vector_load_idx %gather3A_2392[%add3A_2358, %add3A_2388] : memref<128x128xi32, #tpu.memory_space<vmem>>[vector<16xi32>, vector<16xi32>], vector<16xi32>,
      %add3A_2394 = arith.constant 4 : i32
      %add3A_2395 = vector.broadcast %add3A_2394 : i32 to vector<16xi32>
      %add3A_2396 = arith.addi %get3A_2362, %add3A_2395 : vector<16xi32>
      %gather3A_2397 = arith.constant 0 : i32
      %gather3A_2398 = arith.constant 0 : i32
      %gather3A_2399 = tpu.memref_slice %arg11[%scan3A_2267, %gather3A_2397, %gather3A_2398] : memref<2x128x128xi32, #tpu.memory_space<vmem>> -> memref<1x128x128xi32, #tpu.memory_space<vmem>>
      %gather3A_2400 = tpu.memref_squeeze %gather3A_2399 : memref<1x128x128xi32, #tpu.memory_space<vmem>> -> memref<128x128xi32, #tpu.memory_space<vmem>>
      %gather3A_2401 = tpu.vector_load_idx %gather3A_2400[%add3A_2358, %add3A_2396] : memref<128x128xi32, #tpu.memory_space<vmem>>[vector<16xi32>, vector<16xi32>], vector<16xi32>,
      %add3A_2402 = arith.constant 5 : i32
      %add3A_2403 = vector.broadcast %add3A_2402 : i32 to vector<16xi32>
      %add3A_2404 = arith.addi %get3A_2362, %add3A_2403 : vector<16xi32>
      %gather3A_2405 = arith.constant 0 : i32
      %gather3A_2406 = arith.constant 0 : i32
      %gather3A_2407 = tpu.memref_slice %arg11[%scan3A_2267, %gather3A_2405, %gather3A_2406] : memref<2x128x128xi32, #tpu.memory_space<vmem>> -> memref<1x128x128xi32, #tpu.memory_space<vmem>>
      %gather3A_2408 = tpu.memref_squeeze %gather3A_2407 : memref<1x128x128xi32, #tpu.memory_space<vmem>> -> memref<128x128xi32, #tpu.memory_space<vmem>>
      %gather3A_2409 = tpu.vector_load_idx %gather3A_2408[%add3A_2358, %add3A_2404] : memref<128x128xi32, #tpu.memory_space<vmem>>[vector<16xi32>, vector<16xi32>], vector<16xi32>,
      %add3A_2410 = arith.constant 6 : i32
      %add3A_2411 = vector.broadcast %add3A_2410 : i32 to vector<16xi32>
      %add3A_2412 = arith.addi %get3A_2362, %add3A_2411 : vector<16xi32>
      %gather3A_2413 = arith.constant 0 : i32
      %gather3A_2414 = arith.constant 0 : i32
      %gather3A_2415 = tpu.memref_slice %arg11[%scan3A_2267, %gather3A_2413, %gather3A_2414] : memref<2x128x128xi32, #tpu.memory_space<vmem>> -> memref<1x128x128xi32, #tpu.memory_space<vmem>>
      %gather3A_2416 = tpu.memref_squeeze %gather3A_2415 : memref<1x128x128xi32, #tpu.memory_space<vmem>> -> memref<128x128xi32, #tpu.memory_space<vmem>>
      %gather3A_2417 = tpu.vector_load_idx %gather3A_2416[%add3A_2358, %add3A_2412] : memref<128x128xi32, #tpu.memory_space<vmem>>[vector<16xi32>, vector<16xi32>], vector<16xi32>,
      %add3A_2418 = arith.constant 7 : i32
      %add3A_2419 = vector.broadcast %add3A_2418 : i32 to vector<16xi32>
      %add3A_2420 = arith.addi %get3A_2362, %add3A_2419 : vector<16xi32>
      %gather3A_2421 = arith.constant 0 : i32
      %gather3A_2422 = arith.constant 0 : i32
      %gather3A_2423 = tpu.memref_slice %arg11[%scan3A_2267, %gather3A_2421, %gather3A_2422] : memref<2x128x128xi32, #tpu.memory_space<vmem>> -> memref<1x128x128xi32, #tpu.memory_space<vmem>>
      %gather3A_2424 = tpu.memref_squeeze %gather3A_2423 : memref<1x128x128xi32, #tpu.memory_space<vmem>> -> memref<128x128xi32, #tpu.memory_space<vmem>>
      %gather3A_2425 = tpu.vector_load_idx %gather3A_2424[%add3A_2358, %add3A_2420] : memref<128x128xi32, #tpu.memory_space<vmem>>[vector<16xi32>, vector<16xi32>], vector<16xi32>,
      %add3A_2426 = arith.constant 8 : i32
      %add3A_2427 = vector.broadcast %add3A_2426 : i32 to vector<16xi32>
      %add3A_2428 = arith.addi %get3A_2362, %add3A_2427 : vector<16xi32>
      %gather3A_2429 = arith.constant 0 : i32
      %gather3A_2430 = arith.constant 0 : i32
      %gather3A_2431 = tpu.memref_slice %arg11[%scan3A_2267, %gather3A_2429, %gather3A_2430] : memref<2x128x128xi32, #tpu.memory_space<vmem>> -> memref<1x128x128xi32, #tpu.memory_space<vmem>>
      %gather3A_2432 = tpu.memref_squeeze %gather3A_2431 : memref<1x128x128xi32, #tpu.memory_space<vmem>> -> memref<128x128xi32, #tpu.memory_space<vmem>>
      %gather3A_2433 = tpu.vector_load_idx %gather3A_2432[%add3A_2358, %add3A_2428] : memref<128x128xi32, #tpu.memory_space<vmem>>[vector<16xi32>, vector<16xi32>], vector<16xi32>,
      %add3A_2434 = arith.constant 9 : i32
      %add3A_2435 = vector.broadcast %add3A_2434 : i32 to vector<16xi32>
      %add3A_2436 = arith.addi %get3A_2362, %add3A_2435 : vector<16xi32>
      %gather3A_2437 = arith.constant 0 : i32
      %gather3A_2438 = arith.constant 0 : i32
      %gather3A_2439 = tpu.memref_slice %arg11[%scan3A_2267, %gather3A_2437, %gather3A_2438] : memref<2x128x128xi32, #tpu.memory_space<vmem>> -> memref<1x128x128xi32, #tpu.memory_space<vmem>>
      %gather3A_2440 = tpu.memref_squeeze %gather3A_2439 : memref<1x128x128xi32, #tpu.memory_space<vmem>> -> memref<128x128xi32, #tpu.memory_space<vmem>>
      %gather3A_2441 = tpu.vector_load_idx %gather3A_2440[%add3A_2358, %add3A_2436] : memref<128x128xi32, #tpu.memory_space<vmem>>[vector<16xi32>, vector<16xi32>], vector<16xi32>,
      %add3A_2442 = arith.constant 10 : i32
      %add3A_2443 = vector.broadcast %add3A_2442 : i32 to vector<16xi32>
      %add3A_2444 = arith.addi %get3A_2362, %add3A_2443 : vector<16xi32>
      %gather3A_2445 = arith.constant 0 : i32
      %gather3A_2446 = arith.constant 0 : i32
      %gather3A_2447 = tpu.memref_slice %arg11[%scan3A_2267, %gather3A_2445, %gather3A_2446] : memref<2x128x128xi32, #tpu.memory_space<vmem>> -> memref<1x128x128xi32, #tpu.memory_space<vmem>>
      %gather3A_2448 = tpu.memref_squeeze %gather3A_2447 : memref<1x128x128xi32, #tpu.memory_space<vmem>> -> memref<128x128xi32, #tpu.memory_space<vmem>>
      %gather3A_2449 = tpu.vector_load_idx %gather3A_2448[%add3A_2358, %add3A_2444] : memref<128x128xi32, #tpu.memory_space<vmem>>[vector<16xi32>, vector<16xi32>], vector<16xi32>,
      %add3A_2450 = arith.constant 11 : i32
      %add3A_2451 = vector.broadcast %add3A_2450 : i32 to vector<16xi32>
      %add3A_2452 = arith.addi %get3A_2362, %add3A_2451 : vector<16xi32>
      %gather3A_2453 = arith.constant 0 : i32
      %gather3A_2454 = arith.constant 0 : i32
      %gather3A_2455 = tpu.memref_slice %arg11[%scan3A_2267, %gather3A_2453, %gather3A_2454] : memref<2x128x128xi32, #tpu.memory_space<vmem>> -> memref<1x128x128xi32, #tpu.memory_space<vmem>>
      %gather3A_2456 = tpu.memref_squeeze %gather3A_2455 : memref<1x128x128xi32, #tpu.memory_space<vmem>> -> memref<128x128xi32, #tpu.memory_space<vmem>>
      %gather3A_2457 = tpu.vector_load_idx %gather3A_2456[%add3A_2358, %add3A_2452] : memref<128x128xi32, #tpu.memory_space<vmem>>[vector<16xi32>, vector<16xi32>], vector<16xi32>,
      %add3A_2458 = arith.constant 12 : i32
      %add3A_2459 = vector.broadcast %add3A_2458 : i32 to vector<16xi32>
      %add3A_2460 = arith.addi %get3A_2362, %add3A_2459 : vector<16xi32>
      %gather3A_2461 = arith.constant 0 : i32
      %gather3A_2462 = arith.constant 0 : i32
      %gather3A_2463 = tpu.memref_slice %arg11[%scan3A_2267, %gather3A_2461, %gather3A_2462] : memref<2x128x128xi32, #tpu.memory_space<vmem>> -> memref<1x128x128xi32, #tpu.memory_space<vmem>>
      %gather3A_2464 = tpu.memref_squeeze %gather3A_2463 : memref<1x128x128xi32, #tpu.memory_space<vmem>> -> memref<128x128xi32, #tpu.memory_space<vmem>>
      %gather3A_2465 = tpu.vector_load_idx %gather3A_2464[%add3A_2358, %add3A_2460] : memref<128x128xi32, #tpu.memory_space<vmem>>[vector<16xi32>, vector<16xi32>], vector<16xi32>,
      %add3A_2466 = arith.constant 13 : i32
      %add3A_2467 = vector.broadcast %add3A_2466 : i32 to vector<16xi32>
      %add3A_2468 = arith.addi %get3A_2362, %add3A_2467 : vector<16xi32>
      %gather3A_2469 = arith.constant 0 : i32
      %gather3A_2470 = arith.constant 0 : i32
      %gather3A_2471 = tpu.memref_slice %arg11[%scan3A_2267, %gather3A_2469, %gather3A_2470] : memref<2x128x128xi32, #tpu.memory_space<vmem>> -> memref<1x128x128xi32, #tpu.memory_space<vmem>>
      %gather3A_2472 = tpu.memref_squeeze %gather3A_2471 : memref<1x128x128xi32, #tpu.memory_space<vmem>> -> memref<128x128xi32, #tpu.memory_space<vmem>>
      %gather3A_2473 = tpu.vector_load_idx %gather3A_2472[%add3A_2358, %add3A_2468] : memref<128x128xi32, #tpu.memory_space<vmem>>[vector<16xi32>, vector<16xi32>], vector<16xi32>,
      %add3A_2474 = arith.constant 14 : i32
      %add3A_2475 = vector.broadcast %add3A_2474 : i32 to vector<16xi32>
      %add3A_2476 = arith.addi %get3A_2362, %add3A_2475 : vector<16xi32>
      %gather3A_2477 = arith.constant 0 : i32
      %gather3A_2478 = arith.constant 0 : i32
      %gather3A_2479 = tpu.memref_slice %arg11[%scan3A_2267, %gather3A_2477, %gather3A_2478] : memref<2x128x128xi32, #tpu.memory_space<vmem>> -> memref<1x128x128xi32, #tpu.memory_space<vmem>>
      %gather3A_2480 = tpu.memref_squeeze %gather3A_2479 : memref<1x128x128xi32, #tpu.memory_space<vmem>> -> memref<128x128xi32, #tpu.memory_space<vmem>>
      %gather3A_2481 = tpu.vector_load_idx %gather3A_2480[%add3A_2358, %add3A_2476] : memref<128x128xi32, #tpu.memory_space<vmem>>[vector<16xi32>, vector<16xi32>], vector<16xi32>,
      %add3A_2482 = arith.constant 15 : i32
      %add3A_2483 = vector.broadcast %add3A_2482 : i32 to vector<16xi32>
      %add3A_2484 = arith.addi %get3A_2362, %add3A_2483 : vector<16xi32>
      %gather3A_2485 = arith.constant 0 : i32
      %gather3A_2486 = arith.constant 0 : i32
      %gather3A_2487 = tpu.memref_slice %arg11[%scan3A_2267, %gather3A_2485, %gather3A_2486] : memref<2x128x128xi32, #tpu.memory_space<vmem>> -> memref<1x128x128xi32, #tpu.memory_space<vmem>>
      %gather3A_2488 = tpu.memref_squeeze %gather3A_2487 : memref<1x128x128xi32, #tpu.memory_space<vmem>> -> memref<128x128xi32, #tpu.memory_space<vmem>>
      %gather3A_2489 = tpu.vector_load_idx %gather3A_2488[%add3A_2358, %add3A_2484] : memref<128x128xi32, #tpu.memory_space<vmem>>[vector<16xi32>, vector<16xi32>], vector<16xi32>,
      %broadcast_in_dim3A = arith.constant 0 : i32
      %broadcast_in_dim3A_2490 = vector.broadcast %broadcast_in_dim3A : i32 to vector<16xi32>
      %add3A_2491 = arith.constant 0 : i32
      %add3A_2492 = vector.broadcast %add3A_2491 : i32 to vector<16xi32>
      %add3A_2493 = arith.addi %add3A_2358, %add3A_2492 : vector<16xi32>
      tpu.vector_store_idx %arg12[%broadcast_in_dim3A_2490, %add3A_2493], %gather3A_2369 : memref<16x512xi32, #tpu.memory_space<vmem>>[vector<16xi32>, vector<16xi32>], vector<16xi32>,
      %broadcast_in_dim3A_2494 = arith.constant 1 : i32
      %broadcast_in_dim3A_2495 = vector.broadcast %broadcast_in_dim3A_2494 : i32 to vector<16xi32>
      %add3A_2496 = arith.constant 0 : i32
      %add3A_2497 = vector.broadcast %add3A_2496 : i32 to vector<16xi32>
      %add3A_2498 = arith.addi %add3A_2358, %add3A_2497 : vector<16xi32>
      tpu.vector_store_idx %arg12[%broadcast_in_dim3A_2495, %add3A_2498], %gather3A_2377 : memref<16x512xi32, #tpu.memory_space<vmem>>[vector<16xi32>, vector<16xi32>], vector<16xi32>,
      %broadcast_in_dim3A_2499 = arith.constant 2 : i32
      %broadcast_in_dim3A_2500 = vector.broadcast %broadcast_in_dim3A_2499 : i32 to vector<16xi32>
      %add3A_2501 = arith.constant 0 : i32
      %add3A_2502 = vector.broadcast %add3A_2501 : i32 to vector<16xi32>
      %add3A_2503 = arith.addi %add3A_2358, %add3A_2502 : vector<16xi32>
      tpu.vector_store_idx %arg12[%broadcast_in_dim3A_2500, %add3A_2503], %gather3A_2385 : memref<16x512xi32, #tpu.memory_space<vmem>>[vector<16xi32>, vector<16xi32>], vector<16xi32>,
      %broadcast_in_dim3A_2504 = arith.constant 3 : i32
      %broadcast_in_dim3A_2505 = vector.broadcast %broadcast_in_dim3A_2504 : i32 to vector<16xi32>
      %add3A_2506 = arith.constant 0 : i32
      %add3A_2507 = vector.broadcast %add3A_2506 : i32 to vector<16xi32>
      %add3A_2508 = arith.addi %add3A_2358, %add3A_2507 : vector<16xi32>
      tpu.vector_store_idx %arg12[%broadcast_in_dim3A_2505, %add3A_2508], %gather3A_2393 : memref<16x512xi32, #tpu.memory_space<vmem>>[vector<16xi32>, vector<16xi32>], vector<16xi32>,
      %broadcast_in_dim3A_2509 = arith.constant 4 : i32
      %broadcast_in_dim3A_2510 = vector.broadcast %broadcast_in_dim3A_2509 : i32 to vector<16xi32>
      %add3A_2511 = arith.constant 0 : i32
      %add3A_2512 = vector.broadcast %add3A_2511 : i32 to vector<16xi32>
      %add3A_2513 = arith.addi %add3A_2358, %add3A_2512 : vector<16xi32>
      tpu.vector_store_idx %arg12[%broadcast_in_dim3A_2510, %add3A_2513], %gather3A_2401 : memref<16x512xi32, #tpu.memory_space<vmem>>[vector<16xi32>, vector<16xi32>], vector<16xi32>,
      %broadcast_in_dim3A_2514 = arith.constant 5 : i32
      %broadcast_in_dim3A_2515 = vector.broadcast %broadcast_in_dim3A_2514 : i32 to vector<16xi32>
      %add3A_2516 = arith.constant 0 : i32
      %add3A_2517 = vector.broadcast %add3A_2516 : i32 to vector<16xi32>
      %add3A_2518 = arith.addi %add3A_2358, %add3A_2517 : vector<16xi32>
      tpu.vector_store_idx %arg12[%broadcast_in_dim3A_2515, %add3A_2518], %gather3A_2409 : memref<16x512xi32, #tpu.memory_space<vmem>>[vector<16xi32>, vector<16xi32>], vector<16xi32>,
      %broadcast_in_dim3A_2519 = arith.constant 6 : i32
      %broadcast_in_dim3A_2520 = vector.broadcast %broadcast_in_dim3A_2519 : i32 to vector<16xi32>
      %add3A_2521 = arith.constant 0 : i32
      %add3A_2522 = vector.broadcast %add3A_2521 : i32 to vector<16xi32>
      %add3A_2523 = arith.addi %add3A_2358, %add3A_2522 : vector<16xi32>
      tpu.vector_store_idx %arg12[%broadcast_in_dim3A_2520, %add3A_2523], %gather3A_2417 : memref<16x512xi32, #tpu.memory_space<vmem>>[vector<16xi32>, vector<16xi32>], vector<16xi32>,
      %broadcast_in_dim3A_2524 = arith.constant 7 : i32
      %broadcast_in_dim3A_2525 = vector.broadcast %broadcast_in_dim3A_2524 : i32 to vector<16xi32>
      %add3A_2526 = arith.constant 0 : i32
      %add3A_2527 = vector.broadcast %add3A_2526 : i32 to vector<16xi32>
      %add3A_2528 = arith.addi %add3A_2358, %add3A_2527 : vector<16xi32>
      tpu.vector_store_idx %arg12[%broadcast_in_dim3A_2525, %add3A_2528], %gather3A_2425 : memref<16x512xi32, #tpu.memory_space<vmem>>[vector<16xi32>, vector<16xi32>], vector<16xi32>,
      %broadcast_in_dim3A_2529 = arith.constant 8 : i32
      %broadcast_in_dim3A_2530 = vector.broadcast %broadcast_in_dim3A_2529 : i32 to vector<16xi32>
      %add3A_2531 = arith.constant 0 : i32
      %add3A_2532 = vector.broadcast %add3A_2531 : i32 to vector<16xi32>
      %add3A_2533 = arith.addi %add3A_2358, %add3A_2532 : vector<16xi32>
      tpu.vector_store_idx %arg12[%broadcast_in_dim3A_2530, %add3A_2533], %gather3A_2433 : memref<16x512xi32, #tpu.memory_space<vmem>>[vector<16xi32>, vector<16xi32>], vector<16xi32>,
      %broadcast_in_dim3A_2534 = arith.constant 9 : i32
      %broadcast_in_dim3A_2535 = vector.broadcast %broadcast_in_dim3A_2534 : i32 to vector<16xi32>
      %add3A_2536 = arith.constant 0 : i32
      %add3A_2537 = vector.broadcast %add3A_2536 : i32 to vector<16xi32>
      %add3A_2538 = arith.addi %add3A_2358, %add3A_2537 : vector<16xi32>
      tpu.vector_store_idx %arg12[%broadcast_in_dim3A_2535, %add3A_2538], %gather3A_2441 : memref<16x512xi32, #tpu.memory_space<vmem>>[vector<16xi32>, vector<16xi32>], vector<16xi32>,
      %broadcast_in_dim3A_2539 = arith.constant 10 : i32
      %broadcast_in_dim3A_2540 = vector.broadcast %broadcast_in_dim3A_2539 : i32 to vector<16xi32>
      %add3A_2541 = arith.constant 0 : i32
      %add3A_2542 = vector.broadcast %add3A_2541 : i32 to vector<16xi32>
      %add3A_2543 = arith.addi %add3A_2358, %add3A_2542 : vector<16xi32>
      tpu.vector_store_idx %arg12[%broadcast_in_dim3A_2540, %add3A_2543], %gather3A_2449 : memref<16x512xi32, #tpu.memory_space<vmem>>[vector<16xi32>, vector<16xi32>], vector<16xi32>,
      %broadcast_in_dim3A_2544 = arith.constant 11 : i32
      %broadcast_in_dim3A_2545 = vector.broadcast %broadcast_in_dim3A_2544 : i32 to vector<16xi32>
      %add3A_2546 = arith.constant 0 : i32
      %add3A_2547 = vector.broadcast %add3A_2546 : i32 to vector<16xi32>
      %add3A_2548 = arith.addi %add3A_2358, %add3A_2547 : vector<16xi32>
      tpu.vector_store_idx %arg12[%broadcast_in_dim3A_2545, %add3A_2548], %gather3A_2457 : memref<16x512xi32, #tpu.memory_space<vmem>>[vector<16xi32>, vector<16xi32>], vector<16xi32>,
      %broadcast_in_dim3A_2549 = arith.constant 12 : i32
      %broadcast_in_dim3A_2550 = vector.broadcast %broadcast_in_dim3A_2549 : i32 to vector<16xi32>
      %add3A_2551 = arith.constant 0 : i32
      %add3A_2552 = vector.broadcast %add3A_2551 : i32 to vector<16xi32>
      %add3A_2553 = arith.addi %add3A_2358, %add3A_2552 : vector<16xi32>
      tpu.vector_store_idx %arg12[%broadcast_in_dim3A_2550, %add3A_2553], %gather3A_2465 : memref<16x512xi32, #tpu.memory_space<vmem>>[vector<16xi32>, vector<16xi32>], vector<16xi32>,
      %broadcast_in_dim3A_2554 = arith.constant 13 : i32
      %broadcast_in_dim3A_2555 = vector.broadcast %broadcast_in_dim3A_2554 : i32 to vector<16xi32>
      %add3A_2556 = arith.constant 0 : i32
      %add3A_2557 = vector.broadcast %add3A_2556 : i32 to vector<16xi32>
      %add3A_2558 = arith.addi %add3A_2358, %add3A_2557 : vector<16xi32>
      tpu.vector_store_idx %arg12[%broadcast_in_dim3A_2555, %add3A_2558], %gather3A_2473 : memref<16x512xi32, #tpu.memory_space<vmem>>[vector<16xi32>, vector<16xi32>], vector<16xi32>,
      %broadcast_in_dim3A_2559 = arith.constant 14 : i32
      %broadcast_in_dim3A_2560 = vector.broadcast %broadcast_in_dim3A_2559 : i32 to vector<16xi32>
      %add3A_2561 = arith.constant 0 : i32
      %add3A_2562 = vector.broadcast %add3A_2561 : i32 to vector<16xi32>
      %add3A_2563 = arith.addi %add3A_2358, %add3A_2562 : vector<16xi32>
      tpu.vector_store_idx %arg12[%broadcast_in_dim3A_2560, %add3A_2563], %gather3A_2481 : memref<16x512xi32, #tpu.memory_space<vmem>>[vector<16xi32>, vector<16xi32>], vector<16xi32>,
      %broadcast_in_dim3A_2564 = arith.constant 15 : i32
      %broadcast_in_dim3A_2565 = vector.broadcast %broadcast_in_dim3A_2564 : i32 to vector<16xi32>
      %add3A_2566 = arith.constant 0 : i32
      %add3A_2567 = vector.broadcast %add3A_2566 : i32 to vector<16xi32>
      %add3A_2568 = arith.addi %add3A_2358, %add3A_2567 : vector<16xi32>
      tpu.vector_store_idx %arg12[%broadcast_in_dim3A_2565, %add3A_2568], %gather3A_2489 : memref<16x512xi32, #tpu.memory_space<vmem>>[vector<16xi32>, vector<16xi32>], vector<16xi32>,
    }
    %scan3A_2272 = arith.constant 8 : i32
    %dma_start3A_2273 = arith.constant 2 : i32
    %dma_start3A_2274 = arith.constant 0 : i32
    %dma_start3A_2275 = arith.constant 0 : i32
    %dma_start3A_2276 = arith.constant 0 : i32
    %dma_start3A_2277 = tpu.memref_slice %arg11[%dma_start3A_2274, %dma_start3A_2275, %dma_start3A_2276] : memref<2x128x128xi32, #tpu.memory_space<vmem>> -> memref<1x128x128xi32, #tpu.memory_space<vmem>>
    %dma_start3A_2278 = tpu.memref_squeeze %dma_start3A_2277 : memref<1x128x128xi32, #tpu.memory_space<vmem>> -> memref<128x128xi32, #tpu.memory_space<vmem>>
    %dma_start3A_2279 = arith.constant 0 : i32
    %dma_start3A_2280 = tpu.memref_slice %arg9[%dma_start3A_2273, %dma_start3A_2279] : memref<4x128xi32, #tpu.memory_space<vmem>> -> memref<1x128xi32, #tpu.memory_space<vmem>>
    %dma_start3A_2281 = tpu.memref_squeeze %dma_start3A_2280 : memref<1x128xi32, #tpu.memory_space<vmem>> -> memref<128xi32, #tpu.memory_space<vmem>>
    %dma_start3A_2282 = arith.constant 0 : i32
    %dma_start3A_2283 = arith.constant 0 : i32
    %dma_start3A_2284 = tpu.memref_slice %arg5[%dma_start3A_2282, %dma_start3A_2283] : memref<126976x128xi32, #tpu.memory_space<hbm>> -> memref<126976x128xi32, #tpu.memory_space<hbm>>
    tpu.enqueue_indirect_dma source(%dma_start3A_2284 : memref<126976x128xi32, #tpu.memory_space<hbm>>) target(%dma_start3A_2278 : memref<128x128xi32, #tpu.memory_space<vmem>>) offsets(%dma_start3A_2281 : memref<128xi32, #tpu.memory_space<vmem>>) semaphore(%arg13 : memref<!tpu.dma_semaphore, #tpu.memory_space<semaphore_mem>>)
    %dma_wait3A_2285 = arith.constant 1 : i32
    %dma_wait3A_2286 = arith.constant 1 : i32
    %dma_wait3A_2287 = arith.constant 0 : i32
    %dma_wait3A_2288 = arith.constant 0 : i32
    %dma_wait3A_2289 = tpu.memref_slice %arg11[%dma_wait3A_2286, %dma_wait3A_2287, %dma_wait3A_2288] : memref<2x128x128xi32, #tpu.memory_space<vmem>> -> memref<1x128x128xi32, #tpu.memory_space<vmem>>
    %dma_wait3A_2290 = tpu.memref_squeeze %dma_wait3A_2289 : memref<1x128x128xi32, #tpu.memory_space<vmem>> -> memref<128x128xi32, #tpu.memory_space<vmem>>
    %dma_wait3A_2291 = arith.constant 0 : i32
    %dma_wait3A_2292 = tpu.memref_slice %arg9[%dma_wait3A_2285, %dma_wait3A_2291] : memref<4x128xi32, #tpu.memory_space<vmem>> -> memref<1x128xi32, #tpu.memory_space<vmem>>
    %dma_wait3A_2293 = tpu.memref_squeeze %dma_wait3A_2292 : memref<1x128xi32, #tpu.memory_space<vmem>> -> memref<128xi32, #tpu.memory_space<vmem>>
    %dma_wait3A_2294 = arith.constant 0 : i32
    %dma_wait3A_2295 = arith.constant 0 : i32
    %dma_wait3A_2296 = tpu.memref_slice %arg5[%dma_wait3A_2294, %dma_wait3A_2295] : memref<126976x128xi32, #tpu.memory_space<hbm>> -> memref<126976x128xi32, #tpu.memory_space<hbm>>
    tpu.wait_indirect_dma semaphore(%arg13 : memref<!tpu.dma_semaphore, #tpu.memory_space<semaphore_mem>>) src(%dma_wait3A_2296 : memref<126976x128xi32, #tpu.memory_space<hbm>>) dst(%dma_wait3A_2290 : memref<128x128xi32, #tpu.memory_space<vmem>>)
    %scan3A_2297 = arith.constant 0 : i32
    %scan3A_2298 = arith.constant 1 : i32
    %scan3A_2299 = arith.constant 0 : i32
    %scan3A_2300 = arith.constant 8 : i32
    %scan3A_2301 = arith.addi %scan3A_2299, %scan3A_2300 : i32
    %scan3A_2302 = arith.constant 1 : i32
    scf.for %scan3A_2354 = %scan3A_2299 to %scan3A_2301 step %scan3A_2302  : i32 {
      %mul3A_2355 = arith.constant 16 : i32
      %mul3A_2356 = arith.muli %scan3A_2354, %mul3A_2355 : i32
      %add3A_2357 = vector.broadcast %mul3A_2356 : i32 to vector<16xi32>
      %add3A_2358 = arith.addi %iota3A, %add3A_2357 : vector<16xi32>
      %add3A_2359 = arith.constant 128 : i32
      %add3A_2360 = arith.addi %add3A_2359, %mul3A_2356 : i32
      %get3A_2361 = arith.index_cast %add3A_2360 : i32 to index
      %get3A_2362 = tpu.vector_load %arg10[%get3A_2361] {strides = array<i32>} : memref<512xi32, #tpu.memory_space<vmem>>, vector<16xi32>,
      %add3A_2363 = arith.constant 0 : i32
      %add3A_2364 = vector.broadcast %add3A_2363 : i32 to vector<16xi32>
      %add3A_2365 = arith.addi %get3A_2362, %add3A_2364 : vector<16xi32>
      %gather3A = arith.constant 0 : i32
      %gather3A_2366 = arith.constant 0 : i32
      %gather3A_2367 = tpu.memref_slice %arg11[%scan3A_2298, %gather3A, %gather3A_2366] : memref<2x128x128xi32, #tpu.memory_space<vmem>> -> memref<1x128x128xi32, #tpu.memory_space<vmem>>
      %gather3A_2368 = tpu.memref_squeeze %gather3A_2367 : memref<1x128x128xi32, #tpu.memory_space<vmem>> -> memref<128x128xi32, #tpu.memory_space<vmem>>
      %gather3A_2369 = tpu.vector_load_idx %gather3A_2368[%add3A_2358, %add3A_2365] : memref<128x128xi32, #tpu.memory_space<vmem>>[vector<16xi32>, vector<16xi32>], vector<16xi32>,
      %add3A_2370 = arith.constant 1 : i32
      %add3A_2371 = vector.broadcast %add3A_2370 : i32 to vector<16xi32>
      %add3A_2372 = arith.addi %get3A_2362, %add3A_2371 : vector<16xi32>
      %gather3A_2373 = arith.constant 0 : i32
      %gather3A_2374 = arith.constant 0 : i32
      %gather3A_2375 = tpu.memref_slice %arg11[%scan3A_2298, %gather3A_2373, %gather3A_2374] : memref<2x128x128xi32, #tpu.memory_space<vmem>> -> memref<1x128x128xi32, #tpu.memory_space<vmem>>
      %gather3A_2376 = tpu.memref_squeeze %gather3A_2375 : memref<1x128x128xi32, #tpu.memory_space<vmem>> -> memref<128x128xi32, #tpu.memory_space<vmem>>
      %gather3A_2377 = tpu.vector_load_idx %gather3A_2376[%add3A_2358, %add3A_2372] : memref<128x128xi32, #tpu.memory_space<vmem>>[vector<16xi32>, vector<16xi32>], vector<16xi32>,
      %add3A_2378 = arith.constant 2 : i32
      %add3A_2379 = vector.broadcast %add3A_2378 : i32 to vector<16xi32>
      %add3A_2380 = arith.addi %get3A_2362, %add3A_2379 : vector<16xi32>
      %gather3A_2381 = arith.constant 0 : i32
      %gather3A_2382 = arith.constant 0 : i32
      %gather3A_2383 = tpu.memref_slice %arg11[%scan3A_2298, %gather3A_2381, %gather3A_2382] : memref<2x128x128xi32, #tpu.memory_space<vmem>> -> memref<1x128x128xi32, #tpu.memory_space<vmem>>
      %gather3A_2384 = tpu.memref_squeeze %gather3A_2383 : memref<1x128x128xi32, #tpu.memory_space<vmem>> -> memref<128x128xi32, #tpu.memory_space<vmem>>
      %gather3A_2385 = tpu.vector_load_idx %gather3A_2384[%add3A_2358, %add3A_2380] : memref<128x128xi32, #tpu.memory_space<vmem>>[vector<16xi32>, vector<16xi32>], vector<16xi32>,
      %add3A_2386 = arith.constant 3 : i32
      %add3A_2387 = vector.broadcast %add3A_2386 : i32 to vector<16xi32>
      %add3A_2388 = arith.addi %get3A_2362, %add3A_2387 : vector<16xi32>
      %gather3A_2389 = arith.constant 0 : i32
      %gather3A_2390 = arith.constant 0 : i32
      %gather3A_2391 = tpu.memref_slice %arg11[%scan3A_2298, %gather3A_2389, %gather3A_2390] : memref<2x128x128xi32, #tpu.memory_space<vmem>> -> memref<1x128x128xi32, #tpu.memory_space<vmem>>
      %gather3A_2392 = tpu.memref_squeeze %gather3A_2391 : memref<1x128x128xi32, #tpu.memory_space<vmem>> -> memref<128x128xi32, #tpu.memory_space<vmem>>
      %gather3A_2393 = tpu.vector_load_idx %gather3A_2392[%add3A_2358, %add3A_2388] : memref<128x128xi32, #tpu.memory_space<vmem>>[vector<16xi32>, vector<16xi32>], vector<16xi32>,
      %add3A_2394 = arith.constant 4 : i32
      %add3A_2395 = vector.broadcast %add3A_2394 : i32 to vector<16xi32>
      %add3A_2396 = arith.addi %get3A_2362, %add3A_2395 : vector<16xi32>
      %gather3A_2397 = arith.constant 0 : i32
      %gather3A_2398 = arith.constant 0 : i32
      %gather3A_2399 = tpu.memref_slice %arg11[%scan3A_2298, %gather3A_2397, %gather3A_2398] : memref<2x128x128xi32, #tpu.memory_space<vmem>> -> memref<1x128x128xi32, #tpu.memory_space<vmem>>
      %gather3A_2400 = tpu.memref_squeeze %gather3A_2399 : memref<1x128x128xi32, #tpu.memory_space<vmem>> -> memref<128x128xi32, #tpu.memory_space<vmem>>
      %gather3A_2401 = tpu.vector_load_idx %gather3A_2400[%add3A_2358, %add3A_2396] : memref<128x128xi32, #tpu.memory_space<vmem>>[vector<16xi32>, vector<16xi32>], vector<16xi32>,
      %add3A_2402 = arith.constant 5 : i32
      %add3A_2403 = vector.broadcast %add3A_2402 : i32 to vector<16xi32>
      %add3A_2404 = arith.addi %get3A_2362, %add3A_2403 : vector<16xi32>
      %gather3A_2405 = arith.constant 0 : i32
      %gather3A_2406 = arith.constant 0 : i32
      %gather3A_2407 = tpu.memref_slice %arg11[%scan3A_2298, %gather3A_2405, %gather3A_2406] : memref<2x128x128xi32, #tpu.memory_space<vmem>> -> memref<1x128x128xi32, #tpu.memory_space<vmem>>
      %gather3A_2408 = tpu.memref_squeeze %gather3A_2407 : memref<1x128x128xi32, #tpu.memory_space<vmem>> -> memref<128x128xi32, #tpu.memory_space<vmem>>
      %gather3A_2409 = tpu.vector_load_idx %gather3A_2408[%add3A_2358, %add3A_2404] : memref<128x128xi32, #tpu.memory_space<vmem>>[vector<16xi32>, vector<16xi32>], vector<16xi32>,
      %add3A_2410 = arith.constant 6 : i32
      %add3A_2411 = vector.broadcast %add3A_2410 : i32 to vector<16xi32>
      %add3A_2412 = arith.addi %get3A_2362, %add3A_2411 : vector<16xi32>
      %gather3A_2413 = arith.constant 0 : i32
      %gather3A_2414 = arith.constant 0 : i32
      %gather3A_2415 = tpu.memref_slice %arg11[%scan3A_2298, %gather3A_2413, %gather3A_2414] : memref<2x128x128xi32, #tpu.memory_space<vmem>> -> memref<1x128x128xi32, #tpu.memory_space<vmem>>
      %gather3A_2416 = tpu.memref_squeeze %gather3A_2415 : memref<1x128x128xi32, #tpu.memory_space<vmem>> -> memref<128x128xi32, #tpu.memory_space<vmem>>
      %gather3A_2417 = tpu.vector_load_idx %gather3A_2416[%add3A_2358, %add3A_2412] : memref<128x128xi32, #tpu.memory_space<vmem>>[vector<16xi32>, vector<16xi32>], vector<16xi32>,
      %add3A_2418 = arith.constant 7 : i32
      %add3A_2419 = vector.broadcast %add3A_2418 : i32 to vector<16xi32>
      %add3A_2420 = arith.addi %get3A_2362, %add3A_2419 : vector<16xi32>
      %gather3A_2421 = arith.constant 0 : i32
      %gather3A_2422 = arith.constant 0 : i32
      %gather3A_2423 = tpu.memref_slice %arg11[%scan3A_2298, %gather3A_2421, %gather3A_2422] : memref<2x128x128xi32, #tpu.memory_space<vmem>> -> memref<1x128x128xi32, #tpu.memory_space<vmem>>
      %gather3A_2424 = tpu.memref_squeeze %gather3A_2423 : memref<1x128x128xi32, #tpu.memory_space<vmem>> -> memref<128x128xi32, #tpu.memory_space<vmem>>
      %gather3A_2425 = tpu.vector_load_idx %gather3A_2424[%add3A_2358, %add3A_2420] : memref<128x128xi32, #tpu.memory_space<vmem>>[vector<16xi32>, vector<16xi32>], vector<16xi32>,
      %add3A_2426 = arith.constant 8 : i32
      %add3A_2427 = vector.broadcast %add3A_2426 : i32 to vector<16xi32>
      %add3A_2428 = arith.addi %get3A_2362, %add3A_2427 : vector<16xi32>
      %gather3A_2429 = arith.constant 0 : i32
      %gather3A_2430 = arith.constant 0 : i32
      %gather3A_2431 = tpu.memref_slice %arg11[%scan3A_2298, %gather3A_2429, %gather3A_2430] : memref<2x128x128xi32, #tpu.memory_space<vmem>> -> memref<1x128x128xi32, #tpu.memory_space<vmem>>
      %gather3A_2432 = tpu.memref_squeeze %gather3A_2431 : memref<1x128x128xi32, #tpu.memory_space<vmem>> -> memref<128x128xi32, #tpu.memory_space<vmem>>
      %gather3A_2433 = tpu.vector_load_idx %gather3A_2432[%add3A_2358, %add3A_2428] : memref<128x128xi32, #tpu.memory_space<vmem>>[vector<16xi32>, vector<16xi32>], vector<16xi32>,
      %add3A_2434 = arith.constant 9 : i32
      %add3A_2435 = vector.broadcast %add3A_2434 : i32 to vector<16xi32>
      %add3A_2436 = arith.addi %get3A_2362, %add3A_2435 : vector<16xi32>
      %gather3A_2437 = arith.constant 0 : i32
      %gather3A_2438 = arith.constant 0 : i32
      %gather3A_2439 = tpu.memref_slice %arg11[%scan3A_2298, %gather3A_2437, %gather3A_2438] : memref<2x128x128xi32, #tpu.memory_space<vmem>> -> memref<1x128x128xi32, #tpu.memory_space<vmem>>
      %gather3A_2440 = tpu.memref_squeeze %gather3A_2439 : memref<1x128x128xi32, #tpu.memory_space<vmem>> -> memref<128x128xi32, #tpu.memory_space<vmem>>
      %gather3A_2441 = tpu.vector_load_idx %gather3A_2440[%add3A_2358, %add3A_2436] : memref<128x128xi32, #tpu.memory_space<vmem>>[vector<16xi32>, vector<16xi32>], vector<16xi32>,
      %add3A_2442 = arith.constant 10 : i32
      %add3A_2443 = vector.broadcast %add3A_2442 : i32 to vector<16xi32>
      %add3A_2444 = arith.addi %get3A_2362, %add3A_2443 : vector<16xi32>
      %gather3A_2445 = arith.constant 0 : i32
      %gather3A_2446 = arith.constant 0 : i32
      %gather3A_2447 = tpu.memref_slice %arg11[%scan3A_2298, %gather3A_2445, %gather3A_2446] : memref<2x128x128xi32, #tpu.memory_space<vmem>> -> memref<1x128x128xi32, #tpu.memory_space<vmem>>
      %gather3A_2448 = tpu.memref_squeeze %gather3A_2447 : memref<1x128x128xi32, #tpu.memory_space<vmem>> -> memref<128x128xi32, #tpu.memory_space<vmem>>
      %gather3A_2449 = tpu.vector_load_idx %gather3A_2448[%add3A_2358, %add3A_2444] : memref<128x128xi32, #tpu.memory_space<vmem>>[vector<16xi32>, vector<16xi32>], vector<16xi32>,
      %add3A_2450 = arith.constant 11 : i32
      %add3A_2451 = vector.broadcast %add3A_2450 : i32 to vector<16xi32>
      %add3A_2452 = arith.addi %get3A_2362, %add3A_2451 : vector<16xi32>
      %gather3A_2453 = arith.constant 0 : i32
      %gather3A_2454 = arith.constant 0 : i32
      %gather3A_2455 = tpu.memref_slice %arg11[%scan3A_2298, %gather3A_2453, %gather3A_2454] : memref<2x128x128xi32, #tpu.memory_space<vmem>> -> memref<1x128x128xi32, #tpu.memory_space<vmem>>
      %gather3A_2456 = tpu.memref_squeeze %gather3A_2455 : memref<1x128x128xi32, #tpu.memory_space<vmem>> -> memref<128x128xi32, #tpu.memory_space<vmem>>
      %gather3A_2457 = tpu.vector_load_idx %gather3A_2456[%add3A_2358, %add3A_2452] : memref<128x128xi32, #tpu.memory_space<vmem>>[vector<16xi32>, vector<16xi32>], vector<16xi32>,
      %add3A_2458 = arith.constant 12 : i32
      %add3A_2459 = vector.broadcast %add3A_2458 : i32 to vector<16xi32>
      %add3A_2460 = arith.addi %get3A_2362, %add3A_2459 : vector<16xi32>
      %gather3A_2461 = arith.constant 0 : i32
      %gather3A_2462 = arith.constant 0 : i32
      %gather3A_2463 = tpu.memref_slice %arg11[%scan3A_2298, %gather3A_2461, %gather3A_2462] : memref<2x128x128xi32, #tpu.memory_space<vmem>> -> memref<1x128x128xi32, #tpu.memory_space<vmem>>
      %gather3A_2464 = tpu.memref_squeeze %gather3A_2463 : memref<1x128x128xi32, #tpu.memory_space<vmem>> -> memref<128x128xi32, #tpu.memory_space<vmem>>
      %gather3A_2465 = tpu.vector_load_idx %gather3A_2464[%add3A_2358, %add3A_2460] : memref<128x128xi32, #tpu.memory_space<vmem>>[vector<16xi32>, vector<16xi32>], vector<16xi32>,
      %add3A_2466 = arith.constant 13 : i32
      %add3A_2467 = vector.broadcast %add3A_2466 : i32 to vector<16xi32>
      %add3A_2468 = arith.addi %get3A_2362, %add3A_2467 : vector<16xi32>
      %gather3A_2469 = arith.constant 0 : i32
      %gather3A_2470 = arith.constant 0 : i32
      %gather3A_2471 = tpu.memref_slice %arg11[%scan3A_2298, %gather3A_2469, %gather3A_2470] : memref<2x128x128xi32, #tpu.memory_space<vmem>> -> memref<1x128x128xi32, #tpu.memory_space<vmem>>
      %gather3A_2472 = tpu.memref_squeeze %gather3A_2471 : memref<1x128x128xi32, #tpu.memory_space<vmem>> -> memref<128x128xi32, #tpu.memory_space<vmem>>
      %gather3A_2473 = tpu.vector_load_idx %gather3A_2472[%add3A_2358, %add3A_2468] : memref<128x128xi32, #tpu.memory_space<vmem>>[vector<16xi32>, vector<16xi32>], vector<16xi32>,
      %add3A_2474 = arith.constant 14 : i32
      %add3A_2475 = vector.broadcast %add3A_2474 : i32 to vector<16xi32>
      %add3A_2476 = arith.addi %get3A_2362, %add3A_2475 : vector<16xi32>
      %gather3A_2477 = arith.constant 0 : i32
      %gather3A_2478 = arith.constant 0 : i32
      %gather3A_2479 = tpu.memref_slice %arg11[%scan3A_2298, %gather3A_2477, %gather3A_2478] : memref<2x128x128xi32, #tpu.memory_space<vmem>> -> memref<1x128x128xi32, #tpu.memory_space<vmem>>
      %gather3A_2480 = tpu.memref_squeeze %gather3A_2479 : memref<1x128x128xi32, #tpu.memory_space<vmem>> -> memref<128x128xi32, #tpu.memory_space<vmem>>
      %gather3A_2481 = tpu.vector_load_idx %gather3A_2480[%add3A_2358, %add3A_2476] : memref<128x128xi32, #tpu.memory_space<vmem>>[vector<16xi32>, vector<16xi32>], vector<16xi32>,
      %add3A_2482 = arith.constant 15 : i32
      %add3A_2483 = vector.broadcast %add3A_2482 : i32 to vector<16xi32>
      %add3A_2484 = arith.addi %get3A_2362, %add3A_2483 : vector<16xi32>
      %gather3A_2485 = arith.constant 0 : i32
      %gather3A_2486 = arith.constant 0 : i32
      %gather3A_2487 = tpu.memref_slice %arg11[%scan3A_2298, %gather3A_2485, %gather3A_2486] : memref<2x128x128xi32, #tpu.memory_space<vmem>> -> memref<1x128x128xi32, #tpu.memory_space<vmem>>
      %gather3A_2488 = tpu.memref_squeeze %gather3A_2487 : memref<1x128x128xi32, #tpu.memory_space<vmem>> -> memref<128x128xi32, #tpu.memory_space<vmem>>
      %gather3A_2489 = tpu.vector_load_idx %gather3A_2488[%add3A_2358, %add3A_2484] : memref<128x128xi32, #tpu.memory_space<vmem>>[vector<16xi32>, vector<16xi32>], vector<16xi32>,
      %broadcast_in_dim3A = arith.constant 0 : i32
      %broadcast_in_dim3A_2490 = vector.broadcast %broadcast_in_dim3A : i32 to vector<16xi32>
      %add3A_2491 = arith.constant 128 : i32
      %add3A_2492 = vector.broadcast %add3A_2491 : i32 to vector<16xi32>
      %add3A_2493 = arith.addi %add3A_2358, %add3A_2492 : vector<16xi32>
      tpu.vector_store_idx %arg12[%broadcast_in_dim3A_2490, %add3A_2493], %gather3A_2369 : memref<16x512xi32, #tpu.memory_space<vmem>>[vector<16xi32>, vector<16xi32>], vector<16xi32>,
      %broadcast_in_dim3A_2494 = arith.constant 1 : i32
      %broadcast_in_dim3A_2495 = vector.broadcast %broadcast_in_dim3A_2494 : i32 to vector<16xi32>
      %add3A_2496 = arith.constant 128 : i32
      %add3A_2497 = vector.broadcast %add3A_2496 : i32 to vector<16xi32>
      %add3A_2498 = arith.addi %add3A_2358, %add3A_2497 : vector<16xi32>
      tpu.vector_store_idx %arg12[%broadcast_in_dim3A_2495, %add3A_2498], %gather3A_2377 : memref<16x512xi32, #tpu.memory_space<vmem>>[vector<16xi32>, vector<16xi32>], vector<16xi32>,
      %broadcast_in_dim3A_2499 = arith.constant 2 : i32
      %broadcast_in_dim3A_2500 = vector.broadcast %broadcast_in_dim3A_2499 : i32 to vector<16xi32>
      %add3A_2501 = arith.constant 128 : i32
      %add3A_2502 = vector.broadcast %add3A_2501 : i32 to vector<16xi32>
      %add3A_2503 = arith.addi %add3A_2358, %add3A_2502 : vector<16xi32>
      tpu.vector_store_idx %arg12[%broadcast_in_dim3A_2500, %add3A_2503], %gather3A_2385 : memref<16x512xi32, #tpu.memory_space<vmem>>[vector<16xi32>, vector<16xi32>], vector<16xi32>,
      %broadcast_in_dim3A_2504 = arith.constant 3 : i32
      %broadcast_in_dim3A_2505 = vector.broadcast %broadcast_in_dim3A_2504 : i32 to vector<16xi32>
      %add3A_2506 = arith.constant 128 : i32
      %add3A_2507 = vector.broadcast %add3A_2506 : i32 to vector<16xi32>
      %add3A_2508 = arith.addi %add3A_2358, %add3A_2507 : vector<16xi32>
      tpu.vector_store_idx %arg12[%broadcast_in_dim3A_2505, %add3A_2508], %gather3A_2393 : memref<16x512xi32, #tpu.memory_space<vmem>>[vector<16xi32>, vector<16xi32>], vector<16xi32>,
      %broadcast_in_dim3A_2509 = arith.constant 4 : i32
      %broadcast_in_dim3A_2510 = vector.broadcast %broadcast_in_dim3A_2509 : i32 to vector<16xi32>
      %add3A_2511 = arith.constant 128 : i32
      %add3A_2512 = vector.broadcast %add3A_2511 : i32 to vector<16xi32>
      %add3A_2513 = arith.addi %add3A_2358, %add3A_2512 : vector<16xi32>
      tpu.vector_store_idx %arg12[%broadcast_in_dim3A_2510, %add3A_2513], %gather3A_2401 : memref<16x512xi32, #tpu.memory_space<vmem>>[vector<16xi32>, vector<16xi32>], vector<16xi32>,
      %broadcast_in_dim3A_2514 = arith.constant 5 : i32
      %broadcast_in_dim3A_2515 = vector.broadcast %broadcast_in_dim3A_2514 : i32 to vector<16xi32>
      %add3A_2516 = arith.constant 128 : i32
      %add3A_2517 = vector.broadcast %add3A_2516 : i32 to vector<16xi32>
      %add3A_2518 = arith.addi %add3A_2358, %add3A_2517 : vector<16xi32>
      tpu.vector_store_idx %arg12[%broadcast_in_dim3A_2515, %add3A_2518], %gather3A_2409 : memref<16x512xi32, #tpu.memory_space<vmem>>[vector<16xi32>, vector<16xi32>], vector<16xi32>,
      %broadcast_in_dim3A_2519 = arith.constant 6 : i32
      %broadcast_in_dim3A_2520 = vector.broadcast %broadcast_in_dim3A_2519 : i32 to vector<16xi32>
      %add3A_2521 = arith.constant 128 : i32
      %add3A_2522 = vector.broadcast %add3A_2521 : i32 to vector<16xi32>
      %add3A_2523 = arith.addi %add3A_2358, %add3A_2522 : vector<16xi32>
      tpu.vector_store_idx %arg12[%broadcast_in_dim3A_2520, %add3A_2523], %gather3A_2417 : memref<16x512xi32, #tpu.memory_space<vmem>>[vector<16xi32>, vector<16xi32>], vector<16xi32>,
      %broadcast_in_dim3A_2524 = arith.constant 7 : i32
      %broadcast_in_dim3A_2525 = vector.broadcast %broadcast_in_dim3A_2524 : i32 to vector<16xi32>
      %add3A_2526 = arith.constant 128 : i32
      %add3A_2527 = vector.broadcast %add3A_2526 : i32 to vector<16xi32>
      %add3A_2528 = arith.addi %add3A_2358, %add3A_2527 : vector<16xi32>
      tpu.vector_store_idx %arg12[%broadcast_in_dim3A_2525, %add3A_2528], %gather3A_2425 : memref<16x512xi32, #tpu.memory_space<vmem>>[vector<16xi32>, vector<16xi32>], vector<16xi32>,
      %broadcast_in_dim3A_2529 = arith.constant 8 : i32
      %broadcast_in_dim3A_2530 = vector.broadcast %broadcast_in_dim3A_2529 : i32 to vector<16xi32>
      %add3A_2531 = arith.constant 128 : i32
      %add3A_2532 = vector.broadcast %add3A_2531 : i32 to vector<16xi32>
      %add3A_2533 = arith.addi %add3A_2358, %add3A_2532 : vector<16xi32>
      tpu.vector_store_idx %arg12[%broadcast_in_dim3A_2530, %add3A_2533], %gather3A_2433 : memref<16x512xi32, #tpu.memory_space<vmem>>[vector<16xi32>, vector<16xi32>], vector<16xi32>,
      %broadcast_in_dim3A_2534 = arith.constant 9 : i32
      %broadcast_in_dim3A_2535 = vector.broadcast %broadcast_in_dim3A_2534 : i32 to vector<16xi32>
      %add3A_2536 = arith.constant 128 : i32
      %add3A_2537 = vector.broadcast %add3A_2536 : i32 to vector<16xi32>
      %add3A_2538 = arith.addi %add3A_2358, %add3A_2537 : vector<16xi32>
      tpu.vector_store_idx %arg12[%broadcast_in_dim3A_2535, %add3A_2538], %gather3A_2441 : memref<16x512xi32, #tpu.memory_space<vmem>>[vector<16xi32>, vector<16xi32>], vector<16xi32>,
      %broadcast_in_dim3A_2539 = arith.constant 10 : i32
      %broadcast_in_dim3A_2540 = vector.broadcast %broadcast_in_dim3A_2539 : i32 to vector<16xi32>
      %add3A_2541 = arith.constant 128 : i32
      %add3A_2542 = vector.broadcast %add3A_2541 : i32 to vector<16xi32>
      %add3A_2543 = arith.addi %add3A_2358, %add3A_2542 : vector<16xi32>
      tpu.vector_store_idx %arg12[%broadcast_in_dim3A_2540, %add3A_2543], %gather3A_2449 : memref<16x512xi32, #tpu.memory_space<vmem>>[vector<16xi32>, vector<16xi32>], vector<16xi32>,
      %broadcast_in_dim3A_2544 = arith.constant 11 : i32
      %broadcast_in_dim3A_2545 = vector.broadcast %broadcast_in_dim3A_2544 : i32 to vector<16xi32>
      %add3A_2546 = arith.constant 128 : i32
      %add3A_2547 = vector.broadcast %add3A_2546 : i32 to vector<16xi32>
      %add3A_2548 = arith.addi %add3A_2358, %add3A_2547 : vector<16xi32>
      tpu.vector_store_idx %arg12[%broadcast_in_dim3A_2545, %add3A_2548], %gather3A_2457 : memref<16x512xi32, #tpu.memory_space<vmem>>[vector<16xi32>, vector<16xi32>], vector<16xi32>,
      %broadcast_in_dim3A_2549 = arith.constant 12 : i32
      %broadcast_in_dim3A_2550 = vector.broadcast %broadcast_in_dim3A_2549 : i32 to vector<16xi32>
      %add3A_2551 = arith.constant 128 : i32
      %add3A_2552 = vector.broadcast %add3A_2551 : i32 to vector<16xi32>
      %add3A_2553 = arith.addi %add3A_2358, %add3A_2552 : vector<16xi32>
      tpu.vector_store_idx %arg12[%broadcast_in_dim3A_2550, %add3A_2553], %gather3A_2465 : memref<16x512xi32, #tpu.memory_space<vmem>>[vector<16xi32>, vector<16xi32>], vector<16xi32>,
      %broadcast_in_dim3A_2554 = arith.constant 13 : i32
      %broadcast_in_dim3A_2555 = vector.broadcast %broadcast_in_dim3A_2554 : i32 to vector<16xi32>
      %add3A_2556 = arith.constant 128 : i32
      %add3A_2557 = vector.broadcast %add3A_2556 : i32 to vector<16xi32>
      %add3A_2558 = arith.addi %add3A_2358, %add3A_2557 : vector<16xi32>
      tpu.vector_store_idx %arg12[%broadcast_in_dim3A_2555, %add3A_2558], %gather3A_2473 : memref<16x512xi32, #tpu.memory_space<vmem>>[vector<16xi32>, vector<16xi32>], vector<16xi32>,
      %broadcast_in_dim3A_2559 = arith.constant 14 : i32
      %broadcast_in_dim3A_2560 = vector.broadcast %broadcast_in_dim3A_2559 : i32 to vector<16xi32>
      %add3A_2561 = arith.constant 128 : i32
      %add3A_2562 = vector.broadcast %add3A_2561 : i32 to vector<16xi32>
      %add3A_2563 = arith.addi %add3A_2358, %add3A_2562 : vector<16xi32>
      tpu.vector_store_idx %arg12[%broadcast_in_dim3A_2560, %add3A_2563], %gather3A_2481 : memref<16x512xi32, #tpu.memory_space<vmem>>[vector<16xi32>, vector<16xi32>], vector<16xi32>,
      %broadcast_in_dim3A_2564 = arith.constant 15 : i32
      %broadcast_in_dim3A_2565 = vector.broadcast %broadcast_in_dim3A_2564 : i32 to vector<16xi32>
      %add3A_2566 = arith.constant 128 : i32
      %add3A_2567 = vector.broadcast %add3A_2566 : i32 to vector<16xi32>
      %add3A_2568 = arith.addi %add3A_2358, %add3A_2567 : vector<16xi32>
      tpu.vector_store_idx %arg12[%broadcast_in_dim3A_2565, %add3A_2568], %gather3A_2489 : memref<16x512xi32, #tpu.memory_space<vmem>>[vector<16xi32>, vector<16xi32>], vector<16xi32>,
    }
    %scan3A_2303 = arith.constant 8 : i32
    %dma_start3A_2304 = arith.constant 3 : i32
    %dma_start3A_2305 = arith.constant 1 : i32
    %dma_start3A_2306 = arith.constant 0 : i32
    %dma_start3A_2307 = arith.constant 0 : i32
    %dma_start3A_2308 = tpu.memref_slice %arg11[%dma_start3A_2305, %dma_start3A_2306, %dma_start3A_2307] : memref<2x128x128xi32, #tpu.memory_space<vmem>> -> memref<1x128x128xi32, #tpu.memory_space<vmem>>
    %dma_start3A_2309 = tpu.memref_squeeze %dma_start3A_2308 : memref<1x128x128xi32, #tpu.memory_space<vmem>> -> memref<128x128xi32, #tpu.memory_space<vmem>>
    %dma_start3A_2310 = arith.constant 0 : i32
    %dma_start3A_2311 = tpu.memref_slice %arg9[%dma_start3A_2304, %dma_start3A_2310] : memref<4x128xi32, #tpu.memory_space<vmem>> -> memref<1x128xi32, #tpu.memory_space<vmem>>
    %dma_start3A_2312 = tpu.memref_squeeze %dma_start3A_2311 : memref<1x128xi32, #tpu.memory_space<vmem>> -> memref<128xi32, #tpu.memory_space<vmem>>
    %dma_start3A_2313 = arith.constant 0 : i32
    %dma_start3A_2314 = arith.constant 0 : i32
    %dma_start3A_2315 = tpu.memref_slice %arg5[%dma_start3A_2313, %dma_start3A_2314] : memref<126976x128xi32, #tpu.memory_space<hbm>> -> memref<126976x128xi32, #tpu.memory_space<hbm>>
    tpu.enqueue_indirect_dma source(%dma_start3A_2315 : memref<126976x128xi32, #tpu.memory_space<hbm>>) target(%dma_start3A_2309 : memref<128x128xi32, #tpu.memory_space<vmem>>) offsets(%dma_start3A_2312 : memref<128xi32, #tpu.memory_space<vmem>>) semaphore(%arg13 : memref<!tpu.dma_semaphore, #tpu.memory_space<semaphore_mem>>)
    %dma_wait3A_2316 = arith.constant 2 : i32
    %dma_wait3A_2317 = arith.constant 0 : i32
    %dma_wait3A_2318 = arith.constant 0 : i32
    %dma_wait3A_2319 = arith.constant 0 : i32
    %dma_wait3A_2320 = tpu.memref_slice %arg11[%dma_wait3A_2317, %dma_wait3A_2318, %dma_wait3A_2319] : memref<2x128x128xi32, #tpu.memory_space<vmem>> -> memref<1x128x128xi32, #tpu.memory_space<vmem>>
    %dma_wait3A_2321 = tpu.memref_squeeze %dma_wait3A_2320 : memref<1x128x128xi32, #tpu.memory_space<vmem>> -> memref<128x128xi32, #tpu.memory_space<vmem>>
    %dma_wait3A_2322 = arith.constant 0 : i32
    %dma_wait3A_2323 = tpu.memref_slice %arg9[%dma_wait3A_2316, %dma_wait3A_2322] : memref<4x128xi32, #tpu.memory_space<vmem>> -> memref<1x128xi32, #tpu.memory_space<vmem>>
    %dma_wait3A_2324 = tpu.memref_squeeze %dma_wait3A_2323 : memref<1x128xi32, #tpu.memory_space<vmem>> -> memref<128xi32, #tpu.memory_space<vmem>>
    %dma_wait3A_2325 = arith.constant 0 : i32
    %dma_wait3A_2326 = arith.constant 0 : i32
    %dma_wait3A_2327 = tpu.memref_slice %arg5[%dma_wait3A_2325, %dma_wait3A_2326] : memref<126976x128xi32, #tpu.memory_space<hbm>> -> memref<126976x128xi32, #tpu.memory_space<hbm>>
    tpu.wait_indirect_dma semaphore(%arg13 : memref<!tpu.dma_semaphore, #tpu.memory_space<semaphore_mem>>) src(%dma_wait3A_2327 : memref<126976x128xi32, #tpu.memory_space<hbm>>) dst(%dma_wait3A_2321 : memref<128x128xi32, #tpu.memory_space<vmem>>)
    %scan3A_2328 = arith.constant 0 : i32
    %scan3A_2329 = arith.constant 0 : i32
    %scan3A_2330 = arith.constant 0 : i32
    %scan3A_2331 = arith.constant 8 : i32
    %scan3A_2332 = arith.addi %scan3A_2330, %scan3A_2331 : i32
    %scan3A_2333 = arith.constant 1 : i32
    scf.for %scan3A_2354 = %scan3A_2330 to %scan3A_2332 step %scan3A_2333  : i32 {
      %mul3A_2355 = arith.constant 16 : i32
      %mul3A_2356 = arith.muli %scan3A_2354, %mul3A_2355 : i32
      %add3A_2357 = vector.broadcast %mul3A_2356 : i32 to vector<16xi32>
      %add3A_2358 = arith.addi %iota3A, %add3A_2357 : vector<16xi32>
      %add3A_2359 = arith.constant 256 : i32
      %add3A_2360 = arith.addi %add3A_2359, %mul3A_2356 : i32
      %get3A_2361 = arith.index_cast %add3A_2360 : i32 to index
      %get3A_2362 = tpu.vector_load %arg10[%get3A_2361] {strides = array<i32>} : memref<512xi32, #tpu.memory_space<vmem>>, vector<16xi32>,
      %add3A_2363 = arith.constant 0 : i32
      %add3A_2364 = vector.broadcast %add3A_2363 : i32 to vector<16xi32>
      %add3A_2365 = arith.addi %get3A_2362, %add3A_2364 : vector<16xi32>
      %gather3A = arith.constant 0 : i32
      %gather3A_2366 = arith.constant 0 : i32
      %gather3A_2367 = tpu.memref_slice %arg11[%scan3A_2329, %gather3A, %gather3A_2366] : memref<2x128x128xi32, #tpu.memory_space<vmem>> -> memref<1x128x128xi32, #tpu.memory_space<vmem>>
      %gather3A_2368 = tpu.memref_squeeze %gather3A_2367 : memref<1x128x128xi32, #tpu.memory_space<vmem>> -> memref<128x128xi32, #tpu.memory_space<vmem>>
      %gather3A_2369 = tpu.vector_load_idx %gather3A_2368[%add3A_2358, %add3A_2365] : memref<128x128xi32, #tpu.memory_space<vmem>>[vector<16xi32>, vector<16xi32>], vector<16xi32>,
      %add3A_2370 = arith.constant 1 : i32
      %add3A_2371 = vector.broadcast %add3A_2370 : i32 to vector<16xi32>
      %add3A_2372 = arith.addi %get3A_2362, %add3A_2371 : vector<16xi32>
      %gather3A_2373 = arith.constant 0 : i32
      %gather3A_2374 = arith.constant 0 : i32
      %gather3A_2375 = tpu.memref_slice %arg11[%scan3A_2329, %gather3A_2373, %gather3A_2374] : memref<2x128x128xi32, #tpu.memory_space<vmem>> -> memref<1x128x128xi32, #tpu.memory_space<vmem>>
      %gather3A_2376 = tpu.memref_squeeze %gather3A_2375 : memref<1x128x128xi32, #tpu.memory_space<vmem>> -> memref<128x128xi32, #tpu.memory_space<vmem>>
      %gather3A_2377 = tpu.vector_load_idx %gather3A_2376[%add3A_2358, %add3A_2372] : memref<128x128xi32, #tpu.memory_space<vmem>>[vector<16xi32>, vector<16xi32>], vector<16xi32>,
      %add3A_2378 = arith.constant 2 : i32
      %add3A_2379 = vector.broadcast %add3A_2378 : i32 to vector<16xi32>
      %add3A_2380 = arith.addi %get3A_2362, %add3A_2379 : vector<16xi32>
      %gather3A_2381 = arith.constant 0 : i32
      %gather3A_2382 = arith.constant 0 : i32
      %gather3A_2383 = tpu.memref_slice %arg11[%scan3A_2329, %gather3A_2381, %gather3A_2382] : memref<2x128x128xi32, #tpu.memory_space<vmem>> -> memref<1x128x128xi32, #tpu.memory_space<vmem>>
      %gather3A_2384 = tpu.memref_squeeze %gather3A_2383 : memref<1x128x128xi32, #tpu.memory_space<vmem>> -> memref<128x128xi32, #tpu.memory_space<vmem>>
      %gather3A_2385 = tpu.vector_load_idx %gather3A_2384[%add3A_2358, %add3A_2380] : memref<128x128xi32, #tpu.memory_space<vmem>>[vector<16xi32>, vector<16xi32>], vector<16xi32>,
      %add3A_2386 = arith.constant 3 : i32
      %add3A_2387 = vector.broadcast %add3A_2386 : i32 to vector<16xi32>
      %add3A_2388 = arith.addi %get3A_2362, %add3A_2387 : vector<16xi32>
      %gather3A_2389 = arith.constant 0 : i32
      %gather3A_2390 = arith.constant 0 : i32
      %gather3A_2391 = tpu.memref_slice %arg11[%scan3A_2329, %gather3A_2389, %gather3A_2390] : memref<2x128x128xi32, #tpu.memory_space<vmem>> -> memref<1x128x128xi32, #tpu.memory_space<vmem>>
      %gather3A_2392 = tpu.memref_squeeze %gather3A_2391 : memref<1x128x128xi32, #tpu.memory_space<vmem>> -> memref<128x128xi32, #tpu.memory_space<vmem>>
      %gather3A_2393 = tpu.vector_load_idx %gather3A_2392[%add3A_2358, %add3A_2388] : memref<128x128xi32, #tpu.memory_space<vmem>>[vector<16xi32>, vector<16xi32>], vector<16xi32>,
      %add3A_2394 = arith.constant 4 : i32
      %add3A_2395 = vector.broadcast %add3A_2394 : i32 to vector<16xi32>
      %add3A_2396 = arith.addi %get3A_2362, %add3A_2395 : vector<16xi32>
      %gather3A_2397 = arith.constant 0 : i32
      %gather3A_2398 = arith.constant 0 : i32
      %gather3A_2399 = tpu.memref_slice %arg11[%scan3A_2329, %gather3A_2397, %gather3A_2398] : memref<2x128x128xi32, #tpu.memory_space<vmem>> -> memref<1x128x128xi32, #tpu.memory_space<vmem>>
      %gather3A_2400 = tpu.memref_squeeze %gather3A_2399 : memref<1x128x128xi32, #tpu.memory_space<vmem>> -> memref<128x128xi32, #tpu.memory_space<vmem>>
      %gather3A_2401 = tpu.vector_load_idx %gather3A_2400[%add3A_2358, %add3A_2396] : memref<128x128xi32, #tpu.memory_space<vmem>>[vector<16xi32>, vector<16xi32>], vector<16xi32>,
      %add3A_2402 = arith.constant 5 : i32
      %add3A_2403 = vector.broadcast %add3A_2402 : i32 to vector<16xi32>
      %add3A_2404 = arith.addi %get3A_2362, %add3A_2403 : vector<16xi32>
      %gather3A_2405 = arith.constant 0 : i32
      %gather3A_2406 = arith.constant 0 : i32
      %gather3A_2407 = tpu.memref_slice %arg11[%scan3A_2329, %gather3A_2405, %gather3A_2406] : memref<2x128x128xi32, #tpu.memory_space<vmem>> -> memref<1x128x128xi32, #tpu.memory_space<vmem>>
      %gather3A_2408 = tpu.memref_squeeze %gather3A_2407 : memref<1x128x128xi32, #tpu.memory_space<vmem>> -> memref<128x128xi32, #tpu.memory_space<vmem>>
      %gather3A_2409 = tpu.vector_load_idx %gather3A_2408[%add3A_2358, %add3A_2404] : memref<128x128xi32, #tpu.memory_space<vmem>>[vector<16xi32>, vector<16xi32>], vector<16xi32>,
      %add3A_2410 = arith.constant 6 : i32
      %add3A_2411 = vector.broadcast %add3A_2410 : i32 to vector<16xi32>
      %add3A_2412 = arith.addi %get3A_2362, %add3A_2411 : vector<16xi32>
      %gather3A_2413 = arith.constant 0 : i32
      %gather3A_2414 = arith.constant 0 : i32
      %gather3A_2415 = tpu.memref_slice %arg11[%scan3A_2329, %gather3A_2413, %gather3A_2414] : memref<2x128x128xi32, #tpu.memory_space<vmem>> -> memref<1x128x128xi32, #tpu.memory_space<vmem>>
      %gather3A_2416 = tpu.memref_squeeze %gather3A_2415 : memref<1x128x128xi32, #tpu.memory_space<vmem>> -> memref<128x128xi32, #tpu.memory_space<vmem>>
      %gather3A_2417 = tpu.vector_load_idx %gather3A_2416[%add3A_2358, %add3A_2412] : memref<128x128xi32, #tpu.memory_space<vmem>>[vector<16xi32>, vector<16xi32>], vector<16xi32>,
      %add3A_2418 = arith.constant 7 : i32
      %add3A_2419 = vector.broadcast %add3A_2418 : i32 to vector<16xi32>
      %add3A_2420 = arith.addi %get3A_2362, %add3A_2419 : vector<16xi32>
      %gather3A_2421 = arith.constant 0 : i32
      %gather3A_2422 = arith.constant 0 : i32
      %gather3A_2423 = tpu.memref_slice %arg11[%scan3A_2329, %gather3A_2421, %gather3A_2422] : memref<2x128x128xi32, #tpu.memory_space<vmem>> -> memref<1x128x128xi32, #tpu.memory_space<vmem>>
      %gather3A_2424 = tpu.memref_squeeze %gather3A_2423 : memref<1x128x128xi32, #tpu.memory_space<vmem>> -> memref<128x128xi32, #tpu.memory_space<vmem>>
      %gather3A_2425 = tpu.vector_load_idx %gather3A_2424[%add3A_2358, %add3A_2420] : memref<128x128xi32, #tpu.memory_space<vmem>>[vector<16xi32>, vector<16xi32>], vector<16xi32>,
      %add3A_2426 = arith.constant 8 : i32
      %add3A_2427 = vector.broadcast %add3A_2426 : i32 to vector<16xi32>
      %add3A_2428 = arith.addi %get3A_2362, %add3A_2427 : vector<16xi32>
      %gather3A_2429 = arith.constant 0 : i32
      %gather3A_2430 = arith.constant 0 : i32
      %gather3A_2431 = tpu.memref_slice %arg11[%scan3A_2329, %gather3A_2429, %gather3A_2430] : memref<2x128x128xi32, #tpu.memory_space<vmem>> -> memref<1x128x128xi32, #tpu.memory_space<vmem>>
      %gather3A_2432 = tpu.memref_squeeze %gather3A_2431 : memref<1x128x128xi32, #tpu.memory_space<vmem>> -> memref<128x128xi32, #tpu.memory_space<vmem>>
      %gather3A_2433 = tpu.vector_load_idx %gather3A_2432[%add3A_2358, %add3A_2428] : memref<128x128xi32, #tpu.memory_space<vmem>>[vector<16xi32>, vector<16xi32>], vector<16xi32>,
      %add3A_2434 = arith.constant 9 : i32
      %add3A_2435 = vector.broadcast %add3A_2434 : i32 to vector<16xi32>
      %add3A_2436 = arith.addi %get3A_2362, %add3A_2435 : vector<16xi32>
      %gather3A_2437 = arith.constant 0 : i32
      %gather3A_2438 = arith.constant 0 : i32
      %gather3A_2439 = tpu.memref_slice %arg11[%scan3A_2329, %gather3A_2437, %gather3A_2438] : memref<2x128x128xi32, #tpu.memory_space<vmem>> -> memref<1x128x128xi32, #tpu.memory_space<vmem>>
      %gather3A_2440 = tpu.memref_squeeze %gather3A_2439 : memref<1x128x128xi32, #tpu.memory_space<vmem>> -> memref<128x128xi32, #tpu.memory_space<vmem>>
      %gather3A_2441 = tpu.vector_load_idx %gather3A_2440[%add3A_2358, %add3A_2436] : memref<128x128xi32, #tpu.memory_space<vmem>>[vector<16xi32>, vector<16xi32>], vector<16xi32>,
      %add3A_2442 = arith.constant 10 : i32
      %add3A_2443 = vector.broadcast %add3A_2442 : i32 to vector<16xi32>
      %add3A_2444 = arith.addi %get3A_2362, %add3A_2443 : vector<16xi32>
      %gather3A_2445 = arith.constant 0 : i32
      %gather3A_2446 = arith.constant 0 : i32
      %gather3A_2447 = tpu.memref_slice %arg11[%scan3A_2329, %gather3A_2445, %gather3A_2446] : memref<2x128x128xi32, #tpu.memory_space<vmem>> -> memref<1x128x128xi32, #tpu.memory_space<vmem>>
      %gather3A_2448 = tpu.memref_squeeze %gather3A_2447 : memref<1x128x128xi32, #tpu.memory_space<vmem>> -> memref<128x128xi32, #tpu.memory_space<vmem>>
      %gather3A_2449 = tpu.vector_load_idx %gather3A_2448[%add3A_2358, %add3A_2444] : memref<128x128xi32, #tpu.memory_space<vmem>>[vector<16xi32>, vector<16xi32>], vector<16xi32>,
      %add3A_2450 = arith.constant 11 : i32
      %add3A_2451 = vector.broadcast %add3A_2450 : i32 to vector<16xi32>
      %add3A_2452 = arith.addi %get3A_2362, %add3A_2451 : vector<16xi32>
      %gather3A_2453 = arith.constant 0 : i32
      %gather3A_2454 = arith.constant 0 : i32
      %gather3A_2455 = tpu.memref_slice %arg11[%scan3A_2329, %gather3A_2453, %gather3A_2454] : memref<2x128x128xi32, #tpu.memory_space<vmem>> -> memref<1x128x128xi32, #tpu.memory_space<vmem>>
      %gather3A_2456 = tpu.memref_squeeze %gather3A_2455 : memref<1x128x128xi32, #tpu.memory_space<vmem>> -> memref<128x128xi32, #tpu.memory_space<vmem>>
      %gather3A_2457 = tpu.vector_load_idx %gather3A_2456[%add3A_2358, %add3A_2452] : memref<128x128xi32, #tpu.memory_space<vmem>>[vector<16xi32>, vector<16xi32>], vector<16xi32>,
      %add3A_2458 = arith.constant 12 : i32
      %add3A_2459 = vector.broadcast %add3A_2458 : i32 to vector<16xi32>
      %add3A_2460 = arith.addi %get3A_2362, %add3A_2459 : vector<16xi32>
      %gather3A_2461 = arith.constant 0 : i32
      %gather3A_2462 = arith.constant 0 : i32
      %gather3A_2463 = tpu.memref_slice %arg11[%scan3A_2329, %gather3A_2461, %gather3A_2462] : memref<2x128x128xi32, #tpu.memory_space<vmem>> -> memref<1x128x128xi32, #tpu.memory_space<vmem>>
      %gather3A_2464 = tpu.memref_squeeze %gather3A_2463 : memref<1x128x128xi32, #tpu.memory_space<vmem>> -> memref<128x128xi32, #tpu.memory_space<vmem>>
      %gather3A_2465 = tpu.vector_load_idx %gather3A_2464[%add3A_2358, %add3A_2460] : memref<128x128xi32, #tpu.memory_space<vmem>>[vector<16xi32>, vector<16xi32>], vector<16xi32>,
      %add3A_2466 = arith.constant 13 : i32
      %add3A_2467 = vector.broadcast %add3A_2466 : i32 to vector<16xi32>
      %add3A_2468 = arith.addi %get3A_2362, %add3A_2467 : vector<16xi32>
      %gather3A_2469 = arith.constant 0 : i32
      %gather3A_2470 = arith.constant 0 : i32
      %gather3A_2471 = tpu.memref_slice %arg11[%scan3A_2329, %gather3A_2469, %gather3A_2470] : memref<2x128x128xi32, #tpu.memory_space<vmem>> -> memref<1x128x128xi32, #tpu.memory_space<vmem>>
      %gather3A_2472 = tpu.memref_squeeze %gather3A_2471 : memref<1x128x128xi32, #tpu.memory_space<vmem>> -> memref<128x128xi32, #tpu.memory_space<vmem>>
      %gather3A_2473 = tpu.vector_load_idx %gather3A_2472[%add3A_2358, %add3A_2468] : memref<128x128xi32, #tpu.memory_space<vmem>>[vector<16xi32>, vector<16xi32>], vector<16xi32>,
      %add3A_2474 = arith.constant 14 : i32
      %add3A_2475 = vector.broadcast %add3A_2474 : i32 to vector<16xi32>
      %add3A_2476 = arith.addi %get3A_2362, %add3A_2475 : vector<16xi32>
      %gather3A_2477 = arith.constant 0 : i32
      %gather3A_2478 = arith.constant 0 : i32
      %gather3A_2479 = tpu.memref_slice %arg11[%scan3A_2329, %gather3A_2477, %gather3A_2478] : memref<2x128x128xi32, #tpu.memory_space<vmem>> -> memref<1x128x128xi32, #tpu.memory_space<vmem>>
      %gather3A_2480 = tpu.memref_squeeze %gather3A_2479 : memref<1x128x128xi32, #tpu.memory_space<vmem>> -> memref<128x128xi32, #tpu.memory_space<vmem>>
      %gather3A_2481 = tpu.vector_load_idx %gather3A_2480[%add3A_2358, %add3A_2476] : memref<128x128xi32, #tpu.memory_space<vmem>>[vector<16xi32>, vector<16xi32>], vector<16xi32>,
      %add3A_2482 = arith.constant 15 : i32
      %add3A_2483 = vector.broadcast %add3A_2482 : i32 to vector<16xi32>
      %add3A_2484 = arith.addi %get3A_2362, %add3A_2483 : vector<16xi32>
      %gather3A_2485 = arith.constant 0 : i32
      %gather3A_2486 = arith.constant 0 : i32
      %gather3A_2487 = tpu.memref_slice %arg11[%scan3A_2329, %gather3A_2485, %gather3A_2486] : memref<2x128x128xi32, #tpu.memory_space<vmem>> -> memref<1x128x128xi32, #tpu.memory_space<vmem>>
      %gather3A_2488 = tpu.memref_squeeze %gather3A_2487 : memref<1x128x128xi32, #tpu.memory_space<vmem>> -> memref<128x128xi32, #tpu.memory_space<vmem>>
      %gather3A_2489 = tpu.vector_load_idx %gather3A_2488[%add3A_2358, %add3A_2484] : memref<128x128xi32, #tpu.memory_space<vmem>>[vector<16xi32>, vector<16xi32>], vector<16xi32>,
      %broadcast_in_dim3A = arith.constant 0 : i32
      %broadcast_in_dim3A_2490 = vector.broadcast %broadcast_in_dim3A : i32 to vector<16xi32>
      %add3A_2491 = arith.constant 256 : i32
      %add3A_2492 = vector.broadcast %add3A_2491 : i32 to vector<16xi32>
      %add3A_2493 = arith.addi %add3A_2358, %add3A_2492 : vector<16xi32>
      tpu.vector_store_idx %arg12[%broadcast_in_dim3A_2490, %add3A_2493], %gather3A_2369 : memref<16x512xi32, #tpu.memory_space<vmem>>[vector<16xi32>, vector<16xi32>], vector<16xi32>,
      %broadcast_in_dim3A_2494 = arith.constant 1 : i32
      %broadcast_in_dim3A_2495 = vector.broadcast %broadcast_in_dim3A_2494 : i32 to vector<16xi32>
      %add3A_2496 = arith.constant 256 : i32
      %add3A_2497 = vector.broadcast %add3A_2496 : i32 to vector<16xi32>
      %add3A_2498 = arith.addi %add3A_2358, %add3A_2497 : vector<16xi32>
      tpu.vector_store_idx %arg12[%broadcast_in_dim3A_2495, %add3A_2498], %gather3A_2377 : memref<16x512xi32, #tpu.memory_space<vmem>>[vector<16xi32>, vector<16xi32>], vector<16xi32>,
      %broadcast_in_dim3A_2499 = arith.constant 2 : i32
      %broadcast_in_dim3A_2500 = vector.broadcast %broadcast_in_dim3A_2499 : i32 to vector<16xi32>
      %add3A_2501 = arith.constant 256 : i32
      %add3A_2502 = vector.broadcast %add3A_2501 : i32 to vector<16xi32>
      %add3A_2503 = arith.addi %add3A_2358, %add3A_2502 : vector<16xi32>
      tpu.vector_store_idx %arg12[%broadcast_in_dim3A_2500, %add3A_2503], %gather3A_2385 : memref<16x512xi32, #tpu.memory_space<vmem>>[vector<16xi32>, vector<16xi32>], vector<16xi32>,
      %broadcast_in_dim3A_2504 = arith.constant 3 : i32
      %broadcast_in_dim3A_2505 = vector.broadcast %broadcast_in_dim3A_2504 : i32 to vector<16xi32>
      %add3A_2506 = arith.constant 256 : i32
      %add3A_2507 = vector.broadcast %add3A_2506 : i32 to vector<16xi32>
      %add3A_2508 = arith.addi %add3A_2358, %add3A_2507 : vector<16xi32>
      tpu.vector_store_idx %arg12[%broadcast_in_dim3A_2505, %add3A_2508], %gather3A_2393 : memref<16x512xi32, #tpu.memory_space<vmem>>[vector<16xi32>, vector<16xi32>], vector<16xi32>,
      %broadcast_in_dim3A_2509 = arith.constant 4 : i32
      %broadcast_in_dim3A_2510 = vector.broadcast %broadcast_in_dim3A_2509 : i32 to vector<16xi32>
      %add3A_2511 = arith.constant 256 : i32
      %add3A_2512 = vector.broadcast %add3A_2511 : i32 to vector<16xi32>
      %add3A_2513 = arith.addi %add3A_2358, %add3A_2512 : vector<16xi32>
      tpu.vector_store_idx %arg12[%broadcast_in_dim3A_2510, %add3A_2513], %gather3A_2401 : memref<16x512xi32, #tpu.memory_space<vmem>>[vector<16xi32>, vector<16xi32>], vector<16xi32>,
      %broadcast_in_dim3A_2514 = arith.constant 5 : i32
      %broadcast_in_dim3A_2515 = vector.broadcast %broadcast_in_dim3A_2514 : i32 to vector<16xi32>
      %add3A_2516 = arith.constant 256 : i32
      %add3A_2517 = vector.broadcast %add3A_2516 : i32 to vector<16xi32>
      %add3A_2518 = arith.addi %add3A_2358, %add3A_2517 : vector<16xi32>
      tpu.vector_store_idx %arg12[%broadcast_in_dim3A_2515, %add3A_2518], %gather3A_2409 : memref<16x512xi32, #tpu.memory_space<vmem>>[vector<16xi32>, vector<16xi32>], vector<16xi32>,
      %broadcast_in_dim3A_2519 = arith.constant 6 : i32
      %broadcast_in_dim3A_2520 = vector.broadcast %broadcast_in_dim3A_2519 : i32 to vector<16xi32>
      %add3A_2521 = arith.constant 256 : i32
      %add3A_2522 = vector.broadcast %add3A_2521 : i32 to vector<16xi32>
      %add3A_2523 = arith.addi %add3A_2358, %add3A_2522 : vector<16xi32>
      tpu.vector_store_idx %arg12[%broadcast_in_dim3A_2520, %add3A_2523], %gather3A_2417 : memref<16x512xi32, #tpu.memory_space<vmem>>[vector<16xi32>, vector<16xi32>], vector<16xi32>,
      %broadcast_in_dim3A_2524 = arith.constant 7 : i32
      %broadcast_in_dim3A_2525 = vector.broadcast %broadcast_in_dim3A_2524 : i32 to vector<16xi32>
      %add3A_2526 = arith.constant 256 : i32
      %add3A_2527 = vector.broadcast %add3A_2526 : i32 to vector<16xi32>
      %add3A_2528 = arith.addi %add3A_2358, %add3A_2527 : vector<16xi32>
      tpu.vector_store_idx %arg12[%broadcast_in_dim3A_2525, %add3A_2528], %gather3A_2425 : memref<16x512xi32, #tpu.memory_space<vmem>>[vector<16xi32>, vector<16xi32>], vector<16xi32>,
      %broadcast_in_dim3A_2529 = arith.constant 8 : i32
      %broadcast_in_dim3A_2530 = vector.broadcast %broadcast_in_dim3A_2529 : i32 to vector<16xi32>
      %add3A_2531 = arith.constant 256 : i32
      %add3A_2532 = vector.broadcast %add3A_2531 : i32 to vector<16xi32>
      %add3A_2533 = arith.addi %add3A_2358, %add3A_2532 : vector<16xi32>
      tpu.vector_store_idx %arg12[%broadcast_in_dim3A_2530, %add3A_2533], %gather3A_2433 : memref<16x512xi32, #tpu.memory_space<vmem>>[vector<16xi32>, vector<16xi32>], vector<16xi32>,
      %broadcast_in_dim3A_2534 = arith.constant 9 : i32
      %broadcast_in_dim3A_2535 = vector.broadcast %broadcast_in_dim3A_2534 : i32 to vector<16xi32>
      %add3A_2536 = arith.constant 256 : i32
      %add3A_2537 = vector.broadcast %add3A_2536 : i32 to vector<16xi32>
      %add3A_2538 = arith.addi %add3A_2358, %add3A_2537 : vector<16xi32>
      tpu.vector_store_idx %arg12[%broadcast_in_dim3A_2535, %add3A_2538], %gather3A_2441 : memref<16x512xi32, #tpu.memory_space<vmem>>[vector<16xi32>, vector<16xi32>], vector<16xi32>,
      %broadcast_in_dim3A_2539 = arith.constant 10 : i32
      %broadcast_in_dim3A_2540 = vector.broadcast %broadcast_in_dim3A_2539 : i32 to vector<16xi32>
      %add3A_2541 = arith.constant 256 : i32
      %add3A_2542 = vector.broadcast %add3A_2541 : i32 to vector<16xi32>
      %add3A_2543 = arith.addi %add3A_2358, %add3A_2542 : vector<16xi32>
      tpu.vector_store_idx %arg12[%broadcast_in_dim3A_2540, %add3A_2543], %gather3A_2449 : memref<16x512xi32, #tpu.memory_space<vmem>>[vector<16xi32>, vector<16xi32>], vector<16xi32>,
      %broadcast_in_dim3A_2544 = arith.constant 11 : i32
      %broadcast_in_dim3A_2545 = vector.broadcast %broadcast_in_dim3A_2544 : i32 to vector<16xi32>
      %add3A_2546 = arith.constant 256 : i32
      %add3A_2547 = vector.broadcast %add3A_2546 : i32 to vector<16xi32>
      %add3A_2548 = arith.addi %add3A_2358, %add3A_2547 : vector<16xi32>
      tpu.vector_store_idx %arg12[%broadcast_in_dim3A_2545, %add3A_2548], %gather3A_2457 : memref<16x512xi32, #tpu.memory_space<vmem>>[vector<16xi32>, vector<16xi32>], vector<16xi32>,
      %broadcast_in_dim3A_2549 = arith.constant 12 : i32
      %broadcast_in_dim3A_2550 = vector.broadcast %broadcast_in_dim3A_2549 : i32 to vector<16xi32>
      %add3A_2551 = arith.constant 256 : i32
      %add3A_2552 = vector.broadcast %add3A_2551 : i32 to vector<16xi32>
      %add3A_2553 = arith.addi %add3A_2358, %add3A_2552 : vector<16xi32>
      tpu.vector_store_idx %arg12[%broadcast_in_dim3A_2550, %add3A_2553], %gather3A_2465 : memref<16x512xi32, #tpu.memory_space<vmem>>[vector<16xi32>, vector<16xi32>], vector<16xi32>,
      %broadcast_in_dim3A_2554 = arith.constant 13 : i32
      %broadcast_in_dim3A_2555 = vector.broadcast %broadcast_in_dim3A_2554 : i32 to vector<16xi32>
      %add3A_2556 = arith.constant 256 : i32
      %add3A_2557 = vector.broadcast %add3A_2556 : i32 to vector<16xi32>
      %add3A_2558 = arith.addi %add3A_2358, %add3A_2557 : vector<16xi32>
      tpu.vector_store_idx %arg12[%broadcast_in_dim3A_2555, %add3A_2558], %gather3A_2473 : memref<16x512xi32, #tpu.memory_space<vmem>>[vector<16xi32>, vector<16xi32>], vector<16xi32>,
      %broadcast_in_dim3A_2559 = arith.constant 14 : i32
      %broadcast_in_dim3A_2560 = vector.broadcast %broadcast_in_dim3A_2559 : i32 to vector<16xi32>
      %add3A_2561 = arith.constant 256 : i32
      %add3A_2562 = vector.broadcast %add3A_2561 : i32 to vector<16xi32>
      %add3A_2563 = arith.addi %add3A_2358, %add3A_2562 : vector<16xi32>
      tpu.vector_store_idx %arg12[%broadcast_in_dim3A_2560, %add3A_2563], %gather3A_2481 : memref<16x512xi32, #tpu.memory_space<vmem>>[vector<16xi32>, vector<16xi32>], vector<16xi32>,
      %broadcast_in_dim3A_2564 = arith.constant 15 : i32
      %broadcast_in_dim3A_2565 = vector.broadcast %broadcast_in_dim3A_2564 : i32 to vector<16xi32>
      %add3A_2566 = arith.constant 256 : i32
      %add3A_2567 = vector.broadcast %add3A_2566 : i32 to vector<16xi32>
      %add3A_2568 = arith.addi %add3A_2358, %add3A_2567 : vector<16xi32>
      tpu.vector_store_idx %arg12[%broadcast_in_dim3A_2565, %add3A_2568], %gather3A_2489 : memref<16x512xi32, #tpu.memory_space<vmem>>[vector<16xi32>, vector<16xi32>], vector<16xi32>,
    }
    %scan3A_2334 = arith.constant 8 : i32
    %dma_wait3A_2335 = arith.constant 3 : i32
    %dma_wait3A_2336 = arith.constant 1 : i32
    %dma_wait3A_2337 = arith.constant 0 : i32
    %dma_wait3A_2338 = arith.constant 0 : i32
    %dma_wait3A_2339 = tpu.memref_slice %arg11[%dma_wait3A_2336, %dma_wait3A_2337, %dma_wait3A_2338] : memref<2x128x128xi32, #tpu.memory_space<vmem>> -> memref<1x128x128xi32, #tpu.memory_space<vmem>>
    %dma_wait3A_2340 = tpu.memref_squeeze %dma_wait3A_2339 : memref<1x128x128xi32, #tpu.memory_space<vmem>> -> memref<128x128xi32, #tpu.memory_space<vmem>>
    %dma_wait3A_2341 = arith.constant 0 : i32
    %dma_wait3A_2342 = tpu.memref_slice %arg9[%dma_wait3A_2335, %dma_wait3A_2341] : memref<4x128xi32, #tpu.memory_space<vmem>> -> memref<1x128xi32, #tpu.memory_space<vmem>>
    %dma_wait3A_2343 = tpu.memref_squeeze %dma_wait3A_2342 : memref<1x128xi32, #tpu.memory_space<vmem>> -> memref<128xi32, #tpu.memory_space<vmem>>
    %dma_wait3A_2344 = arith.constant 0 : i32
    %dma_wait3A_2345 = arith.constant 0 : i32
    %dma_wait3A_2346 = tpu.memref_slice %arg5[%dma_wait3A_2344, %dma_wait3A_2345] : memref<126976x128xi32, #tpu.memory_space<hbm>> -> memref<126976x128xi32, #tpu.memory_space<hbm>>
    tpu.wait_indirect_dma semaphore(%arg13 : memref<!tpu.dma_semaphore, #tpu.memory_space<semaphore_mem>>) src(%dma_wait3A_2346 : memref<126976x128xi32, #tpu.memory_space<hbm>>) dst(%dma_wait3A_2340 : memref<128x128xi32, #tpu.memory_space<vmem>>)
    %scan3A_2347 = arith.constant 0 : i32
    %scan3A_2348 = arith.constant 1 : i32
    %scan3A_2349 = arith.constant 0 : i32
    %scan3A_2350 = arith.constant 8 : i32
    %scan3A_2351 = arith.addi %scan3A_2349, %scan3A_2350 : i32
    %scan3A_2352 = arith.constant 1 : i32
    scf.for %scan3A_2354 = %scan3A_2349 to %scan3A_2351 step %scan3A_2352  : i32 {
      %mul3A_2355 = arith.constant 16 : i32
      %mul3A_2356 = arith.muli %scan3A_2354, %mul3A_2355 : i32
      %add3A_2357 = vector.broadcast %mul3A_2356 : i32 to vector<16xi32>
      %add3A_2358 = arith.addi %iota3A, %add3A_2357 : vector<16xi32>
      %add3A_2359 = arith.constant 384 : i32
      %add3A_2360 = arith.addi %add3A_2359, %mul3A_2356 : i32
      %get3A_2361 = arith.index_cast %add3A_2360 : i32 to index
      %get3A_2362 = tpu.vector_load %arg10[%get3A_2361] {strides = array<i32>} : memref<512xi32, #tpu.memory_space<vmem>>, vector<16xi32>,
      %add3A_2363 = arith.constant 0 : i32
      %add3A_2364 = vector.broadcast %add3A_2363 : i32 to vector<16xi32>
      %add3A_2365 = arith.addi %get3A_2362, %add3A_2364 : vector<16xi32>
      %gather3A = arith.constant 0 : i32
      %gather3A_2366 = arith.constant 0 : i32
      %gather3A_2367 = tpu.memref_slice %arg11[%scan3A_2348, %gather3A, %gather3A_2366] : memref<2x128x128xi32, #tpu.memory_space<vmem>> -> memref<1x128x128xi32, #tpu.memory_space<vmem>>
      %gather3A_2368 = tpu.memref_squeeze %gather3A_2367 : memref<1x128x128xi32, #tpu.memory_space<vmem>> -> memref<128x128xi32, #tpu.memory_space<vmem>>
      %gather3A_2369 = tpu.vector_load_idx %gather3A_2368[%add3A_2358, %add3A_2365] : memref<128x128xi32, #tpu.memory_space<vmem>>[vector<16xi32>, vector<16xi32>], vector<16xi32>,
      %add3A_2370 = arith.constant 1 : i32
      %add3A_2371 = vector.broadcast %add3A_2370 : i32 to vector<16xi32>
      %add3A_2372 = arith.addi %get3A_2362, %add3A_2371 : vector<16xi32>
      %gather3A_2373 = arith.constant 0 : i32
      %gather3A_2374 = arith.constant 0 : i32
      %gather3A_2375 = tpu.memref_slice %arg11[%scan3A_2348, %gather3A_2373, %gather3A_2374] : memref<2x128x128xi32, #tpu.memory_space<vmem>> -> memref<1x128x128xi32, #tpu.memory_space<vmem>>
      %gather3A_2376 = tpu.memref_squeeze %gather3A_2375 : memref<1x128x128xi32, #tpu.memory_space<vmem>> -> memref<128x128xi32, #tpu.memory_space<vmem>>
      %gather3A_2377 = tpu.vector_load_idx %gather3A_2376[%add3A_2358, %add3A_2372] : memref<128x128xi32, #tpu.memory_space<vmem>>[vector<16xi32>, vector<16xi32>], vector<16xi32>,
      %add3A_2378 = arith.constant 2 : i32
      %add3A_2379 = vector.broadcast %add3A_2378 : i32 to vector<16xi32>
      %add3A_2380 = arith.addi %get3A_2362, %add3A_2379 : vector<16xi32>
      %gather3A_2381 = arith.constant 0 : i32
      %gather3A_2382 = arith.constant 0 : i32
      %gather3A_2383 = tpu.memref_slice %arg11[%scan3A_2348, %gather3A_2381, %gather3A_2382] : memref<2x128x128xi32, #tpu.memory_space<vmem>> -> memref<1x128x128xi32, #tpu.memory_space<vmem>>
      %gather3A_2384 = tpu.memref_squeeze %gather3A_2383 : memref<1x128x128xi32, #tpu.memory_space<vmem>> -> memref<128x128xi32, #tpu.memory_space<vmem>>
      %gather3A_2385 = tpu.vector_load_idx %gather3A_2384[%add3A_2358, %add3A_2380] : memref<128x128xi32, #tpu.memory_space<vmem>>[vector<16xi32>, vector<16xi32>], vector<16xi32>,
      %add3A_2386 = arith.constant 3 : i32
      %add3A_2387 = vector.broadcast %add3A_2386 : i32 to vector<16xi32>
      %add3A_2388 = arith.addi %get3A_2362, %add3A_2387 : vector<16xi32>
      %gather3A_2389 = arith.constant 0 : i32
      %gather3A_2390 = arith.constant 0 : i32
      %gather3A_2391 = tpu.memref_slice %arg11[%scan3A_2348, %gather3A_2389, %gather3A_2390] : memref<2x128x128xi32, #tpu.memory_space<vmem>> -> memref<1x128x128xi32, #tpu.memory_space<vmem>>
      %gather3A_2392 = tpu.memref_squeeze %gather3A_2391 : memref<1x128x128xi32, #tpu.memory_space<vmem>> -> memref<128x128xi32, #tpu.memory_space<vmem>>
      %gather3A_2393 = tpu.vector_load_idx %gather3A_2392[%add3A_2358, %add3A_2388] : memref<128x128xi32, #tpu.memory_space<vmem>>[vector<16xi32>, vector<16xi32>], vector<16xi32>,
      %add3A_2394 = arith.constant 4 : i32
      %add3A_2395 = vector.broadcast %add3A_2394 : i32 to vector<16xi32>
      %add3A_2396 = arith.addi %get3A_2362, %add3A_2395 : vector<16xi32>
      %gather3A_2397 = arith.constant 0 : i32
      %gather3A_2398 = arith.constant 0 : i32
      %gather3A_2399 = tpu.memref_slice %arg11[%scan3A_2348, %gather3A_2397, %gather3A_2398] : memref<2x128x128xi32, #tpu.memory_space<vmem>> -> memref<1x128x128xi32, #tpu.memory_space<vmem>>
      %gather3A_2400 = tpu.memref_squeeze %gather3A_2399 : memref<1x128x128xi32, #tpu.memory_space<vmem>> -> memref<128x128xi32, #tpu.memory_space<vmem>>
      %gather3A_2401 = tpu.vector_load_idx %gather3A_2400[%add3A_2358, %add3A_2396] : memref<128x128xi32, #tpu.memory_space<vmem>>[vector<16xi32>, vector<16xi32>], vector<16xi32>,
      %add3A_2402 = arith.constant 5 : i32
      %add3A_2403 = vector.broadcast %add3A_2402 : i32 to vector<16xi32>
      %add3A_2404 = arith.addi %get3A_2362, %add3A_2403 : vector<16xi32>
      %gather3A_2405 = arith.constant 0 : i32
      %gather3A_2406 = arith.constant 0 : i32
      %gather3A_2407 = tpu.memref_slice %arg11[%scan3A_2348, %gather3A_2405, %gather3A_2406] : memref<2x128x128xi32, #tpu.memory_space<vmem>> -> memref<1x128x128xi32, #tpu.memory_space<vmem>>
      %gather3A_2408 = tpu.memref_squeeze %gather3A_2407 : memref<1x128x128xi32, #tpu.memory_space<vmem>> -> memref<128x128xi32, #tpu.memory_space<vmem>>
      %gather3A_2409 = tpu.vector_load_idx %gather3A_2408[%add3A_2358, %add3A_2404] : memref<128x128xi32, #tpu.memory_space<vmem>>[vector<16xi32>, vector<16xi32>], vector<16xi32>,
      %add3A_2410 = arith.constant 6 : i32
      %add3A_2411 = vector.broadcast %add3A_2410 : i32 to vector<16xi32>
      %add3A_2412 = arith.addi %get3A_2362, %add3A_2411 : vector<16xi32>
      %gather3A_2413 = arith.constant 0 : i32
      %gather3A_2414 = arith.constant 0 : i32
      %gather3A_2415 = tpu.memref_slice %arg11[%scan3A_2348, %gather3A_2413, %gather3A_2414] : memref<2x128x128xi32, #tpu.memory_space<vmem>> -> memref<1x128x128xi32, #tpu.memory_space<vmem>>
      %gather3A_2416 = tpu.memref_squeeze %gather3A_2415 : memref<1x128x128xi32, #tpu.memory_space<vmem>> -> memref<128x128xi32, #tpu.memory_space<vmem>>
      %gather3A_2417 = tpu.vector_load_idx %gather3A_2416[%add3A_2358, %add3A_2412] : memref<128x128xi32, #tpu.memory_space<vmem>>[vector<16xi32>, vector<16xi32>], vector<16xi32>,
      %add3A_2418 = arith.constant 7 : i32
      %add3A_2419 = vector.broadcast %add3A_2418 : i32 to vector<16xi32>
      %add3A_2420 = arith.addi %get3A_2362, %add3A_2419 : vector<16xi32>
      %gather3A_2421 = arith.constant 0 : i32
      %gather3A_2422 = arith.constant 0 : i32
      %gather3A_2423 = tpu.memref_slice %arg11[%scan3A_2348, %gather3A_2421, %gather3A_2422] : memref<2x128x128xi32, #tpu.memory_space<vmem>> -> memref<1x128x128xi32, #tpu.memory_space<vmem>>
      %gather3A_2424 = tpu.memref_squeeze %gather3A_2423 : memref<1x128x128xi32, #tpu.memory_space<vmem>> -> memref<128x128xi32, #tpu.memory_space<vmem>>
      %gather3A_2425 = tpu.vector_load_idx %gather3A_2424[%add3A_2358, %add3A_2420] : memref<128x128xi32, #tpu.memory_space<vmem>>[vector<16xi32>, vector<16xi32>], vector<16xi32>,
      %add3A_2426 = arith.constant 8 : i32
      %add3A_2427 = vector.broadcast %add3A_2426 : i32 to vector<16xi32>
      %add3A_2428 = arith.addi %get3A_2362, %add3A_2427 : vector<16xi32>
      %gather3A_2429 = arith.constant 0 : i32
      %gather3A_2430 = arith.constant 0 : i32
      %gather3A_2431 = tpu.memref_slice %arg11[%scan3A_2348, %gather3A_2429, %gather3A_2430] : memref<2x128x128xi32, #tpu.memory_space<vmem>> -> memref<1x128x128xi32, #tpu.memory_space<vmem>>
      %gather3A_2432 = tpu.memref_squeeze %gather3A_2431 : memref<1x128x128xi32, #tpu.memory_space<vmem>> -> memref<128x128xi32, #tpu.memory_space<vmem>>
      %gather3A_2433 = tpu.vector_load_idx %gather3A_2432[%add3A_2358, %add3A_2428] : memref<128x128xi32, #tpu.memory_space<vmem>>[vector<16xi32>, vector<16xi32>], vector<16xi32>,
      %add3A_2434 = arith.constant 9 : i32
      %add3A_2435 = vector.broadcast %add3A_2434 : i32 to vector<16xi32>
      %add3A_2436 = arith.addi %get3A_2362, %add3A_2435 : vector<16xi32>
      %gather3A_2437 = arith.constant 0 : i32
      %gather3A_2438 = arith.constant 0 : i32
      %gather3A_2439 = tpu.memref_slice %arg11[%scan3A_2348, %gather3A_2437, %gather3A_2438] : memref<2x128x128xi32, #tpu.memory_space<vmem>> -> memref<1x128x128xi32, #tpu.memory_space<vmem>>
      %gather3A_2440 = tpu.memref_squeeze %gather3A_2439 : memref<1x128x128xi32, #tpu.memory_space<vmem>> -> memref<128x128xi32, #tpu.memory_space<vmem>>
      %gather3A_2441 = tpu.vector_load_idx %gather3A_2440[%add3A_2358, %add3A_2436] : memref<128x128xi32, #tpu.memory_space<vmem>>[vector<16xi32>, vector<16xi32>], vector<16xi32>,
      %add3A_2442 = arith.constant 10 : i32
      %add3A_2443 = vector.broadcast %add3A_2442 : i32 to vector<16xi32>
      %add3A_2444 = arith.addi %get3A_2362, %add3A_2443 : vector<16xi32>
      %gather3A_2445 = arith.constant 0 : i32
      %gather3A_2446 = arith.constant 0 : i32
      %gather3A_2447 = tpu.memref_slice %arg11[%scan3A_2348, %gather3A_2445, %gather3A_2446] : memref<2x128x128xi32, #tpu.memory_space<vmem>> -> memref<1x128x128xi32, #tpu.memory_space<vmem>>
      %gather3A_2448 = tpu.memref_squeeze %gather3A_2447 : memref<1x128x128xi32, #tpu.memory_space<vmem>> -> memref<128x128xi32, #tpu.memory_space<vmem>>
      %gather3A_2449 = tpu.vector_load_idx %gather3A_2448[%add3A_2358, %add3A_2444] : memref<128x128xi32, #tpu.memory_space<vmem>>[vector<16xi32>, vector<16xi32>], vector<16xi32>,
      %add3A_2450 = arith.constant 11 : i32
      %add3A_2451 = vector.broadcast %add3A_2450 : i32 to vector<16xi32>
      %add3A_2452 = arith.addi %get3A_2362, %add3A_2451 : vector<16xi32>
      %gather3A_2453 = arith.constant 0 : i32
      %gather3A_2454 = arith.constant 0 : i32
      %gather3A_2455 = tpu.memref_slice %arg11[%scan3A_2348, %gather3A_2453, %gather3A_2454] : memref<2x128x128xi32, #tpu.memory_space<vmem>> -> memref<1x128x128xi32, #tpu.memory_space<vmem>>
      %gather3A_2456 = tpu.memref_squeeze %gather3A_2455 : memref<1x128x128xi32, #tpu.memory_space<vmem>> -> memref<128x128xi32, #tpu.memory_space<vmem>>
      %gather3A_2457 = tpu.vector_load_idx %gather3A_2456[%add3A_2358, %add3A_2452] : memref<128x128xi32, #tpu.memory_space<vmem>>[vector<16xi32>, vector<16xi32>], vector<16xi32>,
      %add3A_2458 = arith.constant 12 : i32
      %add3A_2459 = vector.broadcast %add3A_2458 : i32 to vector<16xi32>
      %add3A_2460 = arith.addi %get3A_2362, %add3A_2459 : vector<16xi32>
      %gather3A_2461 = arith.constant 0 : i32
      %gather3A_2462 = arith.constant 0 : i32
      %gather3A_2463 = tpu.memref_slice %arg11[%scan3A_2348, %gather3A_2461, %gather3A_2462] : memref<2x128x128xi32, #tpu.memory_space<vmem>> -> memref<1x128x128xi32, #tpu.memory_space<vmem>>
      %gather3A_2464 = tpu.memref_squeeze %gather3A_2463 : memref<1x128x128xi32, #tpu.memory_space<vmem>> -> memref<128x128xi32, #tpu.memory_space<vmem>>
      %gather3A_2465 = tpu.vector_load_idx %gather3A_2464[%add3A_2358, %add3A_2460] : memref<128x128xi32, #tpu.memory_space<vmem>>[vector<16xi32>, vector<16xi32>], vector<16xi32>,
      %add3A_2466 = arith.constant 13 : i32
      %add3A_2467 = vector.broadcast %add3A_2466 : i32 to vector<16xi32>
      %add3A_2468 = arith.addi %get3A_2362, %add3A_2467 : vector<16xi32>
      %gather3A_2469 = arith.constant 0 : i32
      %gather3A_2470 = arith.constant 0 : i32
      %gather3A_2471 = tpu.memref_slice %arg11[%scan3A_2348, %gather3A_2469, %gather3A_2470] : memref<2x128x128xi32, #tpu.memory_space<vmem>> -> memref<1x128x128xi32, #tpu.memory_space<vmem>>
      %gather3A_2472 = tpu.memref_squeeze %gather3A_2471 : memref<1x128x128xi32, #tpu.memory_space<vmem>> -> memref<128x128xi32, #tpu.memory_space<vmem>>
      %gather3A_2473 = tpu.vector_load_idx %gather3A_2472[%add3A_2358, %add3A_2468] : memref<128x128xi32, #tpu.memory_space<vmem>>[vector<16xi32>, vector<16xi32>], vector<16xi32>,
      %add3A_2474 = arith.constant 14 : i32
      %add3A_2475 = vector.broadcast %add3A_2474 : i32 to vector<16xi32>
      %add3A_2476 = arith.addi %get3A_2362, %add3A_2475 : vector<16xi32>
      %gather3A_2477 = arith.constant 0 : i32
      %gather3A_2478 = arith.constant 0 : i32
      %gather3A_2479 = tpu.memref_slice %arg11[%scan3A_2348, %gather3A_2477, %gather3A_2478] : memref<2x128x128xi32, #tpu.memory_space<vmem>> -> memref<1x128x128xi32, #tpu.memory_space<vmem>>
      %gather3A_2480 = tpu.memref_squeeze %gather3A_2479 : memref<1x128x128xi32, #tpu.memory_space<vmem>> -> memref<128x128xi32, #tpu.memory_space<vmem>>
      %gather3A_2481 = tpu.vector_load_idx %gather3A_2480[%add3A_2358, %add3A_2476] : memref<128x128xi32, #tpu.memory_space<vmem>>[vector<16xi32>, vector<16xi32>], vector<16xi32>,
      %add3A_2482 = arith.constant 15 : i32
      %add3A_2483 = vector.broadcast %add3A_2482 : i32 to vector<16xi32>
      %add3A_2484 = arith.addi %get3A_2362, %add3A_2483 : vector<16xi32>
      %gather3A_2485 = arith.constant 0 : i32
      %gather3A_2486 = arith.constant 0 : i32
      %gather3A_2487 = tpu.memref_slice %arg11[%scan3A_2348, %gather3A_2485, %gather3A_2486] : memref<2x128x128xi32, #tpu.memory_space<vmem>> -> memref<1x128x128xi32, #tpu.memory_space<vmem>>
      %gather3A_2488 = tpu.memref_squeeze %gather3A_2487 : memref<1x128x128xi32, #tpu.memory_space<vmem>> -> memref<128x128xi32, #tpu.memory_space<vmem>>
      %gather3A_2489 = tpu.vector_load_idx %gather3A_2488[%add3A_2358, %add3A_2484] : memref<128x128xi32, #tpu.memory_space<vmem>>[vector<16xi32>, vector<16xi32>], vector<16xi32>,
      %broadcast_in_dim3A = arith.constant 0 : i32
      %broadcast_in_dim3A_2490 = vector.broadcast %broadcast_in_dim3A : i32 to vector<16xi32>
      %add3A_2491 = arith.constant 384 : i32
      %add3A_2492 = vector.broadcast %add3A_2491 : i32 to vector<16xi32>
      %add3A_2493 = arith.addi %add3A_2358, %add3A_2492 : vector<16xi32>
      tpu.vector_store_idx %arg12[%broadcast_in_dim3A_2490, %add3A_2493], %gather3A_2369 : memref<16x512xi32, #tpu.memory_space<vmem>>[vector<16xi32>, vector<16xi32>], vector<16xi32>,
      %broadcast_in_dim3A_2494 = arith.constant 1 : i32
      %broadcast_in_dim3A_2495 = vector.broadcast %broadcast_in_dim3A_2494 : i32 to vector<16xi32>
      %add3A_2496 = arith.constant 384 : i32
      %add3A_2497 = vector.broadcast %add3A_2496 : i32 to vector<16xi32>
      %add3A_2498 = arith.addi %add3A_2358, %add3A_2497 : vector<16xi32>
      tpu.vector_store_idx %arg12[%broadcast_in_dim3A_2495, %add3A_2498], %gather3A_2377 : memref<16x512xi32, #tpu.memory_space<vmem>>[vector<16xi32>, vector<16xi32>], vector<16xi32>,
      %broadcast_in_dim3A_2499 = arith.constant 2 : i32
      %broadcast_in_dim3A_2500 = vector.broadcast %broadcast_in_dim3A_2499 : i32 to vector<16xi32>
      %add3A_2501 = arith.constant 384 : i32
      %add3A_2502 = vector.broadcast %add3A_2501 : i32 to vector<16xi32>
      %add3A_2503 = arith.addi %add3A_2358, %add3A_2502 : vector<16xi32>
      tpu.vector_store_idx %arg12[%broadcast_in_dim3A_2500, %add3A_2503], %gather3A_2385 : memref<16x512xi32, #tpu.memory_space<vmem>>[vector<16xi32>, vector<16xi32>], vector<16xi32>,
      %broadcast_in_dim3A_2504 = arith.constant 3 : i32
      %broadcast_in_dim3A_2505 = vector.broadcast %broadcast_in_dim3A_2504 : i32 to vector<16xi32>
      %add3A_2506 = arith.constant 384 : i32
      %add3A_2507 = vector.broadcast %add3A_2506 : i32 to vector<16xi32>
      %add3A_2508 = arith.addi %add3A_2358, %add3A_2507 : vector<16xi32>
      tpu.vector_store_idx %arg12[%broadcast_in_dim3A_2505, %add3A_2508], %gather3A_2393 : memref<16x512xi32, #tpu.memory_space<vmem>>[vector<16xi32>, vector<16xi32>], vector<16xi32>,
      %broadcast_in_dim3A_2509 = arith.constant 4 : i32
      %broadcast_in_dim3A_2510 = vector.broadcast %broadcast_in_dim3A_2509 : i32 to vector<16xi32>
      %add3A_2511 = arith.constant 384 : i32
      %add3A_2512 = vector.broadcast %add3A_2511 : i32 to vector<16xi32>
      %add3A_2513 = arith.addi %add3A_2358, %add3A_2512 : vector<16xi32>
      tpu.vector_store_idx %arg12[%broadcast_in_dim3A_2510, %add3A_2513], %gather3A_2401 : memref<16x512xi32, #tpu.memory_space<vmem>>[vector<16xi32>, vector<16xi32>], vector<16xi32>,
      %broadcast_in_dim3A_2514 = arith.constant 5 : i32
      %broadcast_in_dim3A_2515 = vector.broadcast %broadcast_in_dim3A_2514 : i32 to vector<16xi32>
      %add3A_2516 = arith.constant 384 : i32
      %add3A_2517 = vector.broadcast %add3A_2516 : i32 to vector<16xi32>
      %add3A_2518 = arith.addi %add3A_2358, %add3A_2517 : vector<16xi32>
      tpu.vector_store_idx %arg12[%broadcast_in_dim3A_2515, %add3A_2518], %gather3A_2409 : memref<16x512xi32, #tpu.memory_space<vmem>>[vector<16xi32>, vector<16xi32>], vector<16xi32>,
      %broadcast_in_dim3A_2519 = arith.constant 6 : i32
      %broadcast_in_dim3A_2520 = vector.broadcast %broadcast_in_dim3A_2519 : i32 to vector<16xi32>
      %add3A_2521 = arith.constant 384 : i32
      %add3A_2522 = vector.broadcast %add3A_2521 : i32 to vector<16xi32>
      %add3A_2523 = arith.addi %add3A_2358, %add3A_2522 : vector<16xi32>
      tpu.vector_store_idx %arg12[%broadcast_in_dim3A_2520, %add3A_2523], %gather3A_2417 : memref<16x512xi32, #tpu.memory_space<vmem>>[vector<16xi32>, vector<16xi32>], vector<16xi32>,
      %broadcast_in_dim3A_2524 = arith.constant 7 : i32
      %broadcast_in_dim3A_2525 = vector.broadcast %broadcast_in_dim3A_2524 : i32 to vector<16xi32>
      %add3A_2526 = arith.constant 384 : i32
      %add3A_2527 = vector.broadcast %add3A_2526 : i32 to vector<16xi32>
      %add3A_2528 = arith.addi %add3A_2358, %add3A_2527 : vector<16xi32>
      tpu.vector_store_idx %arg12[%broadcast_in_dim3A_2525, %add3A_2528], %gather3A_2425 : memref<16x512xi32, #tpu.memory_space<vmem>>[vector<16xi32>, vector<16xi32>], vector<16xi32>,
      %broadcast_in_dim3A_2529 = arith.constant 8 : i32
      %broadcast_in_dim3A_2530 = vector.broadcast %broadcast_in_dim3A_2529 : i32 to vector<16xi32>
      %add3A_2531 = arith.constant 384 : i32
      %add3A_2532 = vector.broadcast %add3A_2531 : i32 to vector<16xi32>
      %add3A_2533 = arith.addi %add3A_2358, %add3A_2532 : vector<16xi32>
      tpu.vector_store_idx %arg12[%broadcast_in_dim3A_2530, %add3A_2533], %gather3A_2433 : memref<16x512xi32, #tpu.memory_space<vmem>>[vector<16xi32>, vector<16xi32>], vector<16xi32>,
      %broadcast_in_dim3A_2534 = arith.constant 9 : i32
      %broadcast_in_dim3A_2535 = vector.broadcast %broadcast_in_dim3A_2534 : i32 to vector<16xi32>
      %add3A_2536 = arith.constant 384 : i32
      %add3A_2537 = vector.broadcast %add3A_2536 : i32 to vector<16xi32>
      %add3A_2538 = arith.addi %add3A_2358, %add3A_2537 : vector<16xi32>
      tpu.vector_store_idx %arg12[%broadcast_in_dim3A_2535, %add3A_2538], %gather3A_2441 : memref<16x512xi32, #tpu.memory_space<vmem>>[vector<16xi32>, vector<16xi32>], vector<16xi32>,
      %broadcast_in_dim3A_2539 = arith.constant 10 : i32
      %broadcast_in_dim3A_2540 = vector.broadcast %broadcast_in_dim3A_2539 : i32 to vector<16xi32>
      %add3A_2541 = arith.constant 384 : i32
      %add3A_2542 = vector.broadcast %add3A_2541 : i32 to vector<16xi32>
      %add3A_2543 = arith.addi %add3A_2358, %add3A_2542 : vector<16xi32>
      tpu.vector_store_idx %arg12[%broadcast_in_dim3A_2540, %add3A_2543], %gather3A_2449 : memref<16x512xi32, #tpu.memory_space<vmem>>[vector<16xi32>, vector<16xi32>], vector<16xi32>,
      %broadcast_in_dim3A_2544 = arith.constant 11 : i32
      %broadcast_in_dim3A_2545 = vector.broadcast %broadcast_in_dim3A_2544 : i32 to vector<16xi32>
      %add3A_2546 = arith.constant 384 : i32
      %add3A_2547 = vector.broadcast %add3A_2546 : i32 to vector<16xi32>
      %add3A_2548 = arith.addi %add3A_2358, %add3A_2547 : vector<16xi32>
      tpu.vector_store_idx %arg12[%broadcast_in_dim3A_2545, %add3A_2548], %gather3A_2457 : memref<16x512xi32, #tpu.memory_space<vmem>>[vector<16xi32>, vector<16xi32>], vector<16xi32>,
      %broadcast_in_dim3A_2549 = arith.constant 12 : i32
      %broadcast_in_dim3A_2550 = vector.broadcast %broadcast_in_dim3A_2549 : i32 to vector<16xi32>
      %add3A_2551 = arith.constant 384 : i32
      %add3A_2552 = vector.broadcast %add3A_2551 : i32 to vector<16xi32>
      %add3A_2553 = arith.addi %add3A_2358, %add3A_2552 : vector<16xi32>
      tpu.vector_store_idx %arg12[%broadcast_in_dim3A_2550, %add3A_2553], %gather3A_2465 : memref<16x512xi32, #tpu.memory_space<vmem>>[vector<16xi32>, vector<16xi32>], vector<16xi32>,
      %broadcast_in_dim3A_2554 = arith.constant 13 : i32
      %broadcast_in_dim3A_2555 = vector.broadcast %broadcast_in_dim3A_2554 : i32 to vector<16xi32>
      %add3A_2556 = arith.constant 384 : i32
      %add3A_2557 = vector.broadcast %add3A_2556 : i32 to vector<16xi32>
      %add3A_2558 = arith.addi %add3A_2358, %add3A_2557 : vector<16xi32>
      tpu.vector_store_idx %arg12[%broadcast_in_dim3A_2555, %add3A_2558], %gather3A_2473 : memref<16x512xi32, #tpu.memory_space<vmem>>[vector<16xi32>, vector<16xi32>], vector<16xi32>,
      %broadcast_in_dim3A_2559 = arith.constant 14 : i32
      %broadcast_in_dim3A_2560 = vector.broadcast %broadcast_in_dim3A_2559 : i32 to vector<16xi32>
      %add3A_2561 = arith.constant 384 : i32
      %add3A_2562 = vector.broadcast %add3A_2561 : i32 to vector<16xi32>
      %add3A_2563 = arith.addi %add3A_2358, %add3A_2562 : vector<16xi32>
      tpu.vector_store_idx %arg12[%broadcast_in_dim3A_2560, %add3A_2563], %gather3A_2481 : memref<16x512xi32, #tpu.memory_space<vmem>>[vector<16xi32>, vector<16xi32>], vector<16xi32>,
      %broadcast_in_dim3A_2564 = arith.constant 15 : i32
      %broadcast_in_dim3A_2565 = vector.broadcast %broadcast_in_dim3A_2564 : i32 to vector<16xi32>
      %add3A_2566 = arith.constant 384 : i32
      %add3A_2567 = vector.broadcast %add3A_2566 : i32 to vector<16xi32>
      %add3A_2568 = arith.addi %add3A_2358, %add3A_2567 : vector<16xi32>
      tpu.vector_store_idx %arg12[%broadcast_in_dim3A_2565, %add3A_2568], %gather3A_2489 : memref<16x512xi32, #tpu.memory_space<vmem>>[vector<16xi32>, vector<16xi32>], vector<16xi32>,
    }
    %scan3A_2353 = arith.constant 8 : i32
    "tpu.region"() ({
      %run_scoped3A = tpu.sem_alloc : memref<!tpu.dma_semaphore, #tpu.memory_space<semaphore_mem>>
      %dma_start3A_2354 = arith.constant 0 : i32
      %dma_start3A_2355 = tpu.memref_slice %arg7[%dma_start3A_2354, %mul3A_2] : memref<16x16384xi32, #tpu.memory_space<hbm>> -> memref<16x512xi32, #tpu.memory_space<hbm>>
      %dma_start3A_2356 = arith.constant 0 : i32
      %dma_start3A_2357 = tpu.memref_slice %arg7[%dma_start3A_2356, %mul3A_2] : memref<16x16384xi32, #tpu.memory_space<hbm>> -> memref<16x512xi32, #tpu.memory_space<hbm>>
      tpu.enqueue_dma source(%arg12 : memref<16x512xi32, #tpu.memory_space<vmem>>) target(%dma_start3A_2357 : memref<16x512xi32, #tpu.memory_space<hbm>>) target_semaphore(%run_scoped3A : memref<!tpu.dma_semaphore, #tpu.memory_space<semaphore_mem>>)
      %dma_wait3A_2358 = arith.constant 0 : i32
      %dma_wait3A_2359 = tpu.memref_slice %arg7[%dma_wait3A_2358, %mul3A_2] : memref<16x16384xi32, #tpu.memory_space<hbm>> -> memref<16x512xi32, #tpu.memory_space<hbm>>
      %dma_wait3A_2360 = arith.constant 0 : i32
      %dma_wait3A_2361 = tpu.memref_slice %arg7[%dma_wait3A_2360, %mul3A_2] : memref<16x16384xi32, #tpu.memory_space<hbm>> -> memref<16x512xi32, #tpu.memory_space<hbm>>
      tpu.wait_dma2 semaphore(%run_scoped3A : memref<!tpu.dma_semaphore, #tpu.memory_space<semaphore_mem>>) src(%arg12 : memref<16x512xi32, #tpu.memory_space<vmem>>) dst(%dma_wait3A_2361 : memref<16x512xi32, #tpu.memory_space<hbm>>)
      tpu.yield
    }) : () -> ()
    return
  }
}

module attributes {stable_mosaic.version = 14 : i64} {
  func.func @_pack_body(%arg0: i32, %arg1: memref<32x32768xf32, #tpu.memory_space<vmem>>, %arg2: memref<32x32768xf32, #tpu.memory_space<vmem>>, %arg3: memref<4096x128xi32, #tpu.memory_space<vmem>>, %arg4: memref<4096x128xi32, #tpu.memory_space<vmem>>) attributes {dimension_semantics = [#tpu.dimension_semantics<arbitrary>], iteration_bounds = array<i64: 31>, scalar_prefetch = 0 : i64, scratch_operands = 0 : i64, tpu.core_type = #tpu.core_type<tc>, window_params = [{transform_indices = @transform_0, window_bounds = array<i64: 32, 32768>}, {transform_indices = @transform_1, window_bounds = array<i64: 32, 32768>}, {transform_indices = @transform_2, window_bounds = array<i64: 4096, 128>}, {transform_indices = @transform_3, window_bounds = array<i64: 4096, 128>}]} {
    %get3A = arith.constant 0 : index
    %get3A_0 = arith.constant 0 : index
    %get3A_1 = vector.load %arg1[%get3A, %get3A_0] : memref<32x32768xf32, #tpu.memory_space<vmem>>, vector<32x32768xf32>
    %bitcast_convert_type3A = tpu.bitcast %get3A_1 : vector<32x32768xf32> -> vector<32x32768xi32>
    %slice3A = vector.extract_strided_slice %bitcast_convert_type3A {offsets = [0, 0], sizes = [16, 32768], strides = [1, 1]} : vector<32x32768xi32> to vector<16x32768xi32>
    %add3A = arith.constant 32767 : i32
    %add3A_2 = vector.broadcast %add3A : i32 to vector<16x32768xi32>
    %add3A_3 = arith.addi %slice3A, %add3A_2 : vector<16x32768xi32>
    %shift_right_logical3A = arith.constant 16 : i32
    %shift_right_logical3A_4 = vector.broadcast %shift_right_logical3A : i32 to vector<16x32768xi32>
    %shift_right_logical3A_5 = arith.shrui %slice3A, %shift_right_logical3A_4 : vector<16x32768xi32>
    %and3A = arith.constant 1 : i32
    %and3A_6 = vector.broadcast %and3A : i32 to vector<16x32768xi32>
    %and3A_7 = arith.andi %shift_right_logical3A_5, %and3A_6 : vector<16x32768xi32>
    %add3A_8 = arith.addi %add3A_3, %and3A_7 : vector<16x32768xi32>
    %shift_right_logical3A_9 = arith.constant 16 : i32
    %shift_right_logical3A_10 = vector.broadcast %shift_right_logical3A_9 : i32 to vector<16x32768xi32>
    %shift_right_logical3A_11 = arith.shrui %add3A_8, %shift_right_logical3A_10 : vector<16x32768xi32>
    %slice3A_12 = vector.extract_strided_slice %bitcast_convert_type3A {offsets = [16, 0], sizes = [16, 32768], strides = [1, 1]} : vector<32x32768xi32> to vector<16x32768xi32>
    %add3A_13 = arith.constant 32767 : i32
    %add3A_14 = vector.broadcast %add3A_13 : i32 to vector<16x32768xi32>
    %add3A_15 = arith.addi %slice3A_12, %add3A_14 : vector<16x32768xi32>
    %shift_right_logical3A_16 = arith.constant 16 : i32
    %shift_right_logical3A_17 = vector.broadcast %shift_right_logical3A_16 : i32 to vector<16x32768xi32>
    %shift_right_logical3A_18 = arith.shrui %slice3A_12, %shift_right_logical3A_17 : vector<16x32768xi32>
    %and3A_19 = arith.constant 1 : i32
    %and3A_20 = vector.broadcast %and3A_19 : i32 to vector<16x32768xi32>
    %and3A_21 = arith.andi %shift_right_logical3A_18, %and3A_20 : vector<16x32768xi32>
    %add3A_22 = arith.addi %add3A_15, %and3A_21 : vector<16x32768xi32>
    %shift_right_logical3A_23 = arith.constant 16 : i32
    %shift_right_logical3A_24 = vector.broadcast %shift_right_logical3A_23 : i32 to vector<16x32768xi32>
    %shift_right_logical3A_25 = arith.shrui %add3A_22, %shift_right_logical3A_24 : vector<16x32768xi32>
    %shift_left3A = arith.constant 16 : i32
    %shift_left3A_26 = vector.broadcast %shift_left3A : i32 to vector<16x32768xi32>
    %shift_left3A_27 = arith.shli %shift_right_logical3A_25, %shift_left3A_26 : vector<16x32768xi32>
    %or3A = arith.ori %shift_right_logical3A_11, %shift_left3A_27 : vector<16x32768xi32>
    %slice3A_28 = vector.extract_strided_slice %or3A {offsets = [0, 0], sizes = [16, 4096], strides = [1, 1]} : vector<16x32768xi32> to vector<16x4096xi32>
    %slice3A_29 = vector.extract_strided_slice %or3A {offsets = [0, 4096], sizes = [16, 4096], strides = [1, 1]} : vector<16x32768xi32> to vector<16x4096xi32>
    %slice3A_30 = vector.extract_strided_slice %or3A {offsets = [0, 8192], sizes = [16, 4096], strides = [1, 1]} : vector<16x32768xi32> to vector<16x4096xi32>
    %slice3A_31 = vector.extract_strided_slice %or3A {offsets = [0, 12288], sizes = [16, 4096], strides = [1, 1]} : vector<16x32768xi32> to vector<16x4096xi32>
    %slice3A_32 = vector.extract_strided_slice %or3A {offsets = [0, 16384], sizes = [16, 4096], strides = [1, 1]} : vector<16x32768xi32> to vector<16x4096xi32>
    %slice3A_33 = vector.extract_strided_slice %or3A {offsets = [0, 20480], sizes = [16, 4096], strides = [1, 1]} : vector<16x32768xi32> to vector<16x4096xi32>
    %slice3A_34 = vector.extract_strided_slice %or3A {offsets = [0, 24576], sizes = [16, 4096], strides = [1, 1]} : vector<16x32768xi32> to vector<16x4096xi32>
    %slice3A_35 = vector.extract_strided_slice %or3A {offsets = [0, 28672], sizes = [16, 4096], strides = [1, 1]} : vector<16x32768xi32> to vector<16x4096xi32>
    %concatenate3A = tpu.concatenate %slice3A_28, %slice3A_29, %slice3A_30, %slice3A_31, %slice3A_32, %slice3A_33, %slice3A_34, %slice3A_35 in 0 : vector<16x4096xi32>, vector<16x4096xi32>, vector<16x4096xi32>, vector<16x4096xi32>, vector<16x4096xi32>, vector<16x4096xi32>, vector<16x4096xi32>, vector<16x4096xi32> -> vector<128x4096xi32>
    %transpose3A = tpu.transpose %concatenate3A, [1, 0] : vector<128x4096xi32> -> vector<4096x128xi32>
    %swap3A = arith.constant 0 : index
    %swap3A_36 = arith.constant 0 : index
    %swap3A_37 = vector.load %arg3[%swap3A, %swap3A_36] : memref<4096x128xi32, #tpu.memory_space<vmem>>, vector<4096x128xi32>
    tpu.vector_store %arg3[%swap3A, %swap3A_36], %transpose3A {strides = array<i32>} : memref<4096x128xi32, #tpu.memory_space<vmem>>, vector<4096x128xi32>,
    %get3A_38 = arith.constant 0 : index
    %get3A_39 = arith.constant 0 : index
    %get3A_40 = vector.load %arg2[%get3A_38, %get3A_39] : memref<32x32768xf32, #tpu.memory_space<vmem>>, vector<32x32768xf32>
    %bitcast_convert_type3A_41 = tpu.bitcast %get3A_40 : vector<32x32768xf32> -> vector<32x32768xi32>
    %slice3A_42 = vector.extract_strided_slice %bitcast_convert_type3A_41 {offsets = [0, 0], sizes = [16, 32768], strides = [1, 1]} : vector<32x32768xi32> to vector<16x32768xi32>
    %add3A_43 = arith.constant 32767 : i32
    %add3A_44 = vector.broadcast %add3A_43 : i32 to vector<16x32768xi32>
    %add3A_45 = arith.addi %slice3A_42, %add3A_44 : vector<16x32768xi32>
    %shift_right_logical3A_46 = arith.constant 16 : i32
    %shift_right_logical3A_47 = vector.broadcast %shift_right_logical3A_46 : i32 to vector<16x32768xi32>
    %shift_right_logical3A_48 = arith.shrui %slice3A_42, %shift_right_logical3A_47 : vector<16x32768xi32>
    %and3A_49 = arith.constant 1 : i32
    %and3A_50 = vector.broadcast %and3A_49 : i32 to vector<16x32768xi32>
    %and3A_51 = arith.andi %shift_right_logical3A_48, %and3A_50 : vector<16x32768xi32>
    %add3A_52 = arith.addi %add3A_45, %and3A_51 : vector<16x32768xi32>
    %shift_right_logical3A_53 = arith.constant 16 : i32
    %shift_right_logical3A_54 = vector.broadcast %shift_right_logical3A_53 : i32 to vector<16x32768xi32>
    %shift_right_logical3A_55 = arith.shrui %add3A_52, %shift_right_logical3A_54 : vector<16x32768xi32>
    %slice3A_56 = vector.extract_strided_slice %bitcast_convert_type3A_41 {offsets = [16, 0], sizes = [16, 32768], strides = [1, 1]} : vector<32x32768xi32> to vector<16x32768xi32>
    %add3A_57 = arith.constant 32767 : i32
    %add3A_58 = vector.broadcast %add3A_57 : i32 to vector<16x32768xi32>
    %add3A_59 = arith.addi %slice3A_56, %add3A_58 : vector<16x32768xi32>
    %shift_right_logical3A_60 = arith.constant 16 : i32
    %shift_right_logical3A_61 = vector.broadcast %shift_right_logical3A_60 : i32 to vector<16x32768xi32>
    %shift_right_logical3A_62 = arith.shrui %slice3A_56, %shift_right_logical3A_61 : vector<16x32768xi32>
    %and3A_63 = arith.constant 1 : i32
    %and3A_64 = vector.broadcast %and3A_63 : i32 to vector<16x32768xi32>
    %and3A_65 = arith.andi %shift_right_logical3A_62, %and3A_64 : vector<16x32768xi32>
    %add3A_66 = arith.addi %add3A_59, %and3A_65 : vector<16x32768xi32>
    %shift_right_logical3A_67 = arith.constant 16 : i32
    %shift_right_logical3A_68 = vector.broadcast %shift_right_logical3A_67 : i32 to vector<16x32768xi32>
    %shift_right_logical3A_69 = arith.shrui %add3A_66, %shift_right_logical3A_68 : vector<16x32768xi32>
    %shift_left3A_70 = arith.constant 16 : i32
    %shift_left3A_71 = vector.broadcast %shift_left3A_70 : i32 to vector<16x32768xi32>
    %shift_left3A_72 = arith.shli %shift_right_logical3A_69, %shift_left3A_71 : vector<16x32768xi32>
    %or3A_73 = arith.ori %shift_right_logical3A_55, %shift_left3A_72 : vector<16x32768xi32>
    %slice3A_74 = vector.extract_strided_slice %or3A_73 {offsets = [0, 0], sizes = [16, 4096], strides = [1, 1]} : vector<16x32768xi32> to vector<16x4096xi32>
    %slice3A_75 = vector.extract_strided_slice %or3A_73 {offsets = [0, 4096], sizes = [16, 4096], strides = [1, 1]} : vector<16x32768xi32> to vector<16x4096xi32>
    %slice3A_76 = vector.extract_strided_slice %or3A_73 {offsets = [0, 8192], sizes = [16, 4096], strides = [1, 1]} : vector<16x32768xi32> to vector<16x4096xi32>
    %slice3A_77 = vector.extract_strided_slice %or3A_73 {offsets = [0, 12288], sizes = [16, 4096], strides = [1, 1]} : vector<16x32768xi32> to vector<16x4096xi32>
    %slice3A_78 = vector.extract_strided_slice %or3A_73 {offsets = [0, 16384], sizes = [16, 4096], strides = [1, 1]} : vector<16x32768xi32> to vector<16x4096xi32>
    %slice3A_79 = vector.extract_strided_slice %or3A_73 {offsets = [0, 20480], sizes = [16, 4096], strides = [1, 1]} : vector<16x32768xi32> to vector<16x4096xi32>
    %slice3A_80 = vector.extract_strided_slice %or3A_73 {offsets = [0, 24576], sizes = [16, 4096], strides = [1, 1]} : vector<16x32768xi32> to vector<16x4096xi32>
    %slice3A_81 = vector.extract_strided_slice %or3A_73 {offsets = [0, 28672], sizes = [16, 4096], strides = [1, 1]} : vector<16x32768xi32> to vector<16x4096xi32>
    %concatenate3A_82 = tpu.concatenate %slice3A_74, %slice3A_75, %slice3A_76, %slice3A_77, %slice3A_78, %slice3A_79, %slice3A_80, %slice3A_81 in 0 : vector<16x4096xi32>, vector<16x4096xi32>, vector<16x4096xi32>, vector<16x4096xi32>, vector<16x4096xi32>, vector<16x4096xi32>, vector<16x4096xi32>, vector<16x4096xi32> -> vector<128x4096xi32>
    %transpose3A_83 = tpu.transpose %concatenate3A_82, [1, 0] : vector<128x4096xi32> -> vector<4096x128xi32>
    %swap3A_84 = arith.constant 0 : index
    %swap3A_85 = arith.constant 0 : index
    %swap3A_86 = vector.load %arg4[%swap3A_84, %swap3A_85] : memref<4096x128xi32, #tpu.memory_space<vmem>>, vector<4096x128xi32>
    tpu.vector_store %arg4[%swap3A_84, %swap3A_85], %transpose3A_83 {strides = array<i32>} : memref<4096x128xi32, #tpu.memory_space<vmem>>, vector<4096x128xi32>,
    return
  }
  func.func @transform_0(%arg0: i32) -> (i32, i32) {
    %c0_i32 = arith.constant 0 : i32
    %c0_i32_0 = arith.constant 0 : i32
    return %c0_i32, %arg0 : i32, i32
  }
  func.func @transform_1(%arg0: i32) -> (i32, i32) {
    %c0_i32 = arith.constant 0 : i32
    %c0_i32_0 = arith.constant 0 : i32
    return %c0_i32, %arg0 : i32, i32
  }
  func.func @transform_2(%arg0: i32) -> (i32, i32) {
    %c0_i32 = arith.constant 0 : i32
    %c0_i32_0 = arith.constant 0 : i32
    return %arg0, %c0_i32 : i32, i32
  }
  func.func @transform_3(%arg0: i32) -> (i32, i32) {
    %c0_i32 = arith.constant 0 : i32
    %c0_i32_0 = arith.constant 0 : i32
    return %arg0, %c0_i32 : i32, i32
  }
}

module attributes {stable_mosaic.version = 14 : i64} {
  func.func @_mlp_body(%arg0: i32, %arg1: memref<16x4096xi32, #tpu.memory_space<vmem>>, %arg2: memref<16x4096xi32, #tpu.memory_space<vmem>>, %arg3: memref<96x64xf32, #tpu.memory_space<vmem>>, %arg4: memref<96x1xf32, #tpu.memory_space<vmem>>, %arg5: memref<3x96xf32, #tpu.memory_space<vmem>>, %arg6: memref<1x4096xf32, #tpu.memory_space<vmem>>, %arg7: memref<1x4096xf32, #tpu.memory_space<vmem>>, %arg8: memref<1x4096xf32, #tpu.memory_space<vmem>>) attributes {dimension_semantics = [#tpu.dimension_semantics<arbitrary>], iteration_bounds = array<i64: 4>, scalar_prefetch = 0 : i64, scratch_operands = 0 : i64, tpu.core_type = #tpu.core_type<tc>, window_params = [{transform_indices = @transform_0, window_bounds = array<i64: 16, 4096>}, {transform_indices = @transform_1, window_bounds = array<i64: 16, 4096>}, {pipeline_mode = #tpu.pipeline_mode<synchronous>, transform_indices = @transform_2, window_bounds = array<i64: 96, 64>}, {pipeline_mode = #tpu.pipeline_mode<synchronous>, transform_indices = @transform_3, window_bounds = array<i64: 96, 1>}, {pipeline_mode = #tpu.pipeline_mode<synchronous>, transform_indices = @transform_4, window_bounds = array<i64: 3, 96>}, {transform_indices = @transform_5, window_bounds = array<i64: 1, 4096>}, {transform_indices = @transform_6, window_bounds = array<i64: 1, 4096>}, {transform_indices = @transform_7, window_bounds = array<i64: 1, 4096>}]} {
    %get3A = arith.constant 0 : index
    %get3A_0 = arith.constant 0 : index
    %get3A_1 = vector.load %arg1[%get3A, %get3A_0] : memref<16x4096xi32, #tpu.memory_space<vmem>>, vector<16x4096xi32>
    %shift_left3A = arith.constant 16 : i32
    %shift_left3A_2 = vector.broadcast %shift_left3A : i32 to vector<16x4096xi32>
    %shift_left3A_3 = arith.shli %get3A_1, %shift_left3A_2 : vector<16x4096xi32>
    %bitcast_convert_type3A = tpu.bitcast %shift_left3A_3 : vector<16x4096xi32> -> vector<16x4096xf32>
    %and3A = arith.constant -65536 : i32
    %and3A_4 = vector.broadcast %and3A : i32 to vector<16x4096xi32>
    %and3A_5 = arith.andi %get3A_1, %and3A_4 : vector<16x4096xi32>
    %bitcast_convert_type3A_6 = tpu.bitcast %and3A_5 : vector<16x4096xi32> -> vector<16x4096xf32>
    %get3A_7 = arith.constant 0 : index
    %get3A_8 = arith.constant 0 : index
    %get3A_9 = vector.load %arg2[%get3A_7, %get3A_8] : memref<16x4096xi32, #tpu.memory_space<vmem>>, vector<16x4096xi32>
    %shift_left3A_10 = arith.constant 16 : i32
    %shift_left3A_11 = vector.broadcast %shift_left3A_10 : i32 to vector<16x4096xi32>
    %shift_left3A_12 = arith.shli %get3A_9, %shift_left3A_11 : vector<16x4096xi32>
    %bitcast_convert_type3A_13 = tpu.bitcast %shift_left3A_12 : vector<16x4096xi32> -> vector<16x4096xf32>
    %and3A_14 = arith.constant -65536 : i32
    %and3A_15 = vector.broadcast %and3A_14 : i32 to vector<16x4096xi32>
    %and3A_16 = arith.andi %get3A_9, %and3A_15 : vector<16x4096xi32>
    %bitcast_convert_type3A_17 = tpu.bitcast %and3A_16 : vector<16x4096xi32> -> vector<16x4096xf32>
    %concatenate3A = tpu.concatenate %bitcast_convert_type3A, %bitcast_convert_type3A_6, %bitcast_convert_type3A_13, %bitcast_convert_type3A_17 in 0 : vector<16x4096xf32>, vector<16x4096xf32>, vector<16x4096xf32>, vector<16x4096xf32> -> vector<64x4096xf32>
    %get3A_18 = arith.constant 0 : index
    %get3A_19 = arith.constant 0 : index
    %get3A_20 = vector.load %arg3[%get3A_18, %get3A_19] : memref<96x64xf32, #tpu.memory_space<vmem>>, vector<96x64xf32>
    %dot_general3A = arith.constant dense<0.000000e+00> : vector<96x4096xf32>
    %dot_general3A_21 = tpu.matmul %get3A_20, %concatenate3A, %dot_general3A {dimension_numbers = #tpu.dot_dimension_numbers<[1], [0], [0], [1], [0, 0, 1, 1], [], []>, transpose_lhs_hint = false} : vector<96x64xf32>, vector<64x4096xf32>, vector<96x4096xf32> -> vector<96x4096xf32>
    %get3A_22 = arith.constant 0 : index
    %get3A_23 = arith.constant 0 : index
    %get3A_24 = vector.load %arg4[%get3A_22, %get3A_23] : memref<96x1xf32, #tpu.memory_space<vmem>>, vector<96x1xf32>
    %add3A = vector.broadcast %get3A_24 : vector<96x1xf32> to vector<96x4096xf32>
    %add3A_25 = arith.addf %dot_general3A_21, %add3A : vector<96x4096xf32>
    %max3A = arith.constant 0.000000e+00 : f32
    %max3A_26 = vector.broadcast %max3A : f32 to vector<96x4096xf32>
    %max3A_27 = arith.maximumf %add3A_25, %max3A_26 : vector<96x4096xf32>
    %get3A_28 = arith.constant 0 : index
    %get3A_29 = arith.constant 0 : index
    %get3A_30 = vector.load %arg5[%get3A_28, %get3A_29] : memref<3x96xf32, #tpu.memory_space<vmem>>, vector<3x96xf32>
    %dot_general3A_31 = arith.constant dense<0.000000e+00> : vector<3x4096xf32>
    %dot_general3A_32 = tpu.matmul %get3A_30, %max3A_27, %dot_general3A_31 {dimension_numbers = #tpu.dot_dimension_numbers<[1], [0], [0], [1], [0, 0, 1, 1], [], []>, transpose_lhs_hint = false} : vector<3x96xf32>, vector<96x4096xf32>, vector<3x4096xf32> -> vector<3x4096xf32>
    %slice3A = vector.extract_strided_slice %dot_general3A_32 {offsets = [0, 0], sizes = [1, 4096], strides = [1, 1]} : vector<3x4096xf32> to vector<1x4096xf32>
    %slice3A_33 = vector.extract_strided_slice %dot_general3A_32 {offsets = [1, 0], sizes = [1, 4096], strides = [1, 1]} : vector<3x4096xf32> to vector<1x4096xf32>
    %add3A_34 = arith.addf %slice3A, %slice3A_33 : vector<1x4096xf32>
    %slice3A_35 = vector.extract_strided_slice %dot_general3A_32 {offsets = [2, 0], sizes = [1, 4096], strides = [1, 1]} : vector<3x4096xf32> to vector<1x4096xf32>
    %add3A_36 = arith.addf %add3A_34, %slice3A_35 : vector<1x4096xf32>
    %swap3A = arith.constant 0 : index
    %swap3A_37 = arith.constant 0 : index
    %swap3A_38 = vector.load %arg6[%swap3A, %swap3A_37] : memref<1x4096xf32, #tpu.memory_space<vmem>>, vector<1x4096xf32>
    tpu.vector_store %arg6[%swap3A, %swap3A_37], %add3A_36 {strides = array<i32>} : memref<1x4096xf32, #tpu.memory_space<vmem>>, vector<1x4096xf32>,
    %swap3A_39 = arith.constant 0 : index
    %swap3A_40 = arith.constant 0 : index
    %swap3A_41 = vector.load %arg7[%swap3A_39, %swap3A_40] : memref<1x4096xf32, #tpu.memory_space<vmem>>, vector<1x4096xf32>
    tpu.vector_store %arg7[%swap3A_39, %swap3A_40], %add3A_34 {strides = array<i32>} : memref<1x4096xf32, #tpu.memory_space<vmem>>, vector<1x4096xf32>,
    %swap3A_42 = arith.constant 0 : index
    %swap3A_43 = arith.constant 0 : index
    %swap3A_44 = vector.load %arg8[%swap3A_42, %swap3A_43] : memref<1x4096xf32, #tpu.memory_space<vmem>>, vector<1x4096xf32>
    tpu.vector_store %arg8[%swap3A_42, %swap3A_43], %slice3A_35 {strides = array<i32>} : memref<1x4096xf32, #tpu.memory_space<vmem>>, vector<1x4096xf32>,
    return
  }
  func.func @transform_0(%arg0: i32) -> (i32, i32) {
    %c0_i32 = arith.constant 0 : i32
    %c0_i32_0 = arith.constant 0 : i32
    return %c0_i32, %arg0 : i32, i32
  }
  func.func @transform_1(%arg0: i32) -> (i32, i32) {
    %c0_i32 = arith.constant 0 : i32
    %c0_i32_0 = arith.constant 0 : i32
    return %c0_i32, %arg0 : i32, i32
  }
  func.func @transform_2(%arg0: i32) -> (i32, i32) {
    %c0_i32 = arith.constant 0 : i32
    %c0_i32_0 = arith.constant 0 : i32
    %c0_i32_1 = arith.constant 0 : i32
    return %c0_i32, %c0_i32_0 : i32, i32
  }
  func.func @transform_3(%arg0: i32) -> (i32, i32) {
    %c0_i32 = arith.constant 0 : i32
    %c0_i32_0 = arith.constant 0 : i32
    %c0_i32_1 = arith.constant 0 : i32
    return %c0_i32, %c0_i32_0 : i32, i32
  }
  func.func @transform_4(%arg0: i32) -> (i32, i32) {
    %c0_i32 = arith.constant 0 : i32
    %c0_i32_0 = arith.constant 0 : i32
    %c0_i32_1 = arith.constant 0 : i32
    return %c0_i32, %c0_i32_0 : i32, i32
  }
  func.func @transform_5(%arg0: i32) -> (i32, i32) {
    %c0_i32 = arith.constant 0 : i32
    %c0_i32_0 = arith.constant 0 : i32
    return %c0_i32, %arg0 : i32, i32
  }
  func.func @transform_6(%arg0: i32) -> (i32, i32) {
    %c0_i32 = arith.constant 0 : i32
    %c0_i32_0 = arith.constant 0 : i32
    return %c0_i32, %arg0 : i32, i32
  }
  func.func @transform_7(%arg0: i32) -> (i32, i32) {
    %c0_i32 = arith.constant 0 : i32
    %c0_i32_0 = arith.constant 0 : i32
    return %c0_i32, %arg0 : i32, i32
  }
}

</mosaic_0001>

<sc_bundles>
// kernel: kernel.5.cloned.1.call-start
scs
__scs_entry_jumppad:
0x0: {  	(pc) =	sbr.rel $0x88, $3  }
0x1: {  	(tag) =	ssettag $0x0;
	lr =	simm.s32 $0x1  }
0x2: {  	[smem:$0x3F95] =	sst lr;
	_ =	strace $0xD0000000  }
0x3: {  	_ = 	snop  }
0x4: {  	_ = 	snop  }
0x5: {  	_ = 	snop  }
0x6: {  	_ = 	snop  }
0x7: {  	_ = 	snop  }
__scs_overlays_trampoline_lowered:
0x8: {  	[smem:$0x3FA4] =	sst s0  }
0x9: {  	[smem:$0x3FA5] =	sst s1  }
0xa: {  	[smem:$0x3FA6] =	sst s2  }
0xb: {  	[smem:$0x3FA7] =	sst s3  }
0xc: {  	[smem:$0x3FA8] =	sst s4  }
0xd: {  	[smem:$0x3FA9] =	sst s5  }
0xe: {  	[smem:$0x3FAA] =	sst s6  }
0xf: {  	[smem:$0x3FAB] =	sst s7  }
0x10: {  	[smem:$0x3FAC] =	sst s8  }
0x11: {  	[smem:$0x3FAD] =	sst s9;
	s0 =	simm.s32 @!p0 $0x0  }
0x12: {  	s1 =	sld [smem:$0x3F93];
	s0 =	simm.s32 @p0 $0x1  }
0x13: {  	[smem:$0x3FAE] =	sst s0;
	s0 =	simm.s32 @!p1 $0x0  }
0x14: {  	s2 =	sld [smem:$0x3F92];
	s0 =	simm.s32 @p1 $0x1  }
0x15: {  	[smem:$0x3FAF] =	sst s0;
	s0 =	simm.s32 @!p2 $0x0  }
0x16: {  	s3 =	sld [smem:$0x3FDB];
	s0 =	simm.s32 @p2 $0x1  }
0x17: {  	s4 =	simm.s32 $0x1BF5;
	[smem:$0x3FB1] =	sst s0  }
0x18: {  	s0 =	sld [smem:$0x3F94];
	_ =	swait.ge [sflag:s4], $0x0  }
0x19: {  	s7 =	sld [smem:$0x3F95]  }
0x1a: {  	s8 =	sadd.s32 $0xFFFFE003, lr  }
0x1b: {  	s9 =	sadd.s32 $0xFFFFFEF7, lr;
	s5 =	simm.s32 $0xFFFFFFFF;
	p2 =	slt.u32 s8, $0xFFFFF086  }
0x1c: {  	p1 =	slt.u32 s9, $0xF7A;
	s5 =	simm.s32 @!p2 $0x0  }
0x1d: {  	s5 =	simm.s32 @p1 $0x1;
	p0 =	seq.s32 s7, s2  }
0x1e: {  	s7 =	smul.u32 @!p0 $0xF7A, s2;
	p2 =	seq.s32 @!p0 s5, $0x0  }
0x1f: {  	s9 =	smul.u32 $0xF7A, s1;
	s8 =	simm.s32 @!p0 $0x1BF5;
	p2 =	por !p2, p0  }
0x20: {  	[sflag:s8] =	ssyncset.s32 @!p0 $0xFFFFF086;
	s6 =	sadd.s32 @!p0 s3, s7;
	s7 =	simm.s32 @!p0 $0x108  }
0x21: {  	s3 =	sadd.s32 s3, s9;
	s6 =	sadd.s32 @!p0 $0x88, s6;
	s7 =	simm.s32 @p2 $0x1082  }
0x22: {  	[simem:s7], [sflag:s8] =	dma.local @!p0 [hbm:s6], $0xF7A  }
0x23: {  	s9 =	sor.u32 $0xD0000000, s2;
	s6 =	simm.s32 $0x108;
	_ =	swait.ge @!p0 [sflag:s8], $0x0  }
0x24: {  	s3 =	sadd.s32 $0x88, s3;
	s6 =	simm.s32 @!p1 $0x1082;
	[sflag:s4] =	ssyncset.s32 $0xFFFFF086  }
0x25: {  	[simem:s6], [sflag:s4] =	dma.local [hbm:s3], $0xF7A  }
0x26: {  	[smem:$0x3F95] =	sst s1;
	(tag) =	ssettag s2;
	_ =	strace s9  }
0x27: {  	s1 =	sld [smem:$0x3FA5]  }
0x28: {  	s2 =	sld [smem:$0x3FA6]  }
0x29: {  	s4 =	sld [smem:$0x3FA8]  }
0x2a: {  	p0 =	seq.s32 s5, $0x0;
	s5 =	sld [smem:$0x3FA9]  }
0x2b: {  	s6 =	sld [smem:$0x3FAA]  }
0x2c: {  	s7 =	sld [smem:$0x3FAB]  }
0x2d: {  	s3 =	simm.s32 $0x108;
	s8 =	sld [smem:$0x3FAC]  }
0x2e: {  	s3 =	simm.s32 @!p0 $0x1082;
	s9 =	sld [smem:$0x3FAD]  }
0x2f: {  	lr =	sadd.s32 s0, s3;
	s0 =	sld [smem:$0x3FA4]  }
0x30: {  	s3 =	sld [smem:$0x3FA7]  }
0x31: {  	[smem:$0x3FB0] =	sst s10  }
0x32: {  	s10 =	sld [smem:$0x3FAE];
	_ =	sdelay $0x3  }
0x33: {  	p0 =	seq.s32 s10, $0x1;
	s10 =	sld [smem:$0x3FB0];
	_ =	sdelay $0x3  }
0x34: {  	[smem:$0x3FB0] =	sst s10  }
0x35: {  	s10 =	sld [smem:$0x3FAF];
	_ =	sdelay $0x3  }
0x36: {  	p1 =	seq.s32 s10, $0x1;
	s10 =	sld [smem:$0x3FB0];
	_ =	sdelay $0x3  }
0x37: {  	[smem:$0x3FB0] =	sst s10  }
0x38: {  	s10 =	sld [smem:$0x3FB1]  }
0x39: {  	_ = 	snop;
	(pc) =	sbr.ind lr, $3  }
0x3a: {  	_ = 	snop  }
0x3b: {  	_ = 	snop  }
0x3c: {  	p2 =	seq.s32 s10, $0x1;
	s10 =	sld [smem:$0x3FB0]  }
0x3d: {  	_ =	shalt  }
0x3e: {  	_ =	shalt  }
0x3f: {  	_ =	shalt  }
0x40: {  	_ =	shalt  }
0x41: {  	_ =	shalt  }
0x42: {  	_ =	shalt  }
0x43: {  	_ =	shalt  }
0x44: {  	_ =	shalt  }
0x45: {  	_ =	shalt  }
0x46: {  	_ =	shalt  }
0x47: {  	_ =	shalt  }
0x48: {  	_ =	shalt  }
0x49: {  	_ =	shalt  }
0x4a: {  	_ =	shalt  }
0x4b: {  	_ =	shalt  }
0x4c: {  	_ =	shalt  }
0x4d: {  	_ =	shalt  }
0x4e: {  	_ =	shalt  }
0x4f: {  	_ =	shalt  }
0x50: {  	_ =	shalt  }
0x51: {  	_ =	shalt  }
0x52: {  	_ =	shalt  }
0x53: {  	_ =	shalt  }
0x54: {  	_ =	shalt  }
0x55: {  	_ =	shalt  }
0x56: {  	_ =	shalt  }
0x57: {  	_ =	shalt  }
0x58: {  	_ =	shalt  }
0x59: {  	_ =	shalt  }
0x5a: {  	_ =	shalt  }
0x5b: {  	_ =	shalt  }
0x5c: {  	_ =	shalt  }
0x5d: {  	_ =	shalt  }
0x5e: {  	_ =	shalt  }
0x5f: {  	_ =	shalt  }
0x60: {  	_ =	shalt  }
0x61: {  	_ =	shalt  }
0x62: {  	_ =	shalt  }
0x63: {  	_ =	shalt  }
0x64: {  	_ =	shalt  }
0x65: {  	_ =	shalt  }
0x66: {  	_ =	shalt  }
0x67: {  	_ =	shalt  }
0x68: {  	_ =	shalt  }
0x69: {  	_ =	shalt  }
0x6a: {  	_ =	shalt  }
0x6b: {  	_ =	shalt  }
0x6c: {  	_ =	shalt  }
0x6d: {  	_ =	shalt  }
0x6e: {  	_ =	shalt  }
0x6f: {  	_ =	shalt  }
0x70: {  	_ =	shalt  }
0x71: {  	_ =	shalt  }
0x72: {  	_ =	shalt  }
0x73: {  	_ =	shalt  }
0x74: {  	_ =	shalt  }
0x75: {  	_ =	shalt  }
0x76: {  	_ =	shalt  }
0x77: {  	_ =	shalt  }
0x78: {  	_ =	shalt  }
0x79: {  	_ =	shalt  }
0x7a: {  	_ =	shalt  }
0x7b: {  	_ =	shalt  }
0x7c: {  	_ =	shalt  }
0x7d: {  	_ =	shalt  }
0x7e: {  	_ =	shalt  }
0x7f: {  	_ =	shalt  }
0x80: {  	_ =	shalt  }
0x81: {  	_ =	shalt  }
0x82: {  	_ =	shalt  }
0x83: {  	_ =	shalt  }
0x84: {  	_ =	shalt  }
0x85: {  	_ =	shalt  }
0x86: {  	_ =	shalt  }
0x87: {  	_ =	shalt  }
.Lfunc_end0:
.L_simem_size_0:
called_computation_lowered:
.L_overlay_start_0:
0x88: {  	s2 =	sld [smem:$0x3FD9]  }
0x89: {  	s3 =	sld [smem:$0x3FFE];
	_ =	sdelay $0x1  }
0x8a: {  	s1 =	srdreg.scid  }
0x8b: {  	s0 =	sand.u32 $0x1, s1  }
0x8c: {  	s14 =	sshll.u32 s0, $0xA;
	s2 =	sadd.s32 s3, s2  }
0x8d: {  	s2 =	sadd.s32 s2, s14  }
0x8e: {  	[smem:$0x3FBC] =	sst s2  }
0x8f: {  	_ = 	snop  }
0x90: {  	s2 =	sld [smem:$0x3FD0];
	_ =	sdelay $0x2  }
0x91: {  	s15 =	simm.s32 $0xA;
	s4 =	simm.s32 $0x10  }
0x92: {  	[smem:s4], [sflag:s15] =	dma.local [hbm:s2], $0x1  }
0x93: {  	_ =	swait.eq [sflag:s15], $0x1  }
0x94: {  	[sflag:s15] =	ssyncset.done $0x0  }
0x95: {  	s16 =	sld [smem:$0x11];
	[sflag:s15] =	ssyncadd.s32 $0xFFFFFFFF  }
0x96: {  	s17 =	sld [smem:$0x12];
	(tm) =	ssettm $0x1  }
0x97: {  	s18 =	sld [smem:$0x3FFB];
	_ =	sdelay $0x3  }
0x98: {  	_ =	strace s18  }
0x99: {  	s4 =	sld [smem:$0x3FFC];
	_ =	sdelay $0x3  }
0x9a: {  	_ =	strace s4  }
0x9b: {  	s4 =	sld [smem:$0x3FFD];
	_ =	sdelay $0x3  }
0x9c: {  	_ =	strace s4  }
0x9d: {  	_ =	strace $0x8FFFFFFF  }
0x9e: {  	s19 =	sld [smem:$0x3FDB];
	_ =	sdelay $0x1  }
0x9f: {  	s5 =	simm.s32 $_scs_section_size  }
0xa0: {  	s6 =	simm.s32 $_size__tile_overlayer_lowered;
	s7 =	simm.s32 $_tile_overlayer_lowered  }
0xa1: {  	s22 =	simm.s32 $0x1BFF;
	s21 =	sshll.u32 s7, $0x1;
	s4 =	sadd.s32 s5, s19  }
0xa2: {  	s8 =	simm.s32 $0x0;
	s20 =	sshll.u32 s6, $0x1;
	s6 =	sadd.s32 s21, s4  }
0xa3: {  	[timem:s8], [sflag:s22] =	dma.local [hbm:s6], s20  }
0xa4: {  	_ =	swait.ge [sflag:s22], s20  }
0xa5: {  	s5 =	ssub.s32 $0x0, s20;
	[sflag:s22] =	ssyncset.done $0x0  }
0xa6: {  	[sflag:s22] =	ssyncadd.s32 s5;
	_ =	sdelay $0x1  }
0xa7: {  	s23 =	simm.s32 $0x1B8B  }
0xa8: {  	_ =	swait.ge [sflag:s23], $0x1  }
0xa9: {  	[sflag:s23] =	ssyncset.done $0x0  }
0xaa: {  	s25 =	simm.s32 $0x1B8E;
	s24 =	sld [smem:$0x3FFE];
	[sflag:s23] =	ssyncadd.s32 $0xFFFFFFFF  }
0xab: {  	s26 =	simm.s32 $execute0_lowered;
	[smem:$0x3FD2] =	sst s25  }
0xac: {  	s6 =	sshll.u32 s26, $0x1;
	_ =	strace $0x80000046;
	[dreg:$0x1] =	wrdreg $0xFFFFFFFF  }
0xad: {  	s28 =	simm.s32 $_size_execute0_lowered;
	s4 =	sadd.s32 s4, s6;
	[dreg:$0x0] =	wrdreg $0x0  }
0xae: {  	s6 =	sshll.u32 s28, $0x1;
	[dreg:$0x2] =	wrdreg s4  }
0xaf: {  	[dreg:$0x3] =	wrdreg s6  }
0xb0: {  	[dreg:$0x4] =	wrdreg $0xC0  }
0xb1: {  	_ =	task [dreg:s8], $0x5FFFF  }
0xb2: {  	[dreg:$0x1] =	wrdreg $0xFFFFFFFF  }
0xb3: {  	[dreg:$0x0] =	wrdreg $0x60  }
0xb4: {  	[dreg:$0x2] =	wrdreg s16  }
0xb5: {  	[dreg:$0x3] =	wrdreg s17  }
0xb6: {  	[dreg:$0x4] =	wrdreg s24  }
0xb7: {  	[dreg:$0x5] =	wrdreg $0x9  }
0xb8: {  	_ =	task.clear_ibuf [dreg:s8], $0x6FFFF;
	_ =	strace $0x90000046  }
0xb9: {  	s29 =	simm.s32 $0x9;
	_ =	strace $0x80000048  }
0xba: {  	_ =	swait.ge [sflag:s29], $0x1  }
0xbb: {  	[sflag:s29] =	ssyncadd.s32 $0xFFFFFFFF  }
0xbc: {  	_ =	strace $0x90000048  }
0xbd: {  	_ =	sfence  }
0xbe: {  	s30 =	sld [smem:$0x0];
	_ =	sdelay $0x2  }
0xbf: {  	s31 =	sshll.u32 s1, $0xD;
	s1 =	sshrl.u32 s1, $0x2  }
0xc0: {  	s3 =	sand.u32 $0x4000, s31;
	s1 =	sadd.s32 s1, s30  }
0xc1: {  	s0 =	sor.u32 s3, s0;
	s1 =	sshll.u32 s1, $0x11  }
0xc2: {  	s0 =	sor.u32 s1, s0  }
0xc3: {  	s0 =	sadd.s32 $0x8F2B, s0  }
0xc4: {  	[sflag:s0] =	ssyncadd.remote.s32 $0x1  }
0xc5: {  	_ =	sfence.sel $0xFFFF  }
0xc6: {  	[dreg:$0x0] =	wrdreg $0xFFFFFFFF;
	(pc) =	sbr.abs _section_cstart, $3  }
0xc7: {  	[dreg:$0x1] =	wrdreg $0xFFFFFFFF  }
0xc8: {  	_ =	task.clear_ibuf [dreg:s8], $0x2FFFF;
	_ =	strace $0x9FFFFFFF  }
0xc9: {  	(tm) =	ssettm $0x7FFFFFFF  }
tec
execute0_lowered:
.L_overlay_start_1:
0x0: {  	(tag) =	ssettag $0x1  }
0x1: {  	s5 =	rddreg [dreg:$0x0]  }
0x2: {  	s7 =	rddreg [dreg:$0x1]  }
0x3: {  	s6 =	rddreg [dreg:$0x2];
	s1 =	simm.s32 $0x0;
	v0 =	vlaneseq.u32  }
0x4: {  	[smem:$0x7FF] =	sst s1;
	v2 =	vor.u32 $0x80, v0  }
0x5: {  	s0 =	rddreg [dreg:$0x3];
	v3 =	vor.u32 $0x100, v0;
	_ =	strace $0x80000047;
	[tilespmem:$0x1FE40] =	vst v2  }
0x6: {  	v4 =	vor.u32 $0x180, v0;
	[tilespmem:$0x1FE50] =	vst v3  }
0x7: {  	v5 =	vor.u32 $0x200, v0;
	[tilespmem:$0x1FE60] =	vst v4  }
0x8: {  	v6 =	vor.u32 $0x280, v0;
	[tilespmem:$0x1FE70] =	vst v5  }
0x9: {  	v7 =	vor.u32 $0x300, v0;
	[tilespmem:$0x1FE80] =	vst v6  }
0xa: {  	v8 =	vor.u32 $0x380, v0;
	[tilespmem:$0x1FE90] =	vst v7  }
0xb: {  	v9 =	vor.u32 $0x1000, v0;
	[tilespmem:$0x1FEA0] =	vst v8  }
0xc: {  	v10 =	vor.u32 $0x1080, v0;
	[tilespmem:$0x1FEB0] =	vst v9  }
0xd: {  	v11 =	vor.u32 $0x1100, v0;
	[tilespmem:$0x1FEC0] =	vst v10  }
0xe: {  	v12 =	vor.u32 $0x1180, v0;
	[tilespmem:$0x1FED0] =	vst v11  }
0xf: {  	v13 =	vor.u32 $0x1200, v0;
	[tilespmem:$0x1FEE0] =	vst v12  }
0x10: {  	v14 =	vor.u32 $0x1280, v0;
	[tilespmem:$0x1FEF0] =	vst v13  }
0x11: {  	v15 =	vor.u32 $0x1300, v0;
	[tilespmem:$0x1FF00] =	vst v14  }
0x12: {  	v16 =	vor.u32 $0x1380, v0;
	[tilespmem:$0x1FF10] =	vst v15  }
0x13: {  	v25 =	vor.u32 $0x400, v0;
	[tilespmem:$0x1FF20] =	vst v16  }
0x14: {  	v26 =	vor.u32 $0x480, v0;
	[tilespmem:$0x1FF40] =	vst v25  }
0x15: {  	v27 =	vor.u32 $0x500, v0;
	[tilespmem:$0x1FF50] =	vst v26  }
0x16: {  	s4 =	srdreg.scid;
	v28 =	vor.u32 $0x580, v0;
	[tilespmem:$0x1FF60] =	vst v27  }
0x17: {  	s2 =	stileid.u32;
	s12 =	simm.s32 $0x200;
	s13 =	simm.s32 $0x600;
	v17 =	vor.u32 $0x600, v0;
	[tilespmem:$0x1FF70] =	vst v28  }
0x18: {  	s14 =	simm.s32 $0x280;
	s15 =	simm.s32 $0x4600;
	s16 =	simm.s32 $0x1;
	v18 =	vor.u32 $0x680, v0;
	[tilespmem:$0x1FF80] =	vst v17  }
0x19: {  	s17 =	simm.s32 $0x8600;
	s18 =	simm.s32 $0x300;
	s19 =	simm.s32 $0x380;
	v19 =	vor.u32 $0x700, v0;
	[tilespmem:$0x1FF90] =	vst v18  }
0x1a: {  	s20 =	simm.s32 $0x1000;
	s21 =	simm.s32 $0x20000;
	s4 =	sand.u32 $0x1, s4;
	v20 =	vor.u32 $0x780, v0;
	[tilespmem:$0x1FFA0] =	vst v19  }
0x1b: {  	s22 =	simm.s32 $0x0;
	s8 =	sshll.u32 s2, $0xA;
	v21 =	vor.u32 $0x1400, v0;
	s9 =	sshll.u32 s4, $0x9;
	[tilespmem:$0x1FFB0] =	vst v20  }
0x1c: {  	s3 =	sadd.s32 $0x2400, s6;
	v22 =	vor.u32 $0x1480, v0;
	s10 =	ssub.s32 $0x2, s4;
	[tilespmem:$0x1FFC0] =	vst v21;
	s8 =	sor.u32 s9, s8  }
0x1d: {  	v23 =	vor.u32 $0x1500, v0;
	s4 =	sadd.s32 $0x1F2400, s6;
	[tilespmem:$0x1FFD0] =	vst v22;
	s31 =	sshrl.u32 s10, $0x1;
	s11 =	sadd.s32 s8, s6  }
0x1e: {  	v24 =	vmul.u32 $0x80, v0;
	v35 =	vor.u32 $0x1580, v0;
	[tilespmem:$0x1FFE0] =	vst v23;
	s9 =	ssub.s32 s10, s31;
	s8 =	sshrl.u32 s8, $0x3;
	s10 =	simm.s32 $0x2  }
0x1f: {  	[tilespmem:$0x1FFF0] =	vst v35;
	s5 =	sadd.s32 s5, s8;
	s6 =	sadd.s32 $0x3E2400, s11;
	s7 =	sadd.s32 s7, s8  }
0x20: {  	[tilespmem:$0x1FF30] =	vst v24;
	s8 =	sadd.s32 $0x3EA400, s11;
	s9 =	smax.u32 s9, $0x1;
	s11 =	simm.s32 $0x80  }
.LBB2_1:
0x21: {  	[tilespmem:s1], [sflag:$0x2] =	stream.linear.gather [hbm4b:s5+s1], $0x200, $0x38;
	[tilespmem:$0xA600] =	vst v63  }
0x22: {  	_ =	swait.ge [sflag:s10], $0x200  }
0x23: {  	[sflag:s10] =	ssyncset.done $0x0  }
0x24: {  	[sflag:s10] =	ssyncadd.s32 $0xFFFFFE00  }
0x25: {  	v1 =	vld [tilespmem:$0x0];
	_ =	sdelay $0x1  }
0x26: {  	v29 =	vld [tilespmem:$0x10];
	_ =	sdelay $0x1  }
0x27: {  	v30 =	vld [tilespmem:$0x20]  }
0x28: {  	v31 =	vshrl.u32 v1, $0x3  }
0x29: {  	v33 =	vld [tilespmem:$0x30];
	v32 =	vand.u32 $0xFFF, v1;
	v31 =	vand.u32 $0x1FFFF000, v31  }
0x2a: {  	v1 =	vshrl.u32 v1, $0x8;
	v42 =	vshrl.u32 v29, $0x3;
	v31 =	vor.u32 v32, v31  }
0x2b: {  	v34 =	vld [tilespmem:$0x40];
	v43 =	vand.u32 $0xFFF, v29;
	v1 =	vand.u32 $0x70, v1;
	[tilespmem:$0x200] =	vst v31;
	v31 =	vand.u32 $0x1FFFF000, v42  }
0x2c: {  	v29 =	vshrl.u32 v29, $0x8;
	[tilespmem:$0x400] =	vst v1;
	v1 =	vor.u32 v43, v31;
	v31 =	vshrl.u32 v30, $0x3  }
0x2d: {  	v44 =	vld [tilespmem:$0x50];
	[tilespmem:$0x210] =	vst v1;
	v1 =	vand.u32 $0x70, v29;
	v29 =	vand.u32 $0x1FFFF000, v31;
	v31 =	vand.u32 $0xFFF, v30  }
0x2e: {  	[tilespmem:$0x410] =	vst v1;
	v1 =	vor.u32 v31, v29;
	v29 =	vshrl.u32 v30, $0x8;
	v30 =	vshrl.u32 v33, $0x3  }
0x2f: {  	v31 =	vld [tilespmem:$0x60];
	[tilespmem:$0x220] =	vst v1;
	v1 =	vand.u32 $0x70, v29;
	v29 =	vand.u32 $0x1FFFF000, v30;
	v30 =	vand.u32 $0xFFF, v33  }
0x30: {  	[tilespmem:$0x420] =	vst v1;
	v1 =	vor.u32 v30, v29;
	v29 =	vshrl.u32 v33, $0x8;
	v30 =	vshrl.u32 v34, $0x3  }
0x31: {  	v45 =	vld [tilespmem:$0x70];
	[tilespmem:$0x230] =	vst v1;
	v1 =	vand.u32 $0x70, v29;
	v29 =	vand.u32 $0x1FFFF000, v30;
	v30 =	vand.u32 $0xFFF, v34  }
0x32: {  	[tilespmem:$0x430] =	vst v1;
	v1 =	vor.u32 v30, v29;
	v29 =	vshrl.u32 v34, $0x8;
	v30 =	vshrl.u32 v44, $0x3  }
0x33: {  	v46 =	vld [tilespmem:$0x80];
	[tilespmem:$0x240] =	vst v1;
	v1 =	vand.u32 $0x70, v29;
	v29 =	vand.u32 $0x1FFFF000, v30;
	v30 =	vand.u32 $0xFFF, v44  }
0x34: {  	[tilespmem:$0x440] =	vst v1;
	v1 =	vor.u32 v30, v29;
	v29 =	vshrl.u32 v44, $0x8;
	v30 =	vshrl.u32 v31, $0x3  }
0x35: {  	v47 =	vld [tilespmem:$0x90];
	[tilespmem:$0x250] =	vst v1;
	v1 =	vand.u32 $0x70, v29;
	v29 =	vand.u32 $0x1FFFF000, v30;
	v30 =	vand.u32 $0xFFF, v31  }
0x36: {  	[tilespmem:$0x450] =	vst v1;
	v1 =	vor.u32 v30, v29;
	v29 =	vshrl.u32 v31, $0x8;
	v30 =	vshrl.u32 v45, $0x3  }
0x37: {  	v31 =	vld [tilespmem:$0xA0];
	[tilespmem:$0x260] =	vst v1;
	v1 =	vand.u32 $0x70, v29;
	v29 =	vand.u32 $0x1FFFF000, v30;
	v30 =	vand.u32 $0xFFF, v45  }
0x38: {  	[tilespmem:$0x460] =	vst v1;
	v1 =	vor.u32 v30, v29;
	v29 =	vshrl.u32 v45, $0x8;
	v30 =	vshrl.u32 v46, $0x3  }
0x39: {  	v48 =	vld [tilespmem:$0xB0];
	[tilespmem:$0x270] =	vst v1;
	v1 =	vand.u32 $0x70, v29;
	v29 =	vand.u32 $0x1FFFF000, v30;
	v30 =	vand.u32 $0xFFF, v46  }
0x3a: {  	[tilespmem:$0x470] =	vst v1;
	v1 =	vor.u32 v30, v29;
	v29 =	vshrl.u32 v46, $0x8;
	v30 =	vshrl.u32 v47, $0x3  }
0x3b: {  	v49 =	vld [tilespmem:$0xC0];
	[tilespmem:$0x280] =	vst v1;
	v1 =	vand.u32 $0x70, v29;
	v29 =	vand.u32 $0x1FFFF000, v30;
	v30 =	vand.u32 $0xFFF, v47  }
0x3c: {  	[tilespmem:$0x480] =	vst v1;
	v1 =	vor.u32 v30, v29;
	v29 =	vshrl.u32 v47, $0x8;
	v30 =	vshrl.u32 v31, $0x3  }
0x3d: {  	v50 =	vld [tilespmem:$0xD0];
	[tilespmem:$0x290] =	vst v1;
	v1 =	vand.u32 $0x70, v29;
	v29 =	vand.u32 $0x1FFFF000, v30;
	v30 =	vand.u32 $0xFFF, v31  }
0x3e: {  	[tilespmem:$0x490] =	vst v1;
	v1 =	vor.u32 v30, v29;
	v29 =	vshrl.u32 v31, $0x8;
	v30 =	vshrl.u32 v48, $0x3  }
0x3f: {  	v31 =	vld [tilespmem:$0xE0];
	[tilespmem:$0x2A0] =	vst v1;
	v1 =	vand.u32 $0x70, v29;
	v29 =	vand.u32 $0x1FFFF000, v30;
	v30 =	vand.u32 $0xFFF, v48  }
0x40: {  	[tilespmem:$0x4A0] =	vst v1;
	v1 =	vor.u32 v30, v29;
	v29 =	vshrl.u32 v48, $0x8;
	v30 =	vshrl.u32 v49, $0x3  }
0x41: {  	v51 =	vld [tilespmem:$0xF0];
	[tilespmem:$0x2B0] =	vst v1;
	v1 =	vand.u32 $0x70, v29;
	v29 =	vand.u32 $0x1FFFF000, v30;
	v30 =	vand.u32 $0xFFF, v49  }
0x42: {  	[tilespmem:$0x4B0] =	vst v1;
	v1 =	vor.u32 v30, v29;
	v29 =	vshrl.u32 v49, $0x8;
	v30 =	vshrl.u32 v50, $0x3  }
0x43: {  	v52 =	vld [tilespmem:$0x100];
	[tilespmem:$0x2C0] =	vst v1;
	v1 =	vand.u32 $0x70, v29;
	v29 =	vand.u32 $0x1FFFF000, v30;
	v30 =	vand.u32 $0xFFF, v50  }
0x44: {  	[tilespmem:$0x4C0] =	vst v1;
	v1 =	vor.u32 v30, v29;
	v29 =	vshrl.u32 v50, $0x8;
	v30 =	vshrl.u32 v31, $0x3  }
0x45: {  	v53 =	vld [tilespmem:$0x110];
	[tilespmem:$0x2D0] =	vst v1;
	v1 =	vand.u32 $0x70, v29;
	v29 =	vand.u32 $0x1FFFF000, v30;
	v30 =	vand.u32 $0xFFF, v31  }
0x46: {  	[tilespmem:$0x4D0] =	vst v1;
	v1 =	vor.u32 v30, v29;
	v29 =	vshrl.u32 v31, $0x8;
	v30 =	vshrl.u32 v51, $0x3  }
0x47: {  	v31 =	vld [tilespmem:$0x120];
	[tilespmem:$0x2E0] =	vst v1;
	v1 =	vand.u32 $0x70, v29;
	v29 =	vand.u32 $0x1FFFF000, v30;
	v30 =	vand.u32 $0xFFF, v51  }
0x48: {  	[tilespmem:$0x4E0] =	vst v1;
	v1 =	vor.u32 v30, v29;
	v29 =	vshrl.u32 v51, $0x8;
	v30 =	vshrl.u32 v52, $0x3  }
0x49: {  	v54 =	vld [tilespmem:$0x130];
	[tilespmem:$0x2F0] =	vst v1;
	v1 =	vand.u32 $0x70, v29;
	v29 =	vand.u32 $0x1FFFF000, v30;
	v30 =	vand.u32 $0xFFF, v52  }
0x4a: {  	[tilespmem:$0x4F0] =	vst v1;
	v1 =	vor.u32 v30, v29;
	v29 =	vshrl.u32 v52, $0x8;
	v30 =	vshrl.u32 v53, $0x3  }
0x4b: {  	v55 =	vld [tilespmem:$0x140];
	[tilespmem:$0x300] =	vst v1;
	v1 =	vand.u32 $0x70, v29;
	v29 =	vand.u32 $0x1FFFF000, v30;
	v30 =	vand.u32 $0xFFF, v53  }
0x4c: {  	[tilespmem:$0x500] =	vst v1;
	v1 =	vor.u32 v30, v29;
	v29 =	vshrl.u32 v53, $0x8;
	v30 =	vshrl.u32 v31, $0x3  }
0x4d: {  	v56 =	vld [tilespmem:$0x150];
	[tilespmem:$0x310] =	vst v1;
	v1 =	vand.u32 $0x70, v29;
	v29 =	vand.u32 $0x1FFFF000, v30;
	v30 =	vand.u32 $0xFFF, v31  }
0x4e: {  	[tilespmem:$0x510] =	vst v1;
	v1 =	vor.u32 v30, v29;
	v29 =	vshrl.u32 v31, $0x8;
	v30 =	vshrl.u32 v54, $0x3  }
0x4f: {  	v31 =	vld [tilespmem:$0x160];
	[tilespmem:$0x320] =	vst v1;
	v1 =	vand.u32 $0x70, v29;
	v29 =	vand.u32 $0x1FFFF000, v30;
	v30 =	vand.u32 $0xFFF, v54  }
0x50: {  	[tilespmem:$0x520] =	vst v1;
	v1 =	vor.u32 v30, v29;
	v29 =	vshrl.u32 v54, $0x8;
	v30 =	vshrl.u32 v55, $0x3  }
0x51: {  	v57 =	vld [tilespmem:$0x170];
	[tilespmem:$0x330] =	vst v1;
	v1 =	vand.u32 $0x70, v29;
	v29 =	vand.u32 $0x1FFFF000, v30;
	v30 =	vand.u32 $0xFFF, v55  }
0x52: {  	[tilespmem:$0x530] =	vst v1;
	v1 =	vor.u32 v30, v29;
	v29 =	vshrl.u32 v55, $0x8;
	v30 =	vshrl.u32 v56, $0x3  }
0x53: {  	v58 =	vld [tilespmem:$0x180];
	[tilespmem:$0x340] =	vst v1;
	v1 =	vand.u32 $0x70, v29;
	v29 =	vand.u32 $0x1FFFF000, v30;
	v30 =	vand.u32 $0xFFF, v56  }
0x54: {  	[tilespmem:$0x540] =	vst v1;
	v1 =	vor.u32 v30, v29;
	v29 =	vshrl.u32 v56, $0x8;
	v30 =	vshrl.u32 v31, $0x3  }
0x55: {  	v59 =	vld [tilespmem:$0x190];
	[tilespmem:$0x350] =	vst v1;
	v1 =	vand.u32 $0x70, v29;
	v29 =	vand.u32 $0x1FFFF000, v30;
	v30 =	vand.u32 $0xFFF, v31  }
0x56: {  	[tilespmem:$0x550] =	vst v1;
	v1 =	vor.u32 v30, v29;
	v29 =	vshrl.u32 v31, $0x8;
	v30 =	vshrl.u32 v57, $0x3  }
0x57: {  	v31 =	vld [tilespmem:$0x1A0];
	[tilespmem:$0x360] =	vst v1;
	v1 =	vand.u32 $0x70, v29;
	v29 =	vand.u32 $0x1FFFF000, v30;
	v30 =	vand.u32 $0xFFF, v57  }
0x58: {  	[tilespmem:$0x560] =	vst v1;
	v1 =	vor.u32 v30, v29;
	v29 =	vshrl.u32 v57, $0x8;
	v30 =	vshrl.u32 v58, $0x3  }
0x59: {  	v60 =	vld [tilespmem:$0x1B0];
	[tilespmem:$0x370] =	vst v1;
	v1 =	vand.u32 $0x70, v29;
	v29 =	vand.u32 $0x1FFFF000, v30;
	v30 =	vand.u32 $0xFFF, v58  }
0x5a: {  	[tilespmem:$0x570] =	vst v1;
	v1 =	vor.u32 v30, v29;
	v29 =	vshrl.u32 v58, $0x8;
	v30 =	vshrl.u32 v59, $0x3  }
0x5b: {  	v61 =	vld [tilespmem:$0x1C0];
	[tilespmem:$0x380] =	vst v1;
	v1 =	vand.u32 $0x70, v29;
	v29 =	vand.u32 $0x1FFFF000, v30;
	v30 =	vand.u32 $0xFFF, v59  }
0x5c: {  	[tilespmem:$0x580] =	vst v1;
	v1 =	vor.u32 v30, v29;
	v29 =	vshrl.u32 v59, $0x8;
	v30 =	vshrl.u32 v31, $0x3  }
0x5d: {  	v62 =	vld [tilespmem:$0x1D0];
	[tilespmem:$0x390] =	vst v1;
	v1 =	vand.u32 $0x70, v29;
	v29 =	vand.u32 $0x1FFFF000, v30;
	v30 =	vand.u32 $0xFFF, v31  }
0x5e: {  	[tilespmem:$0x590] =	vst v1;
	v1 =	vor.u32 v30, v29;
	v29 =	vshrl.u32 v31, $0x8;
	v30 =	vshrl.u32 v60, $0x3  }
0x5f: {  	v31 =	vld [tilespmem:$0x1E0];
	[tilespmem:$0x3A0] =	vst v1;
	v1 =	vand.u32 $0x70, v29;
	v29 =	vand.u32 $0x1FFFF000, v30;
	v30 =	vand.u32 $0xFFF, v60  }
0x60: {  	[tilespmem:$0x5A0] =	vst v1;
	v1 =	vor.u32 v30, v29;
	v29 =	vshrl.u32 v60, $0x8;
	v30 =	vshrl.u32 v61, $0x3  }
0x61: {  	v63 =	vld [tilespmem:$0x1F0];
	[tilespmem:$0x3B0] =	vst v1;
	v1 =	vand.u32 $0x70, v29;
	v29 =	vand.u32 $0x1FFFF000, v30;
	v30 =	vand.u32 $0xFFF, v61  }
0x62: {  	[tilespmem:$0x5B0] =	vst v1;
	v1 =	vor.u32 v30, v29;
	v29 =	vshrl.u32 v61, $0x8;
	v30 =	vshrl.u32 v62, $0x3  }
0x63: {  	[tilespmem:$0x3C0] =	vst v1;
	v1 =	vand.u32 $0x70, v29;
	v29 =	vand.u32 $0x1FFFF000, v30;
	v30 =	vand.u32 $0xFFF, v62  }
0x64: {  	[tilespmem:$0x5C0] =	vst v1;
	v1 =	vor.u32 v30, v29;
	v29 =	vshrl.u32 v62, $0x8;
	v30 =	vshrl.u32 v31, $0x3  }
0x65: {  	[tilespmem:$0x3D0] =	vst v1;
	v1 =	vand.u32 $0x70, v29;
	v29 =	vand.u32 $0x1FFFF000, v30;
	v30 =	vand.u32 $0xFFF, v31  }
0x66: {  	[tilespmem:$0x5D0] =	vst v1;
	v1 =	vor.u32 v30, v29;
	v29 =	vshrl.u32 v31, $0x8;
	v30 =	vshrl.u32 v63, $0x3  }
0x67: {  	[tilespmem:$0x3E0] =	vst v1;
	v1 =	vand.u32 $0x70, v29;
	v29 =	vand.u32 $0x1FFFF000, v30;
	v30 =	vand.u32 $0xFFF, v63  }
0x68: {  	[tilespmem:$0x5E0] =	vst v1;
	v1 =	vor.u32 v30, v29;
	v29 =	vshrl.u32 v63, $0x8  }
0x69: {  	[tilespmem:$0x3F0] =	vst v1;
	v1 =	vand.u32 $0x70, v29  }
0x6a: {  	[tilespmem:$0x5F0] =	vst v1  }
0x6b: {  	[tilespmem:s13], [sflag:$0x1] =	stream.indirect.gather [hbm4b:s3+s11], $0x80, s12, s11, $0xb8;
	[tilespmem:$0xA600] =	vst v63  }
0x6c: {  	_ = 	snop  }
0x6d: {  	[tilespmem:s15], [sflag:$0x1] =	stream.indirect.gather [hbm4b:s3+s11], $0x80, s14, s11, $0xb8;
	[tilespmem:$0xA600] =	vst v63  }
0x6e: {  	_ =	swait.ge [sflag:s16], $0x4000  }
0x6f: {  	[sflag:s16] =	ssyncset.done $0x0  }
0x70: {  	s23 =	simm.s32 $0x400;
	s24 =	simm.s32 $0x0;
	[sflag:s16] =	ssyncadd.s32 $0xFFFFC000  }
.LBB2_2:
0x71: {  	v1 =	vld [tilespmem:s23+$0x0];
	_ =	sdelay $0x2  }
0x72: {  	v29 =	vor.u32 s24, v0  }
0x73: {  	v31 =	vshll.u32 v29, $0x7  }
0x74: {  	v30 =	vand.u32 $0xFFFFFF80, v1;
	v32 =	vand.u32 $0x7F, v1;
	v33 =	vadd.s32 $0x1, v1  }
0x75: {  	v34 =	vadd.s32 $0x2, v1;
	v35 =	vadd.s32 $0x3, v1;
	v37 =	vadd.s32 $0x4, v1  }
0x76: {  	v53 =	vadd.s32 $0x5, v1;
	v38 =	vadd.s32 $0x6, v1;
	v40 =	vadd.s32 $0x7, v1  }
0x77: {  	v58 =	vadd.s32 $0x8, v1;
	v41 =	vadd.s32 $0x9, v1;
	v43 =	vadd.s32 $0xA, v1  }
0x78: {  	v63 =	vadd.s32 $0xB, v1;
	v44 =	vadd.s32 $0xC, v1;
	v46 =	vadd.s32 $0xD, v1  }
0x79: {  	v30 =	vadd.s32 v31, v30;
	v48 =	vand.u32 $0xFFFFFF80, v33;
	v33 =	vand.u32 $0x7F, v33  }
0x7a: {  	v49 =	vand.u32 $0xFFFFFF80, v34;
	v34 =	vand.u32 $0x7F, v34;
	v36 =	vand.u32 $0xFFFFFF80, v35  }
0x7b: {  	v35 =	vand.u32 $0x7F, v35;
	v51 =	vand.u32 $0xFFFFFF80, v37;
	v52 =	vand.u32 $0x7F, v37  }
0x7c: {  	v54 =	vand.u32 $0xFFFFFF80, v53;
	v37 =	vand.u32 $0x7F, v53;
	v39 =	vand.u32 $0xFFFFFF80, v38  }
0x7d: {  	v38 =	vand.u32 $0x7F, v38;
	v56 =	vand.u32 $0xFFFFFF80, v40;
	v57 =	vand.u32 $0x7F, v40  }
0x7e: {  	v59 =	vand.u32 $0xFFFFFF80, v58;
	v40 =	vand.u32 $0x7F, v58;
	v42 =	vand.u32 $0xFFFFFF80, v41  }
0x7f: {  	v41 =	vand.u32 $0x7F, v41;
	v30 =	vor.u32 v32, v30;
	v32 =	vadd.s32 v31, v48  }
0x80: {  	v61 =	vand.u32 $0xFFFFFF80, v43;
	v36 =	vadd.s32 v31, v36;
	v32 =	vor.u32 v33, v32  }
0x81: {  	v62 =	vand.u32 $0x7F, v43;
	v39 =	vadd.s32 v31, v39;
	v50 =	vor.u32 v35, v36  }
0x82: {  	v45 =	vand.u32 $0xFFFFFF80, v44;
	v42 =	vadd.s32 v31, v42;
	v55 =	vor.u32 v38, v39  }
0x83: {  	v44 =	vand.u32 $0x7F, v44;
	v45 =	vadd.s32 v31, v45;
	v60 =	vor.u32 v41, v42  }
0x84: {  	v43 =	vand.u32 $0x7F, v63;
	v33 =	vadd.s32 v31, v49;
	v49 =	vor.u32 v44, v45;
	v30 =	vld.idx.msk [tilespmem:v30+s13+$0x0], $0xffff  }
0x85: {  	v48 =	vand.u32 $0xFFFFFF80, v63;
	v35 =	vadd.s32 v31, v51;
	v33 =	vor.u32 v34, v33;
	v32 =	vld.idx.msk [tilespmem:v32+s13+$0x0], $0xffff  }
0x86: {  	v36 =	vadd.s32 v31, v54;
	v38 =	vadd.s32 v31, v56;
	v35 =	vor.u32 v52, v35;
	v34 =	vld.idx.msk [tilespmem:v50+s13+$0x0], $0xffff  }
0x87: {  	v39 =	vadd.s32 v31, v59;
	v41 =	vadd.s32 v31, v61;
	v36 =	vor.u32 v37, v36;
	v37 =	vld.idx.msk [tilespmem:v55+s13+$0x0], $0xffff  }
0x88: {  	v42 =	vadd.s32 v31, v48;
	v38 =	vor.u32 v57, v38;
	v39 =	vor.u32 v40, v39;
	v40 =	vld.idx.msk [tilespmem:v60+s13+$0x0], $0xffff  }
0x89: {  	v51 =	vand.u32 $0x7F, v46;
	v41 =	vor.u32 v62, v41;
	v52 =	vadd.s32 $0xE, v1;
	v54 =	vld.idx.msk [tilespmem:v49+s13+$0x0], $0xffff  }
0x8a: {  	v42 =	vor.u32 v43, v42;
	v1 =	vadd.s32 $0xF, v1;
	v53 =	vand.u32 $0xFFFFFF80, v52;
	v33 =	vld.idx.msk [tilespmem:v33+s13+$0x0], $0xffff  }
0x8b: {  	v45 =	vadd.s32 v31, v53;
	v50 =	vand.u32 $0xFFFFFF80, v46;
	v46 =	vand.u32 $0x7F, v52;
	v35 =	vld.idx.msk [tilespmem:v35+s13+$0x0], $0xffff  }
0x8c: {  	v47 =	vand.u32 $0xFFFFFF80, v1;
	v36 =	vld.idx.msk [tilespmem:v36+s13+$0x0], $0xffff;
	v44 =	vadd.s32 v31, v50;
	v45 =	vor.u32 v46, v45  }
0x8d: {  	v1 =	vand.u32 $0x7F, v1;
	v38 =	vld.idx.msk [tilespmem:v38+s13+$0x0], $0xffff;
	v31 =	vadd.s32 v31, v47;
	v44 =	vor.u32 v51, v44  }
0x8e: {  	v39 =	vld.idx.msk [tilespmem:v39+s13+$0x0], $0xffff;
	v1 =	vor.u32 v1, v31  }
0x8f: {  	v55 =	vor.u32 s24, v2;
	v41 =	vld.idx.msk [tilespmem:v41+s13+$0x0], $0xffff  }
0x90: {  	v56 =	vor.u32 s24, v3;
	v31 =	vld.idx.msk [tilespmem:v42+s13+$0x0], $0xffff  }
0x91: {  	v57 =	vor.u32 s24, v4;
	v45 =	vld.idx.msk [tilespmem:v45+s13+$0x0], $0xffff  }
0x92: {  	v48 =	vor.u32 s24, v5;
	v44 =	vld.idx.msk [tilespmem:v44+s13+$0x0], $0xffff  }
0x93: {  	v1 =	vld.idx.msk [tilespmem:v1+s13+$0x0], $0xffff;
	[tilespmem:v29+s17+$0x0] =	vst.idx.msk $0xffff, v30;
	v29 =	vor.u32 s24, v6  }
0x94: {  	v30 =	vor.u32 s24, v7;
	[tilespmem:v55+s17+$0x0] =	vst.idx.msk $0xffff, v32  }
0x95: {  	v58 =	vor.u32 s24, v8;
	[tilespmem:v56+s17+$0x0] =	vst.idx.msk $0xffff, v33  }
0x96: {  	v59 =	vor.u32 s24, v9;
	[tilespmem:v57+s17+$0x0] =	vst.idx.msk $0xffff, v34  }
0x97: {  	v60 =	vor.u32 s24, v10;
	[tilespmem:v48+s17+$0x0] =	vst.idx.msk $0xffff, v35  }
0x98: {  	[tilespmem:v29+s17+$0x0] =	vst.idx.msk $0xffff, v36;
	v29 =	vor.u32 s24, v11  }
0x99: {  	[tilespmem:v30+s17+$0x0] =	vst.idx.msk $0xffff, v37;
	v30 =	vor.u32 s24, v12  }
0x9a: {  	v61 =	vor.u32 s24, v13;
	[tilespmem:v58+s17+$0x0] =	vst.idx.msk $0xffff, v38  }
0x9b: {  	v62 =	vor.u32 s24, v14;
	[tilespmem:v59+s17+$0x0] =	vst.idx.msk $0xffff, v39  }
0x9c: {  	v63 =	vor.u32 s24, v15;
	[tilespmem:v60+s17+$0x0] =	vst.idx.msk $0xffff, v40  }
0x9d: {  	p0 =	sne.s32 s24, $0x70;
	[tilespmem:v29+s17+$0x0] =	vst.idx.msk $0xffff, v41;
	v29 =	vor.u32 s24, v16  }
.Ltmp0:
0x9e: {  	[tilespmem:v30+s17+$0x0] =	vst.idx.msk $0xffff, v31;
	(pc) =	sbr.rel @p0 .LBB2_2-.Ltmp0, $4  }
0x9f: {  	[tilespmem:v61+s17+$0x0] =	vst.idx.msk $0xffff, v54  }
0xa0: {  	[tilespmem:v62+s17+$0x0] =	vst.idx.msk $0xffff, v44  }
0xa1: {  	[tilespmem:v63+s17+$0x0] =	vst.idx.msk $0xffff, v45  }
0xa2: {  	s23 =	sadd.s32 $0x10, s23;
	s24 =	sadd.s32 $0x10, s24;
	[tilespmem:v29+s17+$0x0] =	vst.idx.msk $0xffff, v1  }
0xa3: {  	[tilespmem:s13], [sflag:$0x1] =	stream.indirect.gather [hbm4b:s3+s11], $0x80, s18, s11, $0xb8;
	[tilespmem:$0xA600] =	vst v63  }
0xa4: {  	_ =	swait.ge [sflag:s16], $0x4000  }
0xa5: {  	[sflag:s16] =	ssyncset.done $0x0  }
0xa6: {  	s23 =	simm.s32 $0x0;
	s24 =	simm.s32 $0x480;
	v49 =	vld [tilespmem:$0x1FFF0];
	[sflag:s16] =	ssyncadd.s32 $0xFFFFC000  }
.LBB2_4:
0xa7: {  	v1 =	vld [tilespmem:s24+$0x0];
	_ =	sdelay $0x2  }
0xa8: {  	v29 =	vmov s23  }
0xa9: {  	v29 =	vshll.u32 v29, $0x7  }
0xaa: {  	v29 =	vor.u32 v24, v29;
	v30 =	vand.u32 $0xFFFFFF80, v1  }
0xab: {  	v31 =	vand.u32 $0x7F, v1;
	v32 =	vadd.s32 $0x1, v1;
	v33 =	vadd.s32 $0x2, v1  }
0xac: {  	v34 =	vadd.s32 $0x3, v1;
	v36 =	vadd.s32 $0x4, v1;
	v61 =	vadd.s32 $0x5, v1  }
0xad: {  	v37 =	vadd.s32 $0x6, v1;
	v39 =	vadd.s32 $0x7, v1;
	v6 =	vadd.s32 $0x8, v1  }
0xae: {  	v40 =	vadd.s32 $0x9, v1;
	v42 =	vadd.s32 $0xA, v1;
	v11 =	vadd.s32 $0xB, v1  }
0xaf: {  	v43 =	vadd.s32 $0xC, v1;
	v30 =	vadd.s32 v29, v30;
	v57 =	vand.u32 $0xFFFFFF80, v33  }
0xb0: {  	v33 =	vand.u32 $0x7F, v33;
	v35 =	vand.u32 $0xFFFFFF80, v34;
	v34 =	vand.u32 $0x7F, v34  }
0xb1: {  	v59 =	vand.u32 $0xFFFFFF80, v36;
	v60 =	vand.u32 $0x7F, v36;
	v62 =	vand.u32 $0xFFFFFF80, v61  }
0xb2: {  	v36 =	vand.u32 $0x7F, v61;
	v38 =	vand.u32 $0xFFFFFF80, v37;
	v37 =	vand.u32 $0x7F, v37  }
0xb3: {  	v4 =	vand.u32 $0xFFFFFF80, v39;
	v5 =	vand.u32 $0x7F, v39;
	v7 =	vand.u32 $0xFFFFFF80, v6  }
0xb4: {  	v39 =	vand.u32 $0x7F, v6;
	v41 =	vand.u32 $0xFFFFFF80, v40;
	v40 =	vand.u32 $0x7F, v40  }
0xb5: {  	v9 =	vand.u32 $0xFFFFFF80, v42;
	v10 =	vand.u32 $0x7F, v42;
	v12 =	vand.u32 $0xFFFFFF80, v11  }
0xb6: {  	v42 =	vand.u32 $0x7F, v11;
	v30 =	vor.u32 v31, v30;
	v35 =	vadd.s32 v29, v35  }
0xb7: {  	v44 =	vand.u32 $0xFFFFFF80, v43;
	v38 =	vadd.s32 v29, v38;
	v58 =	vor.u32 v34, v35  }
0xb8: {  	v43 =	vand.u32 $0x7F, v43;
	v41 =	vadd.s32 v29, v41;
	v63 =	vor.u32 v37, v38  }
0xb9: {  	v31 =	vand.u32 $0xFFFFFF80, v32;
	v44 =	vadd.s32 v29, v44;
	v8 =	vor.u32 v40, v41  }
0xba: {  	v32 =	vand.u32 $0x7F, v32;
	v31 =	vadd.s32 v29, v31;
	v13 =	vor.u32 v43, v44  }
0xbb: {  	v34 =	vadd.s32 v29, v59;
	v31 =	vor.u32 v32, v31;
	v32 =	vadd.s32 v29, v57;
	v30 =	vld.idx.msk [tilespmem:v30+s15+$0x0], $0xffff  }
0xbc: {  	v35 =	vadd.s32 v29, v62;
	v34 =	vor.u32 v60, v34;
	v32 =	vor.u32 v33, v32;
	v33 =	vld.idx.msk [tilespmem:v58+s15+$0x0], $0xffff  }
0xbd: {  	v37 =	vadd.s32 v29, v4;
	v38 =	vadd.s32 v29, v7;
	v35 =	vor.u32 v36, v35;
	v36 =	vld.idx.msk [tilespmem:v63+s15+$0x0], $0xffff  }
0xbe: {  	v41 =	vadd.s32 v29, v12;
	v37 =	vor.u32 v5, v37;
	v38 =	vor.u32 v39, v38;
	v39 =	vld.idx.msk [tilespmem:v8+s15+$0x0], $0xffff  }
0xbf: {  	v45 =	vadd.s32 $0xD, v1;
	v40 =	vadd.s32 v29, v9;
	v41 =	vor.u32 v42, v41;
	v42 =	vld.idx.msk [tilespmem:v13+s15+$0x0], $0xffff  }
0xc0: {  	v50 =	vadd.s32 $0xE, v1;
	v1 =	vadd.s32 $0xF, v1;
	v40 =	vor.u32 v10, v40;
	v31 =	vld.idx.msk [tilespmem:v31+s15+$0x0], $0xffff  }
0xc1: {  	v14 =	vand.u32 $0xFFFFFF80, v45;
	v48 =	vand.u32 $0x7F, v45;
	v51 =	vand.u32 $0xFFFFFF80, v50;
	v34 =	vld.idx.msk [tilespmem:v34+s15+$0x0], $0xffff  }
0xc2: {  	v53 =	vand.u32 $0xFFFFFF80, v1;
	v1 =	vand.u32 $0x7F, v1;
	v43 =	vadd.s32 v29, v14;
	v35 =	vld.idx.msk [tilespmem:v35+s15+$0x0], $0xffff  }
0xc3: {  	v44 =	vadd.s32 v29, v51;
	v43 =	vor.u32 v48, v43;
	v29 =	vadd.s32 v29, v53;
	v37 =	vld.idx.msk [tilespmem:v37+s15+$0x0], $0xffff  }
0xc4: {  	v52 =	vand.u32 $0x7F, v50;
	v1 =	vor.u32 v1, v29;
	v46 =	vld.idx.msk [tilespmem:v38+s15+$0x0], $0xffff  }
0xc5: {  	v54 =	vor.u32 s23, v25;
	v38 =	vor.u32 v52, v44;
	v40 =	vld.idx.msk [tilespmem:v40+s15+$0x0], $0xffff  }
0xc6: {  	v55 =	vor.u32 s23, v26;
	v29 =	vld.idx.msk [tilespmem:v41+s15+$0x0], $0xffff  }
0xc7: {  	v56 =	vor.u32 s23, v27;
	v32 =	vld.idx.msk [tilespmem:v32+s15+$0x0], $0xffff  }
0xc8: {  	v57 =	vor.u32 s23, v28;
	v43 =	vld.idx.msk [tilespmem:v43+s15+$0x0], $0xffff  }
0xc9: {  	v47 =	vor.u32 s23, v17;
	v1 =	vld.idx.msk [tilespmem:v1+s15+$0x0], $0xffff  }
0xca: {  	v48 =	vld.idx.msk [tilespmem:v38+s15+$0x0], $0xffff;
	[tilespmem:v54+s17+$0x0] =	vst.idx.msk $0xffff, v30;
	v30 =	vor.u32 s23, v18  }
0xcb: {  	[tilespmem:v55+s17+$0x0] =	vst.idx.msk $0xffff, v31;
	v31 =	vor.u32 s23, v19  }
0xcc: {  	v58 =	vor.u32 s23, v20;
	[tilespmem:v56+s17+$0x0] =	vst.idx.msk $0xffff, v32  }
0xcd: {  	v59 =	vor.u32 s23, v21;
	[tilespmem:v57+s17+$0x0] =	vst.idx.msk $0xffff, v33  }
0xce: {  	v60 =	vor.u32 s23, v22;
	[tilespmem:v47+s17+$0x0] =	vst.idx.msk $0xffff, v34  }
0xcf: {  	[tilespmem:v30+s17+$0x0] =	vst.idx.msk $0xffff, v35;
	v30 =	vor.u32 s23, v23  }
0xd0: {  	v38 =	vor.u32 $0x1600, v0;
	[tilespmem:v31+s17+$0x0] =	vst.idx.msk $0xffff, v36;
	v31 =	vor.u32 s23, v49  }
0xd1: {  	v41 =	vor.u32 $0x1680, v0;
	v61 =	vor.u32 s23, v38;
	[tilespmem:v58+s17+$0x0] =	vst.idx.msk $0xffff, v37  }
0xd2: {  	v44 =	vor.u32 $0x1700, v0;
	v62 =	vor.u32 s23, v41;
	[tilespmem:v59+s17+$0x0] =	vst.idx.msk $0xffff, v46  }
0xd3: {  	v63 =	vor.u32 s23, v44;
	v47 =	vor.u32 $0x1780, v0;
	[tilespmem:v60+s17+$0x0] =	vst.idx.msk $0xffff, v39  }
0xd4: {  	p0 =	sne.s32 s23, $0x70;
	[tilespmem:v30+s17+$0x0] =	vst.idx.msk $0xffff, v40;
	v30 =	vor.u32 s23, v47  }
.Ltmp1:
0xd5: {  	[tilespmem:v31+s17+$0x0] =	vst.idx.msk $0xffff, v29;
	(pc) =	sbr.rel @p0 .LBB2_4-.Ltmp1, $4  }
0xd6: {  	[tilespmem:v61+s17+$0x0] =	vst.idx.msk $0xffff, v42  }
0xd7: {  	[tilespmem:v62+s17+$0x0] =	vst.idx.msk $0xffff, v43  }
0xd8: {  	[tilespmem:v63+s17+$0x0] =	vst.idx.msk $0xffff, v48  }
0xd9: {  	s24 =	sadd.s32 $0x10, s24;
	s23 =	sadd.s32 $0x10, s23;
	[tilespmem:v30+s17+$0x0] =	vst.idx.msk $0xffff, v1  }
0xda: {  	[tilespmem:s15], [sflag:$0x1] =	stream.indirect.gather [hbm4b:s3+s11], $0x80, s19, s11, $0xb8;
	[tilespmem:$0xA600] =	vst v63  }
0xdb: {  	_ =	swait.ge [sflag:s16], $0x4000  }
0xdc: {  	[sflag:s16] =	ssyncset.done $0x0  }
0xdd: {  	s23 =	simm.s32 $0x0;
	s24 =	simm.s32 $0x500;
	[sflag:s16] =	ssyncadd.s32 $0xFFFFC000  }
.LBB2_6:
0xde: {  	v1 =	vld [tilespmem:s24+$0x0];
	_ =	sdelay $0x1  }
0xdf: {  	v29 =	vmov s23  }
0xe0: {  	v29 =	vshll.u32 v29, $0x7  }
0xe1: {  	v2 =	vor.u32 $0x800, v0;
	v29 =	vor.u32 v24, v29  }
0xe2: {  	v30 =	vand.u32 $0xFFFFFF80, v1;
	v31 =	vand.u32 $0x7F, v1;
	v32 =	vadd.s32 $0x1, v1  }
0xe3: {  	v33 =	vadd.s32 $0x2, v1;
	v34 =	vadd.s32 $0x3, v1;
	v36 =	vadd.s32 $0x4, v1  }
0xe4: {  	v21 =	vadd.s32 $0x5, v1;
	v37 =	vadd.s32 $0x6, v1;
	v40 =	vadd.s32 $0x7, v1  }
0xe5: {  	v51 =	vadd.s32 $0x8, v1;
	v42 =	vadd.s32 $0x9, v1;
	v45 =	vadd.s32 $0xA, v1  }
0xe6: {  	v57 =	vadd.s32 $0xB, v1;
	v59 =	vadd.s32 $0xC, v1;
	v12 =	vadd.s32 $0xD, v1  }
0xe7: {  	v30 =	vadd.s32 v29, v30;
	v16 =	vand.u32 $0xFFFFFF80, v32;
	v32 =	vand.u32 $0x7F, v32  }
0xe8: {  	v17 =	vand.u32 $0xFFFFFF80, v33;
	v33 =	vand.u32 $0x7F, v33;
	v35 =	vand.u32 $0xFFFFFF80, v34  }
0xe9: {  	v34 =	vand.u32 $0x7F, v34;
	v19 =	vand.u32 $0xFFFFFF80, v36;
	v20 =	vand.u32 $0x7F, v36  }
0xea: {  	v22 =	vand.u32 $0xFFFFFF80, v21;
	v36 =	vand.u32 $0x7F, v21;
	v39 =	vand.u32 $0xFFFFFF80, v37  }
0xeb: {  	v37 =	vand.u32 $0x7F, v37;
	v49 =	vand.u32 $0xFFFFFF80, v40;
	v50 =	vand.u32 $0x7F, v40  }
0xec: {  	v52 =	vand.u32 $0xFFFFFF80, v51;
	v40 =	vand.u32 $0x7F, v51;
	v43 =	vand.u32 $0xFFFFFF80, v42  }
0xed: {  	v42 =	vand.u32 $0x7F, v42;
	v30 =	vor.u32 v31, v30;
	v31 =	vadd.s32 v29, v16  }
0xee: {  	v55 =	vand.u32 $0xFFFFFF80, v45;
	v35 =	vadd.s32 v29, v35;
	v31 =	vor.u32 v32, v31  }
0xef: {  	v61 =	vand.u32 $0xFFFFFF80, v59;
	v39 =	vadd.s32 v29, v39;
	v18 =	vor.u32 v34, v35  }
0xf0: {  	v62 =	vand.u32 $0x7F, v59;
	v63 =	vadd.s32 v29, v61;
	v23 =	vor.u32 v37, v39  }
0xf1: {  	v56 =	vand.u32 $0x7F, v45;
	v32 =	vadd.s32 v29, v17;
	v13 =	vor.u32 v62, v63  }
0xf2: {  	v43 =	vadd.s32 v29, v43;
	v34 =	vadd.s32 v29, v19;
	v32 =	vor.u32 v33, v32;
	v46 =	vld.idx.msk [tilespmem:v30+s13+$0x0], $0xffff  }
0xf3: {  	v35 =	vadd.s32 v29, v22;
	v54 =	vor.u32 v42, v43;
	v34 =	vor.u32 v20, v34;
	v42 =	vld.idx.msk [tilespmem:v31+s13+$0x0], $0xffff  }
0xf4: {  	v58 =	vand.u32 $0xFFFFFF80, v57;
	v37 =	vadd.s32 v29, v49;
	v35 =	vor.u32 v36, v35;
	v48 =	vld.idx.msk [tilespmem:v18+s13+$0x0], $0xffff  }
0xf5: {  	v60 =	vand.u32 $0x7F, v57;
	v39 =	vadd.s32 v29, v52;
	v37 =	vor.u32 v50, v37;
	v15 =	vld.idx.msk [tilespmem:v23+s13+$0x0], $0xffff  }
0xf6: {  	v14 =	vand.u32 $0xFFFFFF80, v12;
	v16 =	vand.u32 $0x7F, v12;
	v53 =	vor.u32 v40, v39;
	v57 =	vld.idx.msk [tilespmem:v13+s13+$0x0], $0xffff  }
0xf7: {  	v17 =	vadd.s32 $0xE, v1;
	v1 =	vadd.s32 $0xF, v1;
	v40 =	vadd.s32 v29, v55;
	v45 =	vld.idx.msk [tilespmem:v32+s13+$0x0], $0xffff  }
0xf8: {  	v19 =	vand.u32 $0x7F, v17;
	v31 =	vor.u32 v56, v40;
	v32 =	vadd.s32 v29, v58;
	v49 =	vld.idx.msk [tilespmem:v34+s13+$0x0], $0xffff  }
0xf9: {  	v18 =	vand.u32 $0xFFFFFF80, v17;
	v35 =	vld.idx.msk [tilespmem:v35+s13+$0x0], $0xffff;
	v34 =	vadd.s32 v29, v14;
	v32 =	vor.u32 v60, v32  }
0xfa: {  	v20 =	vand.u32 $0xFFFFFF80, v1;
	v37 =	vld.idx.msk [tilespmem:v37+s13+$0x0], $0xffff;
	v36 =	vadd.s32 v29, v18;
	v34 =	vor.u32 v16, v34  }
0xfb: {  	v1 =	vand.u32 $0x7F, v1;
	v51 =	vld.idx.msk [tilespmem:v53+s13+$0x0], $0xffff;
	v29 =	vadd.s32 v29, v20;
	v36 =	vor.u32 v19, v36  }
0xfc: {  	v3 =	vor.u32 $0x880, v0;
	v22 =	vor.u32 s23, v2;
	v53 =	vld.idx.msk [tilespmem:v54+s13+$0x0], $0xffff;
	v1 =	vor.u32 v1, v29  }
0xfd: {  	v4 =	vor.u32 $0x900, v0;
	v50 =	vor.u32 s23, v3;
	v21 =	vld.idx.msk [tilespmem:v31+s13+$0x0], $0xffff  }
0xfe: {  	v5 =	vor.u32 $0x980, v0;
	v52 =	vor.u32 s23, v4;
	v55 =	vld.idx.msk [tilespmem:v32+s13+$0x0], $0xffff  }
0xff: {  	v6 =	vor.u32 $0xA00, v0;
	v54 =	vor.u32 s23, v5;
	v59 =	vld.idx.msk [tilespmem:v34+s13+$0x0], $0xffff  }
0x100: {  	v7 =	vor.u32 $0xA80, v0;
	v56 =	vor.u32 s23, v6;
	v60 =	vld.idx.msk [tilespmem:v36+s13+$0x0], $0xffff  }
0x101: {  	v8 =	vor.u32 $0xB00, v0;
	v23 =	vor.u32 s23, v7;
	v1 =	vld.idx.msk [tilespmem:v1+s13+$0x0], $0xffff;
	[tilespmem:v22+s17+$0x0] =	vst.idx.msk $0xffff, v46  }
0x102: {  	v39 =	vor.u32 $0xB80, v0;
	v58 =	vor.u32 s23, v8;
	[tilespmem:v50+s17+$0x0] =	vst.idx.msk $0xffff, v42  }
0x103: {  	v61 =	vor.u32 s23, v39;
	v42 =	vor.u32 $0x1800, v0;
	[tilespmem:v52+s17+$0x0] =	vst.idx.msk $0xffff, v45  }
0x104: {  	v62 =	vor.u32 s23, v42;
	v45 =	vor.u32 $0x1880, v0;
	[tilespmem:v54+s17+$0x0] =	vst.idx.msk $0xffff, v48  }
0x105: {  	v28 =	vor.u32 s23, v45;
	v48 =	vor.u32 $0x1900, v0;
	[tilespmem:v56+s17+$0x0] =	vst.idx.msk $0xffff, v49  }
0x106: {  	v50 =	vor.u32 $0x1980, v0;
	v29 =	vor.u32 s23, v48;
	[tilespmem:v23+s17+$0x0] =	vst.idx.msk $0xffff, v35  }
0x107: {  	v30 =	vor.u32 s23, v50;
	v52 =	vor.u32 $0x1A00, v0;
	[tilespmem:v58+s17+$0x0] =	vst.idx.msk $0xffff, v15  }
0x108: {  	v31 =	vor.u32 s23, v52;
	v54 =	vor.u32 $0x1A80, v0;
	[tilespmem:v61+s17+$0x0] =	vst.idx.msk $0xffff, v37  }
0x109: {  	v56 =	vor.u32 $0x1B00, v0;
	v61 =	vor.u32 s23, v54;
	[tilespmem:v62+s17+$0x0] =	vst.idx.msk $0xffff, v51  }
0x10a: {  	v58 =	vor.u32 $0x1B80, v0;
	v62 =	vor.u32 s23, v56;
	[tilespmem:v28+s17+$0x0] =	vst.idx.msk $0xffff, v53  }
0x10b: {  	p0 =	sne.s32 s23, $0x70;
	v63 =	vor.u32 s23, v58;
	[tilespmem:v29+s17+$0x0] =	vst.idx.msk $0xffff, v21  }
.Ltmp2:
0x10c: {  	[tilespmem:v30+s17+$0x0] =	vst.idx.msk $0xffff, v55;
	(pc) =	sbr.rel @p0 .LBB2_6-.Ltmp2, $4  }
0x10d: {  	[tilespmem:v31+s17+$0x0] =	vst.idx.msk $0xffff, v57  }
0x10e: {  	[tilespmem:v61+s17+$0x0] =	vst.idx.msk $0xffff, v59  }
0x10f: {  	[tilespmem:v62+s17+$0x0] =	vst.idx.msk $0xffff, v60  }
0x110: {  	s24 =	sadd.s32 $0x10, s24;
	s23 =	sadd.s32 $0x10, s23;
	[tilespmem:v63+s17+$0x0] =	vst.idx.msk $0xffff, v1  }
0x111: {  	[tilespmem:$0x1FDD0] =	vst v8  }
0x112: {  	[tilespmem:$0x1FDE0] =	vst v7  }
0x113: {  	[tilespmem:$0x1FDF0] =	vst v6  }
0x114: {  	[tilespmem:$0x1FE00] =	vst v5  }
0x115: {  	[tilespmem:$0x1FE10] =	vst v4  }
0x116: {  	[tilespmem:$0x1FE20] =	vst v3  }
0x117: {  	[tilespmem:$0x1FE30] =	vst v2  }
0x118: {  	_ =	swait.ge [sflag:s16], $0x4000  }
0x119: {  	[sflag:s16] =	ssyncset.done $0x0  }
0x11a: {  	s23 =	simm.s32 $0x0;
	s24 =	simm.s32 $0x580;
	[sflag:s16] =	ssyncadd.s32 $0xFFFFC000  }
.LBB2_8:
0x11b: {  	v1 =	vld [tilespmem:s24+$0x0];
	_ =	sdelay $0x2  }
0x11c: {  	v35 =	vmov s23  }
0x11d: {  	v35 =	vshll.u32 v35, $0x7  }
0x11e: {  	v35 =	vor.u32 v24, v35;
	v37 =	vand.u32 $0xFFFFFF80, v1  }
0x11f: {  	v40 =	vand.u32 $0x7F, v1;
	v43 =	vadd.s32 $0x1, v1;
	v46 =	vadd.s32 $0x2, v1  }
0x120: {  	v49 =	vadd.s32 $0x3, v1;
	v53 =	vadd.s32 $0x4, v1;
	v11 =	vadd.s32 $0x5, v1  }
0x121: {  	v55 =	vadd.s32 $0x6, v1;
	v59 =	vadd.s32 $0x7, v1;
	v7 =	vadd.s32 $0x8, v1  }
0x122: {  	v60 =	vadd.s32 $0x9, v1;
	v28 =	vadd.s32 $0xB, v1;
	v30 =	vadd.s32 $0xC, v1  }
0x123: {  	v36 =	vadd.s32 $0xD, v1;
	v37 =	vadd.s32 v35, v37;
	v62 =	vand.u32 $0xFFFFFF80, v43  }
0x124: {  	v43 =	vand.u32 $0x7F, v43;
	v63 =	vand.u32 $0xFFFFFF80, v46;
	v46 =	vand.u32 $0x7F, v46  }
0x125: {  	v51 =	vand.u32 $0xFFFFFF80, v49;
	v49 =	vand.u32 $0x7F, v49;
	v9 =	vand.u32 $0xFFFFFF80, v53  }
0x126: {  	v10 =	vand.u32 $0x7F, v53;
	v20 =	vand.u32 $0xFFFFFF80, v11;
	v53 =	vand.u32 $0x7F, v11  }
0x127: {  	v57 =	vand.u32 $0xFFFFFF80, v55;
	v55 =	vand.u32 $0x7F, v55;
	v5 =	vand.u32 $0xFFFFFF80, v59  }
0x128: {  	v6 =	vand.u32 $0x7F, v59;
	v8 =	vand.u32 $0xFFFFFF80, v7;
	v59 =	vand.u32 $0x7F, v7  }
0x129: {  	v61 =	vand.u32 $0xFFFFFF80, v60;
	v60 =	vand.u32 $0x7F, v60;
	v29 =	vand.u32 $0xFFFFFF80, v28  }
0x12a: {  	v31 =	vand.u32 $0x7F, v28;
	v37 =	vor.u32 v40, v37;
	v40 =	vadd.s32 v35, v62  }
0x12b: {  	v32 =	vand.u32 $0xFFFFFF80, v30;
	v51 =	vadd.s32 v35, v51;
	v40 =	vor.u32 v43, v40  }
0x12c: {  	v33 =	vand.u32 $0x7F, v30;
	v57 =	vadd.s32 v35, v57;
	v4 =	vor.u32 v49, v51  }
0x12d: {  	v11 =	vand.u32 $0x7F, v36;
	v61 =	vadd.s32 v35, v61;
	v21 =	vor.u32 v55, v57  }
0x12e: {  	v43 =	vadd.s32 v35, v63;
	v49 =	vadd.s32 v35, v9;
	v9 =	vor.u32 v60, v61  }
0x12f: {  	v62 =	vadd.s32 $0xA, v1;
	v34 =	vadd.s32 v35, v32;
	v43 =	vor.u32 v46, v43;
	v63 =	vld.idx.msk [tilespmem:v37+s15+$0x0], $0xffff  }
0x130: {  	v51 =	vadd.s32 v35, v20;
	v55 =	vadd.s32 v35, v5;
	v49 =	vor.u32 v10, v49;
	v60 =	vld.idx.msk [tilespmem:v40+s15+$0x0], $0xffff  }
0x131: {  	v57 =	vadd.s32 v35, v8;
	v22 =	vand.u32 $0xFFFFFF80, v62;
	v51 =	vor.u32 v53, v51;
	v2 =	vld.idx.msk [tilespmem:v4+s15+$0x0], $0xffff  }
0x132: {  	v23 =	vand.u32 $0x7F, v62;
	v20 =	vadd.s32 $0xE, v1;
	v55 =	vor.u32 v6, v55;
	v5 =	vld.idx.msk [tilespmem:v21+s15+$0x0], $0xffff  }
0x133: {  	v1 =	vadd.s32 $0xF, v1;
	v37 =	vor.u32 v59, v57;
	v59 =	vadd.s32 v35, v22;
	v8 =	vld.idx.msk [tilespmem:v9+s15+$0x0], $0xffff  }
0x134: {  	v10 =	vand.u32 $0xFFFFFF80, v36;
	v40 =	vor.u32 v23, v59;
	v59 =	vor.u32 v33, v34;
	v62 =	vld.idx.msk [tilespmem:v43+s15+$0x0], $0xffff  }
0x135: {  	v21 =	vand.u32 $0xFFFFFF80, v20;
	v23 =	vand.u32 $0xFFFFFF80, v1;
	v43 =	vadd.s32 v35, v29;
	v3 =	vld.idx.msk [tilespmem:v49+s15+$0x0], $0xffff  }
0x136: {  	v1 =	vand.u32 $0x7F, v1;
	v4 =	vld.idx.msk [tilespmem:v51+s15+$0x0], $0xffff;
	v49 =	vadd.s32 v35, v10;
	v43 =	vor.u32 v31, v43  }
0x137: {  	v6 =	vld.idx.msk [tilespmem:v55+s15+$0x0], $0xffff;
	v51 =	vadd.s32 v35, v21;
	v35 =	vadd.s32 v35, v23;
	v49 =	vor.u32 v11, v49  }
0x138: {  	v15 =	vor.u32 $0xC00, v0;
	v22 =	vand.u32 $0x7F, v20;
	v1 =	vor.u32 v1, v35;
	v7 =	vld.idx.msk [tilespmem:v37+s15+$0x0], $0xffff  }
0x139: {  	v16 =	vor.u32 $0xC80, v0;
	v28 =	vor.u32 s23, v15;
	v51 =	vor.u32 v22, v51;
	v9 =	vld.idx.msk [tilespmem:v40+s15+$0x0], $0xffff  }
0x13a: {  	v29 =	vor.u32 s23, v16;
	v11 =	vld.idx.msk [tilespmem:v59+s15+$0x0], $0xffff;
	v40 =	vor.u32 $0xD00, v0  }
0x13b: {  	v30 =	vor.u32 s23, v40;
	v10 =	vld.idx.msk [tilespmem:v43+s15+$0x0], $0xffff;
	v43 =	vor.u32 $0xD80, v0  }
0x13c: {  	v46 =	vor.u32 $0xE00, v0;
	v12 =	vld.idx.msk [tilespmem:v49+s15+$0x0], $0xffff;
	v31 =	vor.u32 s23, v43  }
0x13d: {  	v14 =	vld.idx.msk [tilespmem:v1+s15+$0x0], $0xffff;
	v1 =	vor.u32 s23, v46;
	v49 =	vor.u32 $0xE80, v0  }
0x13e: {  	v13 =	vld.idx.msk [tilespmem:v51+s15+$0x0], $0xffff;
	[tilespmem:v28+s17+$0x0] =	vst.idx.msk $0xffff, v63;
	v51 =	vor.u32 $0xF00, v0;
	v32 =	vor.u32 s23, v49  }
0x13f: {  	v53 =	vor.u32 $0xF80, v0;
	[tilespmem:v29+s17+$0x0] =	vst.idx.msk $0xffff, v60;
	v33 =	vor.u32 s23, v51  }
0x140: {  	v34 =	vor.u32 s23, v53;
	v55 =	vor.u32 $0x1C00, v0;
	[tilespmem:v30+s17+$0x0] =	vst.idx.msk $0xffff, v62  }
0x141: {  	v57 =	vor.u32 $0x1C80, v0;
	[tilespmem:v31+s17+$0x0] =	vst.idx.msk $0xffff, v2;
	v2 =	vor.u32 s23, v55  }
0x142: {  	v59 =	vor.u32 $0x1D00, v0;
	[tilespmem:v1+s17+$0x0] =	vst.idx.msk $0xffff, v3;
	v1 =	vor.u32 s23, v57  }
0x143: {  	v60 =	vor.u32 $0x1D80, v0;
	v3 =	vor.u32 s23, v59;
	[tilespmem:v32+s17+$0x0] =	vst.idx.msk $0xffff, v4  }
0x144: {  	v61 =	vor.u32 $0x1E00, v0;
	v35 =	vor.u32 s23, v60;
	[tilespmem:v33+s17+$0x0] =	vst.idx.msk $0xffff, v5  }
0x145: {  	v36 =	vor.u32 s23, v61;
	v62 =	vor.u32 $0x1E80, v0;
	[tilespmem:v34+s17+$0x0] =	vst.idx.msk $0xffff, v6  }
0x146: {  	v63 =	vor.u32 $0x1F00, v0;
	[tilespmem:v2+s17+$0x0] =	vst.idx.msk $0xffff, v7;
	v2 =	vor.u32 s23, v62  }
0x147: {  	v37 =	vor.u32 s23, v63;
	[tilespmem:v1+s17+$0x0] =	vst.idx.msk $0xffff, v8;
	v1 =	vor.u32 $0x1F80, v0  }
0x148: {  	p0 =	sne.s32 s23, $0x70;
	[tilespmem:v3+s17+$0x0] =	vst.idx.msk $0xffff, v9;
	v3 =	vor.u32 s23, v1  }
.Ltmp3:
0x149: {  	[tilespmem:v35+s17+$0x0] =	vst.idx.msk $0xffff, v10;
	(pc) =	sbr.rel @p0 .LBB2_8-.Ltmp3, $4  }
0x14a: {  	[tilespmem:v36+s17+$0x0] =	vst.idx.msk $0xffff, v11  }
0x14b: {  	[tilespmem:v2+s17+$0x0] =	vst.idx.msk $0xffff, v12  }
0x14c: {  	[tilespmem:v37+s17+$0x0] =	vst.idx.msk $0xffff, v13  }
0x14d: {  	s24 =	sadd.s32 $0x10, s24;
	s23 =	sadd.s32 $0x10, s23;
	[tilespmem:v3+s17+$0x0] =	vst.idx.msk $0xffff, v14  }
0x14e: {  	[tilespmem:$0x1FDB0] =	vst v16  }
0x14f: {  	[tilespmem:$0x1FDC0] =	vst v15  }
0x150: {  	[hbm4b:s6+s20] =	stream.strided.scatter [tilespmem:s17], [sflag:$0x2], $0x2000, s21, s20, $0x38;
	[tilespmem:$0xA600] =	vst v63  }
0x151: {  	_ =	swait.ge [sflag:s10], $0x2000  }
0x152: {  	[sflag:s10] =	ssyncset.done $0x0  }
0x153: {  	s23 =	simm.s32 $0x0;
	[sflag:s10] =	ssyncadd.s32 $0xFFFFE000  }
0x154: {  	[tilespmem:s23], [sflag:$0x2] =	stream.linear.gather [hbm4b:s7+s23], $0x200, $0x38;
	[tilespmem:$0xA600] =	vst v63  }
0x155: {  	_ =	swait.ge [sflag:s10], $0x200  }
0x156: {  	[sflag:s10] =	ssyncset.done $0x0  }
0x157: {  	[sflag:s10] =	ssyncadd.s32 $0xFFFFFE00  }
0x158: {  	v2 =	vld [tilespmem:$0x0]  }
0x159: {  	v3 =	vld [tilespmem:$0x10];
	_ =	sdelay $0x1  }
0x15a: {  	v4 =	vld [tilespmem:$0x20];
	_ =	sdelay $0x1  }
0x15b: {  	v7 =	vld [tilespmem:$0x30];
	v5 =	vshrl.u32 v2, $0x3;
	v6 =	vand.u32 $0xFFF, v2;
	v2 =	vshrl.u32 v2, $0x8  }
0x15c: {  	v35 =	vshrl.u32 v3, $0x3;
	v5 =	vand.u32 $0x1FFFF000, v5;
	v2 =	vand.u32 $0x70, v2  }
0x15d: {  	v8 =	vld [tilespmem:$0x40];
	v37 =	vand.u32 $0xFFF, v3;
	v36 =	vand.u32 $0x1FFFF000, v35;
	v5 =	vor.u32 v6, v5;
	[tilespmem:$0x400] =	vst v2  }
0x15e: {  	v3 =	vshrl.u32 v3, $0x8;
	v10 =	vshrl.u32 v4, $0x3;
	v2 =	vor.u32 v37, v36;
	[tilespmem:$0x200] =	vst v5  }
0x15f: {  	v12 =	vld [tilespmem:$0x50];
	v11 =	vand.u32 $0xFFF, v4;
	[tilespmem:$0x210] =	vst v2;
	v2 =	vand.u32 $0x70, v3;
	v3 =	vand.u32 $0x1FFFF000, v10  }
0x160: {  	v13 =	vshrl.u32 v7, $0x3;
	[tilespmem:$0x410] =	vst v2;
	v2 =	vor.u32 v11, v3;
	v3 =	vshrl.u32 v4, $0x8  }
0x161: {  	v20 =	vld [tilespmem:$0x60];
	v14 =	vand.u32 $0xFFF, v7;
	[tilespmem:$0x220] =	vst v2;
	v2 =	vand.u32 $0x70, v3;
	v3 =	vand.u32 $0x1FFFF000, v13  }
0x162: {  	v21 =	vshrl.u32 v8, $0x3;
	[tilespmem:$0x420] =	vst v2;
	v2 =	vor.u32 v14, v3;
	v3 =	vshrl.u32 v7, $0x8  }
0x163: {  	v23 =	vld [tilespmem:$0x70];
	v22 =	vand.u32 $0xFFF, v8;
	[tilespmem:$0x230] =	vst v2;
	v2 =	vand.u32 $0x70, v3;
	v3 =	vand.u32 $0x1FFFF000, v21  }
0x164: {  	v32 =	vshrl.u32 v12, $0x3;
	[tilespmem:$0x430] =	vst v2;
	v2 =	vor.u32 v22, v3;
	v3 =	vshrl.u32 v8, $0x8  }
0x165: {  	v34 =	vld [tilespmem:$0x80];
	v33 =	vand.u32 $0xFFF, v12;
	[tilespmem:$0x240] =	vst v2;
	v2 =	vand.u32 $0x70, v3;
	v3 =	vand.u32 $0x1FFFF000, v32  }
0x166: {  	v35 =	vshrl.u32 v20, $0x3;
	[tilespmem:$0x440] =	vst v2;
	v2 =	vor.u32 v33, v3;
	v3 =	vshrl.u32 v12, $0x8  }
0x167: {  	v36 =	vand.u32 $0xFFF, v20;
	v37 =	vld [tilespmem:$0x90];
	[tilespmem:$0x250] =	vst v2;
	v2 =	vand.u32 $0x70, v3;
	v3 =	vand.u32 $0x1FFFF000, v35  }
0x168: {  	v10 =	vshrl.u32 v23, $0x3;
	[tilespmem:$0x450] =	vst v2;
	v2 =	vor.u32 v36, v3;
	v3 =	vshrl.u32 v20, $0x8  }
0x169: {  	v11 =	vand.u32 $0xFFF, v23;
	v12 =	vld [tilespmem:$0xA0];
	[tilespmem:$0x260] =	vst v2;
	v2 =	vand.u32 $0x70, v3;
	v3 =	vand.u32 $0x1FFFF000, v10  }
0x16a: {  	v13 =	vshrl.u32 v34, $0x3;
	[tilespmem:$0x460] =	vst v2;
	v2 =	vor.u32 v11, v3;
	v3 =	vshrl.u32 v23, $0x8  }
0x16b: {  	v14 =	vand.u32 $0xFFF, v34;
	v20 =	vld [tilespmem:$0xB0];
	[tilespmem:$0x270] =	vst v2;
	v2 =	vand.u32 $0x70, v3;
	v3 =	vand.u32 $0x1FFFF000, v13  }
0x16c: {  	v21 =	vshrl.u32 v37, $0x3;
	[tilespmem:$0x470] =	vst v2;
	v2 =	vor.u32 v14, v3;
	v3 =	vshrl.u32 v34, $0x8  }
0x16d: {  	v22 =	vand.u32 $0xFFF, v37;
	v23 =	vld [tilespmem:$0xC0];
	[tilespmem:$0x280] =	vst v2;
	v2 =	vand.u32 $0x70, v3;
	v3 =	vand.u32 $0x1FFFF000, v21  }
0x16e: {  	v32 =	vshrl.u32 v12, $0x3;
	[tilespmem:$0x480] =	vst v2;
	v2 =	vor.u32 v22, v3;
	v3 =	vshrl.u32 v37, $0x8  }
0x16f: {  	v33 =	vand.u32 $0xFFF, v12;
	v34 =	vld [tilespmem:$0xD0];
	[tilespmem:$0x290] =	vst v2;
	v2 =	vand.u32 $0x70, v3;
	v3 =	vand.u32 $0x1FFFF000, v32  }
0x170: {  	v35 =	vshrl.u32 v20, $0x3;
	[tilespmem:$0x490] =	vst v2;
	v2 =	vor.u32 v33, v3;
	v3 =	vshrl.u32 v12, $0x8  }
0x171: {  	v36 =	vand.u32 $0xFFF, v20;
	v37 =	vld [tilespmem:$0xE0];
	[tilespmem:$0x2A0] =	vst v2;
	v2 =	vand.u32 $0x70, v3;
	v3 =	vand.u32 $0x1FFFF000, v35  }
0x172: {  	v10 =	vshrl.u32 v23, $0x3;
	[tilespmem:$0x4A0] =	vst v2;
	v2 =	vor.u32 v36, v3;
	v3 =	vshrl.u32 v20, $0x8  }
0x173: {  	v11 =	vand.u32 $0xFFF, v23;
	v12 =	vld [tilespmem:$0xF0];
	[tilespmem:$0x2B0] =	vst v2;
	v2 =	vand.u32 $0x70, v3;
	v3 =	vand.u32 $0x1FFFF000, v10  }
0x174: {  	v13 =	vshrl.u32 v34, $0x3;
	[tilespmem:$0x4B0] =	vst v2;
	v2 =	vor.u32 v11, v3;
	v3 =	vshrl.u32 v23, $0x8  }
0x175: {  	v14 =	vand.u32 $0xFFF, v34;
	v20 =	vld [tilespmem:$0x100];
	[tilespmem:$0x2C0] =	vst v2;
	v2 =	vand.u32 $0x70, v3;
	v3 =	vand.u32 $0x1FFFF000, v13  }
0x176: {  	v21 =	vshrl.u32 v37, $0x3;
	[tilespmem:$0x4C0] =	vst v2;
	v2 =	vor.u32 v14, v3;
	v3 =	vshrl.u32 v34, $0x8  }
0x177: {  	v22 =	vand.u32 $0xFFF, v37;
	v23 =	vld [tilespmem:$0x110];
	[tilespmem:$0x2D0] =	vst v2;
	v2 =	vand.u32 $0x70, v3;
	v3 =	vand.u32 $0x1FFFF000, v21  }
0x178: {  	v32 =	vshrl.u32 v12, $0x3;
	[tilespmem:$0x4D0] =	vst v2;
	v2 =	vor.u32 v22, v3;
	v3 =	vshrl.u32 v37, $0x8  }
0x179: {  	v33 =	vand.u32 $0xFFF, v12;
	v34 =	vld [tilespmem:$0x120];
	[tilespmem:$0x2E0] =	vst v2;
	v2 =	vand.u32 $0x70, v3;
	v3 =	vand.u32 $0x1FFFF000, v32  }
0x17a: {  	v35 =	vshrl.u32 v20, $0x3;
	[tilespmem:$0x4E0] =	vst v2;
	v2 =	vor.u32 v33, v3;
	v3 =	vshrl.u32 v12, $0x8  }
0x17b: {  	v36 =	vand.u32 $0xFFF, v20;
	v37 =	vld [tilespmem:$0x130];
	[tilespmem:$0x2F0] =	vst v2;
	v2 =	vand.u32 $0x70, v3;
	v3 =	vand.u32 $0x1FFFF000, v35  }
0x17c: {  	v11 =	vshrl.u32 v23, $0x3;
	[tilespmem:$0x4F0] =	vst v2;
	v2 =	vor.u32 v36, v3;
	v3 =	vshrl.u32 v20, $0x8  }
0x17d: {  	v13 =	vld [tilespmem:$0x140];
	v12 =	vand.u32 $0xFFF, v23;
	[tilespmem:$0x300] =	vst v2;
	v2 =	vand.u32 $0x70, v3;
	v3 =	vand.u32 $0x1FFFF000, v11  }
0x17e: {  	v14 =	vshrl.u32 v34, $0x3;
	[tilespmem:$0x500] =	vst v2;
	v2 =	vor.u32 v12, v3;
	v3 =	vshrl.u32 v23, $0x8  }
0x17f: {  	v21 =	vld [tilespmem:$0x150];
	v20 =	vand.u32 $0xFFF, v34;
	[tilespmem:$0x310] =	vst v2;
	v2 =	vand.u32 $0x70, v3;
	v3 =	vand.u32 $0x1FFFF000, v14  }
0x180: {  	v22 =	vshrl.u32 v37, $0x3;
	[tilespmem:$0x510] =	vst v2;
	v2 =	vor.u32 v20, v3;
	v3 =	vshrl.u32 v34, $0x8  }
0x181: {  	v32 =	vld [tilespmem:$0x160];
	v23 =	vand.u32 $0xFFF, v37;
	[tilespmem:$0x320] =	vst v2;
	v2 =	vand.u32 $0x70, v3;
	v3 =	vand.u32 $0x1FFFF000, v22  }
0x182: {  	v33 =	vshrl.u32 v13, $0x3;
	[tilespmem:$0x520] =	vst v2;
	v2 =	vor.u32 v23, v3;
	v3 =	vshrl.u32 v37, $0x8  }
0x183: {  	v35 =	vld [tilespmem:$0x170];
	v34 =	vand.u32 $0xFFF, v13;
	[tilespmem:$0x330] =	vst v2;
	v2 =	vand.u32 $0x70, v3;
	v3 =	vand.u32 $0x1FFFF000, v33  }
0x184: {  	v36 =	vshrl.u32 v21, $0x3;
	[tilespmem:$0x530] =	vst v2;
	v2 =	vor.u32 v34, v3;
	v3 =	vshrl.u32 v13, $0x8  }
0x185: {  	v12 =	vld [tilespmem:$0x180];
	v37 =	vand.u32 $0xFFF, v21;
	[tilespmem:$0x340] =	vst v2;
	v2 =	vand.u32 $0x70, v3;
	v3 =	vand.u32 $0x1FFFF000, v36  }
0x186: {  	v13 =	vshrl.u32 v32, $0x3;
	[tilespmem:$0x540] =	vst v2;
	v2 =	vor.u32 v37, v3;
	v3 =	vshrl.u32 v21, $0x8  }
0x187: {  	v14 =	vand.u32 $0xFFF, v32;
	v20 =	vld [tilespmem:$0x190];
	[tilespmem:$0x350] =	vst v2;
	v2 =	vand.u32 $0x70, v3;
	v3 =	vand.u32 $0x1FFFF000, v13  }
0x188: {  	v21 =	vshrl.u32 v35, $0x3;
	[tilespmem:$0x550] =	vst v2;
	v2 =	vor.u32 v14, v3;
	v3 =	vshrl.u32 v32, $0x8  }
0x189: {  	v22 =	vand.u32 $0xFFF, v35;
	v23 =	vld [tilespmem:$0x1A0];
	[tilespmem:$0x360] =	vst v2;
	v2 =	vand.u32 $0x70, v3;
	v3 =	vand.u32 $0x1FFFF000, v21  }
0x18a: {  	v32 =	vshrl.u32 v12, $0x3;
	[tilespmem:$0x560] =	vst v2;
	v2 =	vor.u32 v22, v3;
	v3 =	vshrl.u32 v35, $0x8  }
0x18b: {  	v33 =	vand.u32 $0xFFF, v12;
	v34 =	vld [tilespmem:$0x1B0];
	[tilespmem:$0x370] =	vst v2;
	v2 =	vand.u32 $0x70, v3;
	v3 =	vand.u32 $0x1FFFF000, v32  }
0x18c: {  	v35 =	vshrl.u32 v20, $0x3;
	[tilespmem:$0x570] =	vst v2;
	v2 =	vor.u32 v33, v3;
	v3 =	vshrl.u32 v12, $0x8  }
0x18d: {  	v36 =	vand.u32 $0xFFF, v20;
	v37 =	vld [tilespmem:$0x1C0];
	[tilespmem:$0x380] =	vst v2;
	v2 =	vand.u32 $0x70, v3;
	v3 =	vand.u32 $0x1FFFF000, v35  }
0x18e: {  	v10 =	vshrl.u32 v23, $0x3;
	[tilespmem:$0x580] =	vst v2;
	v2 =	vor.u32 v36, v3;
	v3 =	vshrl.u32 v20, $0x8  }
0x18f: {  	v11 =	vand.u32 $0xFFF, v23;
	v12 =	vld [tilespmem:$0x1D0];
	[tilespmem:$0x390] =	vst v2;
	v2 =	vand.u32 $0x70, v3;
	v3 =	vand.u32 $0x1FFFF000, v10  }
0x190: {  	v13 =	vshrl.u32 v34, $0x3;
	[tilespmem:$0x590] =	vst v2;
	v2 =	vor.u32 v11, v3;
	v3 =	vshrl.u32 v23, $0x8  }
0x191: {  	v14 =	vand.u32 $0xFFF, v34;
	v20 =	vld [tilespmem:$0x1E0];
	[tilespmem:$0x3A0] =	vst v2;
	v2 =	vand.u32 $0x70, v3;
	v3 =	vand.u32 $0x1FFFF000, v13  }
0x192: {  	v21 =	vshrl.u32 v37, $0x3;
	[tilespmem:$0x5A0] =	vst v2;
	v2 =	vor.u32 v14, v3;
	v3 =	vshrl.u32 v34, $0x8  }
0x193: {  	v22 =	vand.u32 $0xFFF, v37;
	v23 =	vld [tilespmem:$0x1F0];
	[tilespmem:$0x3B0] =	vst v2;
	v2 =	vand.u32 $0x70, v3;
	v3 =	vand.u32 $0x1FFFF000, v21  }
0x194: {  	v32 =	vshrl.u32 v12, $0x3;
	[tilespmem:$0x5B0] =	vst v2;
	v2 =	vor.u32 v22, v3;
	v3 =	vshrl.u32 v37, $0x8  }
0x195: {  	v33 =	vand.u32 $0xFFF, v12;
	[tilespmem:$0x3C0] =	vst v2;
	v2 =	vand.u32 $0x70, v3;
	v3 =	vand.u32 $0x1FFFF000, v32  }
0x196: {  	v34 =	vshrl.u32 v20, $0x3;
	[tilespmem:$0x5C0] =	vst v2;
	v2 =	vor.u32 v33, v3;
	v3 =	vshrl.u32 v12, $0x8  }
0x197: {  	v35 =	vand.u32 $0xFFF, v20;
	[tilespmem:$0x3D0] =	vst v2;
	v2 =	vand.u32 $0x70, v3;
	v3 =	vand.u32 $0x1FFFF000, v34  }
0x198: {  	v36 =	vshrl.u32 v23, $0x3;
	[tilespmem:$0x5D0] =	vst v2;
	v2 =	vor.u32 v35, v3;
	v3 =	vshrl.u32 v20, $0x8  }
0x199: {  	v37 =	vand.u32 $0xFFF, v23;
	[tilespmem:$0x3E0] =	vst v2;
	v2 =	vand.u32 $0x70, v3;
	v3 =	vand.u32 $0x1FFFF000, v36  }
0x19a: {  	[tilespmem:$0x5E0] =	vst v2;
	v2 =	vor.u32 v37, v3;
	v3 =	vshrl.u32 v23, $0x8  }
0x19b: {  	[tilespmem:$0x3F0] =	vst v2;
	v2 =	vand.u32 $0x70, v3  }
0x19c: {  	[tilespmem:$0x5F0] =	vst v2  }
0x19d: {  	[tilespmem:s13], [sflag:$0x1] =	stream.indirect.gather [hbm4b:s4+s11], $0x80, s12, s11, $0xb8;
	[tilespmem:$0xA600] =	vst v63  }
0x19e: {  	_ = 	snop  }
0x19f: {  	[tilespmem:s15], [sflag:$0x1] =	stream.indirect.gather [hbm4b:s4+s11], $0x80, s14, s11, $0xb8;
	[tilespmem:$0xA600] =	vst v63  }
0x1a0: {  	_ =	swait.ge [sflag:s16], $0x4000  }
0x1a1: {  	v24 =	vld [tilespmem:$0x1FE40]  }
0x1a2: {  	v25 =	vld [tilespmem:$0x1FE50]  }
0x1a3: {  	v26 =	vld [tilespmem:$0x1FE60]  }
0x1a4: {  	v27 =	vld [tilespmem:$0x1FE70]  }
0x1a5: {  	v28 =	vld [tilespmem:$0x1FE80]  }
0x1a6: {  	v16 =	vld [tilespmem:$0x1FE90]  }
0x1a7: {  	v29 =	vld [tilespmem:$0x1FEA0]  }
0x1a8: {  	v30 =	vld [tilespmem:$0x1FEB0]  }
0x1a9: {  	v31 =	vld [tilespmem:$0x1FEC0]  }
0x1aa: {  	v32 =	vld [tilespmem:$0x1FED0]  }
0x1ab: {  	v33 =	vld [tilespmem:$0x1FEE0]  }
0x1ac: {  	v34 =	vld [tilespmem:$0x1FEF0]  }
0x1ad: {  	v35 =	vld [tilespmem:$0x1FF00]  }
0x1ae: {  	[sflag:s16] =	ssyncset.done $0x0;
	v36 =	vld [tilespmem:$0x1FF10]  }
0x1af: {  	s24 =	simm.s32 $0x400;
	v37 =	vld [tilespmem:$0x1FF20];
	[sflag:s16] =	ssyncadd.s32 $0xFFFFC000  }
.LBB2_10:
0x1b0: {  	v2 =	vld [tilespmem:s24+$0x0];
	_ =	sdelay $0x2  }
0x1b1: {  	v3 =	vor.u32 s23, v0  }
0x1b2: {  	v5 =	vshll.u32 v3, $0x7  }
0x1b3: {  	v4 =	vand.u32 $0xFFFFFF80, v2;
	v6 =	vand.u32 $0x7F, v2;
	v7 =	vadd.s32 $0x1, v2  }
0x1b4: {  	v8 =	vadd.s32 $0x2, v2;
	v9 =	vadd.s32 $0x3, v2;
	v11 =	vadd.s32 $0x4, v2  }
0x1b5: {  	v23 =	vadd.s32 $0x5, v2;
	v12 =	vadd.s32 $0x6, v2;
	v15 =	vadd.s32 $0x9, v2  }
0x1b6: {  	v18 =	vadd.s32 $0xA, v2;
	v19 =	vadd.s32 $0xC, v2;
	v4 =	vadd.s32 v5, v4  }
0x1b7: {  	v14 =	vand.u32 $0xFFFFFF80, v7;
	v7 =	vand.u32 $0x7F, v7;
	v20 =	vand.u32 $0xFFFFFF80, v8  }
0x1b8: {  	v8 =	vand.u32 $0x7F, v8;
	v10 =	vand.u32 $0xFFFFFF80, v9;
	v9 =	vand.u32 $0x7F, v9  }
0x1b9: {  	v21 =	vand.u32 $0xFFFFFF80, v11;
	v22 =	vand.u32 $0x7F, v11;
	v11 =	vand.u32 $0x7F, v23  }
0x1ba: {  	v13 =	vand.u32 $0xFFFFFF80, v12;
	v12 =	vand.u32 $0x7F, v12;
	v17 =	vand.u32 $0xFFFFFF80, v15  }
0x1bb: {  	v15 =	vand.u32 $0x7F, v15;
	v4 =	vor.u32 v6, v4;
	v6 =	vadd.s32 v5, v14  }
0x1bc: {  	v10 =	vadd.s32 v5, v10;
	v13 =	vadd.s32 v5, v13;
	v14 =	vadd.s32 $0x7, v2  }
0x1bd: {  	v17 =	vadd.s32 v5, v17;
	v6 =	vor.u32 v7, v6;
	v7 =	vadd.s32 v5, v20  }
0x1be: {  	v20 =	vand.u32 $0xFFFFFF80, v23;
	v23 =	vadd.s32 $0x8, v2;
	v7 =	vor.u32 v8, v7  }
0x1bf: {  	v8 =	vor.u32 v9, v10;
	v9 =	vadd.s32 v5, v21;
	v10 =	vadd.s32 v5, v20  }
0x1c0: {  	v21 =	vand.u32 $0xFFFFFF80, v14;
	v20 =	vand.u32 $0xFFFFFF80, v23;
	v9 =	vor.u32 v22, v9  }
0x1c1: {  	v10 =	vor.u32 v11, v10;
	v11 =	vor.u32 v12, v13;
	v22 =	vand.u32 $0x7F, v14  }
0x1c2: {  	v12 =	vadd.s32 v5, v21;
	v14 =	vand.u32 $0x7F, v23;
	v13 =	vadd.s32 v5, v20  }
0x1c3: {  	v20 =	vand.u32 $0xFFFFFF80, v19;
	v19 =	vand.u32 $0x7F, v19;
	v12 =	vor.u32 v22, v12;
	v4 =	vld.idx.msk [tilespmem:v4+s13+$0x0], $0xffff  }
0x1c4: {  	v13 =	vor.u32 v14, v13;
	v14 =	vor.u32 v15, v17;
	v15 =	vand.u32 $0xFFFFFF80, v18;
	v6 =	vld.idx.msk [tilespmem:v6+s13+$0x0], $0xffff  }
0x1c5: {  	v17 =	vand.u32 $0x7F, v18;
	v18 =	vadd.s32 $0xB, v2;
	v15 =	vadd.s32 v5, v15;
	v7 =	vld.idx.msk [tilespmem:v7+s13+$0x0], $0xffff  }
0x1c6: {  	v21 =	vadd.s32 $0xD, v2;
	v15 =	vor.u32 v17, v15;
	v17 =	vand.u32 $0xFFFFFF80, v18;
	v8 =	vld.idx.msk [tilespmem:v8+s13+$0x0], $0xffff  }
0x1c7: {  	v20 =	vadd.s32 v5, v20;
	v18 =	vand.u32 $0x7F, v18;
	v17 =	vadd.s32 v5, v17;
	v9 =	vld.idx.msk [tilespmem:v9+s13+$0x0], $0xffff  }
0x1c8: {  	v10 =	vld.idx.msk [tilespmem:v10+s13+$0x0], $0xffff;
	v17 =	vor.u32 v18, v17;
	v18 =	vor.u32 v19, v20;
	v19 =	vand.u32 $0xFFFFFF80, v21  }
0x1c9: {  	v11 =	vld.idx.msk [tilespmem:v11+s13+$0x0], $0xffff;
	v20 =	vand.u32 $0x7F, v21;
	v21 =	vadd.s32 $0xE, v2;
	v19 =	vadd.s32 v5, v19  }
0x1ca: {  	v2 =	vadd.s32 $0xF, v2;
	v12 =	vld.idx.msk [tilespmem:v12+s13+$0x0], $0xffff;
	v19 =	vor.u32 v20, v19;
	v20 =	vand.u32 $0xFFFFFF80, v21  }
0x1cb: {  	v13 =	vld.idx.msk [tilespmem:v13+s13+$0x0], $0xffff;
	v22 =	vand.u32 $0xFFFFFF80, v2;
	v21 =	vand.u32 $0x7F, v21;
	v20 =	vadd.s32 v5, v20  }
0x1cc: {  	v14 =	vld.idx.msk [tilespmem:v14+s13+$0x0], $0xffff;
	v2 =	vand.u32 $0x7F, v2;
	v5 =	vadd.s32 v5, v22;
	v20 =	vor.u32 v21, v20  }
0x1cd: {  	v2 =	vor.u32 v2, v5;
	v5 =	vld.idx.msk [tilespmem:v17+s13+$0x0], $0xffff  }
0x1ce: {  	v17 =	vld.idx.msk [tilespmem:v18+s13+$0x0], $0xffff;
	v18 =	vor.u32 s23, v24  }
0x1cf: {  	v15 =	vld.idx.msk [tilespmem:v15+s13+$0x0], $0xffff;
	v21 =	vor.u32 s23, v25  }
0x1d0: {  	v22 =	vor.u32 s23, v26;
	v19 =	vld.idx.msk [tilespmem:v19+s13+$0x0], $0xffff  }
0x1d1: {  	v23 =	vor.u32 s23, v27;
	v20 =	vld.idx.msk [tilespmem:v20+s13+$0x0], $0xffff  }
0x1d2: {  	v2 =	vld.idx.msk [tilespmem:v2+s13+$0x0], $0xffff;
	[tilespmem:v3+s17+$0x0] =	vst.idx.msk $0xffff, v4;
	v3 =	vor.u32 s23, v28  }
0x1d3: {  	v4 =	vor.u32 s23, v16;
	[tilespmem:v18+s17+$0x0] =	vst.idx.msk $0xffff, v6  }
0x1d4: {  	[tilespmem:v21+s17+$0x0] =	vst.idx.msk $0xffff, v7;
	v21 =	vor.u32 s23, v29  }
0x1d5: {  	[tilespmem:v22+s17+$0x0] =	vst.idx.msk $0xffff, v8;
	v22 =	vor.u32 s23, v30  }
0x1d6: {  	[tilespmem:v23+s17+$0x0] =	vst.idx.msk $0xffff, v9;
	v23 =	vor.u32 s23, v31  }
0x1d7: {  	[tilespmem:v3+s17+$0x0] =	vst.idx.msk $0xffff, v10;
	v3 =	vor.u32 s23, v32  }
0x1d8: {  	[tilespmem:v4+s17+$0x0] =	vst.idx.msk $0xffff, v11;
	v4 =	vor.u32 s23, v33  }
0x1d9: {  	[tilespmem:v21+s17+$0x0] =	vst.idx.msk $0xffff, v12;
	v21 =	vor.u32 s23, v34  }
0x1da: {  	[tilespmem:v22+s17+$0x0] =	vst.idx.msk $0xffff, v13;
	v22 =	vor.u32 s23, v35  }
0x1db: {  	[tilespmem:v23+s17+$0x0] =	vst.idx.msk $0xffff, v14;
	v23 =	vor.u32 s23, v36  }
0x1dc: {  	p0 =	sne.s32 s23, $0x70;
	[tilespmem:v3+s17+$0x0] =	vst.idx.msk $0xffff, v15;
	v3 =	vor.u32 s23, v37  }
.Ltmp4:
0x1dd: {  	[tilespmem:v4+s17+$0x0] =	vst.idx.msk $0xffff, v5;
	(pc) =	sbr.rel @p0 .LBB2_10-.Ltmp4, $4  }
0x1de: {  	[tilespmem:v21+s17+$0x0] =	vst.idx.msk $0xffff, v17  }
0x1df: {  	[tilespmem:v22+s17+$0x0] =	vst.idx.msk $0xffff, v19  }
0x1e0: {  	[tilespmem:v23+s17+$0x0] =	vst.idx.msk $0xffff, v20  }
0x1e1: {  	s24 =	sadd.s32 $0x10, s24;
	s23 =	sadd.s32 $0x10, s23;
	[tilespmem:v3+s17+$0x0] =	vst.idx.msk $0xffff, v2  }
0x1e2: {  	[tilespmem:s13], [sflag:$0x1] =	stream.indirect.gather [hbm4b:s4+s11], $0x80, s18, s11, $0xb8;
	[tilespmem:$0xA600] =	vst v63  }
0x1e3: {  	_ =	swait.ge [sflag:s16], $0x4000  }
0x1e4: {  	v24 =	vld [tilespmem:$0x1FF30]  }
0x1e5: {  	v25 =	vld [tilespmem:$0x1FF40]  }
0x1e6: {  	v26 =	vld [tilespmem:$0x1FF50]  }
0x1e7: {  	v27 =	vld [tilespmem:$0x1FF60]  }
0x1e8: {  	v28 =	vld [tilespmem:$0x1FF70]  }
0x1e9: {  	v16 =	vld [tilespmem:$0x1FF80]  }
0x1ea: {  	v29 =	vld [tilespmem:$0x1FF90]  }
0x1eb: {  	v30 =	vld [tilespmem:$0x1FFA0]  }
0x1ec: {  	v31 =	vld [tilespmem:$0x1FFB0]  }
0x1ed: {  	v32 =	vld [tilespmem:$0x1FFC0]  }
0x1ee: {  	v33 =	vld [tilespmem:$0x1FFD0]  }
0x1ef: {  	v34 =	vld [tilespmem:$0x1FFE0]  }
0x1f0: {  	[sflag:s16] =	ssyncset.done $0x0;
	v35 =	vld [tilespmem:$0x1FFF0]  }
0x1f1: {  	s23 =	simm.s32 $0x0;
	s24 =	simm.s32 $0x480;
	v36 =	vld [tilespmem:$0x1FDD0];
	[sflag:s16] =	ssyncadd.s32 $0xFFFFC000  }
.LBB2_12:
0x1f2: {  	v2 =	vld [tilespmem:s24+$0x0];
	_ =	sdelay $0x1  }
0x1f3: {  	v3 =	vmov s23  }
0x1f4: {  	v3 =	vshll.u32 v3, $0x7  }
0x1f5: {  	v3 =	vor.u32 v24, v3  }
0x1f6: {  	v4 =	vand.u32 $0xFFFFFF80, v2;
	v5 =	vand.u32 $0x7F, v2;
	v6 =	vadd.s32 $0x1, v2  }
0x1f7: {  	v7 =	vadd.s32 $0x2, v2;
	v8 =	vadd.s32 $0x3, v2;
	v10 =	vadd.s32 $0x4, v2  }
0x1f8: {  	v22 =	vadd.s32 $0x5, v2;
	v11 =	vadd.s32 $0x6, v2;
	v17 =	vadd.s32 $0xA, v2  }
0x1f9: {  	v18 =	vadd.s32 $0xC, v2;
	v4 =	vadd.s32 v3, v4;
	v13 =	vand.u32 $0xFFFFFF80, v6  }
0x1fa: {  	v6 =	vand.u32 $0x7F, v6;
	v14 =	vand.u32 $0xFFFFFF80, v7;
	v7 =	vand.u32 $0x7F, v7  }
0x1fb: {  	v9 =	vand.u32 $0xFFFFFF80, v8;
	v8 =	vand.u32 $0x7F, v8;
	v20 =	vand.u32 $0xFFFFFF80, v10  }
0x1fc: {  	v21 =	vand.u32 $0x7F, v10;
	v23 =	vand.u32 $0xFFFFFF80, v22;
	v10 =	vand.u32 $0x7F, v22  }
0x1fd: {  	v12 =	vand.u32 $0xFFFFFF80, v11;
	v11 =	vand.u32 $0x7F, v11;
	v19 =	vand.u32 $0xFFFFFF80, v18  }
0x1fe: {  	v18 =	vand.u32 $0x7F, v18;
	v4 =	vor.u32 v5, v4;
	v5 =	vadd.s32 v3, v13  }
0x1ff: {  	v9 =	vadd.s32 v3, v9;
	v12 =	vadd.s32 v3, v12;
	v13 =	vadd.s32 $0x7, v2  }
0x200: {  	v5 =	vor.u32 v6, v5;
	v6 =	vadd.s32 v3, v14;
	v37 =	vand.u32 $0xFFFFFF80, v13  }
0x201: {  	v14 =	vadd.s32 $0x9, v2;
	v6 =	vor.u32 v7, v6;
	v7 =	vor.u32 v8, v9  }
0x202: {  	v8 =	vadd.s32 v3, v20;
	v9 =	vadd.s32 v3, v23;
	v20 =	vand.u32 $0x7F, v13  }
0x203: {  	v15 =	vand.u32 $0xFFFFFF80, v14;
	v14 =	vand.u32 $0x7F, v14;
	v23 =	vand.u32 $0xFFFFFF80, v17  }
0x204: {  	v8 =	vor.u32 v21, v8;
	v9 =	vor.u32 v10, v9;
	v21 =	vadd.s32 $0x8, v2  }
0x205: {  	v10 =	vor.u32 v11, v12;
	v11 =	vadd.s32 v3, v37;
	v22 =	vand.u32 $0xFFFFFF80, v21  }
0x206: {  	v15 =	vadd.s32 v3, v15;
	v13 =	vand.u32 $0x7F, v21;
	v12 =	vadd.s32 v3, v22;
	v4 =	vld.idx.msk [tilespmem:v4+s15+$0x0], $0xffff  }
0x207: {  	v11 =	vor.u32 v20, v11;
	v12 =	vor.u32 v13, v12;
	v13 =	vor.u32 v14, v15;
	v5 =	vld.idx.msk [tilespmem:v5+s15+$0x0], $0xffff  }
0x208: {  	v15 =	vand.u32 $0x7F, v17;
	v14 =	vadd.s32 v3, v23;
	v17 =	vadd.s32 $0xB, v2;
	v6 =	vld.idx.msk [tilespmem:v6+s15+$0x0], $0xffff  }
0x209: {  	v19 =	vadd.s32 v3, v19;
	v14 =	vor.u32 v15, v14;
	v15 =	vand.u32 $0xFFFFFF80, v17;
	v7 =	vld.idx.msk [tilespmem:v7+s15+$0x0], $0xffff  }
0x20a: {  	v20 =	vadd.s32 $0xD, v2;
	v17 =	vand.u32 $0x7F, v17;
	v15 =	vadd.s32 v3, v15;
	v8 =	vld.idx.msk [tilespmem:v8+s15+$0x0], $0xffff  }
0x20b: {  	v9 =	vld.idx.msk [tilespmem:v9+s15+$0x0], $0xffff;
	v15 =	vor.u32 v17, v15;
	v17 =	vor.u32 v18, v19;
	v18 =	vand.u32 $0xFFFFFF80, v20  }
0x20c: {  	v37 =	vadd.s32 $0xE, v2;
	v10 =	vld.idx.msk [tilespmem:v10+s15+$0x0], $0xffff;
	v19 =	vand.u32 $0x7F, v20;
	v18 =	vadd.s32 v3, v18  }
0x20d: {  	v2 =	vadd.s32 $0xF, v2;
	v11 =	vld.idx.msk [tilespmem:v11+s15+$0x0], $0xffff;
	v18 =	vor.u32 v19, v18;
	v19 =	vand.u32 $0xFFFFFF80, v37  }
0x20e: {  	v21 =	vand.u32 $0xFFFFFF80, v2;
	v20 =	vand.u32 $0x7F, v37;
	v12 =	vld.idx.msk [tilespmem:v12+s15+$0x0], $0xffff;
	v19 =	vadd.s32 v3, v19  }
0x20f: {  	v2 =	vand.u32 $0x7F, v2;
	v13 =	vld.idx.msk [tilespmem:v13+s15+$0x0], $0xffff;
	v3 =	vadd.s32 v3, v21;
	v19 =	vor.u32 v20, v19  }
0x210: {  	v2 =	vor.u32 v2, v3;
	v3 =	vld.idx.msk [tilespmem:v15+s15+$0x0], $0xffff;
	v15 =	vor.u32 s23, v25  }
0x211: {  	v14 =	vld.idx.msk [tilespmem:v14+s15+$0x0], $0xffff;
	v20 =	vor.u32 s23, v26  }
0x212: {  	v21 =	vor.u32 s23, v27;
	v17 =	vld.idx.msk [tilespmem:v17+s15+$0x0], $0xffff  }
0x213: {  	v22 =	vor.u32 s23, v28;
	v18 =	vld.idx.msk [tilespmem:v18+s15+$0x0], $0xffff  }
0x214: {  	v23 =	vor.u32 s23, v16;
	v19 =	vld.idx.msk [tilespmem:v19+s15+$0x0], $0xffff  }
0x215: {  	v37 =	vor.u32 s23, v29;
	v2 =	vld.idx.msk [tilespmem:v2+s15+$0x0], $0xffff;
	[tilespmem:v15+s17+$0x0] =	vst.idx.msk $0xffff, v4  }
0x216: {  	[tilespmem:v20+s17+$0x0] =	vst.idx.msk $0xffff, v5;
	v20 =	vor.u32 s23, v30  }
0x217: {  	[tilespmem:v21+s17+$0x0] =	vst.idx.msk $0xffff, v6;
	v21 =	vor.u32 s23, v31  }
0x218: {  	[tilespmem:v22+s17+$0x0] =	vst.idx.msk $0xffff, v7;
	v22 =	vor.u32 s23, v32  }
0x219: {  	[tilespmem:v23+s17+$0x0] =	vst.idx.msk $0xffff, v8;
	v23 =	vor.u32 s23, v33  }
0x21a: {  	[tilespmem:v37+s17+$0x0] =	vst.idx.msk $0xffff, v9;
	v37 =	vor.u32 s23, v34  }
0x21b: {  	[tilespmem:v20+s17+$0x0] =	vst.idx.msk $0xffff, v10;
	v20 =	vor.u32 s23, v35  }
0x21c: {  	[tilespmem:v21+s17+$0x0] =	vst.idx.msk $0xffff, v11;
	v21 =	vor.u32 s23, v38  }
0x21d: {  	[tilespmem:v22+s17+$0x0] =	vst.idx.msk $0xffff, v12;
	v22 =	vor.u32 s23, v41  }
0x21e: {  	[tilespmem:v23+s17+$0x0] =	vst.idx.msk $0xffff, v13;
	v23 =	vor.u32 s23, v44  }
0x21f: {  	p0 =	sne.s32 s23, $0x70;
	[tilespmem:v37+s17+$0x0] =	vst.idx.msk $0xffff, v14;
	v37 =	vor.u32 s23, v47  }
.Ltmp5:
0x220: {  	[tilespmem:v20+s17+$0x0] =	vst.idx.msk $0xffff, v3;
	(pc) =	sbr.rel @p0 .LBB2_12-.Ltmp5, $4  }
0x221: {  	[tilespmem:v21+s17+$0x0] =	vst.idx.msk $0xffff, v17  }
0x222: {  	[tilespmem:v22+s17+$0x0] =	vst.idx.msk $0xffff, v18  }
0x223: {  	[tilespmem:v23+s17+$0x0] =	vst.idx.msk $0xffff, v19  }
0x224: {  	s24 =	sadd.s32 $0x10, s24;
	s23 =	sadd.s32 $0x10, s23;
	[tilespmem:v37+s17+$0x0] =	vst.idx.msk $0xffff, v2  }
0x225: {  	[tilespmem:s15], [sflag:$0x1] =	stream.indirect.gather [hbm4b:s4+s11], $0x80, s19, s11, $0xb8;
	[tilespmem:$0xA600] =	vst v63  }
0x226: {  	_ =	swait.ge [sflag:s16], $0x4000  }
0x227: {  	v16 =	vld [tilespmem:$0x1FF20]  }
0x228: {  	v29 =	vld [tilespmem:$0x1FE30]  }
0x229: {  	v30 =	vld [tilespmem:$0x1FE20]  }
0x22a: {  	v31 =	vld [tilespmem:$0x1FE10]  }
0x22b: {  	v32 =	vld [tilespmem:$0x1FE00]  }
0x22c: {  	[sflag:s16] =	ssyncset.done $0x0;
	v33 =	vld [tilespmem:$0x1FDF0]  }
0x22d: {  	s23 =	simm.s32 $0x0;
	s24 =	simm.s32 $0x500;
	v34 =	vld [tilespmem:$0x1FDE0];
	[sflag:s16] =	ssyncadd.s32 $0xFFFFC000  }
.LBB2_14:
0x22e: {  	v2 =	vld [tilespmem:s24+$0x0];
	_ =	sdelay $0x1  }
0x22f: {  	v3 =	vmov s23  }
0x230: {  	v3 =	vshll.u32 v3, $0x7  }
0x231: {  	v3 =	vor.u32 v24, v3  }
0x232: {  	v4 =	vand.u32 $0xFFFFFF80, v2;
	v5 =	vand.u32 $0x7F, v2;
	v6 =	vadd.s32 $0x1, v2  }
0x233: {  	v7 =	vadd.s32 $0x2, v2;
	v8 =	vadd.s32 $0x3, v2;
	v10 =	vadd.s32 $0x4, v2  }
0x234: {  	v41 =	vadd.s32 $0x5, v2;
	v11 =	vadd.s32 $0x6, v2;
	v13 =	vadd.s32 $0x7, v2  }
0x235: {  	v22 =	vadd.s32 $0x8, v2;
	v14 =	vadd.s32 $0x9, v2;
	v17 =	vadd.s32 $0xA, v2  }
0x236: {  	v18 =	vadd.s32 $0xC, v2;
	v4 =	vadd.s32 v3, v4;
	v23 =	vand.u32 $0xFFFFFF80, v6  }
0x237: {  	v6 =	vand.u32 $0x7F, v6;
	v35 =	vand.u32 $0xFFFFFF80, v7;
	v7 =	vand.u32 $0x7F, v7  }
0x238: {  	v9 =	vand.u32 $0xFFFFFF80, v8;
	v8 =	vand.u32 $0x7F, v8;
	v37 =	vand.u32 $0xFFFFFF80, v10  }
0x239: {  	v38 =	vand.u32 $0x7F, v10;
	v44 =	vand.u32 $0xFFFFFF80, v41;
	v10 =	vand.u32 $0x7F, v41  }
0x23a: {  	v12 =	vand.u32 $0xFFFFFF80, v11;
	v11 =	vand.u32 $0x7F, v11;
	v20 =	vand.u32 $0xFFFFFF80, v13  }
0x23b: {  	v21 =	vand.u32 $0x7F, v13;
	v13 =	vand.u32 $0x7F, v22;
	v15 =	vand.u32 $0xFFFFFF80, v14  }
0x23c: {  	v14 =	vand.u32 $0x7F, v14;
	v19 =	vand.u32 $0xFFFFFF80, v18;
	v18 =	vand.u32 $0x7F, v18  }
0x23d: {  	v4 =	vor.u32 v5, v4;
	v5 =	vadd.s32 v3, v23;
	v9 =	vadd.s32 v3, v9  }
0x23e: {  	v12 =	vadd.s32 v3, v12;
	v23 =	vand.u32 $0xFFFFFF80, v22;
	v5 =	vor.u32 v6, v5  }
0x23f: {  	v15 =	vadd.s32 v3, v15;
	v19 =	vadd.s32 v3, v19;
	v47 =	vor.u32 v11, v12  }
0x240: {  	v6 =	vadd.s32 v3, v35;
	v11 =	vadd.s32 v3, v20;
	v35 =	vor.u32 v14, v15  }
0x241: {  	v12 =	vadd.s32 v3, v23;
	v15 =	vand.u32 $0x7F, v17;
	v6 =	vor.u32 v7, v6  }
0x242: {  	v7 =	vor.u32 v8, v9;
	v8 =	vadd.s32 v3, v37;
	v9 =	vadd.s32 v3, v44;
	v4 =	vld.idx.msk [tilespmem:v4+s13+$0x0], $0xffff  }
0x243: {  	v11 =	vor.u32 v21, v11;
	v12 =	vor.u32 v13, v12;
	v37 =	vand.u32 $0xFFFFFF80, v17;
	v5 =	vld.idx.msk [tilespmem:v5+s13+$0x0], $0xffff  }
0x244: {  	v17 =	vadd.s32 $0xB, v2;
	v9 =	vor.u32 v10, v9;
	v14 =	vadd.s32 v3, v37;
	v10 =	vld.idx.msk [tilespmem:v47+s13+$0x0], $0xffff  }
0x245: {  	v8 =	vor.u32 v38, v8;
	v14 =	vor.u32 v15, v14;
	v15 =	vand.u32 $0xFFFFFF80, v17;
	v13 =	vld.idx.msk [tilespmem:v35+s13+$0x0], $0xffff  }
0x246: {  	v20 =	vadd.s32 $0xD, v2;
	v17 =	vand.u32 $0x7F, v17;
	v15 =	vadd.s32 v3, v15;
	v6 =	vld.idx.msk [tilespmem:v6+s13+$0x0], $0xffff  }
0x247: {  	v15 =	vor.u32 v17, v15;
	v17 =	vor.u32 v18, v19;
	v18 =	vand.u32 $0xFFFFFF80, v20;
	v7 =	vld.idx.msk [tilespmem:v7+s13+$0x0], $0xffff  }
0x248: {  	v38 =	vadd.s32 $0xE, v2;
	v19 =	vand.u32 $0x7F, v20;
	v18 =	vadd.s32 v3, v18;
	v11 =	vld.idx.msk [tilespmem:v11+s13+$0x0], $0xffff  }
0x249: {  	v2 =	vadd.s32 $0xF, v2;
	v12 =	vld.idx.msk [tilespmem:v12+s13+$0x0], $0xffff;
	v18 =	vor.u32 v19, v18;
	v19 =	vand.u32 $0xFFFFFF80, v38  }
0x24a: {  	v21 =	vand.u32 $0xFFFFFF80, v2;
	v20 =	vand.u32 $0x7F, v38;
	v8 =	vld.idx.msk [tilespmem:v8+s13+$0x0], $0xffff;
	v19 =	vadd.s32 v3, v19  }
0x24b: {  	v2 =	vand.u32 $0x7F, v2;
	v9 =	vld.idx.msk [tilespmem:v9+s13+$0x0], $0xffff;
	v3 =	vadd.s32 v3, v21;
	v19 =	vor.u32 v20, v19  }
0x24c: {  	v2 =	vor.u32 v2, v3;
	v3 =	vld.idx.msk [tilespmem:v15+s13+$0x0], $0xffff;
	v15 =	vor.u32 s23, v29  }
0x24d: {  	v41 =	vor.u32 s23, v30;
	v14 =	vld.idx.msk [tilespmem:v14+s13+$0x0], $0xffff  }
0x24e: {  	v44 =	vor.u32 s23, v31;
	v17 =	vld.idx.msk [tilespmem:v17+s13+$0x0], $0xffff  }
0x24f: {  	v22 =	vor.u32 s23, v32;
	v18 =	vld.idx.msk [tilespmem:v18+s13+$0x0], $0xffff  }
0x250: {  	v23 =	vor.u32 s23, v33;
	v19 =	vld.idx.msk [tilespmem:v19+s13+$0x0], $0xffff  }
0x251: {  	v47 =	vor.u32 s23, v34;
	v2 =	vld.idx.msk [tilespmem:v2+s13+$0x0], $0xffff;
	[tilespmem:v15+s17+$0x0] =	vst.idx.msk $0xffff, v4  }
0x252: {  	v20 =	vor.u32 s23, v36;
	[tilespmem:v41+s17+$0x0] =	vst.idx.msk $0xffff, v5  }
0x253: {  	v21 =	vor.u32 s23, v39;
	[tilespmem:v44+s17+$0x0] =	vst.idx.msk $0xffff, v6  }
0x254: {  	[tilespmem:v22+s17+$0x0] =	vst.idx.msk $0xffff, v7;
	v22 =	vor.u32 s23, v42  }
0x255: {  	[tilespmem:v23+s17+$0x0] =	vst.idx.msk $0xffff, v8;
	v23 =	vor.u32 s23, v45  }
0x256: {  	v35 =	vor.u32 s23, v48;
	[tilespmem:v47+s17+$0x0] =	vst.idx.msk $0xffff, v9  }
0x257: {  	v37 =	vor.u32 s23, v50;
	[tilespmem:v20+s17+$0x0] =	vst.idx.msk $0xffff, v10  }
0x258: {  	v38 =	vor.u32 s23, v52;
	[tilespmem:v21+s17+$0x0] =	vst.idx.msk $0xffff, v11  }
0x259: {  	v41 =	vor.u32 s23, v54;
	[tilespmem:v22+s17+$0x0] =	vst.idx.msk $0xffff, v12  }
0x25a: {  	v44 =	vor.u32 s23, v56;
	[tilespmem:v23+s17+$0x0] =	vst.idx.msk $0xffff, v13  }
0x25b: {  	p0 =	sne.s32 s23, $0x70;
	v47 =	vor.u32 s23, v58;
	[tilespmem:v35+s17+$0x0] =	vst.idx.msk $0xffff, v14  }
.Ltmp6:
0x25c: {  	[tilespmem:v37+s17+$0x0] =	vst.idx.msk $0xffff, v3;
	(pc) =	sbr.rel @p0 .LBB2_14-.Ltmp6, $4  }
0x25d: {  	[tilespmem:v38+s17+$0x0] =	vst.idx.msk $0xffff, v17  }
0x25e: {  	[tilespmem:v41+s17+$0x0] =	vst.idx.msk $0xffff, v18  }
0x25f: {  	[tilespmem:v44+s17+$0x0] =	vst.idx.msk $0xffff, v19  }
0x260: {  	s24 =	sadd.s32 $0x10, s24;
	s23 =	sadd.s32 $0x10, s23;
	[tilespmem:v47+s17+$0x0] =	vst.idx.msk $0xffff, v2  }
0x261: {  	_ =	swait.ge [sflag:s16], $0x4000  }
0x262: {  	[sflag:s16] =	ssyncset.done $0x0;
	v29 =	vld [tilespmem:$0x1FDC0]  }
0x263: {  	s23 =	simm.s32 $0x0;
	s24 =	simm.s32 $0x580;
	v30 =	vld [tilespmem:$0x1FDB0];
	[sflag:s16] =	ssyncadd.s32 $0xFFFFC000  }
.LBB2_16:
0x264: {  	v2 =	vld [tilespmem:s24+$0x0];
	_ =	sdelay $0x1  }
0x265: {  	v3 =	vmov s23  }
0x266: {  	v3 =	vshll.u32 v3, $0x7  }
0x267: {  	v3 =	vor.u32 v24, v3  }
0x268: {  	v4 =	vand.u32 $0xFFFFFF80, v2;
	v5 =	vand.u32 $0x7F, v2;
	v6 =	vadd.s32 $0x1, v2  }
0x269: {  	v7 =	vadd.s32 $0x2, v2;
	v8 =	vadd.s32 $0x3, v2;
	v10 =	vadd.s32 $0x4, v2  }
0x26a: {  	v54 =	vadd.s32 $0x5, v2;
	v11 =	vadd.s32 $0x6, v2;
	v13 =	vadd.s32 $0x7, v2  }
0x26b: {  	v33 =	vadd.s32 $0x8, v2;
	v14 =	vadd.s32 $0x9, v2;
	v17 =	vadd.s32 $0xA, v2  }
0x26c: {  	v18 =	vadd.s32 $0xC, v2;
	v20 =	vadd.s32 $0xD, v2;
	v4 =	vadd.s32 v3, v4  }
0x26d: {  	v45 =	vand.u32 $0xFFFFFF80, v6;
	v6 =	vand.u32 $0x7F, v6;
	v47 =	vand.u32 $0xFFFFFF80, v7  }
0x26e: {  	v7 =	vand.u32 $0x7F, v7;
	v9 =	vand.u32 $0xFFFFFF80, v8;
	v8 =	vand.u32 $0x7F, v8  }
0x26f: {  	v50 =	vand.u32 $0xFFFFFF80, v10;
	v52 =	vand.u32 $0x7F, v10;
	v56 =	vand.u32 $0xFFFFFF80, v54  }
0x270: {  	v10 =	vand.u32 $0x7F, v54;
	v12 =	vand.u32 $0xFFFFFF80, v11;
	v11 =	vand.u32 $0x7F, v11  }
0x271: {  	v23 =	vand.u32 $0xFFFFFF80, v13;
	v32 =	vand.u32 $0x7F, v13;
	v34 =	vand.u32 $0xFFFFFF80, v33  }
0x272: {  	v13 =	vand.u32 $0x7F, v33;
	v15 =	vand.u32 $0xFFFFFF80, v14;
	v14 =	vand.u32 $0x7F, v14  }
0x273: {  	v36 =	vand.u32 $0xFFFFFF80, v17;
	v4 =	vor.u32 v5, v4;
	v5 =	vadd.s32 v3, v45  }
0x274: {  	v19 =	vand.u32 $0xFFFFFF80, v18;
	v9 =	vadd.s32 v3, v9;
	v5 =	vor.u32 v6, v5  }
0x275: {  	v18 =	vand.u32 $0x7F, v18;
	v12 =	vadd.s32 v3, v12;
	v48 =	vor.u32 v8, v9  }
0x276: {  	v15 =	vadd.s32 v3, v15;
	v19 =	vadd.s32 v3, v19;
	v58 =	vor.u32 v11, v12  }
0x277: {  	v6 =	vadd.s32 v3, v47;
	v8 =	vadd.s32 v3, v50;
	v35 =	vor.u32 v14, v15  }
0x278: {  	v9 =	vadd.s32 v3, v56;
	v11 =	vadd.s32 v3, v23;
	v6 =	vor.u32 v7, v6;
	v4 =	vld.idx.msk [tilespmem:v4+s15+$0x0], $0xffff  }
0x279: {  	v12 =	vadd.s32 v3, v34;
	v15 =	vand.u32 $0x7F, v17;
	v8 =	vor.u32 v52, v8;
	v5 =	vld.idx.msk [tilespmem:v5+s15+$0x0], $0xffff  }
0x27a: {  	v14 =	vadd.s32 v3, v36;
	v17 =	vadd.s32 $0xB, v2;
	v9 =	vor.u32 v10, v9;
	v7 =	vld.idx.msk [tilespmem:v48+s15+$0x0], $0xffff  }
0x27b: {  	v11 =	vor.u32 v32, v11;
	v14 =	vor.u32 v15, v14;
	v15 =	vand.u32 $0xFFFFFF80, v17;
	v10 =	vld.idx.msk [tilespmem:v58+s15+$0x0], $0xffff  }
0x27c: {  	v12 =	vor.u32 v13, v12;
	v17 =	vand.u32 $0x7F, v17;
	v15 =	vadd.s32 v3, v15;
	v13 =	vld.idx.msk [tilespmem:v35+s15+$0x0], $0xffff  }
0x27d: {  	v15 =	vor.u32 v17, v15;
	v17 =	vor.u32 v18, v19;
	v18 =	vand.u32 $0xFFFFFF80, v20;
	v6 =	vld.idx.msk [tilespmem:v6+s15+$0x0], $0xffff  }
0x27e: {  	v37 =	vadd.s32 $0xE, v2;
	v19 =	vand.u32 $0x7F, v20;
	v18 =	vadd.s32 v3, v18;
	v8 =	vld.idx.msk [tilespmem:v8+s15+$0x0], $0xffff  }
0x27f: {  	v2 =	vadd.s32 $0xF, v2;
	v18 =	vor.u32 v19, v18;
	v19 =	vand.u32 $0xFFFFFF80, v37;
	v9 =	vld.idx.msk [tilespmem:v9+s15+$0x0], $0xffff  }
0x280: {  	v21 =	vand.u32 $0xFFFFFF80, v2;
	v20 =	vand.u32 $0x7F, v37;
	v11 =	vld.idx.msk [tilespmem:v11+s15+$0x0], $0xffff;
	v19 =	vadd.s32 v3, v19  }
0x281: {  	v2 =	vand.u32 $0x7F, v2;
	v12 =	vld.idx.msk [tilespmem:v12+s15+$0x0], $0xffff;
	v3 =	vadd.s32 v3, v21;
	v19 =	vor.u32 v20, v19  }
0x282: {  	v2 =	vor.u32 v2, v3;
	v3 =	vld.idx.msk [tilespmem:v15+s15+$0x0], $0xffff;
	v15 =	vor.u32 s23, v29  }
0x283: {  	v38 =	vor.u32 s23, v30;
	v14 =	vld.idx.msk [tilespmem:v14+s15+$0x0], $0xffff  }
0x284: {  	v39 =	vor.u32 s23, v40;
	v17 =	vld.idx.msk [tilespmem:v17+s15+$0x0], $0xffff  }
0x285: {  	v22 =	vor.u32 s23, v43;
	v18 =	vld.idx.msk [tilespmem:v18+s15+$0x0], $0xffff  }
0x286: {  	v23 =	vor.u32 s23, v46;
	v19 =	vld.idx.msk [tilespmem:v19+s15+$0x0], $0xffff  }
0x287: {  	v41 =	vor.u32 s23, v49;
	v2 =	vld.idx.msk [tilespmem:v2+s15+$0x0], $0xffff;
	[tilespmem:v15+s17+$0x0] =	vst.idx.msk $0xffff, v4  }
0x288: {  	v42 =	vor.u32 s23, v51;
	[tilespmem:v38+s17+$0x0] =	vst.idx.msk $0xffff, v5  }
0x289: {  	v44 =	vor.u32 s23, v53;
	[tilespmem:v39+s17+$0x0] =	vst.idx.msk $0xffff, v6  }
0x28a: {  	v45 =	vor.u32 s23, v55;
	[tilespmem:v22+s17+$0x0] =	vst.idx.msk $0xffff, v7  }
0x28b: {  	v47 =	vor.u32 s23, v57;
	[tilespmem:v23+s17+$0x0] =	vst.idx.msk $0xffff, v8  }
0x28c: {  	v48 =	vor.u32 s23, v59;
	[tilespmem:v41+s17+$0x0] =	vst.idx.msk $0xffff, v9  }
0x28d: {  	v50 =	vor.u32 s23, v60;
	[tilespmem:v42+s17+$0x0] =	vst.idx.msk $0xffff, v10  }
0x28e: {  	v52 =	vor.u32 s23, v61;
	[tilespmem:v44+s17+$0x0] =	vst.idx.msk $0xffff, v11  }
0x28f: {  	v54 =	vor.u32 s23, v62;
	[tilespmem:v45+s17+$0x0] =	vst.idx.msk $0xffff, v12  }
0x290: {  	v56 =	vor.u32 s23, v63;
	[tilespmem:v47+s17+$0x0] =	vst.idx.msk $0xffff, v13  }
0x291: {  	p0 =	sne.s32 s23, $0x70;
	v58 =	vor.u32 s23, v1;
	[tilespmem:v48+s17+$0x0] =	vst.idx.msk $0xffff, v14  }
.Ltmp7:
0x292: {  	[tilespmem:v50+s17+$0x0] =	vst.idx.msk $0xffff, v3;
	(pc) =	sbr.rel @p0 .LBB2_16-.Ltmp7, $4  }
0x293: {  	[tilespmem:v52+s17+$0x0] =	vst.idx.msk $0xffff, v17  }
0x294: {  	[tilespmem:v54+s17+$0x0] =	vst.idx.msk $0xffff, v18  }
0x295: {  	[tilespmem:v56+s17+$0x0] =	vst.idx.msk $0xffff, v19  }
0x296: {  	s24 =	sadd.s32 $0x10, s24;
	s23 =	sadd.s32 $0x10, s23;
	[tilespmem:v58+s17+$0x0] =	vst.idx.msk $0xffff, v2  }
0x297: {  	[hbm4b:s8+s20] =	stream.strided.scatter [tilespmem:s17], [sflag:$0x2], $0x2000, s21, s20, $0x38;
	[tilespmem:$0xA600] =	vst v63  }
0x298: {  	_ =	swait.ge [sflag:s10], $0x2000  }
0x299: {  	v2 =	vld [tilespmem:$0x1FE40]  }
0x29a: {  	v3 =	vld [tilespmem:$0x1FE50]  }
0x29b: {  	v4 =	vld [tilespmem:$0x1FE60]  }
0x29c: {  	v5 =	vld [tilespmem:$0x1FE70]  }
0x29d: {  	v6 =	vld [tilespmem:$0x1FE80]  }
0x29e: {  	v7 =	vld [tilespmem:$0x1FE90]  }
0x29f: {  	v8 =	vld [tilespmem:$0x1FEA0]  }
0x2a0: {  	v9 =	vld [tilespmem:$0x1FEB0]  }
0x2a1: {  	v10 =	vld [tilespmem:$0x1FEC0]  }
0x2a2: {  	v11 =	vld [tilespmem:$0x1FED0]  }
0x2a3: {  	v12 =	vld [tilespmem:$0x1FEE0]  }
0x2a4: {  	v13 =	vld [tilespmem:$0x1FEF0]  }
0x2a5: {  	v14 =	vld [tilespmem:$0x1FF00]  }
0x2a6: {  	v15 =	vld [tilespmem:$0x1FF10]  }
0x2a7: {  	s22 =	sadd.s32 $0x1, s22;
	v17 =	vld [tilespmem:$0x1FF80]  }
0x2a8: {  	p0 =	sne.s32 s22, s9;
	v18 =	vld [tilespmem:$0x1FF90]  }
.Ltmp8:
0x2a9: {  	v19 =	vld [tilespmem:$0x1FFA0];
	(pc) =	sbr.rel @p0 .LBB2_1-.Ltmp8, $4  }
0x2aa: {  	v20 =	vld [tilespmem:$0x1FFB0]  }
0x2ab: {  	v21 =	vld [tilespmem:$0x1FFC0]  }
0x2ac: {  	[sflag:s10] =	ssyncset.done $0x0;
	v22 =	vld [tilespmem:$0x1FFD0]  }
0x2ad: {  	v23 =	vld [tilespmem:$0x1FFE0];
	[sflag:s10] =	ssyncadd.s32 $0xFFFFE000  }
0x2ae: {  	_ =	sfence.sel $0x180000  }
0x2af: {  	[bflag:$0x0] =	sbarrier.arrive $0xFFFF  }
0x2b0: {  	p0 =	sne.s32 s2, $0x0;
	_ =	strace $0x90000047  }
0x2b1: {  	s0 =	sadd.s32 @!p0 $0x100000, s0;
	[bflag:$0x2] =	sbarrier.arrive $0xFFFF  }
0x2b2: {  	[sflag:s0] =	ssyncadd.tile.s32 @!p0 $0x1;
	_ =	shalt  }
.Lfunc_end2:
_tile_overlayer_lowered:
.L_overlay_start_2:
0x2b3: {  	(tag) =	ssettag $0x2  }
0x2b4: {  	s0 =	rddreg [dreg:$0x0];
	s2 =	stileid.u32  }
0x2b5: {  	s1 =	rddreg [dreg:$0x1];
	p0 =	sne.s32 s2, $0x0  }
0x2b6: {  	s3 =	rddreg [dreg:$0x2];
	[bflag:$0x3] =	sbarrier.arrive $0xFFFF;
	s2 =	simm.s32 @!p0 $0x1C02  }
0x2b7: {  	[timem:s3], [sflag:s2] =	dma.local @!p0 [hbm:s0], s1  }
0x2b8: {  	s0 =	simm.s32 @!p0 $0x2  }
0x2b9: {  	_ =	swait.ge @!p0 [sflag:s0], s1  }
0x2ba: {  	s1 =	ssub.s32 @!p0 $0x0, s1;
	[sflag:s0] =	ssyncset.done @!p0 $0x0  }
0x2bb: {  	[sflag:s0] =	ssyncadd.s32 @!p0 s1  }
0x2bc: {  	[bflag:$0x3] =	sbarrier.arrive $0xFFFF  }
0x2bd: {  	_ =	shalt  }

</sc_bundles>
